<compile_context>
chip_gen: v7x
topology: tpu7x:2x2x1
jax: 0.10.2.dev20260603
libtpu: 0.0.44.dev20260713+nightly
codegen_flags: <defaults>
</compile_context>

<pallas_src>
import functools

import jax
import jax.numpy as jnp
from jax import lax
from jax.experimental import pallas as pl
from jax.experimental.pallas import tpu as pltpu
from jax.experimental.pallas import tpu_sc as plsc

B = 16384
C = 100
NC = 2
NS = 16
NW = NC * NS
SC_ROWS = 1024
TC_ROWS = B - SC_ROWS
SC_N = SC_ROWS * C
PER_W = SC_N // NW
PHASES = 25
GROUPS = PER_W // (PHASES * 16)
TC_BLKC = 1536
assert TC_ROWS % TC_BLKC == 0

_LOG1P_C = (
    3.38558831e-08, 9.99994273e-01, -4.99838569e-01, 3.31548659e-01,
    -2.39826285e-01, 1.65822954e-01, -9.32522205e-02, 3.48497959e-02,
    -6.15148580e-03,
)


def _log1p_poly(u):
    r = jnp.full_like(u, _LOG1P_C[8])
    for k in range(7, -1, -1):
        r = r * u + _LOG1P_C[k]
    return r


def _sc_stage1_body(pred_hbm, targ_hbm, out_hbm, pred_v, targ_v, res_v):
    wid = lax.axis_index("s") * NC + lax.axis_index("c")
    base = wid * PER_W
    pltpu.sync_copy(pred_hbm.at[pl.ds(base, PER_W)], pred_v)
    pltpu.sync_copy(targ_hbm.at[pl.ds(base, PER_W)], targ_v)

    for p in range(PHASES):
        poff = p * 16

        def body(g, carry):
            at, ab, abt = carry
            off = g * (PHASES * 16) + poff
            pv = pred_v[pl.ds(off, 16)]
            tv = targ_v[pl.ds(off, 16)]
            a = jnp.abs(pv)
            e = jnp.exp(-a)
            bce = jnp.maximum(pv, 0.0) - pv * tv + _log1p_poly(e)
            return (at + tv, ab + bce, abt + bce * tv)

        z = jnp.zeros((16,), jnp.float32)
        at, ab, abt = lax.fori_loop(0, GROUPS, body, (z, z, z))
        res_v[pl.ds(0 * 400 + poff, 16)] = at
        res_v[pl.ds(1 * 400 + poff, 16)] = ab
        res_v[pl.ds(2 * 400 + poff, 16)] = abt

    pltpu.sync_copy(res_v, out_hbm.at[wid])


_sc_stage1 = functools.partial(
    pl.kernel,
    out_type=jax.ShapeDtypeStruct((NW, 1200), jnp.float32),
    mesh=plsc.VectorSubcoreMesh(core_axis_name="c", subcore_axis_name="s"),
    scratch_types=[
        pltpu.VMEM((PER_W,), jnp.float32),
        pltpu.VMEM((PER_W,), jnp.float32),
        pltpu.VMEM((1200,), jnp.float32),
    ],
)(_sc_stage1_body)


def _tc_stage1_body(pred_ref, targ_ref, out_ref):
    p = pred_ref[...]
    t = targ_ref[...]
    bce = jnp.maximum(p, 0.0) - p * t + jnp.log1p(jnp.exp(-jnp.abs(p)))
    ts = jnp.sum(t, axis=1, keepdims=True)
    bs = jnp.sum(bce, axis=1, keepdims=True)
    bts = jnp.sum(bce * t, axis=1, keepdims=True)
    block = jnp.concatenate([ts, bs, bts], axis=1)

    @pl.when(pl.program_id(0) == 0)
    def _init():
        out_ref[...] = block

    @pl.when(pl.program_id(0) != 0)
    def _acc():
        out_ref[...] = out_ref[...] + block


_tc_stage1 = pl.pallas_call(
    _tc_stage1_body,
    grid=(TC_ROWS // TC_BLKC,),
    in_specs=[
        pl.BlockSpec((C, TC_BLKC), lambda i: (0, i)),
        pl.BlockSpec((C, TC_BLKC), lambda i: (0, i)),
    ],
    out_specs=pl.BlockSpec((C, 3), lambda i: (0, 0)),
    out_shape=jax.ShapeDtypeStruct((C, 3), jnp.float32),
)


def _combine_body(tc_ref, sc_ref, out_ref):
    sc = sc_ref[...]
    sums = []
    for q in range(3):
        s = jnp.zeros((1, C), jnp.float32)
        for j in range(4):
            s = s + jnp.sum(sc[:, q * 400 + j * 100:q * 400 + j * 100 + C],
                            axis=0, keepdims=True)
        sums.append(s)
    pos_cnt = tc_ref[0:1, :] + sums[0]
    b_sum = tc_ref[1:2, :] + sums[1]
    s1 = tc_ref[2:3, :] + sums[2]
    s0 = b_sum - s1

    bn = jnp.float32(0.3) * jnp.float32(B)
    neg_cnt = jnp.float32(B) - pos_cnt
    pos_gt = pos_cnt >= bn
    neg_gt = neg_cnt > bn
    fac_pos = (jnp.float32(B) - bn) / jnp.maximum(pos_cnt, 1.0)
    fac_neg = (jnp.float32(B) - bn) / jnp.maximum(neg_cnt, 1.0)
    wp = jnp.where(pos_gt, 0.0,
                   jnp.where(neg_gt & (pos_cnt > 0), fac_pos, 1.0))
    wn = jnp.where(~pos_gt, 0.0,
                   jnp.where(neg_gt, 1.0,
                             jnp.where(neg_cnt > 0, fac_neg, 1.0)))
    out_ref[0, 0] = jnp.sum(wp * s1 + wn * s0) / jnp.float32(B * C)


_combine = pl.pallas_call(
    _combine_body,
    out_shape=jax.ShapeDtypeStruct((1, 1), jnp.float32),
    out_specs=pl.BlockSpec(memory_space=pltpu.SMEM),
)


def kernel(pred, target):
    sc_parts = _sc_stage1(pred[TC_ROWS:].reshape(-1),
                          target[TC_ROWS:].reshape(-1))
    tc_part = _tc_stage1(pred.T, target.T)
    return _combine(tc_part.T, sc_parts)[0, 0]

# --- scband reference (transcript-rebuilt; emitter-appended) ---
"""Pipeline reference for scband-balance-loss-17987323036123 (READ-ONLY COPY).

The authoritative reference and input builder live on the scoring server;
editing this copy changes nothing except your own understanding.
"""

import jax, jax.numpy as jnp
import numpy as np

BINS = 10
BALANCE_PROP = 0.3
EDGES = [float(x) / BINS for x in range(BINS + 1)]
EDGES[-1] += 1e-06


def setup_inputs(seed: int = 0) -> dict:
    key = jax.random.key(seed)
    k1, k2 = jax.random.split(key)
    pred = jax.random.normal(k1, (16384, 100), dtype=jnp.float32)
    target = jax.random.randint(k2, (16384, 100), 0, 2).astype(jnp.float32)
    return {"pred": pred, "target": target}


def _bce_with_logits(pred, target):
    # elementwise BCEWithLogitsLoss(reduction='none')
    return jnp.maximum(pred, 0.0) - pred * target + jnp.log1p(jnp.exp(-jnp.abs(pred)))


def _compute_weights(pred, target):
    # weights are built from detached quantities in the torch module
    pred = jax.lax.stop_gradient(pred)
    target = jax.lax.stop_gradient(target)
    B, C = target.shape
    g = jnp.abs(jax.nn.sigmoid(pred) - target)
    # weights start as all ones -> weights.sum(0) == batch size per class
    batch_cur = jnp.full((C,), float(B), dtype=jnp.float32)
    balance_num = BALANCE_PROP * batch_cur
    pos_sum = target.sum(0)
    neg_sum = batch_cur - pos_sum
    pos_gt = (pos_sum >= balance_num).astype(jnp.float32)
    neg_gt = (neg_sum > balance_num).astype(jnp.float32)
    easy = (g >= EDGES[0]) & (g < EDGES[10])
    maj = target == pos_gt[None, :]
    minr = target == neg_gt[None, :]
    w = jnp.ones_like(pred)
    # zero out easy majority samples
    w = jnp.where(easy & maj, 0.0, w)
    # rescale majority rows: balance_num / count(majority)
    maj_cnt = maj.sum(0).astype(jnp.float32)
    w = jnp.where(maj, w * (balance_num / jnp.maximum(maj_cnt, 1.0))[None, :], w)
    # rescale minority rows (only when count > 0)
    min_cnt = minr.sum(0).astype(jnp.float32)
    min_factor = (batch_cur - balance_num) / jnp.maximum(min_cnt, 1.0)
    w = jnp.where(minr & (min_cnt[None, :] > 0), w * min_factor[None, :], w)
    return w


def reference(pred, target):
    w = _compute_weights(pred, target)
    loss = _bce_with_logits(pred, target) * w
    return loss.mean()

if __name__ == "__main__":
    import jax
    _d = setup_inputs()
    print(jax.jit(kernel)(*tuple(_d.values())))

</pallas_src>

<mosaic_0001>
#map = affine_map<(d0, d1) -> (0)>
#map1 = affine_map<(d0, d1) -> (0, 0)>
module attributes {stable_mosaic.version = 14 : i64} {
  func.func @_sc_stage1_body(%arg0: i32, %arg1: i32, %arg2: memref<102400xf32, #tpu.memory_space<hbm>>, %arg3: memref<102400xf32, #tpu.memory_space<hbm>>, %arg4: memref<32x1200xf32, #tpu.memory_space<hbm>>, %arg5: memref<3200xf32, #tpu.memory_space<vmem>>, %arg6: memref<3200xf32, #tpu.memory_space<vmem>>, %arg7: memref<1200xf32, #tpu.memory_space<vmem>>) attributes {dimension_semantics = [#tpu.dimension_semantics<core_parallel>, #tpu.dimension_semantics<subcore_parallel>], iteration_bounds = array<i64: 2, 16>, scalar_prefetch = 0 : i64, scratch_operands = 3 : i64, tpu.core_type = #tpu.core_type<sc_vector_subcore>, window_params = [{transform_indices = #map}, {transform_indices = #map}, {transform_indices = #map1}]} {
    %mul3A = arith.constant 2 : i32
    %mul3A_0 = arith.muli %arg1, %mul3A : i32
    %add3A = arith.addi %mul3A_0, %arg0 : i32
    %mul3A_1 = arith.constant 3200 : i32
    %mul3A_2 = arith.muli %add3A, %mul3A_1 : i32
    "tpu.region"() ({
      %run_scoped3A = tpu.sem_alloc : memref<!tpu.dma_semaphore, #tpu.memory_space<semaphore_mem>>
      %dma_start3A = tpu.memref_slice %arg2[%mul3A_2] : memref<102400xf32, #tpu.memory_space<hbm>> -> memref<3200xf32, #tpu.memory_space<hbm>>
      %dma_start3A_500 = tpu.memref_slice %arg2[%mul3A_2] : memref<102400xf32, #tpu.memory_space<hbm>> -> memref<3200xf32, #tpu.memory_space<hbm>>
      tpu.enqueue_dma source(%dma_start3A_500 : memref<3200xf32, #tpu.memory_space<hbm>>) target(%arg5 : memref<3200xf32, #tpu.memory_space<vmem>>) target_semaphore(%run_scoped3A : memref<!tpu.dma_semaphore, #tpu.memory_space<semaphore_mem>>)
      %dma_wait3A = tpu.memref_slice %arg2[%mul3A_2] : memref<102400xf32, #tpu.memory_space<hbm>> -> memref<3200xf32, #tpu.memory_space<hbm>>
      %dma_wait3A_501 = tpu.memref_slice %arg2[%mul3A_2] : memref<102400xf32, #tpu.memory_space<hbm>> -> memref<3200xf32, #tpu.memory_space<hbm>>
      tpu.wait_dma2 semaphore(%run_scoped3A : memref<!tpu.dma_semaphore, #tpu.memory_space<semaphore_mem>>) src(%dma_wait3A_501 : memref<3200xf32, #tpu.memory_space<hbm>>) dst(%arg5 : memref<3200xf32, #tpu.memory_space<vmem>>)
      tpu.yield
    }) : () -> ()
    "tpu.region"() ({
      %run_scoped3A = tpu.sem_alloc : memref<!tpu.dma_semaphore, #tpu.memory_space<semaphore_mem>>
      %dma_start3A = tpu.memref_slice %arg3[%mul3A_2] : memref<102400xf32, #tpu.memory_space<hbm>> -> memref<3200xf32, #tpu.memory_space<hbm>>
      %dma_start3A_500 = tpu.memref_slice %arg3[%mul3A_2] : memref<102400xf32, #tpu.memory_space<hbm>> -> memref<3200xf32, #tpu.memory_space<hbm>>
      tpu.enqueue_dma source(%dma_start3A_500 : memref<3200xf32, #tpu.memory_space<hbm>>) target(%arg6 : memref<3200xf32, #tpu.memory_space<vmem>>) target_semaphore(%run_scoped3A : memref<!tpu.dma_semaphore, #tpu.memory_space<semaphore_mem>>)
      %dma_wait3A = tpu.memref_slice %arg3[%mul3A_2] : memref<102400xf32, #tpu.memory_space<hbm>> -> memref<3200xf32, #tpu.memory_space<hbm>>
      %dma_wait3A_501 = tpu.memref_slice %arg3[%mul3A_2] : memref<102400xf32, #tpu.memory_space<hbm>> -> memref<3200xf32, #tpu.memory_space<hbm>>
      tpu.wait_dma2 semaphore(%run_scoped3A : memref<!tpu.dma_semaphore, #tpu.memory_space<semaphore_mem>>) src(%dma_wait3A_501 : memref<3200xf32, #tpu.memory_space<hbm>>) dst(%arg6 : memref<3200xf32, #tpu.memory_space<vmem>>)
      tpu.yield
    }) : () -> ()
    %broadcast_in_dim3A = arith.constant 0.000000e+00 : f32
    %broadcast_in_dim3A_3 = vector.broadcast %broadcast_in_dim3A : f32 to vector<16xf32>
    %scan3A = arith.constant 0 : i32
    %scan3A_4 = arith.constant 8 : i32
    %scan3A_5 = arith.addi %scan3A, %scan3A_4 : i32
    %scan3A_6 = arith.constant 1 : i32
    %scan3A_7:3 = scf.for %scan3A_500 = %scan3A to %scan3A_5 step %scan3A_6 iter_args(%scan3A_501 = %broadcast_in_dim3A_3, %scan3A_502 = %broadcast_in_dim3A_3, %scan3A_503 = %broadcast_in_dim3A_3) -> (vector<16xf32>, vector<16xf32>, vector<16xf32>)  : i32 {
      %mul3A_504 = arith.constant 400 : i32
      %mul3A_505 = arith.muli %scan3A_500, %mul3A_504 : i32
      %add3A_506 = arith.constant 0 : i32
      %add3A_507 = arith.addi %mul3A_505, %add3A_506 : i32
      %get3A = arith.index_cast %add3A_507 : i32 to index
      %get3A_508 = tpu.vector_load %arg5[%get3A] {strides = array<i32>} : memref<3200xf32, #tpu.memory_space<vmem>>, vector<16xf32>,
      %get3A_509 = vector.shape_cast %get3A_508 : vector<16xf32> to vector<16xf32>
      %get3A_510 = arith.index_cast %add3A_507 : i32 to index
      %get3A_511 = tpu.vector_load %arg6[%get3A_510] {strides = array<i32>} : memref<3200xf32, #tpu.memory_space<vmem>>, vector<16xf32>,
      %get3A_512 = vector.shape_cast %get3A_511 : vector<16xf32> to vector<16xf32>
      %abs3A = math.absf %get3A_509 : vector<16xf32>
      %neg3A = arith.constant 0.000000e+00 : f32
      %neg3A_513 = vector.broadcast %neg3A : f32 to vector<16xf32>
      %neg3A_514 = arith.subf %neg3A_513, %abs3A : vector<16xf32>
      %exp3A = math.exp %neg3A_514 : vector<16xf32>
      %max3A = arith.constant 0.000000e+00 : f32
      %max3A_515 = vector.broadcast %max3A : f32 to vector<16xf32>
      %max3A_516 = arith.maximumf %get3A_509, %max3A_515 : vector<16xf32>
      %mul3A_517 = arith.mulf %get3A_509, %get3A_512 : vector<16xf32>
      %sub3A = arith.subf %max3A_516, %mul3A_517 : vector<16xf32>
      %broadcast_in_dim3A_518 = arith.constant -0.00615148572 : f32
      %broadcast_in_dim3A_519 = vector.broadcast %broadcast_in_dim3A_518 : f32 to vector<16xf32>
      %mul3A_520 = arith.mulf %broadcast_in_dim3A_519, %exp3A : vector<16xf32>
      %add3A_521 = arith.constant 0.0348497964 : f32
      %add3A_522 = vector.broadcast %add3A_521 : f32 to vector<16xf32>
      %add3A_523 = arith.addf %mul3A_520, %add3A_522 : vector<16xf32>
      %mul3A_524 = arith.mulf %add3A_523, %exp3A : vector<16xf32>
      %add3A_525 = arith.constant -0.0932522192 : f32
      %add3A_526 = vector.broadcast %add3A_525 : f32 to vector<16xf32>
      %add3A_527 = arith.addf %mul3A_524, %add3A_526 : vector<16xf32>
      %mul3A_528 = arith.mulf %add3A_527, %exp3A : vector<16xf32>
      %add3A_529 = arith.constant 0.165822953 : f32
      %add3A_530 = vector.broadcast %add3A_529 : f32 to vector<16xf32>
      %add3A_531 = arith.addf %mul3A_528, %add3A_530 : vector<16xf32>
      %mul3A_532 = arith.mulf %add3A_531, %exp3A : vector<16xf32>
      %add3A_533 = arith.constant -0.239826292 : f32
      %add3A_534 = vector.broadcast %add3A_533 : f32 to vector<16xf32>
      %add3A_535 = arith.addf %mul3A_532, %add3A_534 : vector<16xf32>
      %mul3A_536 = arith.mulf %add3A_535, %exp3A : vector<16xf32>
      %add3A_537 = arith.constant 0.331548661 : f32
      %add3A_538 = vector.broadcast %add3A_537 : f32 to vector<16xf32>
      %add3A_539 = arith.addf %mul3A_536, %add3A_538 : vector<16xf32>
      %mul3A_540 = arith.mulf %add3A_539, %exp3A : vector<16xf32>
      %add3A_541 = arith.constant -0.499838561 : f32
      %add3A_542 = vector.broadcast %add3A_541 : f32 to vector<16xf32>
      %add3A_543 = arith.addf %mul3A_540, %add3A_542 : vector<16xf32>
      %mul3A_544 = arith.mulf %add3A_543, %exp3A : vector<16xf32>
      %add3A_545 = arith.constant 0.999994277 : f32
      %add3A_546 = vector.broadcast %add3A_545 : f32 to vector<16xf32>
      %add3A_547 = arith.addf %mul3A_544, %add3A_546 : vector<16xf32>
      %mul3A_548 = arith.mulf %add3A_547, %exp3A : vector<16xf32>
      %add3A_549 = arith.constant 3.38558834E-8 : f32
      %add3A_550 = vector.broadcast %add3A_549 : f32 to vector<16xf32>
      %add3A_551 = arith.addf %mul3A_548, %add3A_550 : vector<16xf32>
      %add3A_552 = arith.addf %sub3A, %add3A_551 : vector<16xf32>
      %add3A_553 = arith.addf %scan3A_501, %get3A_512 : vector<16xf32>
      %add3A_554 = arith.addf %scan3A_502, %add3A_552 : vector<16xf32>
      %mul3A_555 = arith.mulf %add3A_552, %get3A_512 : vector<16xf32>
      %add3A_556 = arith.addf %scan3A_503, %mul3A_555 : vector<16xf32>
      scf.yield %add3A_553, %add3A_554, %add3A_556 : vector<16xf32>, vector<16xf32>, vector<16xf32>
    }
    %scan3A_8 = arith.constant 8 : i32
    %swap3A = arith.constant 0 : index
    %swap3A_9 = tpu.vector_load %arg7[%swap3A] {strides = array<i32>} : memref<1200xf32, #tpu.memory_space<vmem>>, vector<16xf32>,
    %swap3A_10 = vector.shape_cast %swap3A_9 : vector<16xf32> to vector<16xf32>
    %swap3A_11 = vector.shape_cast %scan3A_7#0 : vector<16xf32> to vector<16xf32>
    tpu.vector_store %arg7[%swap3A], %swap3A_11 {strides = array<i32>} : memref<1200xf32, #tpu.memory_space<vmem>>, vector<16xf32>,
    %swap3A_12 = arith.constant 400 : index
    %swap3A_13 = tpu.vector_load %arg7[%swap3A_12] {strides = array<i32>} : memref<1200xf32, #tpu.memory_space<vmem>>, vector<16xf32>,
    %swap3A_14 = vector.shape_cast %swap3A_13 : vector<16xf32> to vector<16xf32>
    %swap3A_15 = vector.shape_cast %scan3A_7#1 : vector<16xf32> to vector<16xf32>
    tpu.vector_store %arg7[%swap3A_12], %swap3A_15 {strides = array<i32>} : memref<1200xf32, #tpu.memory_space<vmem>>, vector<16xf32>,
    %swap3A_16 = arith.constant 800 : index
    %swap3A_17 = tpu.vector_load %arg7[%swap3A_16] {strides = array<i32>} : memref<1200xf32, #tpu.memory_space<vmem>>, vector<16xf32>,
    %swap3A_18 = vector.shape_cast %swap3A_17 : vector<16xf32> to vector<16xf32>
    %swap3A_19 = vector.shape_cast %scan3A_7#2 : vector<16xf32> to vector<16xf32>
    tpu.vector_store %arg7[%swap3A_16], %swap3A_19 {strides = array<i32>} : memref<1200xf32, #tpu.memory_space<vmem>>, vector<16xf32>,
    %broadcast_in_dim3A_20 = arith.constant 0.000000e+00 : f32
    %broadcast_in_dim3A_21 = vector.broadcast %broadcast_in_dim3A_20 : f32 to vector<16xf32>
    %scan3A_22 = arith.constant 0 : i32
    %scan3A_23 = arith.constant 8 : i32
    %scan3A_24 = arith.addi %scan3A_22, %scan3A_23 : i32
    %scan3A_25 = arith.constant 1 : i32
    %scan3A_26:3 = scf.for %scan3A_500 = %scan3A_22 to %scan3A_24 step %scan3A_25 iter_args(%scan3A_501 = %broadcast_in_dim3A_21, %scan3A_502 = %broadcast_in_dim3A_21, %scan3A_503 = %broadcast_in_dim3A_21) -> (vector<16xf32>, vector<16xf32>, vector<16xf32>)  : i32 {
      %mul3A_504 = arith.constant 400 : i32
      %mul3A_505 = arith.muli %scan3A_500, %mul3A_504 : i32
      %add3A_506 = arith.constant 16 : i32
      %add3A_507 = arith.addi %mul3A_505, %add3A_506 : i32
      %get3A = arith.index_cast %add3A_507 : i32 to index
      %get3A_508 = tpu.vector_load %arg5[%get3A] {strides = array<i32>} : memref<3200xf32, #tpu.memory_space<vmem>>, vector<16xf32>,
      %get3A_509 = vector.shape_cast %get3A_508 : vector<16xf32> to vector<16xf32>
      %get3A_510 = arith.index_cast %add3A_507 : i32 to index
      %get3A_511 = tpu.vector_load %arg6[%get3A_510] {strides = array<i32>} : memref<3200xf32, #tpu.memory_space<vmem>>, vector<16xf32>,
      %get3A_512 = vector.shape_cast %get3A_511 : vector<16xf32> to vector<16xf32>
      %abs3A = math.absf %get3A_509 : vector<16xf32>
      %neg3A = arith.constant 0.000000e+00 : f32
      %neg3A_513 = vector.broadcast %neg3A : f32 to vector<16xf32>
      %neg3A_514 = arith.subf %neg3A_513, %abs3A : vector<16xf32>
      %exp3A = math.exp %neg3A_514 : vector<16xf32>
      %max3A = arith.constant 0.000000e+00 : f32
      %max3A_515 = vector.broadcast %max3A : f32 to vector<16xf32>
      %max3A_516 = arith.maximumf %get3A_509, %max3A_515 : vector<16xf32>
      %mul3A_517 = arith.mulf %get3A_509, %get3A_512 : vector<16xf32>
      %sub3A = arith.subf %max3A_516, %mul3A_517 : vector<16xf32>
      %broadcast_in_dim3A_518 = arith.constant -0.00615148572 : f32
      %broadcast_in_dim3A_519 = vector.broadcast %broadcast_in_dim3A_518 : f32 to vector<16xf32>
      %mul3A_520 = arith.mulf %broadcast_in_dim3A_519, %exp3A : vector<16xf32>
      %add3A_521 = arith.constant 0.0348497964 : f32
      %add3A_522 = vector.broadcast %add3A_521 : f32 to vector<16xf32>
      %add3A_523 = arith.addf %mul3A_520, %add3A_522 : vector<16xf32>
      %mul3A_524 = arith.mulf %add3A_523, %exp3A : vector<16xf32>
      %add3A_525 = arith.constant -0.0932522192 : f32
      %add3A_526 = vector.broadcast %add3A_525 : f32 to vector<16xf32>
      %add3A_527 = arith.addf %mul3A_524, %add3A_526 : vector<16xf32>
      %mul3A_528 = arith.mulf %add3A_527, %exp3A : vector<16xf32>
      %add3A_529 = arith.constant 0.165822953 : f32
      %add3A_530 = vector.broadcast %add3A_529 : f32 to vector<16xf32>
      %add3A_531 = arith.addf %mul3A_528, %add3A_530 : vector<16xf32>
      %mul3A_532 = arith.mulf %add3A_531, %exp3A : vector<16xf32>
      %add3A_533 = arith.constant -0.239826292 : f32
      %add3A_534 = vector.broadcast %add3A_533 : f32 to vector<16xf32>
      %add3A_535 = arith.addf %mul3A_532, %add3A_534 : vector<16xf32>
      %mul3A_536 = arith.mulf %add3A_535, %exp3A : vector<16xf32>
      %add3A_537 = arith.constant 0.331548661 : f32
      %add3A_538 = vector.broadcast %add3A_537 : f32 to vector<16xf32>
      %add3A_539 = arith.addf %mul3A_536, %add3A_538 : vector<16xf32>
      %mul3A_540 = arith.mulf %add3A_539, %exp3A : vector<16xf32>
      %add3A_541 = arith.constant -0.499838561 : f32
      %add3A_542 = vector.broadcast %add3A_541 : f32 to vector<16xf32>
      %add3A_543 = arith.addf %mul3A_540, %add3A_542 : vector<16xf32>
      %mul3A_544 = arith.mulf %add3A_543, %exp3A : vector<16xf32>
      %add3A_545 = arith.constant 0.999994277 : f32
      %add3A_546 = vector.broadcast %add3A_545 : f32 to vector<16xf32>
      %add3A_547 = arith.addf %mul3A_544, %add3A_546 : vector<16xf32>
      %mul3A_548 = arith.mulf %add3A_547, %exp3A : vector<16xf32>
      %add3A_549 = arith.constant 3.38558834E-8 : f32
      %add3A_550 = vector.broadcast %add3A_549 : f32 to vector<16xf32>
      %add3A_551 = arith.addf %mul3A_548, %add3A_550 : vector<16xf32>
      %add3A_552 = arith.addf %sub3A, %add3A_551 : vector<16xf32>
      %add3A_553 = arith.addf %scan3A_501, %get3A_512 : vector<16xf32>
      %add3A_554 = arith.addf %scan3A_502, %add3A_552 : vector<16xf32>
      %mul3A_555 = arith.mulf %add3A_552, %get3A_512 : vector<16xf32>
      %add3A_556 = arith.addf %scan3A_503, %mul3A_555 : vector<16xf32>
      scf.yield %add3A_553, %add3A_554, %add3A_556 : vector<16xf32>, vector<16xf32>, vector<16xf32>
    }
    %scan3A_27 = arith.constant 8 : i32
    %swap3A_28 = arith.constant 16 : index
    %swap3A_29 = tpu.vector_load %arg7[%swap3A_28] {strides = array<i32>} : memref<1200xf32, #tpu.memory_space<vmem>>, vector<16xf32>,
    %swap3A_30 = vector.shape_cast %swap3A_29 : vector<16xf32> to vector<16xf32>
    %swap3A_31 = vector.shape_cast %scan3A_26#0 : vector<16xf32> to vector<16xf32>
    tpu.vector_store %arg7[%swap3A_28], %swap3A_31 {strides = array<i32>} : memref<1200xf32, #tpu.memory_space<vmem>>, vector<16xf32>,
    %swap3A_32 = arith.constant 416 : index
    %swap3A_33 = tpu.vector_load %arg7[%swap3A_32] {strides = array<i32>} : memref<1200xf32, #tpu.memory_space<vmem>>, vector<16xf32>,
    %swap3A_34 = vector.shape_cast %swap3A_33 : vector<16xf32> to vector<16xf32>
    %swap3A_35 = vector.shape_cast %scan3A_26#1 : vector<16xf32> to vector<16xf32>
    tpu.vector_store %arg7[%swap3A_32], %swap3A_35 {strides = array<i32>} : memref<1200xf32, #tpu.memory_space<vmem>>, vector<16xf32>,
    %swap3A_36 = arith.constant 816 : index
    %swap3A_37 = tpu.vector_load %arg7[%swap3A_36] {strides = array<i32>} : memref<1200xf32, #tpu.memory_space<vmem>>, vector<16xf32>,
    %swap3A_38 = vector.shape_cast %swap3A_37 : vector<16xf32> to vector<16xf32>
    %swap3A_39 = vector.shape_cast %scan3A_26#2 : vector<16xf32> to vector<16xf32>
    tpu.vector_store %arg7[%swap3A_36], %swap3A_39 {strides = array<i32>} : memref<1200xf32, #tpu.memory_space<vmem>>, vector<16xf32>,
    %broadcast_in_dim3A_40 = arith.constant 0.000000e+00 : f32
    %broadcast_in_dim3A_41 = vector.broadcast %broadcast_in_dim3A_40 : f32 to vector<16xf32>
    %scan3A_42 = arith.constant 0 : i32
    %scan3A_43 = arith.constant 8 : i32
    %scan3A_44 = arith.addi %scan3A_42, %scan3A_43 : i32
    %scan3A_45 = arith.constant 1 : i32
    %scan3A_46:3 = scf.for %scan3A_500 = %scan3A_42 to %scan3A_44 step %scan3A_45 iter_args(%scan3A_501 = %broadcast_in_dim3A_41, %scan3A_502 = %broadcast_in_dim3A_41, %scan3A_503 = %broadcast_in_dim3A_41) -> (vector<16xf32>, vector<16xf32>, vector<16xf32>)  : i32 {
      %mul3A_504 = arith.constant 400 : i32
      %mul3A_505 = arith.muli %scan3A_500, %mul3A_504 : i32
      %add3A_506 = arith.constant 32 : i32
      %add3A_507 = arith.addi %mul3A_505, %add3A_506 : i32
      %get3A = arith.index_cast %add3A_507 : i32 to index
      %get3A_508 = tpu.vector_load %arg5[%get3A] {strides = array<i32>} : memref<3200xf32, #tpu.memory_space<vmem>>, vector<16xf32>,
      %get3A_509 = vector.shape_cast %get3A_508 : vector<16xf32> to vector<16xf32>
      %get3A_510 = arith.index_cast %add3A_507 : i32 to index
      %get3A_511 = tpu.vector_load %arg6[%get3A_510] {strides = array<i32>} : memref<3200xf32, #tpu.memory_space<vmem>>, vector<16xf32>,
      %get3A_512 = vector.shape_cast %get3A_511 : vector<16xf32> to vector<16xf32>
      %abs3A = math.absf %get3A_509 : vector<16xf32>
      %neg3A = arith.constant 0.000000e+00 : f32
      %neg3A_513 = vector.broadcast %neg3A : f32 to vector<16xf32>
      %neg3A_514 = arith.subf %neg3A_513, %abs3A : vector<16xf32>
      %exp3A = math.exp %neg3A_514 : vector<16xf32>
      %max3A = arith.constant 0.000000e+00 : f32
      %max3A_515 = vector.broadcast %max3A : f32 to vector<16xf32>
      %max3A_516 = arith.maximumf %get3A_509, %max3A_515 : vector<16xf32>
      %mul3A_517 = arith.mulf %get3A_509, %get3A_512 : vector<16xf32>
      %sub3A = arith.subf %max3A_516, %mul3A_517 : vector<16xf32>
      %broadcast_in_dim3A_518 = arith.constant -0.00615148572 : f32
      %broadcast_in_dim3A_519 = vector.broadcast %broadcast_in_dim3A_518 : f32 to vector<16xf32>
      %mul3A_520 = arith.mulf %broadcast_in_dim3A_519, %exp3A : vector<16xf32>
      %add3A_521 = arith.constant 0.0348497964 : f32
      %add3A_522 = vector.broadcast %add3A_521 : f32 to vector<16xf32>
      %add3A_523 = arith.addf %mul3A_520, %add3A_522 : vector<16xf32>
      %mul3A_524 = arith.mulf %add3A_523, %exp3A : vector<16xf32>
      %add3A_525 = arith.constant -0.0932522192 : f32
      %add3A_526 = vector.broadcast %add3A_525 : f32 to vector<16xf32>
      %add3A_527 = arith.addf %mul3A_524, %add3A_526 : vector<16xf32>
      %mul3A_528 = arith.mulf %add3A_527, %exp3A : vector<16xf32>
      %add3A_529 = arith.constant 0.165822953 : f32
      %add3A_530 = vector.broadcast %add3A_529 : f32 to vector<16xf32>
      %add3A_531 = arith.addf %mul3A_528, %add3A_530 : vector<16xf32>
      %mul3A_532 = arith.mulf %add3A_531, %exp3A : vector<16xf32>
      %add3A_533 = arith.constant -0.239826292 : f32
      %add3A_534 = vector.broadcast %add3A_533 : f32 to vector<16xf32>
      %add3A_535 = arith.addf %mul3A_532, %add3A_534 : vector<16xf32>
      %mul3A_536 = arith.mulf %add3A_535, %exp3A : vector<16xf32>
      %add3A_537 = arith.constant 0.331548661 : f32
      %add3A_538 = vector.broadcast %add3A_537 : f32 to vector<16xf32>
      %add3A_539 = arith.addf %mul3A_536, %add3A_538 : vector<16xf32>
      %mul3A_540 = arith.mulf %add3A_539, %exp3A : vector<16xf32>
      %add3A_541 = arith.constant -0.499838561 : f32
      %add3A_542 = vector.broadcast %add3A_541 : f32 to vector<16xf32>
      %add3A_543 = arith.addf %mul3A_540, %add3A_542 : vector<16xf32>
      %mul3A_544 = arith.mulf %add3A_543, %exp3A : vector<16xf32>
      %add3A_545 = arith.constant 0.999994277 : f32
      %add3A_546 = vector.broadcast %add3A_545 : f32 to vector<16xf32>
      %add3A_547 = arith.addf %mul3A_544, %add3A_546 : vector<16xf32>
      %mul3A_548 = arith.mulf %add3A_547, %exp3A : vector<16xf32>
      %add3A_549 = arith.constant 3.38558834E-8 : f32
      %add3A_550 = vector.broadcast %add3A_549 : f32 to vector<16xf32>
      %add3A_551 = arith.addf %mul3A_548, %add3A_550 : vector<16xf32>
      %add3A_552 = arith.addf %sub3A, %add3A_551 : vector<16xf32>
      %add3A_553 = arith.addf %scan3A_501, %get3A_512 : vector<16xf32>
      %add3A_554 = arith.addf %scan3A_502, %add3A_552 : vector<16xf32>
      %mul3A_555 = arith.mulf %add3A_552, %get3A_512 : vector<16xf32>
      %add3A_556 = arith.addf %scan3A_503, %mul3A_555 : vector<16xf32>
      scf.yield %add3A_553, %add3A_554, %add3A_556 : vector<16xf32>, vector<16xf32>, vector<16xf32>
    }
    %scan3A_47 = arith.constant 8 : i32
    %swap3A_48 = arith.constant 32 : index
    %swap3A_49 = tpu.vector_load %arg7[%swap3A_48] {strides = array<i32>} : memref<1200xf32, #tpu.memory_space<vmem>>, vector<16xf32>,
    %swap3A_50 = vector.shape_cast %swap3A_49 : vector<16xf32> to vector<16xf32>
    %swap3A_51 = vector.shape_cast %scan3A_46#0 : vector<16xf32> to vector<16xf32>
    tpu.vector_store %arg7[%swap3A_48], %swap3A_51 {strides = array<i32>} : memref<1200xf32, #tpu.memory_space<vmem>>, vector<16xf32>,
    %swap3A_52 = arith.constant 432 : index
    %swap3A_53 = tpu.vector_load %arg7[%swap3A_52] {strides = array<i32>} : memref<1200xf32, #tpu.memory_space<vmem>>, vector<16xf32>,
    %swap3A_54 = vector.shape_cast %swap3A_53 : vector<16xf32> to vector<16xf32>
    %swap3A_55 = vector.shape_cast %scan3A_46#1 : vector<16xf32> to vector<16xf32>
    tpu.vector_store %arg7[%swap3A_52], %swap3A_55 {strides = array<i32>} : memref<1200xf32, #tpu.memory_space<vmem>>, vector<16xf32>,
    %swap3A_56 = arith.constant 832 : index
    %swap3A_57 = tpu.vector_load %arg7[%swap3A_56] {strides = array<i32>} : memref<1200xf32, #tpu.memory_space<vmem>>, vector<16xf32>,
    %swap3A_58 = vector.shape_cast %swap3A_57 : vector<16xf32> to vector<16xf32>
    %swap3A_59 = vector.shape_cast %scan3A_46#2 : vector<16xf32> to vector<16xf32>
    tpu.vector_store %arg7[%swap3A_56], %swap3A_59 {strides = array<i32>} : memref<1200xf32, #tpu.memory_space<vmem>>, vector<16xf32>,
    %broadcast_in_dim3A_60 = arith.constant 0.000000e+00 : f32
    %broadcast_in_dim3A_61 = vector.broadcast %broadcast_in_dim3A_60 : f32 to vector<16xf32>
    %scan3A_62 = arith.constant 0 : i32
    %scan3A_63 = arith.constant 8 : i32
    %scan3A_64 = arith.addi %scan3A_62, %scan3A_63 : i32
    %scan3A_65 = arith.constant 1 : i32
    %scan3A_66:3 = scf.for %scan3A_500 = %scan3A_62 to %scan3A_64 step %scan3A_65 iter_args(%scan3A_501 = %broadcast_in_dim3A_61, %scan3A_502 = %broadcast_in_dim3A_61, %scan3A_503 = %broadcast_in_dim3A_61) -> (vector<16xf32>, vector<16xf32>, vector<16xf32>)  : i32 {
      %mul3A_504 = arith.constant 400 : i32
      %mul3A_505 = arith.muli %scan3A_500, %mul3A_504 : i32
      %add3A_506 = arith.constant 48 : i32
      %add3A_507 = arith.addi %mul3A_505, %add3A_506 : i32
      %get3A = arith.index_cast %add3A_507 : i32 to index
      %get3A_508 = tpu.vector_load %arg5[%get3A] {strides = array<i32>} : memref<3200xf32, #tpu.memory_space<vmem>>, vector<16xf32>,
      %get3A_509 = vector.shape_cast %get3A_508 : vector<16xf32> to vector<16xf32>
      %get3A_510 = arith.index_cast %add3A_507 : i32 to index
      %get3A_511 = tpu.vector_load %arg6[%get3A_510] {strides = array<i32>} : memref<3200xf32, #tpu.memory_space<vmem>>, vector<16xf32>,
      %get3A_512 = vector.shape_cast %get3A_511 : vector<16xf32> to vector<16xf32>
      %abs3A = math.absf %get3A_509 : vector<16xf32>
      %neg3A = arith.constant 0.000000e+00 : f32
      %neg3A_513 = vector.broadcast %neg3A : f32 to vector<16xf32>
      %neg3A_514 = arith.subf %neg3A_513, %abs3A : vector<16xf32>
      %exp3A = math.exp %neg3A_514 : vector<16xf32>
      %max3A = arith.constant 0.000000e+00 : f32
      %max3A_515 = vector.broadcast %max3A : f32 to vector<16xf32>
      %max3A_516 = arith.maximumf %get3A_509, %max3A_515 : vector<16xf32>
      %mul3A_517 = arith.mulf %get3A_509, %get3A_512 : vector<16xf32>
      %sub3A = arith.subf %max3A_516, %mul3A_517 : vector<16xf32>
      %broadcast_in_dim3A_518 = arith.constant -0.00615148572 : f32
      %broadcast_in_dim3A_519 = vector.broadcast %broadcast_in_dim3A_518 : f32 to vector<16xf32>
      %mul3A_520 = arith.mulf %broadcast_in_dim3A_519, %exp3A : vector<16xf32>
      %add3A_521 = arith.constant 0.0348497964 : f32
      %add3A_522 = vector.broadcast %add3A_521 : f32 to vector<16xf32>
      %add3A_523 = arith.addf %mul3A_520, %add3A_522 : vector<16xf32>
      %mul3A_524 = arith.mulf %add3A_523, %exp3A : vector<16xf32>
      %add3A_525 = arith.constant -0.0932522192 : f32
      %add3A_526 = vector.broadcast %add3A_525 : f32 to vector<16xf32>
      %add3A_527 = arith.addf %mul3A_524, %add3A_526 : vector<16xf32>
      %mul3A_528 = arith.mulf %add3A_527, %exp3A : vector<16xf32>
      %add3A_529 = arith.constant 0.165822953 : f32
      %add3A_530 = vector.broadcast %add3A_529 : f32 to vector<16xf32>
      %add3A_531 = arith.addf %mul3A_528, %add3A_530 : vector<16xf32>
      %mul3A_532 = arith.mulf %add3A_531, %exp3A : vector<16xf32>
      %add3A_533 = arith.constant -0.239826292 : f32
      %add3A_534 = vector.broadcast %add3A_533 : f32 to vector<16xf32>
      %add3A_535 = arith.addf %mul3A_532, %add3A_534 : vector<16xf32>
      %mul3A_536 = arith.mulf %add3A_535, %exp3A : vector<16xf32>
      %add3A_537 = arith.constant 0.331548661 : f32
      %add3A_538 = vector.broadcast %add3A_537 : f32 to vector<16xf32>
      %add3A_539 = arith.addf %mul3A_536, %add3A_538 : vector<16xf32>
      %mul3A_540 = arith.mulf %add3A_539, %exp3A : vector<16xf32>
      %add3A_541 = arith.constant -0.499838561 : f32
      %add3A_542 = vector.broadcast %add3A_541 : f32 to vector<16xf32>
      %add3A_543 = arith.addf %mul3A_540, %add3A_542 : vector<16xf32>
      %mul3A_544 = arith.mulf %add3A_543, %exp3A : vector<16xf32>
      %add3A_545 = arith.constant 0.999994277 : f32
      %add3A_546 = vector.broadcast %add3A_545 : f32 to vector<16xf32>
      %add3A_547 = arith.addf %mul3A_544, %add3A_546 : vector<16xf32>
      %mul3A_548 = arith.mulf %add3A_547, %exp3A : vector<16xf32>
      %add3A_549 = arith.constant 3.38558834E-8 : f32
      %add3A_550 = vector.broadcast %add3A_549 : f32 to vector<16xf32>
      %add3A_551 = arith.addf %mul3A_548, %add3A_550 : vector<16xf32>
      %add3A_552 = arith.addf %sub3A, %add3A_551 : vector<16xf32>
      %add3A_553 = arith.addf %scan3A_501, %get3A_512 : vector<16xf32>
      %add3A_554 = arith.addf %scan3A_502, %add3A_552 : vector<16xf32>
      %mul3A_555 = arith.mulf %add3A_552, %get3A_512 : vector<16xf32>
      %add3A_556 = arith.addf %scan3A_503, %mul3A_555 : vector<16xf32>
      scf.yield %add3A_553, %add3A_554, %add3A_556 : vector<16xf32>, vector<16xf32>, vector<16xf32>
    }
    %scan3A_67 = arith.constant 8 : i32
    %swap3A_68 = arith.constant 48 : index
    %swap3A_69 = tpu.vector_load %arg7[%swap3A_68] {strides = array<i32>} : memref<1200xf32, #tpu.memory_space<vmem>>, vector<16xf32>,
    %swap3A_70 = vector.shape_cast %swap3A_69 : vector<16xf32> to vector<16xf32>
    %swap3A_71 = vector.shape_cast %scan3A_66#0 : vector<16xf32> to vector<16xf32>
    tpu.vector_store %arg7[%swap3A_68], %swap3A_71 {strides = array<i32>} : memref<1200xf32, #tpu.memory_space<vmem>>, vector<16xf32>,
    %swap3A_72 = arith.constant 448 : index
    %swap3A_73 = tpu.vector_load %arg7[%swap3A_72] {strides = array<i32>} : memref<1200xf32, #tpu.memory_space<vmem>>, vector<16xf32>,
    %swap3A_74 = vector.shape_cast %swap3A_73 : vector<16xf32> to vector<16xf32>
    %swap3A_75 = vector.shape_cast %scan3A_66#1 : vector<16xf32> to vector<16xf32>
    tpu.vector_store %arg7[%swap3A_72], %swap3A_75 {strides = array<i32>} : memref<1200xf32, #tpu.memory_space<vmem>>, vector<16xf32>,
    %swap3A_76 = arith.constant 848 : index
    %swap3A_77 = tpu.vector_load %arg7[%swap3A_76] {strides = array<i32>} : memref<1200xf32, #tpu.memory_space<vmem>>, vector<16xf32>,
    %swap3A_78 = vector.shape_cast %swap3A_77 : vector<16xf32> to vector<16xf32>
    %swap3A_79 = vector.shape_cast %scan3A_66#2 : vector<16xf32> to vector<16xf32>
    tpu.vector_store %arg7[%swap3A_76], %swap3A_79 {strides = array<i32>} : memref<1200xf32, #tpu.memory_space<vmem>>, vector<16xf32>,
    %broadcast_in_dim3A_80 = arith.constant 0.000000e+00 : f32
    %broadcast_in_dim3A_81 = vector.broadcast %broadcast_in_dim3A_80 : f32 to vector<16xf32>
    %scan3A_82 = arith.constant 0 : i32
    %scan3A_83 = arith.constant 8 : i32
    %scan3A_84 = arith.addi %scan3A_82, %scan3A_83 : i32
    %scan3A_85 = arith.constant 1 : i32
    %scan3A_86:3 = scf.for %scan3A_500 = %scan3A_82 to %scan3A_84 step %scan3A_85 iter_args(%scan3A_501 = %broadcast_in_dim3A_81, %scan3A_502 = %broadcast_in_dim3A_81, %scan3A_503 = %broadcast_in_dim3A_81) -> (vector<16xf32>, vector<16xf32>, vector<16xf32>)  : i32 {
      %mul3A_504 = arith.constant 400 : i32
      %mul3A_505 = arith.muli %scan3A_500, %mul3A_504 : i32
      %add3A_506 = arith.constant 64 : i32
      %add3A_507 = arith.addi %mul3A_505, %add3A_506 : i32
      %get3A = arith.index_cast %add3A_507 : i32 to index
      %get3A_508 = tpu.vector_load %arg5[%get3A] {strides = array<i32>} : memref<3200xf32, #tpu.memory_space<vmem>>, vector<16xf32>,
      %get3A_509 = vector.shape_cast %get3A_508 : vector<16xf32> to vector<16xf32>
      %get3A_510 = arith.index_cast %add3A_507 : i32 to index
      %get3A_511 = tpu.vector_load %arg6[%get3A_510] {strides = array<i32>} : memref<3200xf32, #tpu.memory_space<vmem>>, vector<16xf32>,
      %get3A_512 = vector.shape_cast %get3A_511 : vector<16xf32> to vector<16xf32>
      %abs3A = math.absf %get3A_509 : vector<16xf32>
      %neg3A = arith.constant 0.000000e+00 : f32
      %neg3A_513 = vector.broadcast %neg3A : f32 to vector<16xf32>
      %neg3A_514 = arith.subf %neg3A_513, %abs3A : vector<16xf32>
      %exp3A = math.exp %neg3A_514 : vector<16xf32>
      %max3A = arith.constant 0.000000e+00 : f32
      %max3A_515 = vector.broadcast %max3A : f32 to vector<16xf32>
      %max3A_516 = arith.maximumf %get3A_509, %max3A_515 : vector<16xf32>
      %mul3A_517 = arith.mulf %get3A_509, %get3A_512 : vector<16xf32>
      %sub3A = arith.subf %max3A_516, %mul3A_517 : vector<16xf32>
      %broadcast_in_dim3A_518 = arith.constant -0.00615148572 : f32
      %broadcast_in_dim3A_519 = vector.broadcast %broadcast_in_dim3A_518 : f32 to vector<16xf32>
      %mul3A_520 = arith.mulf %broadcast_in_dim3A_519, %exp3A : vector<16xf32>
      %add3A_521 = arith.constant 0.0348497964 : f32
      %add3A_522 = vector.broadcast %add3A_521 : f32 to vector<16xf32>
      %add3A_523 = arith.addf %mul3A_520, %add3A_522 : vector<16xf32>
      %mul3A_524 = arith.mulf %add3A_523, %exp3A : vector<16xf32>
      %add3A_525 = arith.constant -0.0932522192 : f32
      %add3A_526 = vector.broadcast %add3A_525 : f32 to vector<16xf32>
      %add3A_527 = arith.addf %mul3A_524, %add3A_526 : vector<16xf32>
      %mul3A_528 = arith.mulf %add3A_527, %exp3A : vector<16xf32>
      %add3A_529 = arith.constant 0.165822953 : f32
      %add3A_530 = vector.broadcast %add3A_529 : f32 to vector<16xf32>
      %add3A_531 = arith.addf %mul3A_528, %add3A_530 : vector<16xf32>
      %mul3A_532 = arith.mulf %add3A_531, %exp3A : vector<16xf32>
      %add3A_533 = arith.constant -0.239826292 : f32
      %add3A_534 = vector.broadcast %add3A_533 : f32 to vector<16xf32>
      %add3A_535 = arith.addf %mul3A_532, %add3A_534 : vector<16xf32>
      %mul3A_536 = arith.mulf %add3A_535, %exp3A : vector<16xf32>
      %add3A_537 = arith.constant 0.331548661 : f32
      %add3A_538 = vector.broadcast %add3A_537 : f32 to vector<16xf32>
      %add3A_539 = arith.addf %mul3A_536, %add3A_538 : vector<16xf32>
      %mul3A_540 = arith.mulf %add3A_539, %exp3A : vector<16xf32>
      %add3A_541 = arith.constant -0.499838561 : f32
      %add3A_542 = vector.broadcast %add3A_541 : f32 to vector<16xf32>
      %add3A_543 = arith.addf %mul3A_540, %add3A_542 : vector<16xf32>
      %mul3A_544 = arith.mulf %add3A_543, %exp3A : vector<16xf32>
      %add3A_545 = arith.constant 0.999994277 : f32
      %add3A_546 = vector.broadcast %add3A_545 : f32 to vector<16xf32>
      %add3A_547 = arith.addf %mul3A_544, %add3A_546 : vector<16xf32>
      %mul3A_548 = arith.mulf %add3A_547, %exp3A : vector<16xf32>
      %add3A_549 = arith.constant 3.38558834E-8 : f32
      %add3A_550 = vector.broadcast %add3A_549 : f32 to vector<16xf32>
      %add3A_551 = arith.addf %mul3A_548, %add3A_550 : vector<16xf32>
      %add3A_552 = arith.addf %sub3A, %add3A_551 : vector<16xf32>
      %add3A_553 = arith.addf %scan3A_501, %get3A_512 : vector<16xf32>
      %add3A_554 = arith.addf %scan3A_502, %add3A_552 : vector<16xf32>
      %mul3A_555 = arith.mulf %add3A_552, %get3A_512 : vector<16xf32>
      %add3A_556 = arith.addf %scan3A_503, %mul3A_555 : vector<16xf32>
      scf.yield %add3A_553, %add3A_554, %add3A_556 : vector<16xf32>, vector<16xf32>, vector<16xf32>
    }
    %scan3A_87 = arith.constant 8 : i32
    %swap3A_88 = arith.constant 64 : index
    %swap3A_89 = tpu.vector_load %arg7[%swap3A_88] {strides = array<i32>} : memref<1200xf32, #tpu.memory_space<vmem>>, vector<16xf32>,
    %swap3A_90 = vector.shape_cast %swap3A_89 : vector<16xf32> to vector<16xf32>
    %swap3A_91 = vector.shape_cast %scan3A_86#0 : vector<16xf32> to vector<16xf32>
    tpu.vector_store %arg7[%swap3A_88], %swap3A_91 {strides = array<i32>} : memref<1200xf32, #tpu.memory_space<vmem>>, vector<16xf32>,
    %swap3A_92 = arith.constant 464 : index
    %swap3A_93 = tpu.vector_load %arg7[%swap3A_92] {strides = array<i32>} : memref<1200xf32, #tpu.memory_space<vmem>>, vector<16xf32>,
    %swap3A_94 = vector.shape_cast %swap3A_93 : vector<16xf32> to vector<16xf32>
    %swap3A_95 = vector.shape_cast %scan3A_86#1 : vector<16xf32> to vector<16xf32>
    tpu.vector_store %arg7[%swap3A_92], %swap3A_95 {strides = array<i32>} : memref<1200xf32, #tpu.memory_space<vmem>>, vector<16xf32>,
    %swap3A_96 = arith.constant 864 : index
    %swap3A_97 = tpu.vector_load %arg7[%swap3A_96] {strides = array<i32>} : memref<1200xf32, #tpu.memory_space<vmem>>, vector<16xf32>,
    %swap3A_98 = vector.shape_cast %swap3A_97 : vector<16xf32> to vector<16xf32>
    %swap3A_99 = vector.shape_cast %scan3A_86#2 : vector<16xf32> to vector<16xf32>
    tpu.vector_store %arg7[%swap3A_96], %swap3A_99 {strides = array<i32>} : memref<1200xf32, #tpu.memory_space<vmem>>, vector<16xf32>,
    %broadcast_in_dim3A_100 = arith.constant 0.000000e+00 : f32
    %broadcast_in_dim3A_101 = vector.broadcast %broadcast_in_dim3A_100 : f32 to vector<16xf32>
    %scan3A_102 = arith.constant 0 : i32
    %scan3A_103 = arith.constant 8 : i32
    %scan3A_104 = arith.addi %scan3A_102, %scan3A_103 : i32
    %scan3A_105 = arith.constant 1 : i32
    %scan3A_106:3 = scf.for %scan3A_500 = %scan3A_102 to %scan3A_104 step %scan3A_105 iter_args(%scan3A_501 = %broadcast_in_dim3A_101, %scan3A_502 = %broadcast_in_dim3A_101, %scan3A_503 = %broadcast_in_dim3A_101) -> (vector<16xf32>, vector<16xf32>, vector<16xf32>)  : i32 {
      %mul3A_504 = arith.constant 400 : i32
      %mul3A_505 = arith.muli %scan3A_500, %mul3A_504 : i32
      %add3A_506 = arith.constant 80 : i32
      %add3A_507 = arith.addi %mul3A_505, %add3A_506 : i32
      %get3A = arith.index_cast %add3A_507 : i32 to index
      %get3A_508 = tpu.vector_load %arg5[%get3A] {strides = array<i32>} : memref<3200xf32, #tpu.memory_space<vmem>>, vector<16xf32>,
      %get3A_509 = vector.shape_cast %get3A_508 : vector<16xf32> to vector<16xf32>
      %get3A_510 = arith.index_cast %add3A_507 : i32 to index
      %get3A_511 = tpu.vector_load %arg6[%get3A_510] {strides = array<i32>} : memref<3200xf32, #tpu.memory_space<vmem>>, vector<16xf32>,
      %get3A_512 = vector.shape_cast %get3A_511 : vector<16xf32> to vector<16xf32>
      %abs3A = math.absf %get3A_509 : vector<16xf32>
      %neg3A = arith.constant 0.000000e+00 : f32
      %neg3A_513 = vector.broadcast %neg3A : f32 to vector<16xf32>
      %neg3A_514 = arith.subf %neg3A_513, %abs3A : vector<16xf32>
      %exp3A = math.exp %neg3A_514 : vector<16xf32>
      %max3A = arith.constant 0.000000e+00 : f32
      %max3A_515 = vector.broadcast %max3A : f32 to vector<16xf32>
      %max3A_516 = arith.maximumf %get3A_509, %max3A_515 : vector<16xf32>
      %mul3A_517 = arith.mulf %get3A_509, %get3A_512 : vector<16xf32>
      %sub3A = arith.subf %max3A_516, %mul3A_517 : vector<16xf32>
      %broadcast_in_dim3A_518 = arith.constant -0.00615148572 : f32
      %broadcast_in_dim3A_519 = vector.broadcast %broadcast_in_dim3A_518 : f32 to vector<16xf32>
      %mul3A_520 = arith.mulf %broadcast_in_dim3A_519, %exp3A : vector<16xf32>
      %add3A_521 = arith.constant 0.0348497964 : f32
      %add3A_522 = vector.broadcast %add3A_521 : f32 to vector<16xf32>
      %add3A_523 = arith.addf %mul3A_520, %add3A_522 : vector<16xf32>
      %mul3A_524 = arith.mulf %add3A_523, %exp3A : vector<16xf32>
      %add3A_525 = arith.constant -0.0932522192 : f32
      %add3A_526 = vector.broadcast %add3A_525 : f32 to vector<16xf32>
      %add3A_527 = arith.addf %mul3A_524, %add3A_526 : vector<16xf32>
      %mul3A_528 = arith.mulf %add3A_527, %exp3A : vector<16xf32>
      %add3A_529 = arith.constant 0.165822953 : f32
      %add3A_530 = vector.broadcast %add3A_529 : f32 to vector<16xf32>
      %add3A_531 = arith.addf %mul3A_528, %add3A_530 : vector<16xf32>
      %mul3A_532 = arith.mulf %add3A_531, %exp3A : vector<16xf32>
      %add3A_533 = arith.constant -0.239826292 : f32
      %add3A_534 = vector.broadcast %add3A_533 : f32 to vector<16xf32>
      %add3A_535 = arith.addf %mul3A_532, %add3A_534 : vector<16xf32>
      %mul3A_536 = arith.mulf %add3A_535, %exp3A : vector<16xf32>
      %add3A_537 = arith.constant 0.331548661 : f32
      %add3A_538 = vector.broadcast %add3A_537 : f32 to vector<16xf32>
      %add3A_539 = arith.addf %mul3A_536, %add3A_538 : vector<16xf32>
      %mul3A_540 = arith.mulf %add3A_539, %exp3A : vector<16xf32>
      %add3A_541 = arith.constant -0.499838561 : f32
      %add3A_542 = vector.broadcast %add3A_541 : f32 to vector<16xf32>
      %add3A_543 = arith.addf %mul3A_540, %add3A_542 : vector<16xf32>
      %mul3A_544 = arith.mulf %add3A_543, %exp3A : vector<16xf32>
      %add3A_545 = arith.constant 0.999994277 : f32
      %add3A_546 = vector.broadcast %add3A_545 : f32 to vector<16xf32>
      %add3A_547 = arith.addf %mul3A_544, %add3A_546 : vector<16xf32>
      %mul3A_548 = arith.mulf %add3A_547, %exp3A : vector<16xf32>
      %add3A_549 = arith.constant 3.38558834E-8 : f32
      %add3A_550 = vector.broadcast %add3A_549 : f32 to vector<16xf32>
      %add3A_551 = arith.addf %mul3A_548, %add3A_550 : vector<16xf32>
      %add3A_552 = arith.addf %sub3A, %add3A_551 : vector<16xf32>
      %add3A_553 = arith.addf %scan3A_501, %get3A_512 : vector<16xf32>
      %add3A_554 = arith.addf %scan3A_502, %add3A_552 : vector<16xf32>
      %mul3A_555 = arith.mulf %add3A_552, %get3A_512 : vector<16xf32>
      %add3A_556 = arith.addf %scan3A_503, %mul3A_555 : vector<16xf32>
      scf.yield %add3A_553, %add3A_554, %add3A_556 : vector<16xf32>, vector<16xf32>, vector<16xf32>
    }
    %scan3A_107 = arith.constant 8 : i32
    %swap3A_108 = arith.constant 80 : index
    %swap3A_109 = tpu.vector_load %arg7[%swap3A_108] {strides = array<i32>} : memref<1200xf32, #tpu.memory_space<vmem>>, vector<16xf32>,
    %swap3A_110 = vector.shape_cast %swap3A_109 : vector<16xf32> to vector<16xf32>
    %swap3A_111 = vector.shape_cast %scan3A_106#0 : vector<16xf32> to vector<16xf32>
    tpu.vector_store %arg7[%swap3A_108], %swap3A_111 {strides = array<i32>} : memref<1200xf32, #tpu.memory_space<vmem>>, vector<16xf32>,
    %swap3A_112 = arith.constant 480 : index
    %swap3A_113 = tpu.vector_load %arg7[%swap3A_112] {strides = array<i32>} : memref<1200xf32, #tpu.memory_space<vmem>>, vector<16xf32>,
    %swap3A_114 = vector.shape_cast %swap3A_113 : vector<16xf32> to vector<16xf32>
    %swap3A_115 = vector.shape_cast %scan3A_106#1 : vector<16xf32> to vector<16xf32>
    tpu.vector_store %arg7[%swap3A_112], %swap3A_115 {strides = array<i32>} : memref<1200xf32, #tpu.memory_space<vmem>>, vector<16xf32>,
    %swap3A_116 = arith.constant 880 : index
    %swap3A_117 = tpu.vector_load %arg7[%swap3A_116] {strides = array<i32>} : memref<1200xf32, #tpu.memory_space<vmem>>, vector<16xf32>,
    %swap3A_118 = vector.shape_cast %swap3A_117 : vector<16xf32> to vector<16xf32>
    %swap3A_119 = vector.shape_cast %scan3A_106#2 : vector<16xf32> to vector<16xf32>
    tpu.vector_store %arg7[%swap3A_116], %swap3A_119 {strides = array<i32>} : memref<1200xf32, #tpu.memory_space<vmem>>, vector<16xf32>,
    %broadcast_in_dim3A_120 = arith.constant 0.000000e+00 : f32
    %broadcast_in_dim3A_121 = vector.broadcast %broadcast_in_dim3A_120 : f32 to vector<16xf32>
    %scan3A_122 = arith.constant 0 : i32
    %scan3A_123 = arith.constant 8 : i32
    %scan3A_124 = arith.addi %scan3A_122, %scan3A_123 : i32
    %scan3A_125 = arith.constant 1 : i32
    %scan3A_126:3 = scf.for %scan3A_500 = %scan3A_122 to %scan3A_124 step %scan3A_125 iter_args(%scan3A_501 = %broadcast_in_dim3A_121, %scan3A_502 = %broadcast_in_dim3A_121, %scan3A_503 = %broadcast_in_dim3A_121) -> (vector<16xf32>, vector<16xf32>, vector<16xf32>)  : i32 {
      %mul3A_504 = arith.constant 400 : i32
      %mul3A_505 = arith.muli %scan3A_500, %mul3A_504 : i32
      %add3A_506 = arith.constant 96 : i32
      %add3A_507 = arith.addi %mul3A_505, %add3A_506 : i32
      %get3A = arith.index_cast %add3A_507 : i32 to index
      %get3A_508 = tpu.vector_load %arg5[%get3A] {strides = array<i32>} : memref<3200xf32, #tpu.memory_space<vmem>>, vector<16xf32>,
      %get3A_509 = vector.shape_cast %get3A_508 : vector<16xf32> to vector<16xf32>
      %get3A_510 = arith.index_cast %add3A_507 : i32 to index
      %get3A_511 = tpu.vector_load %arg6[%get3A_510] {strides = array<i32>} : memref<3200xf32, #tpu.memory_space<vmem>>, vector<16xf32>,
      %get3A_512 = vector.shape_cast %get3A_511 : vector<16xf32> to vector<16xf32>
      %abs3A = math.absf %get3A_509 : vector<16xf32>
      %neg3A = arith.constant 0.000000e+00 : f32
      %neg3A_513 = vector.broadcast %neg3A : f32 to vector<16xf32>
      %neg3A_514 = arith.subf %neg3A_513, %abs3A : vector<16xf32>
      %exp3A = math.exp %neg3A_514 : vector<16xf32>
      %max3A = arith.constant 0.000000e+00 : f32
      %max3A_515 = vector.broadcast %max3A : f32 to vector<16xf32>
      %max3A_516 = arith.maximumf %get3A_509, %max3A_515 : vector<16xf32>
      %mul3A_517 = arith.mulf %get3A_509, %get3A_512 : vector<16xf32>
      %sub3A = arith.subf %max3A_516, %mul3A_517 : vector<16xf32>
      %broadcast_in_dim3A_518 = arith.constant -0.00615148572 : f32
      %broadcast_in_dim3A_519 = vector.broadcast %broadcast_in_dim3A_518 : f32 to vector<16xf32>
      %mul3A_520 = arith.mulf %broadcast_in_dim3A_519, %exp3A : vector<16xf32>
      %add3A_521 = arith.constant 0.0348497964 : f32
      %add3A_522 = vector.broadcast %add3A_521 : f32 to vector<16xf32>
      %add3A_523 = arith.addf %mul3A_520, %add3A_522 : vector<16xf32>
      %mul3A_524 = arith.mulf %add3A_523, %exp3A : vector<16xf32>
      %add3A_525 = arith.constant -0.0932522192 : f32
      %add3A_526 = vector.broadcast %add3A_525 : f32 to vector<16xf32>
      %add3A_527 = arith.addf %mul3A_524, %add3A_526 : vector<16xf32>
      %mul3A_528 = arith.mulf %add3A_527, %exp3A : vector<16xf32>
      %add3A_529 = arith.constant 0.165822953 : f32
      %add3A_530 = vector.broadcast %add3A_529 : f32 to vector<16xf32>
      %add3A_531 = arith.addf %mul3A_528, %add3A_530 : vector<16xf32>
      %mul3A_532 = arith.mulf %add3A_531, %exp3A : vector<16xf32>
      %add3A_533 = arith.constant -0.239826292 : f32
      %add3A_534 = vector.broadcast %add3A_533 : f32 to vector<16xf32>
      %add3A_535 = arith.addf %mul3A_532, %add3A_534 : vector<16xf32>
      %mul3A_536 = arith.mulf %add3A_535, %exp3A : vector<16xf32>
      %add3A_537 = arith.constant 0.331548661 : f32
      %add3A_538 = vector.broadcast %add3A_537 : f32 to vector<16xf32>
      %add3A_539 = arith.addf %mul3A_536, %add3A_538 : vector<16xf32>
      %mul3A_540 = arith.mulf %add3A_539, %exp3A : vector<16xf32>
      %add3A_541 = arith.constant -0.499838561 : f32
      %add3A_542 = vector.broadcast %add3A_541 : f32 to vector<16xf32>
      %add3A_543 = arith.addf %mul3A_540, %add3A_542 : vector<16xf32>
      %mul3A_544 = arith.mulf %add3A_543, %exp3A : vector<16xf32>
      %add3A_545 = arith.constant 0.999994277 : f32
      %add3A_546 = vector.broadcast %add3A_545 : f32 to vector<16xf32>
      %add3A_547 = arith.addf %mul3A_544, %add3A_546 : vector<16xf32>
      %mul3A_548 = arith.mulf %add3A_547, %exp3A : vector<16xf32>
      %add3A_549 = arith.constant 3.38558834E-8 : f32
      %add3A_550 = vector.broadcast %add3A_549 : f32 to vector<16xf32>
      %add3A_551 = arith.addf %mul3A_548, %add3A_550 : vector<16xf32>
      %add3A_552 = arith.addf %sub3A, %add3A_551 : vector<16xf32>
      %add3A_553 = arith.addf %scan3A_501, %get3A_512 : vector<16xf32>
      %add3A_554 = arith.addf %scan3A_502, %add3A_552 : vector<16xf32>
      %mul3A_555 = arith.mulf %add3A_552, %get3A_512 : vector<16xf32>
      %add3A_556 = arith.addf %scan3A_503, %mul3A_555 : vector<16xf32>
      scf.yield %add3A_553, %add3A_554, %add3A_556 : vector<16xf32>, vector<16xf32>, vector<16xf32>
    }
    %scan3A_127 = arith.constant 8 : i32
    %swap3A_128 = arith.constant 96 : index
    %swap3A_129 = tpu.vector_load %arg7[%swap3A_128] {strides = array<i32>} : memref<1200xf32, #tpu.memory_space<vmem>>, vector<16xf32>,
    %swap3A_130 = vector.shape_cast %swap3A_129 : vector<16xf32> to vector<16xf32>
    %swap3A_131 = vector.shape_cast %scan3A_126#0 : vector<16xf32> to vector<16xf32>
    tpu.vector_store %arg7[%swap3A_128], %swap3A_131 {strides = array<i32>} : memref<1200xf32, #tpu.memory_space<vmem>>, vector<16xf32>,
    %swap3A_132 = arith.constant 496 : index
    %swap3A_133 = tpu.vector_load %arg7[%swap3A_132] {strides = array<i32>} : memref<1200xf32, #tpu.memory_space<vmem>>, vector<16xf32>,
    %swap3A_134 = vector.shape_cast %swap3A_133 : vector<16xf32> to vector<16xf32>
    %swap3A_135 = vector.shape_cast %scan3A_126#1 : vector<16xf32> to vector<16xf32>
    tpu.vector_store %arg7[%swap3A_132], %swap3A_135 {strides = array<i32>} : memref<1200xf32, #tpu.memory_space<vmem>>, vector<16xf32>,
    %swap3A_136 = arith.constant 896 : index
    %swap3A_137 = tpu.vector_load %arg7[%swap3A_136] {strides = array<i32>} : memref<1200xf32, #tpu.memory_space<vmem>>, vector<16xf32>,
    %swap3A_138 = vector.shape_cast %swap3A_137 : vector<16xf32> to vector<16xf32>
    %swap3A_139 = vector.shape_cast %scan3A_126#2 : vector<16xf32> to vector<16xf32>
    tpu.vector_store %arg7[%swap3A_136], %swap3A_139 {strides = array<i32>} : memref<1200xf32, #tpu.memory_space<vmem>>, vector<16xf32>,
    %broadcast_in_dim3A_140 = arith.constant 0.000000e+00 : f32
    %broadcast_in_dim3A_141 = vector.broadcast %broadcast_in_dim3A_140 : f32 to vector<16xf32>
    %scan3A_142 = arith.constant 0 : i32
    %scan3A_143 = arith.constant 8 : i32
    %scan3A_144 = arith.addi %scan3A_142, %scan3A_143 : i32
    %scan3A_145 = arith.constant 1 : i32
    %scan3A_146:3 = scf.for %scan3A_500 = %scan3A_142 to %scan3A_144 step %scan3A_145 iter_args(%scan3A_501 = %broadcast_in_dim3A_141, %scan3A_502 = %broadcast_in_dim3A_141, %scan3A_503 = %broadcast_in_dim3A_141) -> (vector<16xf32>, vector<16xf32>, vector<16xf32>)  : i32 {
      %mul3A_504 = arith.constant 400 : i32
      %mul3A_505 = arith.muli %scan3A_500, %mul3A_504 : i32
      %add3A_506 = arith.constant 112 : i32
      %add3A_507 = arith.addi %mul3A_505, %add3A_506 : i32
      %get3A = arith.index_cast %add3A_507 : i32 to index
      %get3A_508 = tpu.vector_load %arg5[%get3A] {strides = array<i32>} : memref<3200xf32, #tpu.memory_space<vmem>>, vector<16xf32>,
      %get3A_509 = vector.shape_cast %get3A_508 : vector<16xf32> to vector<16xf32>
      %get3A_510 = arith.index_cast %add3A_507 : i32 to index
      %get3A_511 = tpu.vector_load %arg6[%get3A_510] {strides = array<i32>} : memref<3200xf32, #tpu.memory_space<vmem>>, vector<16xf32>,
      %get3A_512 = vector.shape_cast %get3A_511 : vector<16xf32> to vector<16xf32>
      %abs3A = math.absf %get3A_509 : vector<16xf32>
      %neg3A = arith.constant 0.000000e+00 : f32
      %neg3A_513 = vector.broadcast %neg3A : f32 to vector<16xf32>
      %neg3A_514 = arith.subf %neg3A_513, %abs3A : vector<16xf32>
      %exp3A = math.exp %neg3A_514 : vector<16xf32>
      %max3A = arith.constant 0.000000e+00 : f32
      %max3A_515 = vector.broadcast %max3A : f32 to vector<16xf32>
      %max3A_516 = arith.maximumf %get3A_509, %max3A_515 : vector<16xf32>
      %mul3A_517 = arith.mulf %get3A_509, %get3A_512 : vector<16xf32>
      %sub3A = arith.subf %max3A_516, %mul3A_517 : vector<16xf32>
      %broadcast_in_dim3A_518 = arith.constant -0.00615148572 : f32
      %broadcast_in_dim3A_519 = vector.broadcast %broadcast_in_dim3A_518 : f32 to vector<16xf32>
      %mul3A_520 = arith.mulf %broadcast_in_dim3A_519, %exp3A : vector<16xf32>
      %add3A_521 = arith.constant 0.0348497964 : f32
      %add3A_522 = vector.broadcast %add3A_521 : f32 to vector<16xf32>
      %add3A_523 = arith.addf %mul3A_520, %add3A_522 : vector<16xf32>
      %mul3A_524 = arith.mulf %add3A_523, %exp3A : vector<16xf32>
      %add3A_525 = arith.constant -0.0932522192 : f32
      %add3A_526 = vector.broadcast %add3A_525 : f32 to vector<16xf32>
      %add3A_527 = arith.addf %mul3A_524, %add3A_526 : vector<16xf32>
      %mul3A_528 = arith.mulf %add3A_527, %exp3A : vector<16xf32>
      %add3A_529 = arith.constant 0.165822953 : f32
      %add3A_530 = vector.broadcast %add3A_529 : f32 to vector<16xf32>
      %add3A_531 = arith.addf %mul3A_528, %add3A_530 : vector<16xf32>
      %mul3A_532 = arith.mulf %add3A_531, %exp3A : vector<16xf32>
      %add3A_533 = arith.constant -0.239826292 : f32
      %add3A_534 = vector.broadcast %add3A_533 : f32 to vector<16xf32>
      %add3A_535 = arith.addf %mul3A_532, %add3A_534 : vector<16xf32>
      %mul3A_536 = arith.mulf %add3A_535, %exp3A : vector<16xf32>
      %add3A_537 = arith.constant 0.331548661 : f32
      %add3A_538 = vector.broadcast %add3A_537 : f32 to vector<16xf32>
      %add3A_539 = arith.addf %mul3A_536, %add3A_538 : vector<16xf32>
      %mul3A_540 = arith.mulf %add3A_539, %exp3A : vector<16xf32>
      %add3A_541 = arith.constant -0.499838561 : f32
      %add3A_542 = vector.broadcast %add3A_541 : f32 to vector<16xf32>
      %add3A_543 = arith.addf %mul3A_540, %add3A_542 : vector<16xf32>
      %mul3A_544 = arith.mulf %add3A_543, %exp3A : vector<16xf32>
      %add3A_545 = arith.constant 0.999994277 : f32
      %add3A_546 = vector.broadcast %add3A_545 : f32 to vector<16xf32>
      %add3A_547 = arith.addf %mul3A_544, %add3A_546 : vector<16xf32>
      %mul3A_548 = arith.mulf %add3A_547, %exp3A : vector<16xf32>
      %add3A_549 = arith.constant 3.38558834E-8 : f32
      %add3A_550 = vector.broadcast %add3A_549 : f32 to vector<16xf32>
      %add3A_551 = arith.addf %mul3A_548, %add3A_550 : vector<16xf32>
      %add3A_552 = arith.addf %sub3A, %add3A_551 : vector<16xf32>
      %add3A_553 = arith.addf %scan3A_501, %get3A_512 : vector<16xf32>
      %add3A_554 = arith.addf %scan3A_502, %add3A_552 : vector<16xf32>
      %mul3A_555 = arith.mulf %add3A_552, %get3A_512 : vector<16xf32>
      %add3A_556 = arith.addf %scan3A_503, %mul3A_555 : vector<16xf32>
      scf.yield %add3A_553, %add3A_554, %add3A_556 : vector<16xf32>, vector<16xf32>, vector<16xf32>
    }
    %scan3A_147 = arith.constant 8 : i32
    %swap3A_148 = arith.constant 112 : index
    %swap3A_149 = tpu.vector_load %arg7[%swap3A_148] {strides = array<i32>} : memref<1200xf32, #tpu.memory_space<vmem>>, vector<16xf32>,
    %swap3A_150 = vector.shape_cast %swap3A_149 : vector<16xf32> to vector<16xf32>
    %swap3A_151 = vector.shape_cast %scan3A_146#0 : vector<16xf32> to vector<16xf32>
    tpu.vector_store %arg7[%swap3A_148], %swap3A_151 {strides = array<i32>} : memref<1200xf32, #tpu.memory_space<vmem>>, vector<16xf32>,
    %swap3A_152 = arith.constant 512 : index
    %swap3A_153 = tpu.vector_load %arg7[%swap3A_152] {strides = array<i32>} : memref<1200xf32, #tpu.memory_space<vmem>>, vector<16xf32>,
    %swap3A_154 = vector.shape_cast %swap3A_153 : vector<16xf32> to vector<16xf32>
    %swap3A_155 = vector.shape_cast %scan3A_146#1 : vector<16xf32> to vector<16xf32>
    tpu.vector_store %arg7[%swap3A_152], %swap3A_155 {strides = array<i32>} : memref<1200xf32, #tpu.memory_space<vmem>>, vector<16xf32>,
    %swap3A_156 = arith.constant 912 : index
    %swap3A_157 = tpu.vector_load %arg7[%swap3A_156] {strides = array<i32>} : memref<1200xf32, #tpu.memory_space<vmem>>, vector<16xf32>,
    %swap3A_158 = vector.shape_cast %swap3A_157 : vector<16xf32> to vector<16xf32>
    %swap3A_159 = vector.shape_cast %scan3A_146#2 : vector<16xf32> to vector<16xf32>
    tpu.vector_store %arg7[%swap3A_156], %swap3A_159 {strides = array<i32>} : memref<1200xf32, #tpu.memory_space<vmem>>, vector<16xf32>,
    %broadcast_in_dim3A_160 = arith.constant 0.000000e+00 : f32
    %broadcast_in_dim3A_161 = vector.broadcast %broadcast_in_dim3A_160 : f32 to vector<16xf32>
    %scan3A_162 = arith.constant 0 : i32
    %scan3A_163 = arith.constant 8 : i32
    %scan3A_164 = arith.addi %scan3A_162, %scan3A_163 : i32
    %scan3A_165 = arith.constant 1 : i32
    %scan3A_166:3 = scf.for %scan3A_500 = %scan3A_162 to %scan3A_164 step %scan3A_165 iter_args(%scan3A_501 = %broadcast_in_dim3A_161, %scan3A_502 = %broadcast_in_dim3A_161, %scan3A_503 = %broadcast_in_dim3A_161) -> (vector<16xf32>, vector<16xf32>, vector<16xf32>)  : i32 {
      %mul3A_504 = arith.constant 400 : i32
      %mul3A_505 = arith.muli %scan3A_500, %mul3A_504 : i32
      %add3A_506 = arith.constant 128 : i32
      %add3A_507 = arith.addi %mul3A_505, %add3A_506 : i32
      %get3A = arith.index_cast %add3A_507 : i32 to index
      %get3A_508 = tpu.vector_load %arg5[%get3A] {strides = array<i32>} : memref<3200xf32, #tpu.memory_space<vmem>>, vector<16xf32>,
      %get3A_509 = vector.shape_cast %get3A_508 : vector<16xf32> to vector<16xf32>
      %get3A_510 = arith.index_cast %add3A_507 : i32 to index
      %get3A_511 = tpu.vector_load %arg6[%get3A_510] {strides = array<i32>} : memref<3200xf32, #tpu.memory_space<vmem>>, vector<16xf32>,
      %get3A_512 = vector.shape_cast %get3A_511 : vector<16xf32> to vector<16xf32>
      %abs3A = math.absf %get3A_509 : vector<16xf32>
      %neg3A = arith.constant 0.000000e+00 : f32
      %neg3A_513 = vector.broadcast %neg3A : f32 to vector<16xf32>
      %neg3A_514 = arith.subf %neg3A_513, %abs3A : vector<16xf32>
      %exp3A = math.exp %neg3A_514 : vector<16xf32>
      %max3A = arith.constant 0.000000e+00 : f32
      %max3A_515 = vector.broadcast %max3A : f32 to vector<16xf32>
      %max3A_516 = arith.maximumf %get3A_509, %max3A_515 : vector<16xf32>
      %mul3A_517 = arith.mulf %get3A_509, %get3A_512 : vector<16xf32>
      %sub3A = arith.subf %max3A_516, %mul3A_517 : vector<16xf32>
      %broadcast_in_dim3A_518 = arith.constant -0.00615148572 : f32
      %broadcast_in_dim3A_519 = vector.broadcast %broadcast_in_dim3A_518 : f32 to vector<16xf32>
      %mul3A_520 = arith.mulf %broadcast_in_dim3A_519, %exp3A : vector<16xf32>
      %add3A_521 = arith.constant 0.0348497964 : f32
      %add3A_522 = vector.broadcast %add3A_521 : f32 to vector<16xf32>
      %add3A_523 = arith.addf %mul3A_520, %add3A_522 : vector<16xf32>
      %mul3A_524 = arith.mulf %add3A_523, %exp3A : vector<16xf32>
      %add3A_525 = arith.constant -0.0932522192 : f32
      %add3A_526 = vector.broadcast %add3A_525 : f32 to vector<16xf32>
      %add3A_527 = arith.addf %mul3A_524, %add3A_526 : vector<16xf32>
      %mul3A_528 = arith.mulf %add3A_527, %exp3A : vector<16xf32>
      %add3A_529 = arith.constant 0.165822953 : f32
      %add3A_530 = vector.broadcast %add3A_529 : f32 to vector<16xf32>
      %add3A_531 = arith.addf %mul3A_528, %add3A_530 : vector<16xf32>
      %mul3A_532 = arith.mulf %add3A_531, %exp3A : vector<16xf32>
      %add3A_533 = arith.constant -0.239826292 : f32
      %add3A_534 = vector.broadcast %add3A_533 : f32 to vector<16xf32>
      %add3A_535 = arith.addf %mul3A_532, %add3A_534 : vector<16xf32>
      %mul3A_536 = arith.mulf %add3A_535, %exp3A : vector<16xf32>
      %add3A_537 = arith.constant 0.331548661 : f32
      %add3A_538 = vector.broadcast %add3A_537 : f32 to vector<16xf32>
      %add3A_539 = arith.addf %mul3A_536, %add3A_538 : vector<16xf32>
      %mul3A_540 = arith.mulf %add3A_539, %exp3A : vector<16xf32>
      %add3A_541 = arith.constant -0.499838561 : f32
      %add3A_542 = vector.broadcast %add3A_541 : f32 to vector<16xf32>
      %add3A_543 = arith.addf %mul3A_540, %add3A_542 : vector<16xf32>
      %mul3A_544 = arith.mulf %add3A_543, %exp3A : vector<16xf32>
      %add3A_545 = arith.constant 0.999994277 : f32
      %add3A_546 = vector.broadcast %add3A_545 : f32 to vector<16xf32>
      %add3A_547 = arith.addf %mul3A_544, %add3A_546 : vector<16xf32>
      %mul3A_548 = arith.mulf %add3A_547, %exp3A : vector<16xf32>
      %add3A_549 = arith.constant 3.38558834E-8 : f32
      %add3A_550 = vector.broadcast %add3A_549 : f32 to vector<16xf32>
      %add3A_551 = arith.addf %mul3A_548, %add3A_550 : vector<16xf32>
      %add3A_552 = arith.addf %sub3A, %add3A_551 : vector<16xf32>
      %add3A_553 = arith.addf %scan3A_501, %get3A_512 : vector<16xf32>
      %add3A_554 = arith.addf %scan3A_502, %add3A_552 : vector<16xf32>
      %mul3A_555 = arith.mulf %add3A_552, %get3A_512 : vector<16xf32>
      %add3A_556 = arith.addf %scan3A_503, %mul3A_555 : vector<16xf32>
      scf.yield %add3A_553, %add3A_554, %add3A_556 : vector<16xf32>, vector<16xf32>, vector<16xf32>
    }
    %scan3A_167 = arith.constant 8 : i32
    %swap3A_168 = arith.constant 128 : index
    %swap3A_169 = tpu.vector_load %arg7[%swap3A_168] {strides = array<i32>} : memref<1200xf32, #tpu.memory_space<vmem>>, vector<16xf32>,
    %swap3A_170 = vector.shape_cast %swap3A_169 : vector<16xf32> to vector<16xf32>
    %swap3A_171 = vector.shape_cast %scan3A_166#0 : vector<16xf32> to vector<16xf32>
    tpu.vector_store %arg7[%swap3A_168], %swap3A_171 {strides = array<i32>} : memref<1200xf32, #tpu.memory_space<vmem>>, vector<16xf32>,
    %swap3A_172 = arith.constant 528 : index
    %swap3A_173 = tpu.vector_load %arg7[%swap3A_172] {strides = array<i32>} : memref<1200xf32, #tpu.memory_space<vmem>>, vector<16xf32>,
    %swap3A_174 = vector.shape_cast %swap3A_173 : vector<16xf32> to vector<16xf32>
    %swap3A_175 = vector.shape_cast %scan3A_166#1 : vector<16xf32> to vector<16xf32>
    tpu.vector_store %arg7[%swap3A_172], %swap3A_175 {strides = array<i32>} : memref<1200xf32, #tpu.memory_space<vmem>>, vector<16xf32>,
    %swap3A_176 = arith.constant 928 : index
    %swap3A_177 = tpu.vector_load %arg7[%swap3A_176] {strides = array<i32>} : memref<1200xf32, #tpu.memory_space<vmem>>, vector<16xf32>,
    %swap3A_178 = vector.shape_cast %swap3A_177 : vector<16xf32> to vector<16xf32>
    %swap3A_179 = vector.shape_cast %scan3A_166#2 : vector<16xf32> to vector<16xf32>
    tpu.vector_store %arg7[%swap3A_176], %swap3A_179 {strides = array<i32>} : memref<1200xf32, #tpu.memory_space<vmem>>, vector<16xf32>,
    %broadcast_in_dim3A_180 = arith.constant 0.000000e+00 : f32
    %broadcast_in_dim3A_181 = vector.broadcast %broadcast_in_dim3A_180 : f32 to vector<16xf32>
    %scan3A_182 = arith.constant 0 : i32
    %scan3A_183 = arith.constant 8 : i32
    %scan3A_184 = arith.addi %scan3A_182, %scan3A_183 : i32
    %scan3A_185 = arith.constant 1 : i32
    %scan3A_186:3 = scf.for %scan3A_500 = %scan3A_182 to %scan3A_184 step %scan3A_185 iter_args(%scan3A_501 = %broadcast_in_dim3A_181, %scan3A_502 = %broadcast_in_dim3A_181, %scan3A_503 = %broadcast_in_dim3A_181) -> (vector<16xf32>, vector<16xf32>, vector<16xf32>)  : i32 {
      %mul3A_504 = arith.constant 400 : i32
      %mul3A_505 = arith.muli %scan3A_500, %mul3A_504 : i32
      %add3A_506 = arith.constant 144 : i32
      %add3A_507 = arith.addi %mul3A_505, %add3A_506 : i32
      %get3A = arith.index_cast %add3A_507 : i32 to index
      %get3A_508 = tpu.vector_load %arg5[%get3A] {strides = array<i32>} : memref<3200xf32, #tpu.memory_space<vmem>>, vector<16xf32>,
      %get3A_509 = vector.shape_cast %get3A_508 : vector<16xf32> to vector<16xf32>
      %get3A_510 = arith.index_cast %add3A_507 : i32 to index
      %get3A_511 = tpu.vector_load %arg6[%get3A_510] {strides = array<i32>} : memref<3200xf32, #tpu.memory_space<vmem>>, vector<16xf32>,
      %get3A_512 = vector.shape_cast %get3A_511 : vector<16xf32> to vector<16xf32>
      %abs3A = math.absf %get3A_509 : vector<16xf32>
      %neg3A = arith.constant 0.000000e+00 : f32
      %neg3A_513 = vector.broadcast %neg3A : f32 to vector<16xf32>
      %neg3A_514 = arith.subf %neg3A_513, %abs3A : vector<16xf32>
      %exp3A = math.exp %neg3A_514 : vector<16xf32>
      %max3A = arith.constant 0.000000e+00 : f32
      %max3A_515 = vector.broadcast %max3A : f32 to vector<16xf32>
      %max3A_516 = arith.maximumf %get3A_509, %max3A_515 : vector<16xf32>
      %mul3A_517 = arith.mulf %get3A_509, %get3A_512 : vector<16xf32>
      %sub3A = arith.subf %max3A_516, %mul3A_517 : vector<16xf32>
      %broadcast_in_dim3A_518 = arith.constant -0.00615148572 : f32
      %broadcast_in_dim3A_519 = vector.broadcast %broadcast_in_dim3A_518 : f32 to vector<16xf32>
      %mul3A_520 = arith.mulf %broadcast_in_dim3A_519, %exp3A : vector<16xf32>
      %add3A_521 = arith.constant 0.0348497964 : f32
      %add3A_522 = vector.broadcast %add3A_521 : f32 to vector<16xf32>
      %add3A_523 = arith.addf %mul3A_520, %add3A_522 : vector<16xf32>
      %mul3A_524 = arith.mulf %add3A_523, %exp3A : vector<16xf32>
      %add3A_525 = arith.constant -0.0932522192 : f32
      %add3A_526 = vector.broadcast %add3A_525 : f32 to vector<16xf32>
      %add3A_527 = arith.addf %mul3A_524, %add3A_526 : vector<16xf32>
      %mul3A_528 = arith.mulf %add3A_527, %exp3A : vector<16xf32>
      %add3A_529 = arith.constant 0.165822953 : f32
      %add3A_530 = vector.broadcast %add3A_529 : f32 to vector<16xf32>
      %add3A_531 = arith.addf %mul3A_528, %add3A_530 : vector<16xf32>
      %mul3A_532 = arith.mulf %add3A_531, %exp3A : vector<16xf32>
      %add3A_533 = arith.constant -0.239826292 : f32
      %add3A_534 = vector.broadcast %add3A_533 : f32 to vector<16xf32>
      %add3A_535 = arith.addf %mul3A_532, %add3A_534 : vector<16xf32>
      %mul3A_536 = arith.mulf %add3A_535, %exp3A : vector<16xf32>
      %add3A_537 = arith.constant 0.331548661 : f32
      %add3A_538 = vector.broadcast %add3A_537 : f32 to vector<16xf32>
      %add3A_539 = arith.addf %mul3A_536, %add3A_538 : vector<16xf32>
      %mul3A_540 = arith.mulf %add3A_539, %exp3A : vector<16xf32>
      %add3A_541 = arith.constant -0.499838561 : f32
      %add3A_542 = vector.broadcast %add3A_541 : f32 to vector<16xf32>
      %add3A_543 = arith.addf %mul3A_540, %add3A_542 : vector<16xf32>
      %mul3A_544 = arith.mulf %add3A_543, %exp3A : vector<16xf32>
      %add3A_545 = arith.constant 0.999994277 : f32
      %add3A_546 = vector.broadcast %add3A_545 : f32 to vector<16xf32>
      %add3A_547 = arith.addf %mul3A_544, %add3A_546 : vector<16xf32>
      %mul3A_548 = arith.mulf %add3A_547, %exp3A : vector<16xf32>
      %add3A_549 = arith.constant 3.38558834E-8 : f32
      %add3A_550 = vector.broadcast %add3A_549 : f32 to vector<16xf32>
      %add3A_551 = arith.addf %mul3A_548, %add3A_550 : vector<16xf32>
      %add3A_552 = arith.addf %sub3A, %add3A_551 : vector<16xf32>
      %add3A_553 = arith.addf %scan3A_501, %get3A_512 : vector<16xf32>
      %add3A_554 = arith.addf %scan3A_502, %add3A_552 : vector<16xf32>
      %mul3A_555 = arith.mulf %add3A_552, %get3A_512 : vector<16xf32>
      %add3A_556 = arith.addf %scan3A_503, %mul3A_555 : vector<16xf32>
      scf.yield %add3A_553, %add3A_554, %add3A_556 : vector<16xf32>, vector<16xf32>, vector<16xf32>
    }
    %scan3A_187 = arith.constant 8 : i32
    %swap3A_188 = arith.constant 144 : index
    %swap3A_189 = tpu.vector_load %arg7[%swap3A_188] {strides = array<i32>} : memref<1200xf32, #tpu.memory_space<vmem>>, vector<16xf32>,
    %swap3A_190 = vector.shape_cast %swap3A_189 : vector<16xf32> to vector<16xf32>
    %swap3A_191 = vector.shape_cast %scan3A_186#0 : vector<16xf32> to vector<16xf32>
    tpu.vector_store %arg7[%swap3A_188], %swap3A_191 {strides = array<i32>} : memref<1200xf32, #tpu.memory_space<vmem>>, vector<16xf32>,
    %swap3A_192 = arith.constant 544 : index
    %swap3A_193 = tpu.vector_load %arg7[%swap3A_192] {strides = array<i32>} : memref<1200xf32, #tpu.memory_space<vmem>>, vector<16xf32>,
    %swap3A_194 = vector.shape_cast %swap3A_193 : vector<16xf32> to vector<16xf32>
    %swap3A_195 = vector.shape_cast %scan3A_186#1 : vector<16xf32> to vector<16xf32>
    tpu.vector_store %arg7[%swap3A_192], %swap3A_195 {strides = array<i32>} : memref<1200xf32, #tpu.memory_space<vmem>>, vector<16xf32>,
    %swap3A_196 = arith.constant 944 : index
    %swap3A_197 = tpu.vector_load %arg7[%swap3A_196] {strides = array<i32>} : memref<1200xf32, #tpu.memory_space<vmem>>, vector<16xf32>,
    %swap3A_198 = vector.shape_cast %swap3A_197 : vector<16xf32> to vector<16xf32>
    %swap3A_199 = vector.shape_cast %scan3A_186#2 : vector<16xf32> to vector<16xf32>
    tpu.vector_store %arg7[%swap3A_196], %swap3A_199 {strides = array<i32>} : memref<1200xf32, #tpu.memory_space<vmem>>, vector<16xf32>,
    %broadcast_in_dim3A_200 = arith.constant 0.000000e+00 : f32
    %broadcast_in_dim3A_201 = vector.broadcast %broadcast_in_dim3A_200 : f32 to vector<16xf32>
    %scan3A_202 = arith.constant 0 : i32
    %scan3A_203 = arith.constant 8 : i32
    %scan3A_204 = arith.addi %scan3A_202, %scan3A_203 : i32
    %scan3A_205 = arith.constant 1 : i32
    %scan3A_206:3 = scf.for %scan3A_500 = %scan3A_202 to %scan3A_204 step %scan3A_205 iter_args(%scan3A_501 = %broadcast_in_dim3A_201, %scan3A_502 = %broadcast_in_dim3A_201, %scan3A_503 = %broadcast_in_dim3A_201) -> (vector<16xf32>, vector<16xf32>, vector<16xf32>)  : i32 {
      %mul3A_504 = arith.constant 400 : i32
      %mul3A_505 = arith.muli %scan3A_500, %mul3A_504 : i32
      %add3A_506 = arith.constant 160 : i32
      %add3A_507 = arith.addi %mul3A_505, %add3A_506 : i32
      %get3A = arith.index_cast %add3A_507 : i32 to index
      %get3A_508 = tpu.vector_load %arg5[%get3A] {strides = array<i32>} : memref<3200xf32, #tpu.memory_space<vmem>>, vector<16xf32>,
      %get3A_509 = vector.shape_cast %get3A_508 : vector<16xf32> to vector<16xf32>
      %get3A_510 = arith.index_cast %add3A_507 : i32 to index
      %get3A_511 = tpu.vector_load %arg6[%get3A_510] {strides = array<i32>} : memref<3200xf32, #tpu.memory_space<vmem>>, vector<16xf32>,
      %get3A_512 = vector.shape_cast %get3A_511 : vector<16xf32> to vector<16xf32>
      %abs3A = math.absf %get3A_509 : vector<16xf32>
      %neg3A = arith.constant 0.000000e+00 : f32
      %neg3A_513 = vector.broadcast %neg3A : f32 to vector<16xf32>
      %neg3A_514 = arith.subf %neg3A_513, %abs3A : vector<16xf32>
      %exp3A = math.exp %neg3A_514 : vector<16xf32>
      %max3A = arith.constant 0.000000e+00 : f32
      %max3A_515 = vector.broadcast %max3A : f32 to vector<16xf32>
      %max3A_516 = arith.maximumf %get3A_509, %max3A_515 : vector<16xf32>
      %mul3A_517 = arith.mulf %get3A_509, %get3A_512 : vector<16xf32>
      %sub3A = arith.subf %max3A_516, %mul3A_517 : vector<16xf32>
      %broadcast_in_dim3A_518 = arith.constant -0.00615148572 : f32
      %broadcast_in_dim3A_519 = vector.broadcast %broadcast_in_dim3A_518 : f32 to vector<16xf32>
      %mul3A_520 = arith.mulf %broadcast_in_dim3A_519, %exp3A : vector<16xf32>
      %add3A_521 = arith.constant 0.0348497964 : f32
      %add3A_522 = vector.broadcast %add3A_521 : f32 to vector<16xf32>
      %add3A_523 = arith.addf %mul3A_520, %add3A_522 : vector<16xf32>
      %mul3A_524 = arith.mulf %add3A_523, %exp3A : vector<16xf32>
      %add3A_525 = arith.constant -0.0932522192 : f32
      %add3A_526 = vector.broadcast %add3A_525 : f32 to vector<16xf32>
      %add3A_527 = arith.addf %mul3A_524, %add3A_526 : vector<16xf32>
      %mul3A_528 = arith.mulf %add3A_527, %exp3A : vector<16xf32>
      %add3A_529 = arith.constant 0.165822953 : f32
      %add3A_530 = vector.broadcast %add3A_529 : f32 to vector<16xf32>
      %add3A_531 = arith.addf %mul3A_528, %add3A_530 : vector<16xf32>
      %mul3A_532 = arith.mulf %add3A_531, %exp3A : vector<16xf32>
      %add3A_533 = arith.constant -0.239826292 : f32
      %add3A_534 = vector.broadcast %add3A_533 : f32 to vector<16xf32>
      %add3A_535 = arith.addf %mul3A_532, %add3A_534 : vector<16xf32>
      %mul3A_536 = arith.mulf %add3A_535, %exp3A : vector<16xf32>
      %add3A_537 = arith.constant 0.331548661 : f32
      %add3A_538 = vector.broadcast %add3A_537 : f32 to vector<16xf32>
      %add3A_539 = arith.addf %mul3A_536, %add3A_538 : vector<16xf32>
      %mul3A_540 = arith.mulf %add3A_539, %exp3A : vector<16xf32>
      %add3A_541 = arith.constant -0.499838561 : f32
      %add3A_542 = vector.broadcast %add3A_541 : f32 to vector<16xf32>
      %add3A_543 = arith.addf %mul3A_540, %add3A_542 : vector<16xf32>
      %mul3A_544 = arith.mulf %add3A_543, %exp3A : vector<16xf32>
      %add3A_545 = arith.constant 0.999994277 : f32
      %add3A_546 = vector.broadcast %add3A_545 : f32 to vector<16xf32>
      %add3A_547 = arith.addf %mul3A_544, %add3A_546 : vector<16xf32>
      %mul3A_548 = arith.mulf %add3A_547, %exp3A : vector<16xf32>
      %add3A_549 = arith.constant 3.38558834E-8 : f32
      %add3A_550 = vector.broadcast %add3A_549 : f32 to vector<16xf32>
      %add3A_551 = arith.addf %mul3A_548, %add3A_550 : vector<16xf32>
      %add3A_552 = arith.addf %sub3A, %add3A_551 : vector<16xf32>
      %add3A_553 = arith.addf %scan3A_501, %get3A_512 : vector<16xf32>
      %add3A_554 = arith.addf %scan3A_502, %add3A_552 : vector<16xf32>
      %mul3A_555 = arith.mulf %add3A_552, %get3A_512 : vector<16xf32>
      %add3A_556 = arith.addf %scan3A_503, %mul3A_555 : vector<16xf32>
      scf.yield %add3A_553, %add3A_554, %add3A_556 : vector<16xf32>, vector<16xf32>, vector<16xf32>
    }
    %scan3A_207 = arith.constant 8 : i32
    %swap3A_208 = arith.constant 160 : index
    %swap3A_209 = tpu.vector_load %arg7[%swap3A_208] {strides = array<i32>} : memref<1200xf32, #tpu.memory_space<vmem>>, vector<16xf32>,
    %swap3A_210 = vector.shape_cast %swap3A_209 : vector<16xf32> to vector<16xf32>
    %swap3A_211 = vector.shape_cast %scan3A_206#0 : vector<16xf32> to vector<16xf32>
    tpu.vector_store %arg7[%swap3A_208], %swap3A_211 {strides = array<i32>} : memref<1200xf32, #tpu.memory_space<vmem>>, vector<16xf32>,
    %swap3A_212 = arith.constant 560 : index
    %swap3A_213 = tpu.vector_load %arg7[%swap3A_212] {strides = array<i32>} : memref<1200xf32, #tpu.memory_space<vmem>>, vector<16xf32>,
    %swap3A_214 = vector.shape_cast %swap3A_213 : vector<16xf32> to vector<16xf32>
    %swap3A_215 = vector.shape_cast %scan3A_206#1 : vector<16xf32> to vector<16xf32>
    tpu.vector_store %arg7[%swap3A_212], %swap3A_215 {strides = array<i32>} : memref<1200xf32, #tpu.memory_space<vmem>>, vector<16xf32>,
    %swap3A_216 = arith.constant 960 : index
    %swap3A_217 = tpu.vector_load %arg7[%swap3A_216] {strides = array<i32>} : memref<1200xf32, #tpu.memory_space<vmem>>, vector<16xf32>,
    %swap3A_218 = vector.shape_cast %swap3A_217 : vector<16xf32> to vector<16xf32>
    %swap3A_219 = vector.shape_cast %scan3A_206#2 : vector<16xf32> to vector<16xf32>
    tpu.vector_store %arg7[%swap3A_216], %swap3A_219 {strides = array<i32>} : memref<1200xf32, #tpu.memory_space<vmem>>, vector<16xf32>,
    %broadcast_in_dim3A_220 = arith.constant 0.000000e+00 : f32
    %broadcast_in_dim3A_221 = vector.broadcast %broadcast_in_dim3A_220 : f32 to vector<16xf32>
    %scan3A_222 = arith.constant 0 : i32
    %scan3A_223 = arith.constant 8 : i32
    %scan3A_224 = arith.addi %scan3A_222, %scan3A_223 : i32
    %scan3A_225 = arith.constant 1 : i32
    %scan3A_226:3 = scf.for %scan3A_500 = %scan3A_222 to %scan3A_224 step %scan3A_225 iter_args(%scan3A_501 = %broadcast_in_dim3A_221, %scan3A_502 = %broadcast_in_dim3A_221, %scan3A_503 = %broadcast_in_dim3A_221) -> (vector<16xf32>, vector<16xf32>, vector<16xf32>)  : i32 {
      %mul3A_504 = arith.constant 400 : i32
      %mul3A_505 = arith.muli %scan3A_500, %mul3A_504 : i32
      %add3A_506 = arith.constant 176 : i32
      %add3A_507 = arith.addi %mul3A_505, %add3A_506 : i32
      %get3A = arith.index_cast %add3A_507 : i32 to index
      %get3A_508 = tpu.vector_load %arg5[%get3A] {strides = array<i32>} : memref<3200xf32, #tpu.memory_space<vmem>>, vector<16xf32>,
      %get3A_509 = vector.shape_cast %get3A_508 : vector<16xf32> to vector<16xf32>
      %get3A_510 = arith.index_cast %add3A_507 : i32 to index
      %get3A_511 = tpu.vector_load %arg6[%get3A_510] {strides = array<i32>} : memref<3200xf32, #tpu.memory_space<vmem>>, vector<16xf32>,
      %get3A_512 = vector.shape_cast %get3A_511 : vector<16xf32> to vector<16xf32>
      %abs3A = math.absf %get3A_509 : vector<16xf32>
      %neg3A = arith.constant 0.000000e+00 : f32
      %neg3A_513 = vector.broadcast %neg3A : f32 to vector<16xf32>
      %neg3A_514 = arith.subf %neg3A_513, %abs3A : vector<16xf32>
      %exp3A = math.exp %neg3A_514 : vector<16xf32>
      %max3A = arith.constant 0.000000e+00 : f32
      %max3A_515 = vector.broadcast %max3A : f32 to vector<16xf32>
      %max3A_516 = arith.maximumf %get3A_509, %max3A_515 : vector<16xf32>
      %mul3A_517 = arith.mulf %get3A_509, %get3A_512 : vector<16xf32>
      %sub3A = arith.subf %max3A_516, %mul3A_517 : vector<16xf32>
      %broadcast_in_dim3A_518 = arith.constant -0.00615148572 : f32
      %broadcast_in_dim3A_519 = vector.broadcast %broadcast_in_dim3A_518 : f32 to vector<16xf32>
      %mul3A_520 = arith.mulf %broadcast_in_dim3A_519, %exp3A : vector<16xf32>
      %add3A_521 = arith.constant 0.0348497964 : f32
      %add3A_522 = vector.broadcast %add3A_521 : f32 to vector<16xf32>
      %add3A_523 = arith.addf %mul3A_520, %add3A_522 : vector<16xf32>
      %mul3A_524 = arith.mulf %add3A_523, %exp3A : vector<16xf32>
      %add3A_525 = arith.constant -0.0932522192 : f32
      %add3A_526 = vector.broadcast %add3A_525 : f32 to vector<16xf32>
      %add3A_527 = arith.addf %mul3A_524, %add3A_526 : vector<16xf32>
      %mul3A_528 = arith.mulf %add3A_527, %exp3A : vector<16xf32>
      %add3A_529 = arith.constant 0.165822953 : f32
      %add3A_530 = vector.broadcast %add3A_529 : f32 to vector<16xf32>
      %add3A_531 = arith.addf %mul3A_528, %add3A_530 : vector<16xf32>
      %mul3A_532 = arith.mulf %add3A_531, %exp3A : vector<16xf32>
      %add3A_533 = arith.constant -0.239826292 : f32
      %add3A_534 = vector.broadcast %add3A_533 : f32 to vector<16xf32>
      %add3A_535 = arith.addf %mul3A_532, %add3A_534 : vector<16xf32>
      %mul3A_536 = arith.mulf %add3A_535, %exp3A : vector<16xf32>
      %add3A_537 = arith.constant 0.331548661 : f32
      %add3A_538 = vector.broadcast %add3A_537 : f32 to vector<16xf32>
      %add3A_539 = arith.addf %mul3A_536, %add3A_538 : vector<16xf32>
      %mul3A_540 = arith.mulf %add3A_539, %exp3A : vector<16xf32>
      %add3A_541 = arith.constant -0.499838561 : f32
      %add3A_542 = vector.broadcast %add3A_541 : f32 to vector<16xf32>
      %add3A_543 = arith.addf %mul3A_540, %add3A_542 : vector<16xf32>
      %mul3A_544 = arith.mulf %add3A_543, %exp3A : vector<16xf32>
      %add3A_545 = arith.constant 0.999994277 : f32
      %add3A_546 = vector.broadcast %add3A_545 : f32 to vector<16xf32>
      %add3A_547 = arith.addf %mul3A_544, %add3A_546 : vector<16xf32>
      %mul3A_548 = arith.mulf %add3A_547, %exp3A : vector<16xf32>
      %add3A_549 = arith.constant 3.38558834E-8 : f32
      %add3A_550 = vector.broadcast %add3A_549 : f32 to vector<16xf32>
      %add3A_551 = arith.addf %mul3A_548, %add3A_550 : vector<16xf32>
      %add3A_552 = arith.addf %sub3A, %add3A_551 : vector<16xf32>
      %add3A_553 = arith.addf %scan3A_501, %get3A_512 : vector<16xf32>
      %add3A_554 = arith.addf %scan3A_502, %add3A_552 : vector<16xf32>
      %mul3A_555 = arith.mulf %add3A_552, %get3A_512 : vector<16xf32>
      %add3A_556 = arith.addf %scan3A_503, %mul3A_555 : vector<16xf32>
      scf.yield %add3A_553, %add3A_554, %add3A_556 : vector<16xf32>, vector<16xf32>, vector<16xf32>
    }
    %scan3A_227 = arith.constant 8 : i32
    %swap3A_228 = arith.constant 176 : index
    %swap3A_229 = tpu.vector_load %arg7[%swap3A_228] {strides = array<i32>} : memref<1200xf32, #tpu.memory_space<vmem>>, vector<16xf32>,
    %swap3A_230 = vector.shape_cast %swap3A_229 : vector<16xf32> to vector<16xf32>
    %swap3A_231 = vector.shape_cast %scan3A_226#0 : vector<16xf32> to vector<16xf32>
    tpu.vector_store %arg7[%swap3A_228], %swap3A_231 {strides = array<i32>} : memref<1200xf32, #tpu.memory_space<vmem>>, vector<16xf32>,
    %swap3A_232 = arith.constant 576 : index
    %swap3A_233 = tpu.vector_load %arg7[%swap3A_232] {strides = array<i32>} : memref<1200xf32, #tpu.memory_space<vmem>>, vector<16xf32>,
    %swap3A_234 = vector.shape_cast %swap3A_233 : vector<16xf32> to vector<16xf32>
    %swap3A_235 = vector.shape_cast %scan3A_226#1 : vector<16xf32> to vector<16xf32>
    tpu.vector_store %arg7[%swap3A_232], %swap3A_235 {strides = array<i32>} : memref<1200xf32, #tpu.memory_space<vmem>>, vector<16xf32>,
    %swap3A_236 = arith.constant 976 : index
    %swap3A_237 = tpu.vector_load %arg7[%swap3A_236] {strides = array<i32>} : memref<1200xf32, #tpu.memory_space<vmem>>, vector<16xf32>,
    %swap3A_238 = vector.shape_cast %swap3A_237 : vector<16xf32> to vector<16xf32>
    %swap3A_239 = vector.shape_cast %scan3A_226#2 : vector<16xf32> to vector<16xf32>
    tpu.vector_store %arg7[%swap3A_236], %swap3A_239 {strides = array<i32>} : memref<1200xf32, #tpu.memory_space<vmem>>, vector<16xf32>,
    %broadcast_in_dim3A_240 = arith.constant 0.000000e+00 : f32
    %broadcast_in_dim3A_241 = vector.broadcast %broadcast_in_dim3A_240 : f32 to vector<16xf32>
    %scan3A_242 = arith.constant 0 : i32
    %scan3A_243 = arith.constant 8 : i32
    %scan3A_244 = arith.addi %scan3A_242, %scan3A_243 : i32
    %scan3A_245 = arith.constant 1 : i32
    %scan3A_246:3 = scf.for %scan3A_500 = %scan3A_242 to %scan3A_244 step %scan3A_245 iter_args(%scan3A_501 = %broadcast_in_dim3A_241, %scan3A_502 = %broadcast_in_dim3A_241, %scan3A_503 = %broadcast_in_dim3A_241) -> (vector<16xf32>, vector<16xf32>, vector<16xf32>)  : i32 {
      %mul3A_504 = arith.constant 400 : i32
      %mul3A_505 = arith.muli %scan3A_500, %mul3A_504 : i32
      %add3A_506 = arith.constant 192 : i32
      %add3A_507 = arith.addi %mul3A_505, %add3A_506 : i32
      %get3A = arith.index_cast %add3A_507 : i32 to index
      %get3A_508 = tpu.vector_load %arg5[%get3A] {strides = array<i32>} : memref<3200xf32, #tpu.memory_space<vmem>>, vector<16xf32>,
      %get3A_509 = vector.shape_cast %get3A_508 : vector<16xf32> to vector<16xf32>
      %get3A_510 = arith.index_cast %add3A_507 : i32 to index
      %get3A_511 = tpu.vector_load %arg6[%get3A_510] {strides = array<i32>} : memref<3200xf32, #tpu.memory_space<vmem>>, vector<16xf32>,
      %get3A_512 = vector.shape_cast %get3A_511 : vector<16xf32> to vector<16xf32>
      %abs3A = math.absf %get3A_509 : vector<16xf32>
      %neg3A = arith.constant 0.000000e+00 : f32
      %neg3A_513 = vector.broadcast %neg3A : f32 to vector<16xf32>
      %neg3A_514 = arith.subf %neg3A_513, %abs3A : vector<16xf32>
      %exp3A = math.exp %neg3A_514 : vector<16xf32>
      %max3A = arith.constant 0.000000e+00 : f32
      %max3A_515 = vector.broadcast %max3A : f32 to vector<16xf32>
      %max3A_516 = arith.maximumf %get3A_509, %max3A_515 : vector<16xf32>
      %mul3A_517 = arith.mulf %get3A_509, %get3A_512 : vector<16xf32>
      %sub3A = arith.subf %max3A_516, %mul3A_517 : vector<16xf32>
      %broadcast_in_dim3A_518 = arith.constant -0.00615148572 : f32
      %broadcast_in_dim3A_519 = vector.broadcast %broadcast_in_dim3A_518 : f32 to vector<16xf32>
      %mul3A_520 = arith.mulf %broadcast_in_dim3A_519, %exp3A : vector<16xf32>
      %add3A_521 = arith.constant 0.0348497964 : f32
      %add3A_522 = vector.broadcast %add3A_521 : f32 to vector<16xf32>
      %add3A_523 = arith.addf %mul3A_520, %add3A_522 : vector<16xf32>
      %mul3A_524 = arith.mulf %add3A_523, %exp3A : vector<16xf32>
      %add3A_525 = arith.constant -0.0932522192 : f32
      %add3A_526 = vector.broadcast %add3A_525 : f32 to vector<16xf32>
      %add3A_527 = arith.addf %mul3A_524, %add3A_526 : vector<16xf32>
      %mul3A_528 = arith.mulf %add3A_527, %exp3A : vector<16xf32>
      %add3A_529 = arith.constant 0.165822953 : f32
      %add3A_530 = vector.broadcast %add3A_529 : f32 to vector<16xf32>
      %add3A_531 = arith.addf %mul3A_528, %add3A_530 : vector<16xf32>
      %mul3A_532 = arith.mulf %add3A_531, %exp3A : vector<16xf32>
      %add3A_533 = arith.constant -0.239826292 : f32
      %add3A_534 = vector.broadcast %add3A_533 : f32 to vector<16xf32>
      %add3A_535 = arith.addf %mul3A_532, %add3A_534 : vector<16xf32>
      %mul3A_536 = arith.mulf %add3A_535, %exp3A : vector<16xf32>
      %add3A_537 = arith.constant 0.331548661 : f32
      %add3A_538 = vector.broadcast %add3A_537 : f32 to vector<16xf32>
      %add3A_539 = arith.addf %mul3A_536, %add3A_538 : vector<16xf32>
      %mul3A_540 = arith.mulf %add3A_539, %exp3A : vector<16xf32>
      %add3A_541 = arith.constant -0.499838561 : f32
      %add3A_542 = vector.broadcast %add3A_541 : f32 to vector<16xf32>
      %add3A_543 = arith.addf %mul3A_540, %add3A_542 : vector<16xf32>
      %mul3A_544 = arith.mulf %add3A_543, %exp3A : vector<16xf32>
      %add3A_545 = arith.constant 0.999994277 : f32
      %add3A_546 = vector.broadcast %add3A_545 : f32 to vector<16xf32>
      %add3A_547 = arith.addf %mul3A_544, %add3A_546 : vector<16xf32>
      %mul3A_548 = arith.mulf %add3A_547, %exp3A : vector<16xf32>
      %add3A_549 = arith.constant 3.38558834E-8 : f32
      %add3A_550 = vector.broadcast %add3A_549 : f32 to vector<16xf32>
      %add3A_551 = arith.addf %mul3A_548, %add3A_550 : vector<16xf32>
      %add3A_552 = arith.addf %sub3A, %add3A_551 : vector<16xf32>
      %add3A_553 = arith.addf %scan3A_501, %get3A_512 : vector<16xf32>
      %add3A_554 = arith.addf %scan3A_502, %add3A_552 : vector<16xf32>
      %mul3A_555 = arith.mulf %add3A_552, %get3A_512 : vector<16xf32>
      %add3A_556 = arith.addf %scan3A_503, %mul3A_555 : vector<16xf32>
      scf.yield %add3A_553, %add3A_554, %add3A_556 : vector<16xf32>, vector<16xf32>, vector<16xf32>
    }
    %scan3A_247 = arith.constant 8 : i32
    %swap3A_248 = arith.constant 192 : index
    %swap3A_249 = tpu.vector_load %arg7[%swap3A_248] {strides = array<i32>} : memref<1200xf32, #tpu.memory_space<vmem>>, vector<16xf32>,
    %swap3A_250 = vector.shape_cast %swap3A_249 : vector<16xf32> to vector<16xf32>
    %swap3A_251 = vector.shape_cast %scan3A_246#0 : vector<16xf32> to vector<16xf32>
    tpu.vector_store %arg7[%swap3A_248], %swap3A_251 {strides = array<i32>} : memref<1200xf32, #tpu.memory_space<vmem>>, vector<16xf32>,
    %swap3A_252 = arith.constant 592 : index
    %swap3A_253 = tpu.vector_load %arg7[%swap3A_252] {strides = array<i32>} : memref<1200xf32, #tpu.memory_space<vmem>>, vector<16xf32>,
    %swap3A_254 = vector.shape_cast %swap3A_253 : vector<16xf32> to vector<16xf32>
    %swap3A_255 = vector.shape_cast %scan3A_246#1 : vector<16xf32> to vector<16xf32>
    tpu.vector_store %arg7[%swap3A_252], %swap3A_255 {strides = array<i32>} : memref<1200xf32, #tpu.memory_space<vmem>>, vector<16xf32>,
    %swap3A_256 = arith.constant 992 : index
    %swap3A_257 = tpu.vector_load %arg7[%swap3A_256] {strides = array<i32>} : memref<1200xf32, #tpu.memory_space<vmem>>, vector<16xf32>,
    %swap3A_258 = vector.shape_cast %swap3A_257 : vector<16xf32> to vector<16xf32>
    %swap3A_259 = vector.shape_cast %scan3A_246#2 : vector<16xf32> to vector<16xf32>
    tpu.vector_store %arg7[%swap3A_256], %swap3A_259 {strides = array<i32>} : memref<1200xf32, #tpu.memory_space<vmem>>, vector<16xf32>,
    %broadcast_in_dim3A_260 = arith.constant 0.000000e+00 : f32
    %broadcast_in_dim3A_261 = vector.broadcast %broadcast_in_dim3A_260 : f32 to vector<16xf32>
    %scan3A_262 = arith.constant 0 : i32
    %scan3A_263 = arith.constant 8 : i32
    %scan3A_264 = arith.addi %scan3A_262, %scan3A_263 : i32
    %scan3A_265 = arith.constant 1 : i32
    %scan3A_266:3 = scf.for %scan3A_500 = %scan3A_262 to %scan3A_264 step %scan3A_265 iter_args(%scan3A_501 = %broadcast_in_dim3A_261, %scan3A_502 = %broadcast_in_dim3A_261, %scan3A_503 = %broadcast_in_dim3A_261) -> (vector<16xf32>, vector<16xf32>, vector<16xf32>)  : i32 {
      %mul3A_504 = arith.constant 400 : i32
      %mul3A_505 = arith.muli %scan3A_500, %mul3A_504 : i32
      %add3A_506 = arith.constant 208 : i32
      %add3A_507 = arith.addi %mul3A_505, %add3A_506 : i32
      %get3A = arith.index_cast %add3A_507 : i32 to index
      %get3A_508 = tpu.vector_load %arg5[%get3A] {strides = array<i32>} : memref<3200xf32, #tpu.memory_space<vmem>>, vector<16xf32>,
      %get3A_509 = vector.shape_cast %get3A_508 : vector<16xf32> to vector<16xf32>
      %get3A_510 = arith.index_cast %add3A_507 : i32 to index
      %get3A_511 = tpu.vector_load %arg6[%get3A_510] {strides = array<i32>} : memref<3200xf32, #tpu.memory_space<vmem>>, vector<16xf32>,
      %get3A_512 = vector.shape_cast %get3A_511 : vector<16xf32> to vector<16xf32>
      %abs3A = math.absf %get3A_509 : vector<16xf32>
      %neg3A = arith.constant 0.000000e+00 : f32
      %neg3A_513 = vector.broadcast %neg3A : f32 to vector<16xf32>
      %neg3A_514 = arith.subf %neg3A_513, %abs3A : vector<16xf32>
      %exp3A = math.exp %neg3A_514 : vector<16xf32>
      %max3A = arith.constant 0.000000e+00 : f32
      %max3A_515 = vector.broadcast %max3A : f32 to vector<16xf32>
      %max3A_516 = arith.maximumf %get3A_509, %max3A_515 : vector<16xf32>
      %mul3A_517 = arith.mulf %get3A_509, %get3A_512 : vector<16xf32>
      %sub3A = arith.subf %max3A_516, %mul3A_517 : vector<16xf32>
      %broadcast_in_dim3A_518 = arith.constant -0.00615148572 : f32
      %broadcast_in_dim3A_519 = vector.broadcast %broadcast_in_dim3A_518 : f32 to vector<16xf32>
      %mul3A_520 = arith.mulf %broadcast_in_dim3A_519, %exp3A : vector<16xf32>
      %add3A_521 = arith.constant 0.0348497964 : f32
      %add3A_522 = vector.broadcast %add3A_521 : f32 to vector<16xf32>
      %add3A_523 = arith.addf %mul3A_520, %add3A_522 : vector<16xf32>
      %mul3A_524 = arith.mulf %add3A_523, %exp3A : vector<16xf32>
      %add3A_525 = arith.constant -0.0932522192 : f32
      %add3A_526 = vector.broadcast %add3A_525 : f32 to vector<16xf32>
      %add3A_527 = arith.addf %mul3A_524, %add3A_526 : vector<16xf32>
      %mul3A_528 = arith.mulf %add3A_527, %exp3A : vector<16xf32>
      %add3A_529 = arith.constant 0.165822953 : f32
      %add3A_530 = vector.broadcast %add3A_529 : f32 to vector<16xf32>
      %add3A_531 = arith.addf %mul3A_528, %add3A_530 : vector<16xf32>
      %mul3A_532 = arith.mulf %add3A_531, %exp3A : vector<16xf32>
      %add3A_533 = arith.constant -0.239826292 : f32
      %add3A_534 = vector.broadcast %add3A_533 : f32 to vector<16xf32>
      %add3A_535 = arith.addf %mul3A_532, %add3A_534 : vector<16xf32>
      %mul3A_536 = arith.mulf %add3A_535, %exp3A : vector<16xf32>
      %add3A_537 = arith.constant 0.331548661 : f32
      %add3A_538 = vector.broadcast %add3A_537 : f32 to vector<16xf32>
      %add3A_539 = arith.addf %mul3A_536, %add3A_538 : vector<16xf32>
      %mul3A_540 = arith.mulf %add3A_539, %exp3A : vector<16xf32>
      %add3A_541 = arith.constant -0.499838561 : f32
      %add3A_542 = vector.broadcast %add3A_541 : f32 to vector<16xf32>
      %add3A_543 = arith.addf %mul3A_540, %add3A_542 : vector<16xf32>
      %mul3A_544 = arith.mulf %add3A_543, %exp3A : vector<16xf32>
      %add3A_545 = arith.constant 0.999994277 : f32
      %add3A_546 = vector.broadcast %add3A_545 : f32 to vector<16xf32>
      %add3A_547 = arith.addf %mul3A_544, %add3A_546 : vector<16xf32>
      %mul3A_548 = arith.mulf %add3A_547, %exp3A : vector<16xf32>
      %add3A_549 = arith.constant 3.38558834E-8 : f32
      %add3A_550 = vector.broadcast %add3A_549 : f32 to vector<16xf32>
      %add3A_551 = arith.addf %mul3A_548, %add3A_550 : vector<16xf32>
      %add3A_552 = arith.addf %sub3A, %add3A_551 : vector<16xf32>
      %add3A_553 = arith.addf %scan3A_501, %get3A_512 : vector<16xf32>
      %add3A_554 = arith.addf %scan3A_502, %add3A_552 : vector<16xf32>
      %mul3A_555 = arith.mulf %add3A_552, %get3A_512 : vector<16xf32>
      %add3A_556 = arith.addf %scan3A_503, %mul3A_555 : vector<16xf32>
      scf.yield %add3A_553, %add3A_554, %add3A_556 : vector<16xf32>, vector<16xf32>, vector<16xf32>
    }
    %scan3A_267 = arith.constant 8 : i32
    %swap3A_268 = arith.constant 208 : index
    %swap3A_269 = tpu.vector_load %arg7[%swap3A_268] {strides = array<i32>} : memref<1200xf32, #tpu.memory_space<vmem>>, vector<16xf32>,
    %swap3A_270 = vector.shape_cast %swap3A_269 : vector<16xf32> to vector<16xf32>
    %swap3A_271 = vector.shape_cast %scan3A_266#0 : vector<16xf32> to vector<16xf32>
    tpu.vector_store %arg7[%swap3A_268], %swap3A_271 {strides = array<i32>} : memref<1200xf32, #tpu.memory_space<vmem>>, vector<16xf32>,
    %swap3A_272 = arith.constant 608 : index
    %swap3A_273 = tpu.vector_load %arg7[%swap3A_272] {strides = array<i32>} : memref<1200xf32, #tpu.memory_space<vmem>>, vector<16xf32>,
    %swap3A_274 = vector.shape_cast %swap3A_273 : vector<16xf32> to vector<16xf32>
    %swap3A_275 = vector.shape_cast %scan3A_266#1 : vector<16xf32> to vector<16xf32>
    tpu.vector_store %arg7[%swap3A_272], %swap3A_275 {strides = array<i32>} : memref<1200xf32, #tpu.memory_space<vmem>>, vector<16xf32>,
    %swap3A_276 = arith.constant 1008 : index
    %swap3A_277 = tpu.vector_load %arg7[%swap3A_276] {strides = array<i32>} : memref<1200xf32, #tpu.memory_space<vmem>>, vector<16xf32>,
    %swap3A_278 = vector.shape_cast %swap3A_277 : vector<16xf32> to vector<16xf32>
    %swap3A_279 = vector.shape_cast %scan3A_266#2 : vector<16xf32> to vector<16xf32>
    tpu.vector_store %arg7[%swap3A_276], %swap3A_279 {strides = array<i32>} : memref<1200xf32, #tpu.memory_space<vmem>>, vector<16xf32>,
    %broadcast_in_dim3A_280 = arith.constant 0.000000e+00 : f32
    %broadcast_in_dim3A_281 = vector.broadcast %broadcast_in_dim3A_280 : f32 to vector<16xf32>
    %scan3A_282 = arith.constant 0 : i32
    %scan3A_283 = arith.constant 8 : i32
    %scan3A_284 = arith.addi %scan3A_282, %scan3A_283 : i32
    %scan3A_285 = arith.constant 1 : i32
    %scan3A_286:3 = scf.for %scan3A_500 = %scan3A_282 to %scan3A_284 step %scan3A_285 iter_args(%scan3A_501 = %broadcast_in_dim3A_281, %scan3A_502 = %broadcast_in_dim3A_281, %scan3A_503 = %broadcast_in_dim3A_281) -> (vector<16xf32>, vector<16xf32>, vector<16xf32>)  : i32 {
      %mul3A_504 = arith.constant 400 : i32
      %mul3A_505 = arith.muli %scan3A_500, %mul3A_504 : i32
      %add3A_506 = arith.constant 224 : i32
      %add3A_507 = arith.addi %mul3A_505, %add3A_506 : i32
      %get3A = arith.index_cast %add3A_507 : i32 to index
      %get3A_508 = tpu.vector_load %arg5[%get3A] {strides = array<i32>} : memref<3200xf32, #tpu.memory_space<vmem>>, vector<16xf32>,
      %get3A_509 = vector.shape_cast %get3A_508 : vector<16xf32> to vector<16xf32>
      %get3A_510 = arith.index_cast %add3A_507 : i32 to index
      %get3A_511 = tpu.vector_load %arg6[%get3A_510] {strides = array<i32>} : memref<3200xf32, #tpu.memory_space<vmem>>, vector<16xf32>,
      %get3A_512 = vector.shape_cast %get3A_511 : vector<16xf32> to vector<16xf32>
      %abs3A = math.absf %get3A_509 : vector<16xf32>
      %neg3A = arith.constant 0.000000e+00 : f32
      %neg3A_513 = vector.broadcast %neg3A : f32 to vector<16xf32>
      %neg3A_514 = arith.subf %neg3A_513, %abs3A : vector<16xf32>
      %exp3A = math.exp %neg3A_514 : vector<16xf32>
      %max3A = arith.constant 0.000000e+00 : f32
      %max3A_515 = vector.broadcast %max3A : f32 to vector<16xf32>
      %max3A_516 = arith.maximumf %get3A_509, %max3A_515 : vector<16xf32>
      %mul3A_517 = arith.mulf %get3A_509, %get3A_512 : vector<16xf32>
      %sub3A = arith.subf %max3A_516, %mul3A_517 : vector<16xf32>
      %broadcast_in_dim3A_518 = arith.constant -0.00615148572 : f32
      %broadcast_in_dim3A_519 = vector.broadcast %broadcast_in_dim3A_518 : f32 to vector<16xf32>
      %mul3A_520 = arith.mulf %broadcast_in_dim3A_519, %exp3A : vector<16xf32>
      %add3A_521 = arith.constant 0.0348497964 : f32
      %add3A_522 = vector.broadcast %add3A_521 : f32 to vector<16xf32>
      %add3A_523 = arith.addf %mul3A_520, %add3A_522 : vector<16xf32>
      %mul3A_524 = arith.mulf %add3A_523, %exp3A : vector<16xf32>
      %add3A_525 = arith.constant -0.0932522192 : f32
      %add3A_526 = vector.broadcast %add3A_525 : f32 to vector<16xf32>
      %add3A_527 = arith.addf %mul3A_524, %add3A_526 : vector<16xf32>
      %mul3A_528 = arith.mulf %add3A_527, %exp3A : vector<16xf32>
      %add3A_529 = arith.constant 0.165822953 : f32
      %add3A_530 = vector.broadcast %add3A_529 : f32 to vector<16xf32>
      %add3A_531 = arith.addf %mul3A_528, %add3A_530 : vector<16xf32>
      %mul3A_532 = arith.mulf %add3A_531, %exp3A : vector<16xf32>
      %add3A_533 = arith.constant -0.239826292 : f32
      %add3A_534 = vector.broadcast %add3A_533 : f32 to vector<16xf32>
      %add3A_535 = arith.addf %mul3A_532, %add3A_534 : vector<16xf32>
      %mul3A_536 = arith.mulf %add3A_535, %exp3A : vector<16xf32>
      %add3A_537 = arith.constant 0.331548661 : f32
      %add3A_538 = vector.broadcast %add3A_537 : f32 to vector<16xf32>
      %add3A_539 = arith.addf %mul3A_536, %add3A_538 : vector<16xf32>
      %mul3A_540 = arith.mulf %add3A_539, %exp3A : vector<16xf32>
      %add3A_541 = arith.constant -0.499838561 : f32
      %add3A_542 = vector.broadcast %add3A_541 : f32 to vector<16xf32>
      %add3A_543 = arith.addf %mul3A_540, %add3A_542 : vector<16xf32>
      %mul3A_544 = arith.mulf %add3A_543, %exp3A : vector<16xf32>
      %add3A_545 = arith.constant 0.999994277 : f32
      %add3A_546 = vector.broadcast %add3A_545 : f32 to vector<16xf32>
      %add3A_547 = arith.addf %mul3A_544, %add3A_546 : vector<16xf32>
      %mul3A_548 = arith.mulf %add3A_547, %exp3A : vector<16xf32>
      %add3A_549 = arith.constant 3.38558834E-8 : f32
      %add3A_550 = vector.broadcast %add3A_549 : f32 to vector<16xf32>
      %add3A_551 = arith.addf %mul3A_548, %add3A_550 : vector<16xf32>
      %add3A_552 = arith.addf %sub3A, %add3A_551 : vector<16xf32>
      %add3A_553 = arith.addf %scan3A_501, %get3A_512 : vector<16xf32>
      %add3A_554 = arith.addf %scan3A_502, %add3A_552 : vector<16xf32>
      %mul3A_555 = arith.mulf %add3A_552, %get3A_512 : vector<16xf32>
      %add3A_556 = arith.addf %scan3A_503, %mul3A_555 : vector<16xf32>
      scf.yield %add3A_553, %add3A_554, %add3A_556 : vector<16xf32>, vector<16xf32>, vector<16xf32>
    }
    %scan3A_287 = arith.constant 8 : i32
    %swap3A_288 = arith.constant 224 : index
    %swap3A_289 = tpu.vector_load %arg7[%swap3A_288] {strides = array<i32>} : memref<1200xf32, #tpu.memory_space<vmem>>, vector<16xf32>,
    %swap3A_290 = vector.shape_cast %swap3A_289 : vector<16xf32> to vector<16xf32>
    %swap3A_291 = vector.shape_cast %scan3A_286#0 : vector<16xf32> to vector<16xf32>
    tpu.vector_store %arg7[%swap3A_288], %swap3A_291 {strides = array<i32>} : memref<1200xf32, #tpu.memory_space<vmem>>, vector<16xf32>,
    %swap3A_292 = arith.constant 624 : index
    %swap3A_293 = tpu.vector_load %arg7[%swap3A_292] {strides = array<i32>} : memref<1200xf32, #tpu.memory_space<vmem>>, vector<16xf32>,
    %swap3A_294 = vector.shape_cast %swap3A_293 : vector<16xf32> to vector<16xf32>
    %swap3A_295 = vector.shape_cast %scan3A_286#1 : vector<16xf32> to vector<16xf32>
    tpu.vector_store %arg7[%swap3A_292], %swap3A_295 {strides = array<i32>} : memref<1200xf32, #tpu.memory_space<vmem>>, vector<16xf32>,
    %swap3A_296 = arith.constant 1024 : index
    %swap3A_297 = tpu.vector_load %arg7[%swap3A_296] {strides = array<i32>} : memref<1200xf32, #tpu.memory_space<vmem>>, vector<16xf32>,
    %swap3A_298 = vector.shape_cast %swap3A_297 : vector<16xf32> to vector<16xf32>
    %swap3A_299 = vector.shape_cast %scan3A_286#2 : vector<16xf32> to vector<16xf32>
    tpu.vector_store %arg7[%swap3A_296], %swap3A_299 {strides = array<i32>} : memref<1200xf32, #tpu.memory_space<vmem>>, vector<16xf32>,
    %broadcast_in_dim3A_300 = arith.constant 0.000000e+00 : f32
    %broadcast_in_dim3A_301 = vector.broadcast %broadcast_in_dim3A_300 : f32 to vector<16xf32>
    %scan3A_302 = arith.constant 0 : i32
    %scan3A_303 = arith.constant 8 : i32
    %scan3A_304 = arith.addi %scan3A_302, %scan3A_303 : i32
    %scan3A_305 = arith.constant 1 : i32
    %scan3A_306:3 = scf.for %scan3A_500 = %scan3A_302 to %scan3A_304 step %scan3A_305 iter_args(%scan3A_501 = %broadcast_in_dim3A_301, %scan3A_502 = %broadcast_in_dim3A_301, %scan3A_503 = %broadcast_in_dim3A_301) -> (vector<16xf32>, vector<16xf32>, vector<16xf32>)  : i32 {
      %mul3A_504 = arith.constant 400 : i32
      %mul3A_505 = arith.muli %scan3A_500, %mul3A_504 : i32
      %add3A_506 = arith.constant 240 : i32
      %add3A_507 = arith.addi %mul3A_505, %add3A_506 : i32
      %get3A = arith.index_cast %add3A_507 : i32 to index
      %get3A_508 = tpu.vector_load %arg5[%get3A] {strides = array<i32>} : memref<3200xf32, #tpu.memory_space<vmem>>, vector<16xf32>,
      %get3A_509 = vector.shape_cast %get3A_508 : vector<16xf32> to vector<16xf32>
      %get3A_510 = arith.index_cast %add3A_507 : i32 to index
      %get3A_511 = tpu.vector_load %arg6[%get3A_510] {strides = array<i32>} : memref<3200xf32, #tpu.memory_space<vmem>>, vector<16xf32>,
      %get3A_512 = vector.shape_cast %get3A_511 : vector<16xf32> to vector<16xf32>
      %abs3A = math.absf %get3A_509 : vector<16xf32>
      %neg3A = arith.constant 0.000000e+00 : f32
      %neg3A_513 = vector.broadcast %neg3A : f32 to vector<16xf32>
      %neg3A_514 = arith.subf %neg3A_513, %abs3A : vector<16xf32>
      %exp3A = math.exp %neg3A_514 : vector<16xf32>
      %max3A = arith.constant 0.000000e+00 : f32
      %max3A_515 = vector.broadcast %max3A : f32 to vector<16xf32>
      %max3A_516 = arith.maximumf %get3A_509, %max3A_515 : vector<16xf32>
      %mul3A_517 = arith.mulf %get3A_509, %get3A_512 : vector<16xf32>
      %sub3A = arith.subf %max3A_516, %mul3A_517 : vector<16xf32>
      %broadcast_in_dim3A_518 = arith.constant -0.00615148572 : f32
      %broadcast_in_dim3A_519 = vector.broadcast %broadcast_in_dim3A_518 : f32 to vector<16xf32>
      %mul3A_520 = arith.mulf %broadcast_in_dim3A_519, %exp3A : vector<16xf32>
      %add3A_521 = arith.constant 0.0348497964 : f32
      %add3A_522 = vector.broadcast %add3A_521 : f32 to vector<16xf32>
      %add3A_523 = arith.addf %mul3A_520, %add3A_522 : vector<16xf32>
      %mul3A_524 = arith.mulf %add3A_523, %exp3A : vector<16xf32>
      %add3A_525 = arith.constant -0.0932522192 : f32
      %add3A_526 = vector.broadcast %add3A_525 : f32 to vector<16xf32>
      %add3A_527 = arith.addf %mul3A_524, %add3A_526 : vector<16xf32>
      %mul3A_528 = arith.mulf %add3A_527, %exp3A : vector<16xf32>
      %add3A_529 = arith.constant 0.165822953 : f32
      %add3A_530 = vector.broadcast %add3A_529 : f32 to vector<16xf32>
      %add3A_531 = arith.addf %mul3A_528, %add3A_530 : vector<16xf32>
      %mul3A_532 = arith.mulf %add3A_531, %exp3A : vector<16xf32>
      %add3A_533 = arith.constant -0.239826292 : f32
      %add3A_534 = vector.broadcast %add3A_533 : f32 to vector<16xf32>
      %add3A_535 = arith.addf %mul3A_532, %add3A_534 : vector<16xf32>
      %mul3A_536 = arith.mulf %add3A_535, %exp3A : vector<16xf32>
      %add3A_537 = arith.constant 0.331548661 : f32
      %add3A_538 = vector.broadcast %add3A_537 : f32 to vector<16xf32>
      %add3A_539 = arith.addf %mul3A_536, %add3A_538 : vector<16xf32>
      %mul3A_540 = arith.mulf %add3A_539, %exp3A : vector<16xf32>
      %add3A_541 = arith.constant -0.499838561 : f32
      %add3A_542 = vector.broadcast %add3A_541 : f32 to vector<16xf32>
      %add3A_543 = arith.addf %mul3A_540, %add3A_542 : vector<16xf32>
      %mul3A_544 = arith.mulf %add3A_543, %exp3A : vector<16xf32>
      %add3A_545 = arith.constant 0.999994277 : f32
      %add3A_546 = vector.broadcast %add3A_545 : f32 to vector<16xf32>
      %add3A_547 = arith.addf %mul3A_544, %add3A_546 : vector<16xf32>
      %mul3A_548 = arith.mulf %add3A_547, %exp3A : vector<16xf32>
      %add3A_549 = arith.constant 3.38558834E-8 : f32
      %add3A_550 = vector.broadcast %add3A_549 : f32 to vector<16xf32>
      %add3A_551 = arith.addf %mul3A_548, %add3A_550 : vector<16xf32>
      %add3A_552 = arith.addf %sub3A, %add3A_551 : vector<16xf32>
      %add3A_553 = arith.addf %scan3A_501, %get3A_512 : vector<16xf32>
      %add3A_554 = arith.addf %scan3A_502, %add3A_552 : vector<16xf32>
      %mul3A_555 = arith.mulf %add3A_552, %get3A_512 : vector<16xf32>
      %add3A_556 = arith.addf %scan3A_503, %mul3A_555 : vector<16xf32>
      scf.yield %add3A_553, %add3A_554, %add3A_556 : vector<16xf32>, vector<16xf32>, vector<16xf32>
    }
    %scan3A_307 = arith.constant 8 : i32
    %swap3A_308 = arith.constant 240 : index
    %swap3A_309 = tpu.vector_load %arg7[%swap3A_308] {strides = array<i32>} : memref<1200xf32, #tpu.memory_space<vmem>>, vector<16xf32>,
    %swap3A_310 = vector.shape_cast %swap3A_309 : vector<16xf32> to vector<16xf32>
    %swap3A_311 = vector.shape_cast %scan3A_306#0 : vector<16xf32> to vector<16xf32>
    tpu.vector_store %arg7[%swap3A_308], %swap3A_311 {strides = array<i32>} : memref<1200xf32, #tpu.memory_space<vmem>>, vector<16xf32>,
    %swap3A_312 = arith.constant 640 : index
    %swap3A_313 = tpu.vector_load %arg7[%swap3A_312] {strides = array<i32>} : memref<1200xf32, #tpu.memory_space<vmem>>, vector<16xf32>,
    %swap3A_314 = vector.shape_cast %swap3A_313 : vector<16xf32> to vector<16xf32>
    %swap3A_315 = vector.shape_cast %scan3A_306#1 : vector<16xf32> to vector<16xf32>
    tpu.vector_store %arg7[%swap3A_312], %swap3A_315 {strides = array<i32>} : memref<1200xf32, #tpu.memory_space<vmem>>, vector<16xf32>,
    %swap3A_316 = arith.constant 1040 : index
    %swap3A_317 = tpu.vector_load %arg7[%swap3A_316] {strides = array<i32>} : memref<1200xf32, #tpu.memory_space<vmem>>, vector<16xf32>,
    %swap3A_318 = vector.shape_cast %swap3A_317 : vector<16xf32> to vector<16xf32>
    %swap3A_319 = vector.shape_cast %scan3A_306#2 : vector<16xf32> to vector<16xf32>
    tpu.vector_store %arg7[%swap3A_316], %swap3A_319 {strides = array<i32>} : memref<1200xf32, #tpu.memory_space<vmem>>, vector<16xf32>,
    %broadcast_in_dim3A_320 = arith.constant 0.000000e+00 : f32
    %broadcast_in_dim3A_321 = vector.broadcast %broadcast_in_dim3A_320 : f32 to vector<16xf32>
    %scan3A_322 = arith.constant 0 : i32
    %scan3A_323 = arith.constant 8 : i32
    %scan3A_324 = arith.addi %scan3A_322, %scan3A_323 : i32
    %scan3A_325 = arith.constant 1 : i32
    %scan3A_326:3 = scf.for %scan3A_500 = %scan3A_322 to %scan3A_324 step %scan3A_325 iter_args(%scan3A_501 = %broadcast_in_dim3A_321, %scan3A_502 = %broadcast_in_dim3A_321, %scan3A_503 = %broadcast_in_dim3A_321) -> (vector<16xf32>, vector<16xf32>, vector<16xf32>)  : i32 {
      %mul3A_504 = arith.constant 400 : i32
      %mul3A_505 = arith.muli %scan3A_500, %mul3A_504 : i32
      %add3A_506 = arith.constant 256 : i32
      %add3A_507 = arith.addi %mul3A_505, %add3A_506 : i32
      %get3A = arith.index_cast %add3A_507 : i32 to index
      %get3A_508 = tpu.vector_load %arg5[%get3A] {strides = array<i32>} : memref<3200xf32, #tpu.memory_space<vmem>>, vector<16xf32>,
      %get3A_509 = vector.shape_cast %get3A_508 : vector<16xf32> to vector<16xf32>
      %get3A_510 = arith.index_cast %add3A_507 : i32 to index
      %get3A_511 = tpu.vector_load %arg6[%get3A_510] {strides = array<i32>} : memref<3200xf32, #tpu.memory_space<vmem>>, vector<16xf32>,
      %get3A_512 = vector.shape_cast %get3A_511 : vector<16xf32> to vector<16xf32>
      %abs3A = math.absf %get3A_509 : vector<16xf32>
      %neg3A = arith.constant 0.000000e+00 : f32
      %neg3A_513 = vector.broadcast %neg3A : f32 to vector<16xf32>
      %neg3A_514 = arith.subf %neg3A_513, %abs3A : vector<16xf32>
      %exp3A = math.exp %neg3A_514 : vector<16xf32>
      %max3A = arith.constant 0.000000e+00 : f32
      %max3A_515 = vector.broadcast %max3A : f32 to vector<16xf32>
      %max3A_516 = arith.maximumf %get3A_509, %max3A_515 : vector<16xf32>
      %mul3A_517 = arith.mulf %get3A_509, %get3A_512 : vector<16xf32>
      %sub3A = arith.subf %max3A_516, %mul3A_517 : vector<16xf32>
      %broadcast_in_dim3A_518 = arith.constant -0.00615148572 : f32
      %broadcast_in_dim3A_519 = vector.broadcast %broadcast_in_dim3A_518 : f32 to vector<16xf32>
      %mul3A_520 = arith.mulf %broadcast_in_dim3A_519, %exp3A : vector<16xf32>
      %add3A_521 = arith.constant 0.0348497964 : f32
      %add3A_522 = vector.broadcast %add3A_521 : f32 to vector<16xf32>
      %add3A_523 = arith.addf %mul3A_520, %add3A_522 : vector<16xf32>
      %mul3A_524 = arith.mulf %add3A_523, %exp3A : vector<16xf32>
      %add3A_525 = arith.constant -0.0932522192 : f32
      %add3A_526 = vector.broadcast %add3A_525 : f32 to vector<16xf32>
      %add3A_527 = arith.addf %mul3A_524, %add3A_526 : vector<16xf32>
      %mul3A_528 = arith.mulf %add3A_527, %exp3A : vector<16xf32>
      %add3A_529 = arith.constant 0.165822953 : f32
      %add3A_530 = vector.broadcast %add3A_529 : f32 to vector<16xf32>
      %add3A_531 = arith.addf %mul3A_528, %add3A_530 : vector<16xf32>
      %mul3A_532 = arith.mulf %add3A_531, %exp3A : vector<16xf32>
      %add3A_533 = arith.constant -0.239826292 : f32
      %add3A_534 = vector.broadcast %add3A_533 : f32 to vector<16xf32>
      %add3A_535 = arith.addf %mul3A_532, %add3A_534 : vector<16xf32>
      %mul3A_536 = arith.mulf %add3A_535, %exp3A : vector<16xf32>
      %add3A_537 = arith.constant 0.331548661 : f32
      %add3A_538 = vector.broadcast %add3A_537 : f32 to vector<16xf32>
      %add3A_539 = arith.addf %mul3A_536, %add3A_538 : vector<16xf32>
      %mul3A_540 = arith.mulf %add3A_539, %exp3A : vector<16xf32>
      %add3A_541 = arith.constant -0.499838561 : f32
      %add3A_542 = vector.broadcast %add3A_541 : f32 to vector<16xf32>
      %add3A_543 = arith.addf %mul3A_540, %add3A_542 : vector<16xf32>
      %mul3A_544 = arith.mulf %add3A_543, %exp3A : vector<16xf32>
      %add3A_545 = arith.constant 0.999994277 : f32
      %add3A_546 = vector.broadcast %add3A_545 : f32 to vector<16xf32>
      %add3A_547 = arith.addf %mul3A_544, %add3A_546 : vector<16xf32>
      %mul3A_548 = arith.mulf %add3A_547, %exp3A : vector<16xf32>
      %add3A_549 = arith.constant 3.38558834E-8 : f32
      %add3A_550 = vector.broadcast %add3A_549 : f32 to vector<16xf32>
      %add3A_551 = arith.addf %mul3A_548, %add3A_550 : vector<16xf32>
      %add3A_552 = arith.addf %sub3A, %add3A_551 : vector<16xf32>
      %add3A_553 = arith.addf %scan3A_501, %get3A_512 : vector<16xf32>
      %add3A_554 = arith.addf %scan3A_502, %add3A_552 : vector<16xf32>
      %mul3A_555 = arith.mulf %add3A_552, %get3A_512 : vector<16xf32>
      %add3A_556 = arith.addf %scan3A_503, %mul3A_555 : vector<16xf32>
      scf.yield %add3A_553, %add3A_554, %add3A_556 : vector<16xf32>, vector<16xf32>, vector<16xf32>
    }
    %scan3A_327 = arith.constant 8 : i32
    %swap3A_328 = arith.constant 256 : index
    %swap3A_329 = tpu.vector_load %arg7[%swap3A_328] {strides = array<i32>} : memref<1200xf32, #tpu.memory_space<vmem>>, vector<16xf32>,
    %swap3A_330 = vector.shape_cast %swap3A_329 : vector<16xf32> to vector<16xf32>
    %swap3A_331 = vector.shape_cast %scan3A_326#0 : vector<16xf32> to vector<16xf32>
    tpu.vector_store %arg7[%swap3A_328], %swap3A_331 {strides = array<i32>} : memref<1200xf32, #tpu.memory_space<vmem>>, vector<16xf32>,
    %swap3A_332 = arith.constant 656 : index
    %swap3A_333 = tpu.vector_load %arg7[%swap3A_332] {strides = array<i32>} : memref<1200xf32, #tpu.memory_space<vmem>>, vector<16xf32>,
    %swap3A_334 = vector.shape_cast %swap3A_333 : vector<16xf32> to vector<16xf32>
    %swap3A_335 = vector.shape_cast %scan3A_326#1 : vector<16xf32> to vector<16xf32>
    tpu.vector_store %arg7[%swap3A_332], %swap3A_335 {strides = array<i32>} : memref<1200xf32, #tpu.memory_space<vmem>>, vector<16xf32>,
    %swap3A_336 = arith.constant 1056 : index
    %swap3A_337 = tpu.vector_load %arg7[%swap3A_336] {strides = array<i32>} : memref<1200xf32, #tpu.memory_space<vmem>>, vector<16xf32>,
    %swap3A_338 = vector.shape_cast %swap3A_337 : vector<16xf32> to vector<16xf32>
    %swap3A_339 = vector.shape_cast %scan3A_326#2 : vector<16xf32> to vector<16xf32>
    tpu.vector_store %arg7[%swap3A_336], %swap3A_339 {strides = array<i32>} : memref<1200xf32, #tpu.memory_space<vmem>>, vector<16xf32>,
    %broadcast_in_dim3A_340 = arith.constant 0.000000e+00 : f32
    %broadcast_in_dim3A_341 = vector.broadcast %broadcast_in_dim3A_340 : f32 to vector<16xf32>
    %scan3A_342 = arith.constant 0 : i32
    %scan3A_343 = arith.constant 8 : i32
    %scan3A_344 = arith.addi %scan3A_342, %scan3A_343 : i32
    %scan3A_345 = arith.constant 1 : i32
    %scan3A_346:3 = scf.for %scan3A_500 = %scan3A_342 to %scan3A_344 step %scan3A_345 iter_args(%scan3A_501 = %broadcast_in_dim3A_341, %scan3A_502 = %broadcast_in_dim3A_341, %scan3A_503 = %broadcast_in_dim3A_341) -> (vector<16xf32>, vector<16xf32>, vector<16xf32>)  : i32 {
      %mul3A_504 = arith.constant 400 : i32
      %mul3A_505 = arith.muli %scan3A_500, %mul3A_504 : i32
      %add3A_506 = arith.constant 272 : i32
      %add3A_507 = arith.addi %mul3A_505, %add3A_506 : i32
      %get3A = arith.index_cast %add3A_507 : i32 to index
      %get3A_508 = tpu.vector_load %arg5[%get3A] {strides = array<i32>} : memref<3200xf32, #tpu.memory_space<vmem>>, vector<16xf32>,
      %get3A_509 = vector.shape_cast %get3A_508 : vector<16xf32> to vector<16xf32>
      %get3A_510 = arith.index_cast %add3A_507 : i32 to index
      %get3A_511 = tpu.vector_load %arg6[%get3A_510] {strides = array<i32>} : memref<3200xf32, #tpu.memory_space<vmem>>, vector<16xf32>,
      %get3A_512 = vector.shape_cast %get3A_511 : vector<16xf32> to vector<16xf32>
      %abs3A = math.absf %get3A_509 : vector<16xf32>
      %neg3A = arith.constant 0.000000e+00 : f32
      %neg3A_513 = vector.broadcast %neg3A : f32 to vector<16xf32>
      %neg3A_514 = arith.subf %neg3A_513, %abs3A : vector<16xf32>
      %exp3A = math.exp %neg3A_514 : vector<16xf32>
      %max3A = arith.constant 0.000000e+00 : f32
      %max3A_515 = vector.broadcast %max3A : f32 to vector<16xf32>
      %max3A_516 = arith.maximumf %get3A_509, %max3A_515 : vector<16xf32>
      %mul3A_517 = arith.mulf %get3A_509, %get3A_512 : vector<16xf32>
      %sub3A = arith.subf %max3A_516, %mul3A_517 : vector<16xf32>
      %broadcast_in_dim3A_518 = arith.constant -0.00615148572 : f32
      %broadcast_in_dim3A_519 = vector.broadcast %broadcast_in_dim3A_518 : f32 to vector<16xf32>
      %mul3A_520 = arith.mulf %broadcast_in_dim3A_519, %exp3A : vector<16xf32>
      %add3A_521 = arith.constant 0.0348497964 : f32
      %add3A_522 = vector.broadcast %add3A_521 : f32 to vector<16xf32>
      %add3A_523 = arith.addf %mul3A_520, %add3A_522 : vector<16xf32>
      %mul3A_524 = arith.mulf %add3A_523, %exp3A : vector<16xf32>
      %add3A_525 = arith.constant -0.0932522192 : f32
      %add3A_526 = vector.broadcast %add3A_525 : f32 to vector<16xf32>
      %add3A_527 = arith.addf %mul3A_524, %add3A_526 : vector<16xf32>
      %mul3A_528 = arith.mulf %add3A_527, %exp3A : vector<16xf32>
      %add3A_529 = arith.constant 0.165822953 : f32
      %add3A_530 = vector.broadcast %add3A_529 : f32 to vector<16xf32>
      %add3A_531 = arith.addf %mul3A_528, %add3A_530 : vector<16xf32>
      %mul3A_532 = arith.mulf %add3A_531, %exp3A : vector<16xf32>
      %add3A_533 = arith.constant -0.239826292 : f32
      %add3A_534 = vector.broadcast %add3A_533 : f32 to vector<16xf32>
      %add3A_535 = arith.addf %mul3A_532, %add3A_534 : vector<16xf32>
      %mul3A_536 = arith.mulf %add3A_535, %exp3A : vector<16xf32>
      %add3A_537 = arith.constant 0.331548661 : f32
      %add3A_538 = vector.broadcast %add3A_537 : f32 to vector<16xf32>
      %add3A_539 = arith.addf %mul3A_536, %add3A_538 : vector<16xf32>
      %mul3A_540 = arith.mulf %add3A_539, %exp3A : vector<16xf32>
      %add3A_541 = arith.constant -0.499838561 : f32
      %add3A_542 = vector.broadcast %add3A_541 : f32 to vector<16xf32>
      %add3A_543 = arith.addf %mul3A_540, %add3A_542 : vector<16xf32>
      %mul3A_544 = arith.mulf %add3A_543, %exp3A : vector<16xf32>
      %add3A_545 = arith.constant 0.999994277 : f32
      %add3A_546 = vector.broadcast %add3A_545 : f32 to vector<16xf32>
      %add3A_547 = arith.addf %mul3A_544, %add3A_546 : vector<16xf32>
      %mul3A_548 = arith.mulf %add3A_547, %exp3A : vector<16xf32>
      %add3A_549 = arith.constant 3.38558834E-8 : f32
      %add3A_550 = vector.broadcast %add3A_549 : f32 to vector<16xf32>
      %add3A_551 = arith.addf %mul3A_548, %add3A_550 : vector<16xf32>
      %add3A_552 = arith.addf %sub3A, %add3A_551 : vector<16xf32>
      %add3A_553 = arith.addf %scan3A_501, %get3A_512 : vector<16xf32>
      %add3A_554 = arith.addf %scan3A_502, %add3A_552 : vector<16xf32>
      %mul3A_555 = arith.mulf %add3A_552, %get3A_512 : vector<16xf32>
      %add3A_556 = arith.addf %scan3A_503, %mul3A_555 : vector<16xf32>
      scf.yield %add3A_553, %add3A_554, %add3A_556 : vector<16xf32>, vector<16xf32>, vector<16xf32>
    }
    %scan3A_347 = arith.constant 8 : i32
    %swap3A_348 = arith.constant 272 : index
    %swap3A_349 = tpu.vector_load %arg7[%swap3A_348] {strides = array<i32>} : memref<1200xf32, #tpu.memory_space<vmem>>, vector<16xf32>,
    %swap3A_350 = vector.shape_cast %swap3A_349 : vector<16xf32> to vector<16xf32>
    %swap3A_351 = vector.shape_cast %scan3A_346#0 : vector<16xf32> to vector<16xf32>
    tpu.vector_store %arg7[%swap3A_348], %swap3A_351 {strides = array<i32>} : memref<1200xf32, #tpu.memory_space<vmem>>, vector<16xf32>,
    %swap3A_352 = arith.constant 672 : index
    %swap3A_353 = tpu.vector_load %arg7[%swap3A_352] {strides = array<i32>} : memref<1200xf32, #tpu.memory_space<vmem>>, vector<16xf32>,
    %swap3A_354 = vector.shape_cast %swap3A_353 : vector<16xf32> to vector<16xf32>
    %swap3A_355 = vector.shape_cast %scan3A_346#1 : vector<16xf32> to vector<16xf32>
    tpu.vector_store %arg7[%swap3A_352], %swap3A_355 {strides = array<i32>} : memref<1200xf32, #tpu.memory_space<vmem>>, vector<16xf32>,
    %swap3A_356 = arith.constant 1072 : index
    %swap3A_357 = tpu.vector_load %arg7[%swap3A_356] {strides = array<i32>} : memref<1200xf32, #tpu.memory_space<vmem>>, vector<16xf32>,
    %swap3A_358 = vector.shape_cast %swap3A_357 : vector<16xf32> to vector<16xf32>
    %swap3A_359 = vector.shape_cast %scan3A_346#2 : vector<16xf32> to vector<16xf32>
    tpu.vector_store %arg7[%swap3A_356], %swap3A_359 {strides = array<i32>} : memref<1200xf32, #tpu.memory_space<vmem>>, vector<16xf32>,
    %broadcast_in_dim3A_360 = arith.constant 0.000000e+00 : f32
    %broadcast_in_dim3A_361 = vector.broadcast %broadcast_in_dim3A_360 : f32 to vector<16xf32>
    %scan3A_362 = arith.constant 0 : i32
    %scan3A_363 = arith.constant 8 : i32
    %scan3A_364 = arith.addi %scan3A_362, %scan3A_363 : i32
    %scan3A_365 = arith.constant 1 : i32
    %scan3A_366:3 = scf.for %scan3A_500 = %scan3A_362 to %scan3A_364 step %scan3A_365 iter_args(%scan3A_501 = %broadcast_in_dim3A_361, %scan3A_502 = %broadcast_in_dim3A_361, %scan3A_503 = %broadcast_in_dim3A_361) -> (vector<16xf32>, vector<16xf32>, vector<16xf32>)  : i32 {
      %mul3A_504 = arith.constant 400 : i32
      %mul3A_505 = arith.muli %scan3A_500, %mul3A_504 : i32
      %add3A_506 = arith.constant 288 : i32
      %add3A_507 = arith.addi %mul3A_505, %add3A_506 : i32
      %get3A = arith.index_cast %add3A_507 : i32 to index
      %get3A_508 = tpu.vector_load %arg5[%get3A] {strides = array<i32>} : memref<3200xf32, #tpu.memory_space<vmem>>, vector<16xf32>,
      %get3A_509 = vector.shape_cast %get3A_508 : vector<16xf32> to vector<16xf32>
      %get3A_510 = arith.index_cast %add3A_507 : i32 to index
      %get3A_511 = tpu.vector_load %arg6[%get3A_510] {strides = array<i32>} : memref<3200xf32, #tpu.memory_space<vmem>>, vector<16xf32>,
      %get3A_512 = vector.shape_cast %get3A_511 : vector<16xf32> to vector<16xf32>
      %abs3A = math.absf %get3A_509 : vector<16xf32>
      %neg3A = arith.constant 0.000000e+00 : f32
      %neg3A_513 = vector.broadcast %neg3A : f32 to vector<16xf32>
      %neg3A_514 = arith.subf %neg3A_513, %abs3A : vector<16xf32>
      %exp3A = math.exp %neg3A_514 : vector<16xf32>
      %max3A = arith.constant 0.000000e+00 : f32
      %max3A_515 = vector.broadcast %max3A : f32 to vector<16xf32>
      %max3A_516 = arith.maximumf %get3A_509, %max3A_515 : vector<16xf32>
      %mul3A_517 = arith.mulf %get3A_509, %get3A_512 : vector<16xf32>
      %sub3A = arith.subf %max3A_516, %mul3A_517 : vector<16xf32>
      %broadcast_in_dim3A_518 = arith.constant -0.00615148572 : f32
      %broadcast_in_dim3A_519 = vector.broadcast %broadcast_in_dim3A_518 : f32 to vector<16xf32>
      %mul3A_520 = arith.mulf %broadcast_in_dim3A_519, %exp3A : vector<16xf32>
      %add3A_521 = arith.constant 0.0348497964 : f32
      %add3A_522 = vector.broadcast %add3A_521 : f32 to vector<16xf32>
      %add3A_523 = arith.addf %mul3A_520, %add3A_522 : vector<16xf32>
      %mul3A_524 = arith.mulf %add3A_523, %exp3A : vector<16xf32>
      %add3A_525 = arith.constant -0.0932522192 : f32
      %add3A_526 = vector.broadcast %add3A_525 : f32 to vector<16xf32>
      %add3A_527 = arith.addf %mul3A_524, %add3A_526 : vector<16xf32>
      %mul3A_528 = arith.mulf %add3A_527, %exp3A : vector<16xf32>
      %add3A_529 = arith.constant 0.165822953 : f32
      %add3A_530 = vector.broadcast %add3A_529 : f32 to vector<16xf32>
      %add3A_531 = arith.addf %mul3A_528, %add3A_530 : vector<16xf32>
      %mul3A_532 = arith.mulf %add3A_531, %exp3A : vector<16xf32>
      %add3A_533 = arith.constant -0.239826292 : f32
      %add3A_534 = vector.broadcast %add3A_533 : f32 to vector<16xf32>
      %add3A_535 = arith.addf %mul3A_532, %add3A_534 : vector<16xf32>
      %mul3A_536 = arith.mulf %add3A_535, %exp3A : vector<16xf32>
      %add3A_537 = arith.constant 0.331548661 : f32
      %add3A_538 = vector.broadcast %add3A_537 : f32 to vector<16xf32>
      %add3A_539 = arith.addf %mul3A_536, %add3A_538 : vector<16xf32>
      %mul3A_540 = arith.mulf %add3A_539, %exp3A : vector<16xf32>
      %add3A_541 = arith.constant -0.499838561 : f32
      %add3A_542 = vector.broadcast %add3A_541 : f32 to vector<16xf32>
      %add3A_543 = arith.addf %mul3A_540, %add3A_542 : vector<16xf32>
      %mul3A_544 = arith.mulf %add3A_543, %exp3A : vector<16xf32>
      %add3A_545 = arith.constant 0.999994277 : f32
      %add3A_546 = vector.broadcast %add3A_545 : f32 to vector<16xf32>
      %add3A_547 = arith.addf %mul3A_544, %add3A_546 : vector<16xf32>
      %mul3A_548 = arith.mulf %add3A_547, %exp3A : vector<16xf32>
      %add3A_549 = arith.constant 3.38558834E-8 : f32
      %add3A_550 = vector.broadcast %add3A_549 : f32 to vector<16xf32>
      %add3A_551 = arith.addf %mul3A_548, %add3A_550 : vector<16xf32>
      %add3A_552 = arith.addf %sub3A, %add3A_551 : vector<16xf32>
      %add3A_553 = arith.addf %scan3A_501, %get3A_512 : vector<16xf32>
      %add3A_554 = arith.addf %scan3A_502, %add3A_552 : vector<16xf32>
      %mul3A_555 = arith.mulf %add3A_552, %get3A_512 : vector<16xf32>
      %add3A_556 = arith.addf %scan3A_503, %mul3A_555 : vector<16xf32>
      scf.yield %add3A_553, %add3A_554, %add3A_556 : vector<16xf32>, vector<16xf32>, vector<16xf32>
    }
    %scan3A_367 = arith.constant 8 : i32
    %swap3A_368 = arith.constant 288 : index
    %swap3A_369 = tpu.vector_load %arg7[%swap3A_368] {strides = array<i32>} : memref<1200xf32, #tpu.memory_space<vmem>>, vector<16xf32>,
    %swap3A_370 = vector.shape_cast %swap3A_369 : vector<16xf32> to vector<16xf32>
    %swap3A_371 = vector.shape_cast %scan3A_366#0 : vector<16xf32> to vector<16xf32>
    tpu.vector_store %arg7[%swap3A_368], %swap3A_371 {strides = array<i32>} : memref<1200xf32, #tpu.memory_space<vmem>>, vector<16xf32>,
    %swap3A_372 = arith.constant 688 : index
    %swap3A_373 = tpu.vector_load %arg7[%swap3A_372] {strides = array<i32>} : memref<1200xf32, #tpu.memory_space<vmem>>, vector<16xf32>,
    %swap3A_374 = vector.shape_cast %swap3A_373 : vector<16xf32> to vector<16xf32>
    %swap3A_375 = vector.shape_cast %scan3A_366#1 : vector<16xf32> to vector<16xf32>
    tpu.vector_store %arg7[%swap3A_372], %swap3A_375 {strides = array<i32>} : memref<1200xf32, #tpu.memory_space<vmem>>, vector<16xf32>,
    %swap3A_376 = arith.constant 1088 : index
    %swap3A_377 = tpu.vector_load %arg7[%swap3A_376] {strides = array<i32>} : memref<1200xf32, #tpu.memory_space<vmem>>, vector<16xf32>,
    %swap3A_378 = vector.shape_cast %swap3A_377 : vector<16xf32> to vector<16xf32>
    %swap3A_379 = vector.shape_cast %scan3A_366#2 : vector<16xf32> to vector<16xf32>
    tpu.vector_store %arg7[%swap3A_376], %swap3A_379 {strides = array<i32>} : memref<1200xf32, #tpu.memory_space<vmem>>, vector<16xf32>,
    %broadcast_in_dim3A_380 = arith.constant 0.000000e+00 : f32
    %broadcast_in_dim3A_381 = vector.broadcast %broadcast_in_dim3A_380 : f32 to vector<16xf32>
    %scan3A_382 = arith.constant 0 : i32
    %scan3A_383 = arith.constant 8 : i32
    %scan3A_384 = arith.addi %scan3A_382, %scan3A_383 : i32
    %scan3A_385 = arith.constant 1 : i32
    %scan3A_386:3 = scf.for %scan3A_500 = %scan3A_382 to %scan3A_384 step %scan3A_385 iter_args(%scan3A_501 = %broadcast_in_dim3A_381, %scan3A_502 = %broadcast_in_dim3A_381, %scan3A_503 = %broadcast_in_dim3A_381) -> (vector<16xf32>, vector<16xf32>, vector<16xf32>)  : i32 {
      %mul3A_504 = arith.constant 400 : i32
      %mul3A_505 = arith.muli %scan3A_500, %mul3A_504 : i32
      %add3A_506 = arith.constant 304 : i32
      %add3A_507 = arith.addi %mul3A_505, %add3A_506 : i32
      %get3A = arith.index_cast %add3A_507 : i32 to index
      %get3A_508 = tpu.vector_load %arg5[%get3A] {strides = array<i32>} : memref<3200xf32, #tpu.memory_space<vmem>>, vector<16xf32>,
      %get3A_509 = vector.shape_cast %get3A_508 : vector<16xf32> to vector<16xf32>
      %get3A_510 = arith.index_cast %add3A_507 : i32 to index
      %get3A_511 = tpu.vector_load %arg6[%get3A_510] {strides = array<i32>} : memref<3200xf32, #tpu.memory_space<vmem>>, vector<16xf32>,
      %get3A_512 = vector.shape_cast %get3A_511 : vector<16xf32> to vector<16xf32>
      %abs3A = math.absf %get3A_509 : vector<16xf32>
      %neg3A = arith.constant 0.000000e+00 : f32
      %neg3A_513 = vector.broadcast %neg3A : f32 to vector<16xf32>
      %neg3A_514 = arith.subf %neg3A_513, %abs3A : vector<16xf32>
      %exp3A = math.exp %neg3A_514 : vector<16xf32>
      %max3A = arith.constant 0.000000e+00 : f32
      %max3A_515 = vector.broadcast %max3A : f32 to vector<16xf32>
      %max3A_516 = arith.maximumf %get3A_509, %max3A_515 : vector<16xf32>
      %mul3A_517 = arith.mulf %get3A_509, %get3A_512 : vector<16xf32>
      %sub3A = arith.subf %max3A_516, %mul3A_517 : vector<16xf32>
      %broadcast_in_dim3A_518 = arith.constant -0.00615148572 : f32
      %broadcast_in_dim3A_519 = vector.broadcast %broadcast_in_dim3A_518 : f32 to vector<16xf32>
      %mul3A_520 = arith.mulf %broadcast_in_dim3A_519, %exp3A : vector<16xf32>
      %add3A_521 = arith.constant 0.0348497964 : f32
      %add3A_522 = vector.broadcast %add3A_521 : f32 to vector<16xf32>
      %add3A_523 = arith.addf %mul3A_520, %add3A_522 : vector<16xf32>
      %mul3A_524 = arith.mulf %add3A_523, %exp3A : vector<16xf32>
      %add3A_525 = arith.constant -0.0932522192 : f32
      %add3A_526 = vector.broadcast %add3A_525 : f32 to vector<16xf32>
      %add3A_527 = arith.addf %mul3A_524, %add3A_526 : vector<16xf32>
      %mul3A_528 = arith.mulf %add3A_527, %exp3A : vector<16xf32>
      %add3A_529 = arith.constant 0.165822953 : f32
      %add3A_530 = vector.broadcast %add3A_529 : f32 to vector<16xf32>
      %add3A_531 = arith.addf %mul3A_528, %add3A_530 : vector<16xf32>
      %mul3A_532 = arith.mulf %add3A_531, %exp3A : vector<16xf32>
      %add3A_533 = arith.constant -0.239826292 : f32
      %add3A_534 = vector.broadcast %add3A_533 : f32 to vector<16xf32>
      %add3A_535 = arith.addf %mul3A_532, %add3A_534 : vector<16xf32>
      %mul3A_536 = arith.mulf %add3A_535, %exp3A : vector<16xf32>
      %add3A_537 = arith.constant 0.331548661 : f32
      %add3A_538 = vector.broadcast %add3A_537 : f32 to vector<16xf32>
      %add3A_539 = arith.addf %mul3A_536, %add3A_538 : vector<16xf32>
      %mul3A_540 = arith.mulf %add3A_539, %exp3A : vector<16xf32>
      %add3A_541 = arith.constant -0.499838561 : f32
      %add3A_542 = vector.broadcast %add3A_541 : f32 to vector<16xf32>
      %add3A_543 = arith.addf %mul3A_540, %add3A_542 : vector<16xf32>
      %mul3A_544 = arith.mulf %add3A_543, %exp3A : vector<16xf32>
      %add3A_545 = arith.constant 0.999994277 : f32
      %add3A_546 = vector.broadcast %add3A_545 : f32 to vector<16xf32>
      %add3A_547 = arith.addf %mul3A_544, %add3A_546 : vector<16xf32>
      %mul3A_548 = arith.mulf %add3A_547, %exp3A : vector<16xf32>
      %add3A_549 = arith.constant 3.38558834E-8 : f32
      %add3A_550 = vector.broadcast %add3A_549 : f32 to vector<16xf32>
      %add3A_551 = arith.addf %mul3A_548, %add3A_550 : vector<16xf32>
      %add3A_552 = arith.addf %sub3A, %add3A_551 : vector<16xf32>
      %add3A_553 = arith.addf %scan3A_501, %get3A_512 : vector<16xf32>
      %add3A_554 = arith.addf %scan3A_502, %add3A_552 : vector<16xf32>
      %mul3A_555 = arith.mulf %add3A_552, %get3A_512 : vector<16xf32>
      %add3A_556 = arith.addf %scan3A_503, %mul3A_555 : vector<16xf32>
      scf.yield %add3A_553, %add3A_554, %add3A_556 : vector<16xf32>, vector<16xf32>, vector<16xf32>
    }
    %scan3A_387 = arith.constant 8 : i32
    %swap3A_388 = arith.constant 304 : index
    %swap3A_389 = tpu.vector_load %arg7[%swap3A_388] {strides = array<i32>} : memref<1200xf32, #tpu.memory_space<vmem>>, vector<16xf32>,
    %swap3A_390 = vector.shape_cast %swap3A_389 : vector<16xf32> to vector<16xf32>
    %swap3A_391 = vector.shape_cast %scan3A_386#0 : vector<16xf32> to vector<16xf32>
    tpu.vector_store %arg7[%swap3A_388], %swap3A_391 {strides = array<i32>} : memref<1200xf32, #tpu.memory_space<vmem>>, vector<16xf32>,
    %swap3A_392 = arith.constant 704 : index
    %swap3A_393 = tpu.vector_load %arg7[%swap3A_392] {strides = array<i32>} : memref<1200xf32, #tpu.memory_space<vmem>>, vector<16xf32>,
    %swap3A_394 = vector.shape_cast %swap3A_393 : vector<16xf32> to vector<16xf32>
    %swap3A_395 = vector.shape_cast %scan3A_386#1 : vector<16xf32> to vector<16xf32>
    tpu.vector_store %arg7[%swap3A_392], %swap3A_395 {strides = array<i32>} : memref<1200xf32, #tpu.memory_space<vmem>>, vector<16xf32>,
    %swap3A_396 = arith.constant 1104 : index
    %swap3A_397 = tpu.vector_load %arg7[%swap3A_396] {strides = array<i32>} : memref<1200xf32, #tpu.memory_space<vmem>>, vector<16xf32>,
    %swap3A_398 = vector.shape_cast %swap3A_397 : vector<16xf32> to vector<16xf32>
    %swap3A_399 = vector.shape_cast %scan3A_386#2 : vector<16xf32> to vector<16xf32>
    tpu.vector_store %arg7[%swap3A_396], %swap3A_399 {strides = array<i32>} : memref<1200xf32, #tpu.memory_space<vmem>>, vector<16xf32>,
    %broadcast_in_dim3A_400 = arith.constant 0.000000e+00 : f32
    %broadcast_in_dim3A_401 = vector.broadcast %broadcast_in_dim3A_400 : f32 to vector<16xf32>
    %scan3A_402 = arith.constant 0 : i32
    %scan3A_403 = arith.constant 8 : i32
    %scan3A_404 = arith.addi %scan3A_402, %scan3A_403 : i32
    %scan3A_405 = arith.constant 1 : i32
    %scan3A_406:3 = scf.for %scan3A_500 = %scan3A_402 to %scan3A_404 step %scan3A_405 iter_args(%scan3A_501 = %broadcast_in_dim3A_401, %scan3A_502 = %broadcast_in_dim3A_401, %scan3A_503 = %broadcast_in_dim3A_401) -> (vector<16xf32>, vector<16xf32>, vector<16xf32>)  : i32 {
      %mul3A_504 = arith.constant 400 : i32
      %mul3A_505 = arith.muli %scan3A_500, %mul3A_504 : i32
      %add3A_506 = arith.constant 320 : i32
      %add3A_507 = arith.addi %mul3A_505, %add3A_506 : i32
      %get3A = arith.index_cast %add3A_507 : i32 to index
      %get3A_508 = tpu.vector_load %arg5[%get3A] {strides = array<i32>} : memref<3200xf32, #tpu.memory_space<vmem>>, vector<16xf32>,
      %get3A_509 = vector.shape_cast %get3A_508 : vector<16xf32> to vector<16xf32>
      %get3A_510 = arith.index_cast %add3A_507 : i32 to index
      %get3A_511 = tpu.vector_load %arg6[%get3A_510] {strides = array<i32>} : memref<3200xf32, #tpu.memory_space<vmem>>, vector<16xf32>,
      %get3A_512 = vector.shape_cast %get3A_511 : vector<16xf32> to vector<16xf32>
      %abs3A = math.absf %get3A_509 : vector<16xf32>
      %neg3A = arith.constant 0.000000e+00 : f32
      %neg3A_513 = vector.broadcast %neg3A : f32 to vector<16xf32>
      %neg3A_514 = arith.subf %neg3A_513, %abs3A : vector<16xf32>
      %exp3A = math.exp %neg3A_514 : vector<16xf32>
      %max3A = arith.constant 0.000000e+00 : f32
      %max3A_515 = vector.broadcast %max3A : f32 to vector<16xf32>
      %max3A_516 = arith.maximumf %get3A_509, %max3A_515 : vector<16xf32>
      %mul3A_517 = arith.mulf %get3A_509, %get3A_512 : vector<16xf32>
      %sub3A = arith.subf %max3A_516, %mul3A_517 : vector<16xf32>
      %broadcast_in_dim3A_518 = arith.constant -0.00615148572 : f32
      %broadcast_in_dim3A_519 = vector.broadcast %broadcast_in_dim3A_518 : f32 to vector<16xf32>
      %mul3A_520 = arith.mulf %broadcast_in_dim3A_519, %exp3A : vector<16xf32>
      %add3A_521 = arith.constant 0.0348497964 : f32
      %add3A_522 = vector.broadcast %add3A_521 : f32 to vector<16xf32>
      %add3A_523 = arith.addf %mul3A_520, %add3A_522 : vector<16xf32>
      %mul3A_524 = arith.mulf %add3A_523, %exp3A : vector<16xf32>
      %add3A_525 = arith.constant -0.0932522192 : f32
      %add3A_526 = vector.broadcast %add3A_525 : f32 to vector<16xf32>
      %add3A_527 = arith.addf %mul3A_524, %add3A_526 : vector<16xf32>
      %mul3A_528 = arith.mulf %add3A_527, %exp3A : vector<16xf32>
      %add3A_529 = arith.constant 0.165822953 : f32
      %add3A_530 = vector.broadcast %add3A_529 : f32 to vector<16xf32>
      %add3A_531 = arith.addf %mul3A_528, %add3A_530 : vector<16xf32>
      %mul3A_532 = arith.mulf %add3A_531, %exp3A : vector<16xf32>
      %add3A_533 = arith.constant -0.239826292 : f32
      %add3A_534 = vector.broadcast %add3A_533 : f32 to vector<16xf32>
      %add3A_535 = arith.addf %mul3A_532, %add3A_534 : vector<16xf32>
      %mul3A_536 = arith.mulf %add3A_535, %exp3A : vector<16xf32>
      %add3A_537 = arith.constant 0.331548661 : f32
      %add3A_538 = vector.broadcast %add3A_537 : f32 to vector<16xf32>
      %add3A_539 = arith.addf %mul3A_536, %add3A_538 : vector<16xf32>
      %mul3A_540 = arith.mulf %add3A_539, %exp3A : vector<16xf32>
      %add3A_541 = arith.constant -0.499838561 : f32
      %add3A_542 = vector.broadcast %add3A_541 : f32 to vector<16xf32>
      %add3A_543 = arith.addf %mul3A_540, %add3A_542 : vector<16xf32>
      %mul3A_544 = arith.mulf %add3A_543, %exp3A : vector<16xf32>
      %add3A_545 = arith.constant 0.999994277 : f32
      %add3A_546 = vector.broadcast %add3A_545 : f32 to vector<16xf32>
      %add3A_547 = arith.addf %mul3A_544, %add3A_546 : vector<16xf32>
      %mul3A_548 = arith.mulf %add3A_547, %exp3A : vector<16xf32>
      %add3A_549 = arith.constant 3.38558834E-8 : f32
      %add3A_550 = vector.broadcast %add3A_549 : f32 to vector<16xf32>
      %add3A_551 = arith.addf %mul3A_548, %add3A_550 : vector<16xf32>
      %add3A_552 = arith.addf %sub3A, %add3A_551 : vector<16xf32>
      %add3A_553 = arith.addf %scan3A_501, %get3A_512 : vector<16xf32>
      %add3A_554 = arith.addf %scan3A_502, %add3A_552 : vector<16xf32>
      %mul3A_555 = arith.mulf %add3A_552, %get3A_512 : vector<16xf32>
      %add3A_556 = arith.addf %scan3A_503, %mul3A_555 : vector<16xf32>
      scf.yield %add3A_553, %add3A_554, %add3A_556 : vector<16xf32>, vector<16xf32>, vector<16xf32>
    }
    %scan3A_407 = arith.constant 8 : i32
    %swap3A_408 = arith.constant 320 : index
    %swap3A_409 = tpu.vector_load %arg7[%swap3A_408] {strides = array<i32>} : memref<1200xf32, #tpu.memory_space<vmem>>, vector<16xf32>,
    %swap3A_410 = vector.shape_cast %swap3A_409 : vector<16xf32> to vector<16xf32>
    %swap3A_411 = vector.shape_cast %scan3A_406#0 : vector<16xf32> to vector<16xf32>
    tpu.vector_store %arg7[%swap3A_408], %swap3A_411 {strides = array<i32>} : memref<1200xf32, #tpu.memory_space<vmem>>, vector<16xf32>,
    %swap3A_412 = arith.constant 720 : index
    %swap3A_413 = tpu.vector_load %arg7[%swap3A_412] {strides = array<i32>} : memref<1200xf32, #tpu.memory_space<vmem>>, vector<16xf32>,
    %swap3A_414 = vector.shape_cast %swap3A_413 : vector<16xf32> to vector<16xf32>
    %swap3A_415 = vector.shape_cast %scan3A_406#1 : vector<16xf32> to vector<16xf32>
    tpu.vector_store %arg7[%swap3A_412], %swap3A_415 {strides = array<i32>} : memref<1200xf32, #tpu.memory_space<vmem>>, vector<16xf32>,
    %swap3A_416 = arith.constant 1120 : index
    %swap3A_417 = tpu.vector_load %arg7[%swap3A_416] {strides = array<i32>} : memref<1200xf32, #tpu.memory_space<vmem>>, vector<16xf32>,
    %swap3A_418 = vector.shape_cast %swap3A_417 : vector<16xf32> to vector<16xf32>
    %swap3A_419 = vector.shape_cast %scan3A_406#2 : vector<16xf32> to vector<16xf32>
    tpu.vector_store %arg7[%swap3A_416], %swap3A_419 {strides = array<i32>} : memref<1200xf32, #tpu.memory_space<vmem>>, vector<16xf32>,
    %broadcast_in_dim3A_420 = arith.constant 0.000000e+00 : f32
    %broadcast_in_dim3A_421 = vector.broadcast %broadcast_in_dim3A_420 : f32 to vector<16xf32>
    %scan3A_422 = arith.constant 0 : i32
    %scan3A_423 = arith.constant 8 : i32
    %scan3A_424 = arith.addi %scan3A_422, %scan3A_423 : i32
    %scan3A_425 = arith.constant 1 : i32
    %scan3A_426:3 = scf.for %scan3A_500 = %scan3A_422 to %scan3A_424 step %scan3A_425 iter_args(%scan3A_501 = %broadcast_in_dim3A_421, %scan3A_502 = %broadcast_in_dim3A_421, %scan3A_503 = %broadcast_in_dim3A_421) -> (vector<16xf32>, vector<16xf32>, vector<16xf32>)  : i32 {
      %mul3A_504 = arith.constant 400 : i32
      %mul3A_505 = arith.muli %scan3A_500, %mul3A_504 : i32
      %add3A_506 = arith.constant 336 : i32
      %add3A_507 = arith.addi %mul3A_505, %add3A_506 : i32
      %get3A = arith.index_cast %add3A_507 : i32 to index
      %get3A_508 = tpu.vector_load %arg5[%get3A] {strides = array<i32>} : memref<3200xf32, #tpu.memory_space<vmem>>, vector<16xf32>,
      %get3A_509 = vector.shape_cast %get3A_508 : vector<16xf32> to vector<16xf32>
      %get3A_510 = arith.index_cast %add3A_507 : i32 to index
      %get3A_511 = tpu.vector_load %arg6[%get3A_510] {strides = array<i32>} : memref<3200xf32, #tpu.memory_space<vmem>>, vector<16xf32>,
      %get3A_512 = vector.shape_cast %get3A_511 : vector<16xf32> to vector<16xf32>
      %abs3A = math.absf %get3A_509 : vector<16xf32>
      %neg3A = arith.constant 0.000000e+00 : f32
      %neg3A_513 = vector.broadcast %neg3A : f32 to vector<16xf32>
      %neg3A_514 = arith.subf %neg3A_513, %abs3A : vector<16xf32>
      %exp3A = math.exp %neg3A_514 : vector<16xf32>
      %max3A = arith.constant 0.000000e+00 : f32
      %max3A_515 = vector.broadcast %max3A : f32 to vector<16xf32>
      %max3A_516 = arith.maximumf %get3A_509, %max3A_515 : vector<16xf32>
      %mul3A_517 = arith.mulf %get3A_509, %get3A_512 : vector<16xf32>
      %sub3A = arith.subf %max3A_516, %mul3A_517 : vector<16xf32>
      %broadcast_in_dim3A_518 = arith.constant -0.00615148572 : f32
      %broadcast_in_dim3A_519 = vector.broadcast %broadcast_in_dim3A_518 : f32 to vector<16xf32>
      %mul3A_520 = arith.mulf %broadcast_in_dim3A_519, %exp3A : vector<16xf32>
      %add3A_521 = arith.constant 0.0348497964 : f32
      %add3A_522 = vector.broadcast %add3A_521 : f32 to vector<16xf32>
      %add3A_523 = arith.addf %mul3A_520, %add3A_522 : vector<16xf32>
      %mul3A_524 = arith.mulf %add3A_523, %exp3A : vector<16xf32>
      %add3A_525 = arith.constant -0.0932522192 : f32
      %add3A_526 = vector.broadcast %add3A_525 : f32 to vector<16xf32>
      %add3A_527 = arith.addf %mul3A_524, %add3A_526 : vector<16xf32>
      %mul3A_528 = arith.mulf %add3A_527, %exp3A : vector<16xf32>
      %add3A_529 = arith.constant 0.165822953 : f32
      %add3A_530 = vector.broadcast %add3A_529 : f32 to vector<16xf32>
      %add3A_531 = arith.addf %mul3A_528, %add3A_530 : vector<16xf32>
      %mul3A_532 = arith.mulf %add3A_531, %exp3A : vector<16xf32>
      %add3A_533 = arith.constant -0.239826292 : f32
      %add3A_534 = vector.broadcast %add3A_533 : f32 to vector<16xf32>
      %add3A_535 = arith.addf %mul3A_532, %add3A_534 : vector<16xf32>
      %mul3A_536 = arith.mulf %add3A_535, %exp3A : vector<16xf32>
      %add3A_537 = arith.constant 0.331548661 : f32
      %add3A_538 = vector.broadcast %add3A_537 : f32 to vector<16xf32>
      %add3A_539 = arith.addf %mul3A_536, %add3A_538 : vector<16xf32>
      %mul3A_540 = arith.mulf %add3A_539, %exp3A : vector<16xf32>
      %add3A_541 = arith.constant -0.499838561 : f32
      %add3A_542 = vector.broadcast %add3A_541 : f32 to vector<16xf32>
      %add3A_543 = arith.addf %mul3A_540, %add3A_542 : vector<16xf32>
      %mul3A_544 = arith.mulf %add3A_543, %exp3A : vector<16xf32>
      %add3A_545 = arith.constant 0.999994277 : f32
      %add3A_546 = vector.broadcast %add3A_545 : f32 to vector<16xf32>
      %add3A_547 = arith.addf %mul3A_544, %add3A_546 : vector<16xf32>
      %mul3A_548 = arith.mulf %add3A_547, %exp3A : vector<16xf32>
      %add3A_549 = arith.constant 3.38558834E-8 : f32
      %add3A_550 = vector.broadcast %add3A_549 : f32 to vector<16xf32>
      %add3A_551 = arith.addf %mul3A_548, %add3A_550 : vector<16xf32>
      %add3A_552 = arith.addf %sub3A, %add3A_551 : vector<16xf32>
      %add3A_553 = arith.addf %scan3A_501, %get3A_512 : vector<16xf32>
      %add3A_554 = arith.addf %scan3A_502, %add3A_552 : vector<16xf32>
      %mul3A_555 = arith.mulf %add3A_552, %get3A_512 : vector<16xf32>
      %add3A_556 = arith.addf %scan3A_503, %mul3A_555 : vector<16xf32>
      scf.yield %add3A_553, %add3A_554, %add3A_556 : vector<16xf32>, vector<16xf32>, vector<16xf32>
    }
    %scan3A_427 = arith.constant 8 : i32
    %swap3A_428 = arith.constant 336 : index
    %swap3A_429 = tpu.vector_load %arg7[%swap3A_428] {strides = array<i32>} : memref<1200xf32, #tpu.memory_space<vmem>>, vector<16xf32>,
    %swap3A_430 = vector.shape_cast %swap3A_429 : vector<16xf32> to vector<16xf32>
    %swap3A_431 = vector.shape_cast %scan3A_426#0 : vector<16xf32> to vector<16xf32>
    tpu.vector_store %arg7[%swap3A_428], %swap3A_431 {strides = array<i32>} : memref<1200xf32, #tpu.memory_space<vmem>>, vector<16xf32>,
    %swap3A_432 = arith.constant 736 : index
    %swap3A_433 = tpu.vector_load %arg7[%swap3A_432] {strides = array<i32>} : memref<1200xf32, #tpu.memory_space<vmem>>, vector<16xf32>,
    %swap3A_434 = vector.shape_cast %swap3A_433 : vector<16xf32> to vector<16xf32>
    %swap3A_435 = vector.shape_cast %scan3A_426#1 : vector<16xf32> to vector<16xf32>
    tpu.vector_store %arg7[%swap3A_432], %swap3A_435 {strides = array<i32>} : memref<1200xf32, #tpu.memory_space<vmem>>, vector<16xf32>,
    %swap3A_436 = arith.constant 1136 : index
    %swap3A_437 = tpu.vector_load %arg7[%swap3A_436] {strides = array<i32>} : memref<1200xf32, #tpu.memory_space<vmem>>, vector<16xf32>,
    %swap3A_438 = vector.shape_cast %swap3A_437 : vector<16xf32> to vector<16xf32>
    %swap3A_439 = vector.shape_cast %scan3A_426#2 : vector<16xf32> to vector<16xf32>
    tpu.vector_store %arg7[%swap3A_436], %swap3A_439 {strides = array<i32>} : memref<1200xf32, #tpu.memory_space<vmem>>, vector<16xf32>,
    %broadcast_in_dim3A_440 = arith.constant 0.000000e+00 : f32
    %broadcast_in_dim3A_441 = vector.broadcast %broadcast_in_dim3A_440 : f32 to vector<16xf32>
    %scan3A_442 = arith.constant 0 : i32
    %scan3A_443 = arith.constant 8 : i32
    %scan3A_444 = arith.addi %scan3A_442, %scan3A_443 : i32
    %scan3A_445 = arith.constant 1 : i32
    %scan3A_446:3 = scf.for %scan3A_500 = %scan3A_442 to %scan3A_444 step %scan3A_445 iter_args(%scan3A_501 = %broadcast_in_dim3A_441, %scan3A_502 = %broadcast_in_dim3A_441, %scan3A_503 = %broadcast_in_dim3A_441) -> (vector<16xf32>, vector<16xf32>, vector<16xf32>)  : i32 {
      %mul3A_504 = arith.constant 400 : i32
      %mul3A_505 = arith.muli %scan3A_500, %mul3A_504 : i32
      %add3A_506 = arith.constant 352 : i32
      %add3A_507 = arith.addi %mul3A_505, %add3A_506 : i32
      %get3A = arith.index_cast %add3A_507 : i32 to index
      %get3A_508 = tpu.vector_load %arg5[%get3A] {strides = array<i32>} : memref<3200xf32, #tpu.memory_space<vmem>>, vector<16xf32>,
      %get3A_509 = vector.shape_cast %get3A_508 : vector<16xf32> to vector<16xf32>
      %get3A_510 = arith.index_cast %add3A_507 : i32 to index
      %get3A_511 = tpu.vector_load %arg6[%get3A_510] {strides = array<i32>} : memref<3200xf32, #tpu.memory_space<vmem>>, vector<16xf32>,
      %get3A_512 = vector.shape_cast %get3A_511 : vector<16xf32> to vector<16xf32>
      %abs3A = math.absf %get3A_509 : vector<16xf32>
      %neg3A = arith.constant 0.000000e+00 : f32
      %neg3A_513 = vector.broadcast %neg3A : f32 to vector<16xf32>
      %neg3A_514 = arith.subf %neg3A_513, %abs3A : vector<16xf32>
      %exp3A = math.exp %neg3A_514 : vector<16xf32>
      %max3A = arith.constant 0.000000e+00 : f32
      %max3A_515 = vector.broadcast %max3A : f32 to vector<16xf32>
      %max3A_516 = arith.maximumf %get3A_509, %max3A_515 : vector<16xf32>
      %mul3A_517 = arith.mulf %get3A_509, %get3A_512 : vector<16xf32>
      %sub3A = arith.subf %max3A_516, %mul3A_517 : vector<16xf32>
      %broadcast_in_dim3A_518 = arith.constant -0.00615148572 : f32
      %broadcast_in_dim3A_519 = vector.broadcast %broadcast_in_dim3A_518 : f32 to vector<16xf32>
      %mul3A_520 = arith.mulf %broadcast_in_dim3A_519, %exp3A : vector<16xf32>
      %add3A_521 = arith.constant 0.0348497964 : f32
      %add3A_522 = vector.broadcast %add3A_521 : f32 to vector<16xf32>
      %add3A_523 = arith.addf %mul3A_520, %add3A_522 : vector<16xf32>
      %mul3A_524 = arith.mulf %add3A_523, %exp3A : vector<16xf32>
      %add3A_525 = arith.constant -0.0932522192 : f32
      %add3A_526 = vector.broadcast %add3A_525 : f32 to vector<16xf32>
      %add3A_527 = arith.addf %mul3A_524, %add3A_526 : vector<16xf32>
      %mul3A_528 = arith.mulf %add3A_527, %exp3A : vector<16xf32>
      %add3A_529 = arith.constant 0.165822953 : f32
      %add3A_530 = vector.broadcast %add3A_529 : f32 to vector<16xf32>
      %add3A_531 = arith.addf %mul3A_528, %add3A_530 : vector<16xf32>
      %mul3A_532 = arith.mulf %add3A_531, %exp3A : vector<16xf32>
      %add3A_533 = arith.constant -0.239826292 : f32
      %add3A_534 = vector.broadcast %add3A_533 : f32 to vector<16xf32>
      %add3A_535 = arith.addf %mul3A_532, %add3A_534 : vector<16xf32>
      %mul3A_536 = arith.mulf %add3A_535, %exp3A : vector<16xf32>
      %add3A_537 = arith.constant 0.331548661 : f32
      %add3A_538 = vector.broadcast %add3A_537 : f32 to vector<16xf32>
      %add3A_539 = arith.addf %mul3A_536, %add3A_538 : vector<16xf32>
      %mul3A_540 = arith.mulf %add3A_539, %exp3A : vector<16xf32>
      %add3A_541 = arith.constant -0.499838561 : f32
      %add3A_542 = vector.broadcast %add3A_541 : f32 to vector<16xf32>
      %add3A_543 = arith.addf %mul3A_540, %add3A_542 : vector<16xf32>
      %mul3A_544 = arith.mulf %add3A_543, %exp3A : vector<16xf32>
      %add3A_545 = arith.constant 0.999994277 : f32
      %add3A_546 = vector.broadcast %add3A_545 : f32 to vector<16xf32>
      %add3A_547 = arith.addf %mul3A_544, %add3A_546 : vector<16xf32>
      %mul3A_548 = arith.mulf %add3A_547, %exp3A : vector<16xf32>
      %add3A_549 = arith.constant 3.38558834E-8 : f32
      %add3A_550 = vector.broadcast %add3A_549 : f32 to vector<16xf32>
      %add3A_551 = arith.addf %mul3A_548, %add3A_550 : vector<16xf32>
      %add3A_552 = arith.addf %sub3A, %add3A_551 : vector<16xf32>
      %add3A_553 = arith.addf %scan3A_501, %get3A_512 : vector<16xf32>
      %add3A_554 = arith.addf %scan3A_502, %add3A_552 : vector<16xf32>
      %mul3A_555 = arith.mulf %add3A_552, %get3A_512 : vector<16xf32>
      %add3A_556 = arith.addf %scan3A_503, %mul3A_555 : vector<16xf32>
      scf.yield %add3A_553, %add3A_554, %add3A_556 : vector<16xf32>, vector<16xf32>, vector<16xf32>
    }
    %scan3A_447 = arith.constant 8 : i32
    %swap3A_448 = arith.constant 352 : index
    %swap3A_449 = tpu.vector_load %arg7[%swap3A_448] {strides = array<i32>} : memref<1200xf32, #tpu.memory_space<vmem>>, vector<16xf32>,
    %swap3A_450 = vector.shape_cast %swap3A_449 : vector<16xf32> to vector<16xf32>
    %swap3A_451 = vector.shape_cast %scan3A_446#0 : vector<16xf32> to vector<16xf32>
    tpu.vector_store %arg7[%swap3A_448], %swap3A_451 {strides = array<i32>} : memref<1200xf32, #tpu.memory_space<vmem>>, vector<16xf32>,
    %swap3A_452 = arith.constant 752 : index
    %swap3A_453 = tpu.vector_load %arg7[%swap3A_452] {strides = array<i32>} : memref<1200xf32, #tpu.memory_space<vmem>>, vector<16xf32>,
    %swap3A_454 = vector.shape_cast %swap3A_453 : vector<16xf32> to vector<16xf32>
    %swap3A_455 = vector.shape_cast %scan3A_446#1 : vector<16xf32> to vector<16xf32>
    tpu.vector_store %arg7[%swap3A_452], %swap3A_455 {strides = array<i32>} : memref<1200xf32, #tpu.memory_space<vmem>>, vector<16xf32>,
    %swap3A_456 = arith.constant 1152 : index
    %swap3A_457 = tpu.vector_load %arg7[%swap3A_456] {strides = array<i32>} : memref<1200xf32, #tpu.memory_space<vmem>>, vector<16xf32>,
    %swap3A_458 = vector.shape_cast %swap3A_457 : vector<16xf32> to vector<16xf32>
    %swap3A_459 = vector.shape_cast %scan3A_446#2 : vector<16xf32> to vector<16xf32>
    tpu.vector_store %arg7[%swap3A_456], %swap3A_459 {strides = array<i32>} : memref<1200xf32, #tpu.memory_space<vmem>>, vector<16xf32>,
    %broadcast_in_dim3A_460 = arith.constant 0.000000e+00 : f32
    %broadcast_in_dim3A_461 = vector.broadcast %broadcast_in_dim3A_460 : f32 to vector<16xf32>
    %scan3A_462 = arith.constant 0 : i32
    %scan3A_463 = arith.constant 8 : i32
    %scan3A_464 = arith.addi %scan3A_462, %scan3A_463 : i32
    %scan3A_465 = arith.constant 1 : i32
    %scan3A_466:3 = scf.for %scan3A_500 = %scan3A_462 to %scan3A_464 step %scan3A_465 iter_args(%scan3A_501 = %broadcast_in_dim3A_461, %scan3A_502 = %broadcast_in_dim3A_461, %scan3A_503 = %broadcast_in_dim3A_461) -> (vector<16xf32>, vector<16xf32>, vector<16xf32>)  : i32 {
      %mul3A_504 = arith.constant 400 : i32
      %mul3A_505 = arith.muli %scan3A_500, %mul3A_504 : i32
      %add3A_506 = arith.constant 368 : i32
      %add3A_507 = arith.addi %mul3A_505, %add3A_506 : i32
      %get3A = arith.index_cast %add3A_507 : i32 to index
      %get3A_508 = tpu.vector_load %arg5[%get3A] {strides = array<i32>} : memref<3200xf32, #tpu.memory_space<vmem>>, vector<16xf32>,
      %get3A_509 = vector.shape_cast %get3A_508 : vector<16xf32> to vector<16xf32>
      %get3A_510 = arith.index_cast %add3A_507 : i32 to index
      %get3A_511 = tpu.vector_load %arg6[%get3A_510] {strides = array<i32>} : memref<3200xf32, #tpu.memory_space<vmem>>, vector<16xf32>,
      %get3A_512 = vector.shape_cast %get3A_511 : vector<16xf32> to vector<16xf32>
      %abs3A = math.absf %get3A_509 : vector<16xf32>
      %neg3A = arith.constant 0.000000e+00 : f32
      %neg3A_513 = vector.broadcast %neg3A : f32 to vector<16xf32>
      %neg3A_514 = arith.subf %neg3A_513, %abs3A : vector<16xf32>
      %exp3A = math.exp %neg3A_514 : vector<16xf32>
      %max3A = arith.constant 0.000000e+00 : f32
      %max3A_515 = vector.broadcast %max3A : f32 to vector<16xf32>
      %max3A_516 = arith.maximumf %get3A_509, %max3A_515 : vector<16xf32>
      %mul3A_517 = arith.mulf %get3A_509, %get3A_512 : vector<16xf32>
      %sub3A = arith.subf %max3A_516, %mul3A_517 : vector<16xf32>
      %broadcast_in_dim3A_518 = arith.constant -0.00615148572 : f32
      %broadcast_in_dim3A_519 = vector.broadcast %broadcast_in_dim3A_518 : f32 to vector<16xf32>
      %mul3A_520 = arith.mulf %broadcast_in_dim3A_519, %exp3A : vector<16xf32>
      %add3A_521 = arith.constant 0.0348497964 : f32
      %add3A_522 = vector.broadcast %add3A_521 : f32 to vector<16xf32>
      %add3A_523 = arith.addf %mul3A_520, %add3A_522 : vector<16xf32>
      %mul3A_524 = arith.mulf %add3A_523, %exp3A : vector<16xf32>
      %add3A_525 = arith.constant -0.0932522192 : f32
      %add3A_526 = vector.broadcast %add3A_525 : f32 to vector<16xf32>
      %add3A_527 = arith.addf %mul3A_524, %add3A_526 : vector<16xf32>
      %mul3A_528 = arith.mulf %add3A_527, %exp3A : vector<16xf32>
      %add3A_529 = arith.constant 0.165822953 : f32
      %add3A_530 = vector.broadcast %add3A_529 : f32 to vector<16xf32>
      %add3A_531 = arith.addf %mul3A_528, %add3A_530 : vector<16xf32>
      %mul3A_532 = arith.mulf %add3A_531, %exp3A : vector<16xf32>
      %add3A_533 = arith.constant -0.239826292 : f32
      %add3A_534 = vector.broadcast %add3A_533 : f32 to vector<16xf32>
      %add3A_535 = arith.addf %mul3A_532, %add3A_534 : vector<16xf32>
      %mul3A_536 = arith.mulf %add3A_535, %exp3A : vector<16xf32>
      %add3A_537 = arith.constant 0.331548661 : f32
      %add3A_538 = vector.broadcast %add3A_537 : f32 to vector<16xf32>
      %add3A_539 = arith.addf %mul3A_536, %add3A_538 : vector<16xf32>
      %mul3A_540 = arith.mulf %add3A_539, %exp3A : vector<16xf32>
      %add3A_541 = arith.constant -0.499838561 : f32
      %add3A_542 = vector.broadcast %add3A_541 : f32 to vector<16xf32>
      %add3A_543 = arith.addf %mul3A_540, %add3A_542 : vector<16xf32>
      %mul3A_544 = arith.mulf %add3A_543, %exp3A : vector<16xf32>
      %add3A_545 = arith.constant 0.999994277 : f32
      %add3A_546 = vector.broadcast %add3A_545 : f32 to vector<16xf32>
      %add3A_547 = arith.addf %mul3A_544, %add3A_546 : vector<16xf32>
      %mul3A_548 = arith.mulf %add3A_547, %exp3A : vector<16xf32>
      %add3A_549 = arith.constant 3.38558834E-8 : f32
      %add3A_550 = vector.broadcast %add3A_549 : f32 to vector<16xf32>
      %add3A_551 = arith.addf %mul3A_548, %add3A_550 : vector<16xf32>
      %add3A_552 = arith.addf %sub3A, %add3A_551 : vector<16xf32>
      %add3A_553 = arith.addf %scan3A_501, %get3A_512 : vector<16xf32>
      %add3A_554 = arith.addf %scan3A_502, %add3A_552 : vector<16xf32>
      %mul3A_555 = arith.mulf %add3A_552, %get3A_512 : vector<16xf32>
      %add3A_556 = arith.addf %scan3A_503, %mul3A_555 : vector<16xf32>
      scf.yield %add3A_553, %add3A_554, %add3A_556 : vector<16xf32>, vector<16xf32>, vector<16xf32>
    }
    %scan3A_467 = arith.constant 8 : i32
    %swap3A_468 = arith.constant 368 : index
    %swap3A_469 = tpu.vector_load %arg7[%swap3A_468] {strides = array<i32>} : memref<1200xf32, #tpu.memory_space<vmem>>, vector<16xf32>,
    %swap3A_470 = vector.shape_cast %swap3A_469 : vector<16xf32> to vector<16xf32>
    %swap3A_471 = vector.shape_cast %scan3A_466#0 : vector<16xf32> to vector<16xf32>
    tpu.vector_store %arg7[%swap3A_468], %swap3A_471 {strides = array<i32>} : memref<1200xf32, #tpu.memory_space<vmem>>, vector<16xf32>,
    %swap3A_472 = arith.constant 768 : index
    %swap3A_473 = tpu.vector_load %arg7[%swap3A_472] {strides = array<i32>} : memref<1200xf32, #tpu.memory_space<vmem>>, vector<16xf32>,
    %swap3A_474 = vector.shape_cast %swap3A_473 : vector<16xf32> to vector<16xf32>
    %swap3A_475 = vector.shape_cast %scan3A_466#1 : vector<16xf32> to vector<16xf32>
    tpu.vector_store %arg7[%swap3A_472], %swap3A_475 {strides = array<i32>} : memref<1200xf32, #tpu.memory_space<vmem>>, vector<16xf32>,
    %swap3A_476 = arith.constant 1168 : index
    %swap3A_477 = tpu.vector_load %arg7[%swap3A_476] {strides = array<i32>} : memref<1200xf32, #tpu.memory_space<vmem>>, vector<16xf32>,
    %swap3A_478 = vector.shape_cast %swap3A_477 : vector<16xf32> to vector<16xf32>
    %swap3A_479 = vector.shape_cast %scan3A_466#2 : vector<16xf32> to vector<16xf32>
    tpu.vector_store %arg7[%swap3A_476], %swap3A_479 {strides = array<i32>} : memref<1200xf32, #tpu.memory_space<vmem>>, vector<16xf32>,
    %broadcast_in_dim3A_480 = arith.constant 0.000000e+00 : f32
    %broadcast_in_dim3A_481 = vector.broadcast %broadcast_in_dim3A_480 : f32 to vector<16xf32>
    %scan3A_482 = arith.constant 0 : i32
    %scan3A_483 = arith.constant 8 : i32
    %scan3A_484 = arith.addi %scan3A_482, %scan3A_483 : i32
    %scan3A_485 = arith.constant 1 : i32
    %scan3A_486:3 = scf.for %scan3A_500 = %scan3A_482 to %scan3A_484 step %scan3A_485 iter_args(%scan3A_501 = %broadcast_in_dim3A_481, %scan3A_502 = %broadcast_in_dim3A_481, %scan3A_503 = %broadcast_in_dim3A_481) -> (vector<16xf32>, vector<16xf32>, vector<16xf32>)  : i32 {
      %mul3A_504 = arith.constant 400 : i32
      %mul3A_505 = arith.muli %scan3A_500, %mul3A_504 : i32
      %add3A_506 = arith.constant 384 : i32
      %add3A_507 = arith.addi %mul3A_505, %add3A_506 : i32
      %get3A = arith.index_cast %add3A_507 : i32 to index
      %get3A_508 = tpu.vector_load %arg5[%get3A] {strides = array<i32>} : memref<3200xf32, #tpu.memory_space<vmem>>, vector<16xf32>,
      %get3A_509 = vector.shape_cast %get3A_508 : vector<16xf32> to vector<16xf32>
      %get3A_510 = arith.index_cast %add3A_507 : i32 to index
      %get3A_511 = tpu.vector_load %arg6[%get3A_510] {strides = array<i32>} : memref<3200xf32, #tpu.memory_space<vmem>>, vector<16xf32>,
      %get3A_512 = vector.shape_cast %get3A_511 : vector<16xf32> to vector<16xf32>
      %abs3A = math.absf %get3A_509 : vector<16xf32>
      %neg3A = arith.constant 0.000000e+00 : f32
      %neg3A_513 = vector.broadcast %neg3A : f32 to vector<16xf32>
      %neg3A_514 = arith.subf %neg3A_513, %abs3A : vector<16xf32>
      %exp3A = math.exp %neg3A_514 : vector<16xf32>
      %max3A = arith.constant 0.000000e+00 : f32
      %max3A_515 = vector.broadcast %max3A : f32 to vector<16xf32>
      %max3A_516 = arith.maximumf %get3A_509, %max3A_515 : vector<16xf32>
      %mul3A_517 = arith.mulf %get3A_509, %get3A_512 : vector<16xf32>
      %sub3A = arith.subf %max3A_516, %mul3A_517 : vector<16xf32>
      %broadcast_in_dim3A_518 = arith.constant -0.00615148572 : f32
      %broadcast_in_dim3A_519 = vector.broadcast %broadcast_in_dim3A_518 : f32 to vector<16xf32>
      %mul3A_520 = arith.mulf %broadcast_in_dim3A_519, %exp3A : vector<16xf32>
      %add3A_521 = arith.constant 0.0348497964 : f32
      %add3A_522 = vector.broadcast %add3A_521 : f32 to vector<16xf32>
      %add3A_523 = arith.addf %mul3A_520, %add3A_522 : vector<16xf32>
      %mul3A_524 = arith.mulf %add3A_523, %exp3A : vector<16xf32>
      %add3A_525 = arith.constant -0.0932522192 : f32
      %add3A_526 = vector.broadcast %add3A_525 : f32 to vector<16xf32>
      %add3A_527 = arith.addf %mul3A_524, %add3A_526 : vector<16xf32>
      %mul3A_528 = arith.mulf %add3A_527, %exp3A : vector<16xf32>
      %add3A_529 = arith.constant 0.165822953 : f32
      %add3A_530 = vector.broadcast %add3A_529 : f32 to vector<16xf32>
      %add3A_531 = arith.addf %mul3A_528, %add3A_530 : vector<16xf32>
      %mul3A_532 = arith.mulf %add3A_531, %exp3A : vector<16xf32>
      %add3A_533 = arith.constant -0.239826292 : f32
      %add3A_534 = vector.broadcast %add3A_533 : f32 to vector<16xf32>
      %add3A_535 = arith.addf %mul3A_532, %add3A_534 : vector<16xf32>
      %mul3A_536 = arith.mulf %add3A_535, %exp3A : vector<16xf32>
      %add3A_537 = arith.constant 0.331548661 : f32
      %add3A_538 = vector.broadcast %add3A_537 : f32 to vector<16xf32>
      %add3A_539 = arith.addf %mul3A_536, %add3A_538 : vector<16xf32>
      %mul3A_540 = arith.mulf %add3A_539, %exp3A : vector<16xf32>
      %add3A_541 = arith.constant -0.499838561 : f32
      %add3A_542 = vector.broadcast %add3A_541 : f32 to vector<16xf32>
      %add3A_543 = arith.addf %mul3A_540, %add3A_542 : vector<16xf32>
      %mul3A_544 = arith.mulf %add3A_543, %exp3A : vector<16xf32>
      %add3A_545 = arith.constant 0.999994277 : f32
      %add3A_546 = vector.broadcast %add3A_545 : f32 to vector<16xf32>
      %add3A_547 = arith.addf %mul3A_544, %add3A_546 : vector<16xf32>
      %mul3A_548 = arith.mulf %add3A_547, %exp3A : vector<16xf32>
      %add3A_549 = arith.constant 3.38558834E-8 : f32
      %add3A_550 = vector.broadcast %add3A_549 : f32 to vector<16xf32>
      %add3A_551 = arith.addf %mul3A_548, %add3A_550 : vector<16xf32>
      %add3A_552 = arith.addf %sub3A, %add3A_551 : vector<16xf32>
      %add3A_553 = arith.addf %scan3A_501, %get3A_512 : vector<16xf32>
      %add3A_554 = arith.addf %scan3A_502, %add3A_552 : vector<16xf32>
      %mul3A_555 = arith.mulf %add3A_552, %get3A_512 : vector<16xf32>
      %add3A_556 = arith.addf %scan3A_503, %mul3A_555 : vector<16xf32>
      scf.yield %add3A_553, %add3A_554, %add3A_556 : vector<16xf32>, vector<16xf32>, vector<16xf32>
    }
    %scan3A_487 = arith.constant 8 : i32
    %swap3A_488 = arith.constant 384 : index
    %swap3A_489 = tpu.vector_load %arg7[%swap3A_488] {strides = array<i32>} : memref<1200xf32, #tpu.memory_space<vmem>>, vector<16xf32>,
    %swap3A_490 = vector.shape_cast %swap3A_489 : vector<16xf32> to vector<16xf32>
    %swap3A_491 = vector.shape_cast %scan3A_486#0 : vector<16xf32> to vector<16xf32>
    tpu.vector_store %arg7[%swap3A_488], %swap3A_491 {strides = array<i32>} : memref<1200xf32, #tpu.memory_space<vmem>>, vector<16xf32>,
    %swap3A_492 = arith.constant 784 : index
    %swap3A_493 = tpu.vector_load %arg7[%swap3A_492] {strides = array<i32>} : memref<1200xf32, #tpu.memory_space<vmem>>, vector<16xf32>,
    %swap3A_494 = vector.shape_cast %swap3A_493 : vector<16xf32> to vector<16xf32>
    %swap3A_495 = vector.shape_cast %scan3A_486#1 : vector<16xf32> to vector<16xf32>
    tpu.vector_store %arg7[%swap3A_492], %swap3A_495 {strides = array<i32>} : memref<1200xf32, #tpu.memory_space<vmem>>, vector<16xf32>,
    %swap3A_496 = arith.constant 1184 : index
    %swap3A_497 = tpu.vector_load %arg7[%swap3A_496] {strides = array<i32>} : memref<1200xf32, #tpu.memory_space<vmem>>, vector<16xf32>,
    %swap3A_498 = vector.shape_cast %swap3A_497 : vector<16xf32> to vector<16xf32>
    %swap3A_499 = vector.shape_cast %scan3A_486#2 : vector<16xf32> to vector<16xf32>
    tpu.vector_store %arg7[%swap3A_496], %swap3A_499 {strides = array<i32>} : memref<1200xf32, #tpu.memory_space<vmem>>, vector<16xf32>,
    "tpu.region"() ({
      %run_scoped3A = tpu.sem_alloc : memref<!tpu.dma_semaphore, #tpu.memory_space<semaphore_mem>>
      %dma_start3A = arith.constant 0 : i32
      %dma_start3A_500 = tpu.memref_slice %arg4[%add3A, %dma_start3A] : memref<32x1200xf32, #tpu.memory_space<hbm>> -> memref<1x1200xf32, #tpu.memory_space<hbm>>
      %dma_start3A_501 = tpu.memref_squeeze %dma_start3A_500 : memref<1x1200xf32, #tpu.memory_space<hbm>> -> memref<1200xf32, #tpu.memory_space<hbm>>
      %dma_start3A_502 = arith.constant 0 : i32
      %dma_start3A_503 = tpu.memref_slice %arg4[%add3A, %dma_start3A_502] : memref<32x1200xf32, #tpu.memory_space<hbm>> -> memref<1x1200xf32, #tpu.memory_space<hbm>>
      %dma_start3A_504 = tpu.memref_squeeze %dma_start3A_503 : memref<1x1200xf32, #tpu.memory_space<hbm>> -> memref<1200xf32, #tpu.memory_space<hbm>>
      tpu.enqueue_dma source(%arg7 : memref<1200xf32, #tpu.memory_space<vmem>>) target(%dma_start3A_504 : memref<1200xf32, #tpu.memory_space<hbm>>) target_semaphore(%run_scoped3A : memref<!tpu.dma_semaphore, #tpu.memory_space<semaphore_mem>>)
      %dma_wait3A = arith.constant 0 : i32
      %dma_wait3A_505 = tpu.memref_slice %arg4[%add3A, %dma_wait3A] : memref<32x1200xf32, #tpu.memory_space<hbm>> -> memref<1x1200xf32, #tpu.memory_space<hbm>>
      %dma_wait3A_506 = tpu.memref_squeeze %dma_wait3A_505 : memref<1x1200xf32, #tpu.memory_space<hbm>> -> memref<1200xf32, #tpu.memory_space<hbm>>
      %dma_wait3A_507 = arith.constant 0 : i32
      %dma_wait3A_508 = tpu.memref_slice %arg4[%add3A, %dma_wait3A_507] : memref<32x1200xf32, #tpu.memory_space<hbm>> -> memref<1x1200xf32, #tpu.memory_space<hbm>>
      %dma_wait3A_509 = tpu.memref_squeeze %dma_wait3A_508 : memref<1x1200xf32, #tpu.memory_space<hbm>> -> memref<1200xf32, #tpu.memory_space<hbm>>
      tpu.wait_dma2 semaphore(%run_scoped3A : memref<!tpu.dma_semaphore, #tpu.memory_space<semaphore_mem>>) src(%arg7 : memref<1200xf32, #tpu.memory_space<vmem>>) dst(%dma_wait3A_509 : memref<1200xf32, #tpu.memory_space<hbm>>)
      tpu.yield
    }) : () -> ()
    return
  }
}

module attributes {stable_mosaic.version = 14 : i64} {
  func.func @_tc_stage1_body(%arg0: i32, %arg1: memref<100x1536xf32, #tpu.memory_space<vmem>>, %arg2: memref<100x1536xf32, #tpu.memory_space<vmem>>, %arg3: memref<100x3xf32, #tpu.memory_space<vmem>>) attributes {dimension_semantics = [#tpu.dimension_semantics<arbitrary>], iteration_bounds = array<i64: 10>, scalar_prefetch = 0 : i64, scratch_operands = 0 : i64, tpu.core_type = #tpu.core_type<tc>, window_params = [{transform_indices = @transform_0, window_bounds = array<i64: 100, 1536>}, {transform_indices = @transform_1, window_bounds = array<i64: 100, 1536>}, {pipeline_mode = #tpu.pipeline_mode<synchronous>, transform_indices = @transform_2, window_bounds = array<i64: 100, 3>}]} {
    %get3A = arith.constant 0 : index
    %get3A_0 = arith.constant 0 : index
    %get3A_1 = vector.load %arg1[%get3A, %get3A_0] : memref<100x1536xf32, #tpu.memory_space<vmem>>, vector<100x1536xf32>
    %get3A_2 = arith.constant 0 : index
    %get3A_3 = arith.constant 0 : index
    %get3A_4 = vector.load %arg2[%get3A_2, %get3A_3] : memref<100x1536xf32, #tpu.memory_space<vmem>>, vector<100x1536xf32>
    %max3A = arith.constant 0.000000e+00 : f32
    %max3A_5 = vector.broadcast %max3A : f32 to vector<100x1536xf32>
    %max3A_6 = arith.maximumf %get3A_1, %max3A_5 : vector<100x1536xf32>
    %mul3A = arith.mulf %get3A_1, %get3A_4 : vector<100x1536xf32>
    %sub3A = arith.subf %max3A_6, %mul3A : vector<100x1536xf32>
    %abs3A = math.absf %get3A_1 : vector<100x1536xf32>
    %neg3A = arith.constant 0.000000e+00 : f32
    %neg3A_7 = vector.broadcast %neg3A : f32 to vector<100x1536xf32>
    %neg3A_8 = arith.subf %neg3A_7, %abs3A : vector<100x1536xf32>
    %exp3A = math.exp %neg3A_8 : vector<100x1536xf32>
    %log1p3A = math.log1p %exp3A : vector<100x1536xf32>
    %add3A = arith.addf %sub3A, %log1p3A : vector<100x1536xf32>
    %reduce_sum3A = arith.constant dense<0.000000e+00> : vector<100xf32>
    %reduce_sum3A_9 = vector.multi_reduction <add>, %get3A_4, %reduce_sum3A [1] : vector<100x1536xf32> to vector<100xf32>
    %broadcast_in_dim3A = vector.shape_cast %reduce_sum3A_9 : vector<100xf32> to vector<100x1xf32>
    %reduce_sum3A_10 = arith.constant dense<0.000000e+00> : vector<100xf32>
    %reduce_sum3A_11 = vector.multi_reduction <add>, %add3A, %reduce_sum3A_10 [1] : vector<100x1536xf32> to vector<100xf32>
    %broadcast_in_dim3A_12 = vector.shape_cast %reduce_sum3A_11 : vector<100xf32> to vector<100x1xf32>
    %mul3A_13 = arith.mulf %add3A, %get3A_4 : vector<100x1536xf32>
    %reduce_sum3A_14 = arith.constant dense<0.000000e+00> : vector<100xf32>
    %reduce_sum3A_15 = vector.multi_reduction <add>, %mul3A_13, %reduce_sum3A_14 [1] : vector<100x1536xf32> to vector<100xf32>
    %broadcast_in_dim3A_16 = vector.shape_cast %reduce_sum3A_15 : vector<100xf32> to vector<100x1xf32>
    %concatenate3A = tpu.concatenate %broadcast_in_dim3A, %broadcast_in_dim3A_12, %broadcast_in_dim3A_16 in 1 : vector<100x1xf32>, vector<100x1xf32>, vector<100x1xf32> -> vector<100x3xf32>
    %eq3A = arith.constant 0 : i32
    %eq3A_17 = arith.cmpi eq, %arg0, %eq3A : i32
    %convert_element_type3A = arith.extui %eq3A_17 : i1 to i32
    %cond3A = arith.constant 0 : i32
    %cond3A_18 = arith.cmpi ne, %convert_element_type3A, %cond3A : i32
    scf.if %cond3A_18 {
      %swap3A = arith.constant 0 : index
      %swap3A_23 = arith.constant 0 : index
      %swap3A_24 = vector.load %arg3[%swap3A, %swap3A_23] : memref<100x3xf32, #tpu.memory_space<vmem>>, vector<100x3xf32>
      tpu.vector_store %arg3[%swap3A, %swap3A_23], %concatenate3A {strides = array<i32>} : memref<100x3xf32, #tpu.memory_space<vmem>>, vector<100x3xf32>,
    } else {
    }
    %ne3A = arith.constant 0 : i32
    %ne3A_19 = arith.cmpi ne, %arg0, %ne3A : i32
    %convert_element_type3A_20 = arith.extui %ne3A_19 : i1 to i32
    %cond3A_21 = arith.constant 0 : i32
    %cond3A_22 = arith.cmpi ne, %convert_element_type3A_20, %cond3A_21 : i32
    scf.if %cond3A_22 {
      %get3A_23 = arith.constant 0 : index
      %get3A_24 = arith.constant 0 : index
      %get3A_25 = vector.load %arg3[%get3A_23, %get3A_24] : memref<100x3xf32, #tpu.memory_space<vmem>>, vector<100x3xf32>
      %add3A_26 = arith.addf %get3A_25, %concatenate3A : vector<100x3xf32>
      %swap3A = arith.constant 0 : index
      %swap3A_27 = arith.constant 0 : index
      %swap3A_28 = vector.load %arg3[%swap3A, %swap3A_27] : memref<100x3xf32, #tpu.memory_space<vmem>>, vector<100x3xf32>
      tpu.vector_store %arg3[%swap3A, %swap3A_27], %add3A_26 {strides = array<i32>} : memref<100x3xf32, #tpu.memory_space<vmem>>, vector<100x3xf32>,
    } else {
    }
    return
  }
  func.func @transform_0(%arg0: i32) -> (i32, i32) {
    %c0_i32 = arith.constant 0 : i32
    %c0_i32_0 = arith.constant 0 : i32
    return %c0_i32, %arg0 : i32, i32
  }
  func.func @transform_1(%arg0: i32) -> (i32, i32) {
    %c0_i32 = arith.constant 0 : i32
    %c0_i32_0 = arith.constant 0 : i32
    return %c0_i32, %arg0 : i32, i32
  }
  func.func @transform_2(%arg0: i32) -> (i32, i32) {
    %c0_i32 = arith.constant 0 : i32
    %c0_i32_0 = arith.constant 0 : i32
    %c0_i32_1 = arith.constant 0 : i32
    return %c0_i32, %c0_i32_0 : i32, i32
  }
}

module attributes {stable_mosaic.version = 14 : i64} {
  func.func @_combine_body(%arg0: memref<3x100xf32, #tpu.memory_space<vmem>>, %arg1: memref<32x1200xf32, #tpu.memory_space<vmem>>, %arg2: memref<1x1xf32, #tpu.memory_space<smem>>) attributes {dimension_semantics = [], scalar_prefetch = 0 : i64, scratch_operands = 0 : i64, tpu.core_type = #tpu.core_type<tc>} {
    %get3A = arith.constant 0 : index
    %get3A_0 = arith.constant 0 : index
    %get3A_1 = vector.load %arg1[%get3A, %get3A_0] : memref<32x1200xf32, #tpu.memory_space<vmem>>, vector<32x1200xf32>
    %broadcast_in_dim3A = arith.constant 0.000000e+00 : f32
    %broadcast_in_dim3A_2 = vector.broadcast %broadcast_in_dim3A : f32 to vector<1x100xf32>
    %slice3A = vector.extract_strided_slice %get3A_1 {offsets = [0, 0], sizes = [32, 100], strides = [1, 1]} : vector<32x1200xf32> to vector<32x100xf32>
    %reduce_sum3A = arith.constant dense<0.000000e+00> : vector<100xf32>
    %reduce_sum3A_3 = vector.multi_reduction <add>, %slice3A, %reduce_sum3A [0] : vector<32x100xf32> to vector<100xf32>
    %broadcast_in_dim3A_4 = vector.shape_cast %reduce_sum3A_3 : vector<100xf32> to vector<1x100xf32>
    %add3A = arith.addf %broadcast_in_dim3A_2, %broadcast_in_dim3A_4 : vector<1x100xf32>
    %slice3A_5 = vector.extract_strided_slice %get3A_1 {offsets = [0, 100], sizes = [32, 100], strides = [1, 1]} : vector<32x1200xf32> to vector<32x100xf32>
    %reduce_sum3A_6 = arith.constant dense<0.000000e+00> : vector<100xf32>
    %reduce_sum3A_7 = vector.multi_reduction <add>, %slice3A_5, %reduce_sum3A_6 [0] : vector<32x100xf32> to vector<100xf32>
    %broadcast_in_dim3A_8 = vector.shape_cast %reduce_sum3A_7 : vector<100xf32> to vector<1x100xf32>
    %add3A_9 = arith.addf %add3A, %broadcast_in_dim3A_8 : vector<1x100xf32>
    %slice3A_10 = vector.extract_strided_slice %get3A_1 {offsets = [0, 200], sizes = [32, 100], strides = [1, 1]} : vector<32x1200xf32> to vector<32x100xf32>
    %reduce_sum3A_11 = arith.constant dense<0.000000e+00> : vector<100xf32>
    %reduce_sum3A_12 = vector.multi_reduction <add>, %slice3A_10, %reduce_sum3A_11 [0] : vector<32x100xf32> to vector<100xf32>
    %broadcast_in_dim3A_13 = vector.shape_cast %reduce_sum3A_12 : vector<100xf32> to vector<1x100xf32>
    %add3A_14 = arith.addf %add3A_9, %broadcast_in_dim3A_13 : vector<1x100xf32>
    %slice3A_15 = vector.extract_strided_slice %get3A_1 {offsets = [0, 300], sizes = [32, 100], strides = [1, 1]} : vector<32x1200xf32> to vector<32x100xf32>
    %reduce_sum3A_16 = arith.constant dense<0.000000e+00> : vector<100xf32>
    %reduce_sum3A_17 = vector.multi_reduction <add>, %slice3A_15, %reduce_sum3A_16 [0] : vector<32x100xf32> to vector<100xf32>
    %broadcast_in_dim3A_18 = vector.shape_cast %reduce_sum3A_17 : vector<100xf32> to vector<1x100xf32>
    %add3A_19 = arith.addf %add3A_14, %broadcast_in_dim3A_18 : vector<1x100xf32>
    %broadcast_in_dim3A_20 = arith.constant 0.000000e+00 : f32
    %broadcast_in_dim3A_21 = vector.broadcast %broadcast_in_dim3A_20 : f32 to vector<1x100xf32>
    %slice3A_22 = vector.extract_strided_slice %get3A_1 {offsets = [0, 400], sizes = [32, 100], strides = [1, 1]} : vector<32x1200xf32> to vector<32x100xf32>
    %reduce_sum3A_23 = arith.constant dense<0.000000e+00> : vector<100xf32>
    %reduce_sum3A_24 = vector.multi_reduction <add>, %slice3A_22, %reduce_sum3A_23 [0] : vector<32x100xf32> to vector<100xf32>
    %broadcast_in_dim3A_25 = vector.shape_cast %reduce_sum3A_24 : vector<100xf32> to vector<1x100xf32>
    %add3A_26 = arith.addf %broadcast_in_dim3A_21, %broadcast_in_dim3A_25 : vector<1x100xf32>
    %slice3A_27 = vector.extract_strided_slice %get3A_1 {offsets = [0, 500], sizes = [32, 100], strides = [1, 1]} : vector<32x1200xf32> to vector<32x100xf32>
    %reduce_sum3A_28 = arith.constant dense<0.000000e+00> : vector<100xf32>
    %reduce_sum3A_29 = vector.multi_reduction <add>, %slice3A_27, %reduce_sum3A_28 [0] : vector<32x100xf32> to vector<100xf32>
    %broadcast_in_dim3A_30 = vector.shape_cast %reduce_sum3A_29 : vector<100xf32> to vector<1x100xf32>
    %add3A_31 = arith.addf %add3A_26, %broadcast_in_dim3A_30 : vector<1x100xf32>
    %slice3A_32 = vector.extract_strided_slice %get3A_1 {offsets = [0, 600], sizes = [32, 100], strides = [1, 1]} : vector<32x1200xf32> to vector<32x100xf32>
    %reduce_sum3A_33 = arith.constant dense<0.000000e+00> : vector<100xf32>
    %reduce_sum3A_34 = vector.multi_reduction <add>, %slice3A_32, %reduce_sum3A_33 [0] : vector<32x100xf32> to vector<100xf32>
    %broadcast_in_dim3A_35 = vector.shape_cast %reduce_sum3A_34 : vector<100xf32> to vector<1x100xf32>
    %add3A_36 = arith.addf %add3A_31, %broadcast_in_dim3A_35 : vector<1x100xf32>
    %slice3A_37 = vector.extract_strided_slice %get3A_1 {offsets = [0, 700], sizes = [32, 100], strides = [1, 1]} : vector<32x1200xf32> to vector<32x100xf32>
    %reduce_sum3A_38 = arith.constant dense<0.000000e+00> : vector<100xf32>
    %reduce_sum3A_39 = vector.multi_reduction <add>, %slice3A_37, %reduce_sum3A_38 [0] : vector<32x100xf32> to vector<100xf32>
    %broadcast_in_dim3A_40 = vector.shape_cast %reduce_sum3A_39 : vector<100xf32> to vector<1x100xf32>
    %add3A_41 = arith.addf %add3A_36, %broadcast_in_dim3A_40 : vector<1x100xf32>
    %broadcast_in_dim3A_42 = arith.constant 0.000000e+00 : f32
    %broadcast_in_dim3A_43 = vector.broadcast %broadcast_in_dim3A_42 : f32 to vector<1x100xf32>
    %slice3A_44 = vector.extract_strided_slice %get3A_1 {offsets = [0, 800], sizes = [32, 100], strides = [1, 1]} : vector<32x1200xf32> to vector<32x100xf32>
    %reduce_sum3A_45 = arith.constant dense<0.000000e+00> : vector<100xf32>
    %reduce_sum3A_46 = vector.multi_reduction <add>, %slice3A_44, %reduce_sum3A_45 [0] : vector<32x100xf32> to vector<100xf32>
    %broadcast_in_dim3A_47 = vector.shape_cast %reduce_sum3A_46 : vector<100xf32> to vector<1x100xf32>
    %add3A_48 = arith.addf %broadcast_in_dim3A_43, %broadcast_in_dim3A_47 : vector<1x100xf32>
    %slice3A_49 = vector.extract_strided_slice %get3A_1 {offsets = [0, 900], sizes = [32, 100], strides = [1, 1]} : vector<32x1200xf32> to vector<32x100xf32>
    %reduce_sum3A_50 = arith.constant dense<0.000000e+00> : vector<100xf32>
    %reduce_sum3A_51 = vector.multi_reduction <add>, %slice3A_49, %reduce_sum3A_50 [0] : vector<32x100xf32> to vector<100xf32>
    %broadcast_in_dim3A_52 = vector.shape_cast %reduce_sum3A_51 : vector<100xf32> to vector<1x100xf32>
    %add3A_53 = arith.addf %add3A_48, %broadcast_in_dim3A_52 : vector<1x100xf32>
    %slice3A_54 = vector.extract_strided_slice %get3A_1 {offsets = [0, 1000], sizes = [32, 100], strides = [1, 1]} : vector<32x1200xf32> to vector<32x100xf32>
    %reduce_sum3A_55 = arith.constant dense<0.000000e+00> : vector<100xf32>
    %reduce_sum3A_56 = vector.multi_reduction <add>, %slice3A_54, %reduce_sum3A_55 [0] : vector<32x100xf32> to vector<100xf32>
    %broadcast_in_dim3A_57 = vector.shape_cast %reduce_sum3A_56 : vector<100xf32> to vector<1x100xf32>
    %add3A_58 = arith.addf %add3A_53, %broadcast_in_dim3A_57 : vector<1x100xf32>
    %slice3A_59 = vector.extract_strided_slice %get3A_1 {offsets = [0, 1100], sizes = [32, 100], strides = [1, 1]} : vector<32x1200xf32> to vector<32x100xf32>
    %reduce_sum3A_60 = arith.constant dense<0.000000e+00> : vector<100xf32>
    %reduce_sum3A_61 = vector.multi_reduction <add>, %slice3A_59, %reduce_sum3A_60 [0] : vector<32x100xf32> to vector<100xf32>
    %broadcast_in_dim3A_62 = vector.shape_cast %reduce_sum3A_61 : vector<100xf32> to vector<1x100xf32>
    %add3A_63 = arith.addf %add3A_58, %broadcast_in_dim3A_62 : vector<1x100xf32>
    %get3A_64 = arith.constant 0 : index
    %get3A_65 = arith.constant 0 : index
    %get3A_66 = vector.load %arg0[%get3A_64, %get3A_65] : memref<3x100xf32, #tpu.memory_space<vmem>>, vector<1x100xf32>
    %add3A_67 = arith.addf %get3A_66, %add3A_19 : vector<1x100xf32>
    %get3A_68 = arith.constant 1 : index
    %get3A_69 = arith.constant 0 : index
    %get3A_70 = vector.load %arg0[%get3A_68, %get3A_69] : memref<3x100xf32, #tpu.memory_space<vmem>>, vector<1x100xf32>
    %add3A_71 = arith.addf %get3A_70, %add3A_41 : vector<1x100xf32>
    %get3A_72 = arith.constant 2 : index
    %get3A_73 = arith.constant 0 : index
    %get3A_74 = vector.load %arg0[%get3A_72, %get3A_73] : memref<3x100xf32, #tpu.memory_space<vmem>>, vector<1x100xf32>
    %add3A_75 = arith.addf %get3A_74, %add3A_63 : vector<1x100xf32>
    %sub3A = arith.subf %add3A_71, %add3A_75 : vector<1x100xf32>
    %mul3A = arith.constant 3.000000e-01 : f32
    %mul3A_76 = arith.constant 1.638400e+04 : f32
    %mul3A_77 = arith.mulf %mul3A, %mul3A_76 : f32
    %sub3A_78 = arith.constant 1.638400e+04 : f32
    %sub3A_79 = vector.broadcast %sub3A_78 : f32 to vector<1x100xf32>
    %sub3A_80 = arith.subf %sub3A_79, %add3A_67 : vector<1x100xf32>
    %ge3A = vector.broadcast %mul3A_77 : f32 to vector<1x100xf32>
    %ge3A_81 = arith.cmpf oge, %add3A_67, %ge3A : vector<1x100xf32>
    %gt3A = vector.broadcast %mul3A_77 : f32 to vector<1x100xf32>
    %gt3A_82 = arith.cmpf ogt, %sub3A_80, %gt3A : vector<1x100xf32>
    %sub3A_83 = arith.constant 1.638400e+04 : f32
    %sub3A_84 = arith.subf %sub3A_83, %mul3A_77 : f32
    %max3A = arith.constant 1.000000e+00 : f32
    %max3A_85 = vector.broadcast %max3A : f32 to vector<1x100xf32>
    %max3A_86 = arith.maximumf %add3A_67, %max3A_85 : vector<1x100xf32>
    %div3A = vector.broadcast %sub3A_84 : f32 to vector<1x100xf32>
    %div3A_87 = arith.divf %div3A, %max3A_86 : vector<1x100xf32>
    %sub3A_88 = arith.constant 1.638400e+04 : f32
    %sub3A_89 = arith.subf %sub3A_88, %mul3A_77 : f32
    %max3A_90 = arith.constant 1.000000e+00 : f32
    %max3A_91 = vector.broadcast %max3A_90 : f32 to vector<1x100xf32>
    %max3A_92 = arith.maximumf %sub3A_80, %max3A_91 : vector<1x100xf32>
    %div3A_93 = vector.broadcast %sub3A_89 : f32 to vector<1x100xf32>
    %div3A_94 = arith.divf %div3A_93, %max3A_92 : vector<1x100xf32>
    %gt3A_95 = arith.constant 0.000000e+00 : f32
    %gt3A_96 = vector.broadcast %gt3A_95 : f32 to vector<1x100xf32>
    %gt3A_97 = arith.cmpf ogt, %add3A_67, %gt3A_96 : vector<1x100xf32>
    %and3A = arith.andi %gt3A_82, %gt3A_97 : vector<1x100xi1>
    %jit3A = arith.constant 1.000000e+00 : f32
    %broadcast_in_dim3A_98 = vector.broadcast %jit3A : f32 to vector<1x100xf32>
    %select_n3A = arith.select %and3A, %div3A_87, %broadcast_in_dim3A_98 : vector<1x100xi1>, vector<1x100xf32>
    %jit3A_99 = arith.constant 0.000000e+00 : f32
    %broadcast_in_dim3A_100 = vector.broadcast %jit3A_99 : f32 to vector<1x100xf32>
    %select_n3A_101 = arith.select %ge3A_81, %broadcast_in_dim3A_100, %select_n3A : vector<1x100xi1>, vector<1x100xf32>
    %not3A = arith.constant dense<true> : vector<1x100xi1>
    %not3A_102 = arith.xori %ge3A_81, %not3A : vector<1x100xi1>
    %gt3A_103 = arith.constant 0.000000e+00 : f32
    %gt3A_104 = vector.broadcast %gt3A_103 : f32 to vector<1x100xf32>
    %gt3A_105 = arith.cmpf ogt, %sub3A_80, %gt3A_104 : vector<1x100xf32>
    %jit3A_106 = arith.constant 1.000000e+00 : f32
    %broadcast_in_dim3A_107 = vector.broadcast %jit3A_106 : f32 to vector<1x100xf32>
    %select_n3A_108 = arith.select %gt3A_105, %div3A_94, %broadcast_in_dim3A_107 : vector<1x100xi1>, vector<1x100xf32>
    %jit3A_109 = arith.constant 1.000000e+00 : f32
    %broadcast_in_dim3A_110 = vector.broadcast %jit3A_109 : f32 to vector<1x100xf32>
    %select_n3A_111 = arith.select %gt3A_82, %broadcast_in_dim3A_110, %select_n3A_108 : vector<1x100xi1>, vector<1x100xf32>
    %jit3A_112 = arith.constant 0.000000e+00 : f32
    %broadcast_in_dim3A_113 = vector.broadcast %jit3A_112 : f32 to vector<1x100xf32>
    %select_n3A_114 = arith.select %not3A_102, %broadcast_in_dim3A_113, %select_n3A_111 : vector<1x100xi1>, vector<1x100xf32>
    %mul3A_115 = arith.mulf %select_n3A_101, %add3A_75 : vector<1x100xf32>
    %mul3A_116 = arith.mulf %select_n3A_114, %sub3A : vector<1x100xf32>
    %add3A_117 = arith.addf %mul3A_115, %mul3A_116 : vector<1x100xf32>
    %reduce_sum3A_118 = vector.shape_cast %add3A_117 : vector<1x100xf32> to vector<1x1x100xf32>
    %reduce_sum3A_119 = arith.constant dense<0.000000e+00> : vector<1xf32>
    %reduce_sum3A_120 = vector.multi_reduction <add>, %reduce_sum3A_118, %reduce_sum3A_119 [1, 2] : vector<1x1x100xf32> to vector<1xf32>
    %reduce_sum3A_121 = vector.shape_cast %reduce_sum3A_120 : vector<1xf32> to vector<1x1x1xf32>
    %reduce_sum3A_122 = vector.extract %reduce_sum3A_121[0, 0, 0] : f32 from vector<1x1x1xf32>
    %div3A_123 = arith.constant 1.638400e+06 : f32
    %div3A_124 = arith.divf %reduce_sum3A_122, %div3A_123 : f32
    %swap3A = arith.constant 0 : index
    %swap3A_125 = arith.constant 0 : index
    %swap3A_126 = memref.load %arg2[%swap3A, %swap3A_125] : memref<1x1xf32, #tpu.memory_space<smem>>
    memref.store %div3A_124, %arg2[%swap3A, %swap3A_125] : memref<1x1xf32, #tpu.memory_space<smem>>
    return
  }
}

</mosaic_0001>

<sc_bundles>
// kernel: kernel.5.cloned.1.call-start
scs
__scs_entry_jumppad:
0x0: {  	(pc) =	sbr.rel $0x88, $3  }
0x1: {  	(tag) =	ssettag $0x0;
	lr =	simm.s32 $0x1  }
0x2: {  	[smem:$0x3F9F] =	sst lr;
	_ =	strace $0xD0000000  }
0x3: {  	_ = 	snop  }
0x4: {  	_ = 	snop  }
0x5: {  	_ = 	snop  }
0x6: {  	_ = 	snop  }
0x7: {  	_ = 	snop  }
__scs_overlays_trampoline_lowered:
0x8: {  	[smem:$0x3FAE] =	sst s0  }
0x9: {  	[smem:$0x3FAF] =	sst s1  }
0xa: {  	[smem:$0x3FB0] =	sst s2  }
0xb: {  	[smem:$0x3FB1] =	sst s3  }
0xc: {  	[smem:$0x3FB2] =	sst s4  }
0xd: {  	[smem:$0x3FB3] =	sst s5  }
0xe: {  	[smem:$0x3FB4] =	sst s6  }
0xf: {  	[smem:$0x3FB5] =	sst s7  }
0x10: {  	[smem:$0x3FB6] =	sst s8  }
0x11: {  	[smem:$0x3FB7] =	sst s9;
	s0 =	simm.s32 @!p0 $0x0  }
0x12: {  	s1 =	sld [smem:$0x3F9D];
	s0 =	simm.s32 @p0 $0x1  }
0x13: {  	[smem:$0x3FB8] =	sst s0;
	s0 =	simm.s32 @!p1 $0x0  }
0x14: {  	s2 =	sld [smem:$0x3F9C];
	s0 =	simm.s32 @p1 $0x1  }
0x15: {  	[smem:$0x3FB9] =	sst s0;
	s0 =	simm.s32 @!p2 $0x0  }
0x16: {  	s3 =	sld [smem:$0x3FDB];
	s0 =	simm.s32 @p2 $0x1  }
0x17: {  	s4 =	simm.s32 $0x1BF5;
	[smem:$0x3FBB] =	sst s0  }
0x18: {  	s0 =	sld [smem:$0x3F9E];
	_ =	swait.ge [sflag:s4], $0x0  }
0x19: {  	s7 =	sld [smem:$0x3F9F]  }
0x1a: {  	s8 =	sadd.s32 $0xFFFFE003, lr  }
0x1b: {  	s9 =	sadd.s32 $0xFFFFFEF7, lr;
	s5 =	simm.s32 $0xFFFFFFFF;
	p2 =	slt.u32 s8, $0xFFFFF086  }
0x1c: {  	p1 =	slt.u32 s9, $0xF7A;
	s5 =	simm.s32 @!p2 $0x0  }
0x1d: {  	s5 =	simm.s32 @p1 $0x1;
	p0 =	seq.s32 s7, s2  }
0x1e: {  	s7 =	smul.u32 @!p0 $0xF7A, s2;
	p2 =	seq.s32 @!p0 s5, $0x0  }
0x1f: {  	s9 =	smul.u32 $0xF7A, s1;
	s8 =	simm.s32 @!p0 $0x1BF5;
	p2 =	por !p2, p0  }
0x20: {  	[sflag:s8] =	ssyncset.s32 @!p0 $0xFFFFF086;
	s6 =	sadd.s32 @!p0 s3, s7;
	s7 =	simm.s32 @!p0 $0x108  }
0x21: {  	s3 =	sadd.s32 s3, s9;
	s6 =	sadd.s32 @!p0 $0x88, s6;
	s7 =	simm.s32 @p2 $0x1082  }
0x22: {  	[simem:s7], [sflag:s8] =	dma.local @!p0 [hbm:s6], $0xF7A  }
0x23: {  	s9 =	sor.u32 $0xD0000000, s2;
	s6 =	simm.s32 $0x108;
	_ =	swait.ge @!p0 [sflag:s8], $0x0  }
0x24: {  	s3 =	sadd.s32 $0x88, s3;
	s6 =	simm.s32 @!p1 $0x1082;
	[sflag:s4] =	ssyncset.s32 $0xFFFFF086  }
0x25: {  	[simem:s6], [sflag:s4] =	dma.local [hbm:s3], $0xF7A  }
0x26: {  	[smem:$0x3F9F] =	sst s1;
	(tag) =	ssettag s2;
	_ =	strace s9  }
0x27: {  	s1 =	sld [smem:$0x3FAF]  }
0x28: {  	s2 =	sld [smem:$0x3FB0]  }
0x29: {  	s4 =	sld [smem:$0x3FB2]  }
0x2a: {  	p0 =	seq.s32 s5, $0x0;
	s5 =	sld [smem:$0x3FB3]  }
0x2b: {  	s6 =	sld [smem:$0x3FB4]  }
0x2c: {  	s7 =	sld [smem:$0x3FB5]  }
0x2d: {  	s3 =	simm.s32 $0x108;
	s8 =	sld [smem:$0x3FB6]  }
0x2e: {  	s3 =	simm.s32 @!p0 $0x1082;
	s9 =	sld [smem:$0x3FB7]  }
0x2f: {  	lr =	sadd.s32 s0, s3;
	s0 =	sld [smem:$0x3FAE]  }
0x30: {  	s3 =	sld [smem:$0x3FB1]  }
0x31: {  	[smem:$0x3FBA] =	sst s10  }
0x32: {  	s10 =	sld [smem:$0x3FB8];
	_ =	sdelay $0x3  }
0x33: {  	p0 =	seq.s32 s10, $0x1;
	s10 =	sld [smem:$0x3FBA];
	_ =	sdelay $0x3  }
0x34: {  	[smem:$0x3FBA] =	sst s10  }
0x35: {  	s10 =	sld [smem:$0x3FB9];
	_ =	sdelay $0x3  }
0x36: {  	p1 =	seq.s32 s10, $0x1;
	s10 =	sld [smem:$0x3FBA];
	_ =	sdelay $0x3  }
0x37: {  	[smem:$0x3FBA] =	sst s10  }
0x38: {  	s10 =	sld [smem:$0x3FBB]  }
0x39: {  	_ = 	snop;
	(pc) =	sbr.ind lr, $3  }
0x3a: {  	_ = 	snop  }
0x3b: {  	_ = 	snop  }
0x3c: {  	p2 =	seq.s32 s10, $0x1;
	s10 =	sld [smem:$0x3FBA]  }
0x3d: {  	_ =	shalt  }
0x3e: {  	_ =	shalt  }
0x3f: {  	_ =	shalt  }
0x40: {  	_ =	shalt  }
0x41: {  	_ =	shalt  }
0x42: {  	_ =	shalt  }
0x43: {  	_ =	shalt  }
0x44: {  	_ =	shalt  }
0x45: {  	_ =	shalt  }
0x46: {  	_ =	shalt  }
0x47: {  	_ =	shalt  }
0x48: {  	_ =	shalt  }
0x49: {  	_ =	shalt  }
0x4a: {  	_ =	shalt  }
0x4b: {  	_ =	shalt  }
0x4c: {  	_ =	shalt  }
0x4d: {  	_ =	shalt  }
0x4e: {  	_ =	shalt  }
0x4f: {  	_ =	shalt  }
0x50: {  	_ =	shalt  }
0x51: {  	_ =	shalt  }
0x52: {  	_ =	shalt  }
0x53: {  	_ =	shalt  }
0x54: {  	_ =	shalt  }
0x55: {  	_ =	shalt  }
0x56: {  	_ =	shalt  }
0x57: {  	_ =	shalt  }
0x58: {  	_ =	shalt  }
0x59: {  	_ =	shalt  }
0x5a: {  	_ =	shalt  }
0x5b: {  	_ =	shalt  }
0x5c: {  	_ =	shalt  }
0x5d: {  	_ =	shalt  }
0x5e: {  	_ =	shalt  }
0x5f: {  	_ =	shalt  }
0x60: {  	_ =	shalt  }
0x61: {  	_ =	shalt  }
0x62: {  	_ =	shalt  }
0x63: {  	_ =	shalt  }
0x64: {  	_ =	shalt  }
0x65: {  	_ =	shalt  }
0x66: {  	_ =	shalt  }
0x67: {  	_ =	shalt  }
0x68: {  	_ =	shalt  }
0x69: {  	_ =	shalt  }
0x6a: {  	_ =	shalt  }
0x6b: {  	_ =	shalt  }
0x6c: {  	_ =	shalt  }
0x6d: {  	_ =	shalt  }
0x6e: {  	_ =	shalt  }
0x6f: {  	_ =	shalt  }
0x70: {  	_ =	shalt  }
0x71: {  	_ =	shalt  }
0x72: {  	_ =	shalt  }
0x73: {  	_ =	shalt  }
0x74: {  	_ =	shalt  }
0x75: {  	_ =	shalt  }
0x76: {  	_ =	shalt  }
0x77: {  	_ =	shalt  }
0x78: {  	_ =	shalt  }
0x79: {  	_ =	shalt  }
0x7a: {  	_ =	shalt  }
0x7b: {  	_ =	shalt  }
0x7c: {  	_ =	shalt  }
0x7d: {  	_ =	shalt  }
0x7e: {  	_ =	shalt  }
0x7f: {  	_ =	shalt  }
0x80: {  	_ =	shalt  }
0x81: {  	_ =	shalt  }
0x82: {  	_ =	shalt  }
0x83: {  	_ =	shalt  }
0x84: {  	_ =	shalt  }
0x85: {  	_ =	shalt  }
0x86: {  	_ =	shalt  }
0x87: {  	_ =	shalt  }
.Lfunc_end0:
.L_simem_size_0:
called_computation_lowered:
.L_overlay_start_0:
0x88: {  	s2 =	sld [smem:$0x3FD9]  }
0x89: {  	s3 =	sld [smem:$0x3FFE];
	_ =	sdelay $0x1  }
0x8a: {  	s1 =	srdreg.scid  }
0x8b: {  	s0 =	sand.u32 $0x1, s1  }
0x8c: {  	s16 =	sshll.u32 s0, $0xA;
	s2 =	sadd.s32 s3, s2  }
0x8d: {  	s2 =	sadd.s32 s2, s16  }
0x8e: {  	[smem:$0x3FC6] =	sst s2  }
0x8f: {  	_ = 	snop  }
0x90: {  	(tm) =	ssettm $0x1  }
0x91: {  	s17 =	sld [smem:$0x3FFB];
	_ =	sdelay $0x3  }
0x92: {  	_ =	strace s17  }
0x93: {  	s2 =	sld [smem:$0x3FFC];
	_ =	sdelay $0x3  }
0x94: {  	_ =	strace s2  }
0x95: {  	s2 =	sld [smem:$0x3FFD];
	_ =	sdelay $0x3  }
0x96: {  	_ =	strace s2  }
0x97: {  	_ =	strace $0x8FFFFFFF  }
0x98: {  	s18 =	sld [smem:$0x3FDB];
	_ =	sdelay $0x1  }
0x99: {  	s19 =	simm.s32 $_scs_section_size  }
0x9a: {  	s4 =	simm.s32 $_size__tile_overlayer_lowered;
	s5 =	simm.s32 $_tile_overlayer_lowered  }
0x9b: {  	s22 =	simm.s32 $0x1BFF;
	s21 =	sshll.u32 s5, $0x1;
	s2 =	sadd.s32 s19, s18  }
0x9c: {  	s6 =	simm.s32 $0x0;
	s20 =	sshll.u32 s4, $0x1;
	s4 =	sadd.s32 s21, s2  }
0x9d: {  	[timem:s6], [sflag:s22] =	dma.local [hbm:s4], s20  }
0x9e: {  	_ =	swait.ge [sflag:s22], s20  }
0x9f: {  	s3 =	ssub.s32 $0x0, s20;
	[sflag:s22] =	ssyncset.done $0x0  }
0xa0: {  	[sflag:s22] =	ssyncadd.s32 s3;
	_ =	sdelay $0x1  }
0xa1: {  	s23 =	simm.s32 $0x1B8B  }
0xa2: {  	_ =	swait.ge [sflag:s23], $0x1  }
0xa3: {  	[sflag:s23] =	ssyncset.done $0x0  }
0xa4: {  	s25 =	simm.s32 $0x1B8E;
	s24 =	sld [smem:$0x3FFE];
	[sflag:s23] =	ssyncadd.s32 $0xFFFFFFFF  }
0xa5: {  	s26 =	simm.s32 $execute0_lowered;
	[smem:$0x3FD2] =	sst s25  }
0xa6: {  	s4 =	sshll.u32 s26, $0x1;
	_ =	strace $0x80000046;
	[dreg:$0x1] =	wrdreg $0xFFFFFFFF  }
0xa7: {  	s28 =	simm.s32 $_size_execute0_lowered;
	s2 =	sadd.s32 s2, s4;
	[dreg:$0x0] =	wrdreg $0x0  }
0xa8: {  	s4 =	sshll.u32 s28, $0x1;
	[dreg:$0x2] =	wrdreg s2  }
0xa9: {  	[dreg:$0x3] =	wrdreg s4  }
0xaa: {  	[dreg:$0x4] =	wrdreg $0xC0  }
0xab: {  	_ =	task [dreg:s6], $0x5FFFF  }
0xac: {  	[dreg:$0x1] =	wrdreg $0xFFFFFFFF  }
0xad: {  	[dreg:$0x0] =	wrdreg $0x60  }
0xae: {  	[dreg:$0x2] =	wrdreg s24  }
0xaf: {  	[dreg:$0x3] =	wrdreg $0x9  }
0xb0: {  	_ =	task.clear_ibuf [dreg:s6], $0x4FFFF;
	_ =	strace $0x90000046  }
0xb1: {  	s29 =	simm.s32 $0x9;
	_ =	strace $0x80000048  }
0xb2: {  	_ =	swait.ge [sflag:s29], $0x1  }
0xb3: {  	[sflag:s29] =	ssyncadd.s32 $0xFFFFFFFF  }
0xb4: {  	_ =	strace $0x90000048  }
0xb5: {  	_ =	sfence  }
0xb6: {  	s30 =	sld [smem:$0x0];
	_ =	sdelay $0x2  }
0xb7: {  	s31 =	sshll.u32 s1, $0xD;
	s1 =	sshrl.u32 s1, $0x2  }
0xb8: {  	s3 =	sand.u32 $0x4000, s31;
	s1 =	sadd.s32 s1, s30  }
0xb9: {  	s0 =	sor.u32 s3, s0;
	s1 =	sshll.u32 s1, $0x11  }
0xba: {  	s0 =	sor.u32 s1, s0  }
0xbb: {  	s0 =	sadd.s32 $0x8F2B, s0  }
0xbc: {  	[sflag:s0] =	ssyncadd.remote.s32 $0x1  }
0xbd: {  	_ =	sfence.sel $0xFFFF  }
0xbe: {  	[dreg:$0x0] =	wrdreg $0xFFFFFFFF;
	(pc) =	sbr.abs _section_cstart, $3  }
0xbf: {  	[dreg:$0x1] =	wrdreg $0xFFFFFFFF  }
0xc0: {  	_ =	task.clear_ibuf [dreg:s6], $0x2FFFF;
	_ =	strace $0x9FFFFFFF  }
0xc1: {  	(tm) =	ssettm $0x7FFFFFFF  }
tec
execute0_lowered:
.L_overlay_start_1:
0x0: {  	(tag) =	ssettag $0x1  }
0x1: {  	s1 =	srdreg.scid;
	s0 =	stileid.u32  }
0x2: {  	s3 =	rddreg [dreg:$0x0];
	s8 =	simm.s32 $0xC80;
	s9 =	simm.s32 $0x80  }
0x3: {  	s10 =	simm.s32 $0x400;
	s11 =	simm.s32 $0x1900;
	s12 =	simm.s32 $0x0  }
0x4: {  	s4 =	sand.u32 $0x1, s1;
	s2 =	sshll.u32 s0, $0x1;
	s1 =	rddreg [dreg:$0x1]  }
0x5: {  	s6 =	sshrl.u32 s0, $0x2;
	s5 =	sor.u32 s4, s2;
	s2 =	simm.s32 $0x0  }
0x6: {  	s6 =	smul.u32 $0x2800, s6;
	s4 =	ssub.s32 $0x2, s4;
	s7 =	sshll.u32 s5, $0x7  }
0x7: {  	[smem:$0x7FF] =	sst s2;
	s5 =	smul.u32 $0x190, s5;
	s7 =	sand.u32 $0x380, s7  }
0x8: {  	s31 =	sshrl.u32 s4, $0x1;
	_ =	strace $0x80000047;
	s6 =	sor.u32 s6, s7  }
0x9: {  	s5 =	sadd.s32 s5, s3;
	s7 =	ssub.s32 s4, s31;
	s6 =	sshrl.u32 s6, $0x3  }
0xa: {  	s4 =	sadd.s32 $0x3C00, s5;
	s6 =	sadd.s32 s6, s3;
	s3 =	sadd.s32 $0xA00, s5  }
0xb: {  	s5 =	sadd.s32 $0x6E00, s6;
	s6 =	smax.u32 s7, $0x1;
	s7 =	simm.s32 $0x1  }
.LBB2_1:
0xc: {  	[tilespmem:s2], [sflag:$0x1] =	stream.linear.gather [hbm4b:s3+s2], $0xC80, $0x38;
	[tilespmem:$0x1E00] =	vst v63  }
0xd: {  	_ =	swait.ge [sflag:s7], $0xC80  }
0xe: {  	[sflag:s7] =	ssyncset.done $0x0  }
0xf: {  	[sflag:s7] =	ssyncadd.s32 $0xFFFFF380  }
0x10: {  	[tilespmem:s8], [sflag:$0x1] =	stream.linear.gather [hbm4b:s4+s2], $0xC80, $0x38;
	[tilespmem:$0x1E00] =	vst v63  }
0x11: {  	_ =	swait.ge [sflag:s7], $0xC80  }
0x12: {  	[sflag:s7] =	ssyncset.done $0x0  }
0x13: {  	s13 =	simm.s32 $0x0;
	[sflag:s7] =	ssyncadd.s32 $0xFFFFF380  }
0x14: {  	v16 =	vld [tilespmem:s13+$0x0];
	_ =	sdelay $0x4  }
0x15: {  	v0 =	vand.u32 $0x7FFFFFFF, v16  }
0x16: {  	v0 =	vsub.f32 $0.0e+00, v0;
	_ =	sdelay $0x1  }
0x17: {  	v0 =	vmul.f32 $1.442695020e+00, v0  }
0x18: {  	s14 =	simm.s32 $0x190  }
0x19: {  	v10 =	vld [tilespmem:s14+$0x0];
	(erf) = vpow2.f32 v0;
	_ =	sdelay $0x4  }
0x1a: {  	v0 =	vand.u32 $0x7FFFFFFF, v10  }
0x1b: {  	s15 =	simm.s32 $0x320;
	v0 =	vsub.f32 $0.0e+00, v0  }
0x1c: {  	v1 =	vld [tilespmem:s15+$0x0]  }
0x1d: {  	v0 =	vmul.f32 $1.442695020e+00, v0  }
0x1e: {  	v19 =	vpop (erf)  }
0x1f: {  	(erf) = vpow2.f32 v0;
	v0 =	vmul.f32 $-6.151485720e-03, v19;
	_ =	sdelay $0x1  }
0x20: {  	v2 =	vand.u32 $0x7FFFFFFF, v1;
	v0 =	vadd.f32 $3.484979640e-02, v0  }
0x21: {  	v2 =	vsub.f32 $0.0e+00, v2  }
0x22: {  	v0 =	vmul.f32 v0, v19  }
0x23: {  	v2 =	vmul.f32 $1.442695020e+00, v2  }
0x24: {  	v3 =	vadd.f32 $-9.325221920e-02, v0  }
0x25: {  	(erf) = vpow2.f32 v2  }
0x26: {  	v3 =	vmul.f32 v3, v19  }
0x27: {  	s16 =	simm.s32 $0x4B0  }
0x28: {  	v9 =	vpop (erf);
	v0 =	vld [tilespmem:s16+$0x0];
	v3 =	vadd.f32 $1.658229530e-01, v3  }
0x29: {  	v2 =	vmul.f32 $-6.151485720e-03, v9  }
0x2a: {  	v3 =	vmul.f32 v3, v19  }
0x2b: {  	v2 =	vadd.f32 $3.484979640e-02, v2  }
0x2c: {  	v3 =	vadd.f32 $-2.398262920e-01, v3  }
0x2d: {  	v2 =	vmul.f32 v2, v9;
	v4 =	vand.u32 $0x7FFFFFFF, v0  }
0x2e: {  	v8 =	vpop (erf);
	v4 =	vsub.f32 $0.0e+00, v4;
	v3 =	vmul.f32 v3, v19  }
0x2f: {  	v7 =	vmul.f32 $-6.151485720e-03, v8;
	v2 =	vadd.f32 $-9.325221920e-02, v2  }
0x30: {  	v4 =	vmul.f32 $1.442695020e+00, v4;
	v3 =	vadd.f32 $3.315486610e-01, v3  }
0x31: {  	s30 =	simm.s32 $0x640;
	v7 =	vadd.f32 $3.484979640e-02, v7;
	v2 =	vmul.f32 v2, v9  }
0x32: {  	v5 =	vld [tilespmem:s30+$0x0];
	(erf) = vpow2.f32 v4;
	v11 =	vmul.f32 v3, v19  }
0x33: {  	v7 =	vmul.f32 v7, v8;
	v2 =	vadd.f32 $1.658229530e-01, v2  }
0x34: {  	v15 =	vld [tilespmem:s13+$0xC80];
	v11 =	vadd.f32 $-4.998385610e-01, v11  }
0x35: {  	v7 =	vadd.f32 $-9.325221920e-02, v7;
	v2 =	vmul.f32 v2, v9  }
0x36: {  	v11 =	vmul.f32 v11, v19  }
0x37: {  	v14 =	vand.u32 $0x7FFFFFFF, v5;
	v22 =	vmul.f32 v7, v8;
	v12 =	vadd.f32 $-2.398262920e-01, v2  }
0x38: {  	v21 =	vsub.f32 $0.0e+00, v14;
	v24 =	vadd.f32 $9.999942770e-01, v11  }
0x39: {  	v20 =	vmul.f32 v15, v16;
	v22 =	vadd.f32 $1.658229530e-01, v22;
	v12 =	vmul.f32 v12, v9  }
0x3a: {  	v6 =	vld [tilespmem:s14+$0xC80];
	v16 =	vmax.f32 v16, $0.0e+00;
	v21 =	vmul.f32 $1.442695020e+00, v21;
	v19 =	vmul.f32 v24, v19  }
0x3b: {  	s31 =	simm.s32 $0x7D0;
	v16 =	vsub.f32 v16, v20;
	v4 =	vld [tilespmem:s15+$0xC80];
	v22 =	vmul.f32 v22, v8;
	v23 =	vadd.f32 $3.315486610e-01, v12;
	v14 =	vpop (erf)  }
0x3c: {  	v7 =	vld [tilespmem:s31+$0x0];
	(erf) = vpow2.f32 v21;
	v25 =	vmul.f32 $-6.151485720e-03, v14;
	v19 =	vadd.f32 $3.385588340e-08, v19  }
0x3d: {  	v3 =	vld [tilespmem:s16+$0xC80];
	v22 =	vadd.f32 $-2.398262920e-01, v22;
	v23 =	vmul.f32 v23, v9  }
0x3e: {  	v18 =	vimm.f32 $0.0e+00;
	v2 =	vld [tilespmem:s30+$0xC80];
	v24 =	vadd.f32 $3.484979640e-02, v25;
	v16 =	vadd.f32 v19, v16  }
0x3f: {  	v17 =	vmul.f32 v6, v10;
	v26 =	vmul.f32 v22, v8;
	v23 =	vadd.f32 $-4.998385610e-01, v23  }
0x40: {  	v20 =	vmul.f32 v24, v14;
	v19 =	vadd.f32 v16, v18;
	v22 =	vmul.f32 v16, v15;
	v16 =	vld [tilespmem:s31+$0xC80]  }
0x41: {  	v13 =	vmul.f32 v4, v1;
	v23 =	vmul.f32 v23, v9;
	v24 =	vand.u32 $0x7FFFFFFF, v7  }
0x42: {  	v12 =	vmul.f32 v3, v0;
	v24 =	vsub.f32 $0.0e+00, v24;
	v20 =	vadd.f32 $-9.325221920e-02, v20  }
0x43: {  	v11 =	vmul.f32 v2, v5;
	v21 =	vadd.f32 $9.999942770e-01, v23;
	v23 =	vadd.f32 $3.315486610e-01, v26  }
0x44: {  	s13 =	simm.s32 $0x2580;
	v25 =	vmul.f32 $1.442695020e+00, v24;
	v24 =	vmul.f32 v20, v14;
	v20 =	vimm.f32 $0.0e+00  }
.LBB2_2:
0x45: {  	v26 =	vmul.f32 v16, v7;
	v27 =	vpop (erf);
	v18 =	vadd.f32 v15, v18;
	v20 =	vadd.f32 v22, v20  }
0x46: {  	s14 =	sshra.s32 s13, $0x2;
	p0 =	sne.s32 s13, $0x2BC0;
	s13 =	sadd.s32 $0x640, s13;
	v15 =	vmovc v6;
	v6 =	vmovc v4;
	v4 =	vmov v3;
	v3 =	vmov v2;
	v2 =	vmov v16  }
0x47: {  	v22 =	vld [tilespmem:s14+$0x0];
	(erf) = vpow2.f32 v25;
	v16 =	vmul.f32 $-6.151485720e-03, v27;
	v24 =	vadd.f32 $1.658229530e-01, v24  }
0x48: {  	v10 =	vmax.f32 v10, $0.0e+00;
	v21 =	vmul.f32 v21, v9;
	v9 =	vmovc v8;
	v23 =	vmul.f32 v23, v8;
	v8 =	vmovc v14  }
0x49: {  	v28 =	vsub.f32 v10, v17;
	v17 =	vmovc v13;
	v13 =	vmovc v12;
	v25 =	vadd.f32 $3.484979640e-02, v16;
	v24 =	vmul.f32 v24, v8  }
0x4a: {  	v12 =	vmovc v11;
	v14 =	vmovc v27;
	v21 =	vadd.f32 $3.385588340e-08, v21;
	v11 =	vmov v26;
	v23 =	vadd.f32 $-4.998385610e-01, v23  }
.Ltmp0:
0x4b: {  	v10 =	vmovc v1;
	v1 =	vmovc v0;
	v0 =	vmov v5;
	v16 =	vld [tilespmem:s14+$0xC80];
	v25 =	vmul.f32 v25, v14;
	v24 =	vadd.f32 $-2.398262920e-01, v24;
	(pc) =	sbr.rel @p0 .LBB2_2-.Ltmp0, $4  }
0x4c: {  	v5 =	vmovc v7;
	v27 =	vadd.f32 v21, v28;
	v23 =	vmul.f32 v23, v9;
	v26 =	vand.u32 $0x7FFFFFFF, v22;
	v7 =	vmovc v22  }
0x4d: {  	v26 =	vsub.f32 $0.0e+00, v26;
	v28 =	vadd.f32 $-9.325221920e-02, v25;
	v29 =	vmul.f32 v24, v8  }
0x4e: {  	v19 =	vadd.f32 v27, v19;
	v22 =	vmul.f32 v27, v15;
	v21 =	vadd.f32 $9.999942770e-01, v23  }
0x4f: {  	v25 =	vmul.f32 $1.442695020e+00, v26;
	v24 =	vmul.f32 v28, v14;
	v23 =	vadd.f32 $3.315486610e-01, v29  }
0x50: {  	_ = 	snop  }
0x51: {  	(erf) = vpow2.f32 v25;
	_ =	sdelay $0x5  }
0x52: {  	v25 =	vpop (erf)  }
0x53: {  	v26 =	vmul.f32 $-6.151485720e-03, v25;
	_ =	sdelay $0x1  }
0x54: {  	v26 =	vadd.f32 $3.484979640e-02, v26;
	v27 =	vpop (erf)  }
0x55: {  	v28 =	vmul.f32 $-6.151485720e-03, v27  }
0x56: {  	v26 =	vmul.f32 v26, v25  }
0x57: {  	v28 =	vadd.f32 $3.484979640e-02, v28  }
0x58: {  	v26 =	vadd.f32 $-9.325221920e-02, v26  }
0x59: {  	v24 =	vadd.f32 $1.658229530e-01, v24;
	v28 =	vmul.f32 v28, v27  }
0x5a: {  	v26 =	vmul.f32 v26, v25  }
0x5b: {  	v24 =	vmul.f32 v24, v14;
	v28 =	vadd.f32 $-9.325221920e-02, v28  }
0x5c: {  	v15 =	vadd.f32 v15, v18;
	v18 =	vadd.f32 $1.658229530e-01, v26  }
0x5d: {  	v9 =	vmul.f32 v21, v9;
	v24 =	vadd.f32 $-2.398262920e-01, v24;
	v26 =	vmul.f32 v28, v27  }
0x5e: {  	v10 =	vmax.f32 v10, $0.0e+00;
	v23 =	vmul.f32 v23, v8;
	v18 =	vmul.f32 v18, v25  }
0x5f: {  	v10 =	vsub.f32 v10, v17;
	v17 =	vmul.f32 v24, v14;
	v21 =	vadd.f32 $1.658229530e-01, v26  }
0x60: {  	v23 =	vadd.f32 $-4.998385610e-01, v23;
	v18 =	vadd.f32 $-2.398262920e-01, v18  }
0x61: {  	v9 =	vadd.f32 $3.385588340e-08, v9;
	v17 =	vadd.f32 $3.315486610e-01, v17;
	v21 =	vmul.f32 v21, v27  }
0x62: {  	v20 =	vadd.f32 v22, v20;
	v22 =	vmul.f32 v23, v8;
	v18 =	vmul.f32 v18, v25  }
0x63: {  	v9 =	vadd.f32 v9, v10;
	v10 =	vmul.f32 v17, v14;
	v17 =	vadd.f32 $-2.398262920e-01, v21  }
0x64: {  	v1 =	vmax.f32 v1, $0.0e+00;
	v18 =	vadd.f32 $3.315486610e-01, v18;
	v21 =	vadd.f32 $9.999942770e-01, v22  }
0x65: {  	v0 =	vmax.f32 v0, $0.0e+00;
	v10 =	vadd.f32 $-4.998385610e-01, v10;
	v17 =	vmul.f32 v17, v27  }
0x66: {  	v1 =	vsub.f32 v1, v13;
	v18 =	vmul.f32 v18, v25;
	v8 =	vmul.f32 v21, v8  }
0x67: {  	v0 =	vsub.f32 v0, v12;
	v10 =	vmul.f32 v10, v14;
	v13 =	vadd.f32 $3.315486610e-01, v17  }
0x68: {  	v8 =	vadd.f32 $3.385588340e-08, v8;
	v17 =	vadd.f32 $-4.998385610e-01, v18  }
0x69: {  	v19 =	vadd.f32 v9, v19;
	v10 =	vadd.f32 $9.999942770e-01, v10;
	v13 =	vmul.f32 v13, v27  }
0x6a: {  	v9 =	vmul.f32 v9, v6;
	v1 =	vadd.f32 v8, v1;
	v8 =	vmul.f32 v17, v25  }
0x6b: {  	v6 =	vadd.f32 v6, v15;
	v10 =	vmul.f32 v10, v14;
	v13 =	vadd.f32 $-4.998385610e-01, v13  }
0x6c: {  	v9 =	vadd.f32 v9, v20;
	v8 =	vadd.f32 $9.999942770e-01, v8  }
0x6d: {  	v10 =	vadd.f32 $3.385588340e-08, v10;
	v14 =	vadd.f32 v1, v19;
	v12 =	vmul.f32 v13, v27  }
0x6e: {  	v1 =	vmul.f32 v1, v4;
	v4 =	vadd.f32 v4, v6;
	v6 =	vmul.f32 v8, v25  }
0x6f: {  	v5 =	vmax.f32 v5, $0.0e+00;
	v0 =	vadd.f32 v10, v0;
	v8 =	vadd.f32 $9.999942770e-01, v12  }
0x70: {  	v5 =	vsub.f32 v5, v11;
	v10 =	vmul.f32 v16, v7;
	v6 =	vadd.f32 $3.385588340e-08, v6  }
0x71: {  	v1 =	vadd.f32 v1, v9;
	v9 =	vmul.f32 v0, v3;
	v8 =	vmul.f32 v8, v27  }
0x72: {  	v3 =	vadd.f32 v3, v4;
	v4 =	vadd.f32 v6, v5;
	v5 =	vmax.f32 v7, $0.0e+00  }
0x73: {  	v5 =	vsub.f32 v5, v10;
	v6 =	vadd.f32 $3.385588340e-08, v8  }
0x74: {  	v0 =	vadd.f32 v0, v14;
	v1 =	vadd.f32 v9, v1  }
0x75: {  	v7 =	vmul.f32 v4, v2;
	v2 =	vadd.f32 v2, v3;
	v3 =	vadd.f32 v6, v5  }
0x76: {  	v0 =	vadd.f32 v4, v0  }
0x77: {  	v1 =	vadd.f32 v7, v1;
	v2 =	vadd.f32 v16, v2;
	v4 =	vmul.f32 v3, v16  }
0x78: {  	v0 =	vadd.f32 v3, v0  }
0x79: {  	[tilespmem:$0x1900] =	vst v2;
	v1 =	vadd.f32 v4, v1  }
0x7a: {  	[tilespmem:$0x1A90] =	vst v0  }
0x7b: {  	s13 =	simm.s32 $0x10;
	[tilespmem:$0x1C20] =	vst v1  }
0x7c: {  	v16 =	vld [tilespmem:s13+$0x0];
	_ =	sdelay $0x4  }
0x7d: {  	v0 =	vand.u32 $0x7FFFFFFF, v16  }
0x7e: {  	v0 =	vsub.f32 $0.0e+00, v0;
	_ =	sdelay $0x1  }
0x7f: {  	v0 =	vmul.f32 $1.442695020e+00, v0  }
0x80: {  	s14 =	simm.s32 $0x1A0  }
0x81: {  	v10 =	vld [tilespmem:s14+$0x0];
	(erf) = vpow2.f32 v0;
	_ =	sdelay $0x4  }
0x82: {  	v0 =	vand.u32 $0x7FFFFFFF, v10  }
0x83: {  	s15 =	simm.s32 $0x330;
	v0 =	vsub.f32 $0.0e+00, v0  }
0x84: {  	v1 =	vld [tilespmem:s15+$0x0]  }
0x85: {  	v0 =	vmul.f32 $1.442695020e+00, v0  }
0x86: {  	v19 =	vpop (erf)  }
0x87: {  	(erf) = vpow2.f32 v0;
	v0 =	vmul.f32 $-6.151485720e-03, v19;
	_ =	sdelay $0x1  }
0x88: {  	v2 =	vand.u32 $0x7FFFFFFF, v1;
	v0 =	vadd.f32 $3.484979640e-02, v0  }
0x89: {  	v2 =	vsub.f32 $0.0e+00, v2  }
0x8a: {  	v0 =	vmul.f32 v0, v19  }
0x8b: {  	v2 =	vmul.f32 $1.442695020e+00, v2  }
0x8c: {  	v3 =	vadd.f32 $-9.325221920e-02, v0  }
0x8d: {  	(erf) = vpow2.f32 v2  }
0x8e: {  	v3 =	vmul.f32 v3, v19  }
0x8f: {  	s16 =	simm.s32 $0x4C0  }
0x90: {  	v9 =	vpop (erf);
	v0 =	vld [tilespmem:s16+$0x0];
	v3 =	vadd.f32 $1.658229530e-01, v3  }
0x91: {  	v2 =	vmul.f32 $-6.151485720e-03, v9  }
0x92: {  	v3 =	vmul.f32 v3, v19  }
0x93: {  	v2 =	vadd.f32 $3.484979640e-02, v2  }
0x94: {  	v3 =	vadd.f32 $-2.398262920e-01, v3  }
0x95: {  	v2 =	vmul.f32 v2, v9;
	v4 =	vand.u32 $0x7FFFFFFF, v0  }
0x96: {  	v8 =	vpop (erf);
	v4 =	vsub.f32 $0.0e+00, v4;
	v3 =	vmul.f32 v3, v19  }
0x97: {  	v7 =	vmul.f32 $-6.151485720e-03, v8;
	v2 =	vadd.f32 $-9.325221920e-02, v2  }
0x98: {  	v4 =	vmul.f32 $1.442695020e+00, v4;
	v3 =	vadd.f32 $3.315486610e-01, v3  }
0x99: {  	s30 =	simm.s32 $0x650;
	v7 =	vadd.f32 $3.484979640e-02, v7;
	v2 =	vmul.f32 v2, v9  }
0x9a: {  	v5 =	vld [tilespmem:s30+$0x0];
	(erf) = vpow2.f32 v4;
	v11 =	vmul.f32 v3, v19  }
0x9b: {  	v7 =	vmul.f32 v7, v8;
	v2 =	vadd.f32 $1.658229530e-01, v2  }
0x9c: {  	v15 =	vld [tilespmem:s13+$0xC80];
	v11 =	vadd.f32 $-4.998385610e-01, v11  }
0x9d: {  	v7 =	vadd.f32 $-9.325221920e-02, v7;
	v2 =	vmul.f32 v2, v9  }
0x9e: {  	v11 =	vmul.f32 v11, v19  }
0x9f: {  	v14 =	vand.u32 $0x7FFFFFFF, v5;
	v22 =	vmul.f32 v7, v8;
	v12 =	vadd.f32 $-2.398262920e-01, v2  }
0xa0: {  	v21 =	vsub.f32 $0.0e+00, v14;
	v24 =	vadd.f32 $9.999942770e-01, v11  }
0xa1: {  	v20 =	vmul.f32 v15, v16;
	v22 =	vadd.f32 $1.658229530e-01, v22;
	v12 =	vmul.f32 v12, v9  }
0xa2: {  	v6 =	vld [tilespmem:s14+$0xC80];
	v16 =	vmax.f32 v16, $0.0e+00;
	v21 =	vmul.f32 $1.442695020e+00, v21;
	v19 =	vmul.f32 v24, v19  }
0xa3: {  	s31 =	simm.s32 $0x7E0;
	v16 =	vsub.f32 v16, v20;
	v4 =	vld [tilespmem:s15+$0xC80];
	v22 =	vmul.f32 v22, v8;
	v23 =	vadd.f32 $3.315486610e-01, v12;
	v14 =	vpop (erf)  }
0xa4: {  	v7 =	vld [tilespmem:s31+$0x0];
	(erf) = vpow2.f32 v21;
	v25 =	vmul.f32 $-6.151485720e-03, v14;
	v19 =	vadd.f32 $3.385588340e-08, v19  }
0xa5: {  	v3 =	vld [tilespmem:s16+$0xC80];
	v22 =	vadd.f32 $-2.398262920e-01, v22;
	v23 =	vmul.f32 v23, v9  }
0xa6: {  	v18 =	vimm.f32 $0.0e+00;
	v2 =	vld [tilespmem:s30+$0xC80];
	v24 =	vadd.f32 $3.484979640e-02, v25;
	v16 =	vadd.f32 v19, v16  }
0xa7: {  	v17 =	vmul.f32 v6, v10;
	v26 =	vmul.f32 v22, v8;
	v23 =	vadd.f32 $-4.998385610e-01, v23  }
0xa8: {  	v20 =	vmul.f32 v24, v14;
	v19 =	vadd.f32 v16, v18;
	v22 =	vmul.f32 v16, v15;
	v16 =	vld [tilespmem:s31+$0xC80]  }
0xa9: {  	v13 =	vmul.f32 v4, v1;
	v23 =	vmul.f32 v23, v9;
	v24 =	vand.u32 $0x7FFFFFFF, v7  }
0xaa: {  	v12 =	vmul.f32 v3, v0;
	v24 =	vsub.f32 $0.0e+00, v24;
	v20 =	vadd.f32 $-9.325221920e-02, v20  }
0xab: {  	v11 =	vmul.f32 v2, v5;
	v21 =	vadd.f32 $9.999942770e-01, v23;
	v23 =	vadd.f32 $3.315486610e-01, v26  }
0xac: {  	s13 =	simm.s32 $0x25C0;
	v25 =	vmul.f32 $1.442695020e+00, v24;
	v24 =	vmul.f32 v20, v14;
	v20 =	vimm.f32 $0.0e+00  }
.LBB2_4:
0xad: {  	v26 =	vmul.f32 v16, v7;
	v27 =	vpop (erf);
	v18 =	vadd.f32 v15, v18;
	v20 =	vadd.f32 v22, v20  }
0xae: {  	s14 =	sshra.s32 s13, $0x2;
	p0 =	sne.s32 s13, $0x2C00;
	s13 =	sadd.s32 $0x640, s13;
	v15 =	vmovc v6;
	v6 =	vmovc v4;
	v4 =	vmov v3;
	v3 =	vmov v2;
	v2 =	vmov v16  }
0xaf: {  	v22 =	vld [tilespmem:s14+$0x0];
	(erf) = vpow2.f32 v25;
	v16 =	vmul.f32 $-6.151485720e-03, v27;
	v24 =	vadd.f32 $1.658229530e-01, v24  }
0xb0: {  	v10 =	vmax.f32 v10, $0.0e+00;
	v21 =	vmul.f32 v21, v9;
	v9 =	vmovc v8;
	v23 =	vmul.f32 v23, v8;
	v8 =	vmovc v14  }
0xb1: {  	v28 =	vsub.f32 v10, v17;
	v17 =	vmovc v13;
	v13 =	vmovc v12;
	v25 =	vadd.f32 $3.484979640e-02, v16;
	v24 =	vmul.f32 v24, v8  }
0xb2: {  	v12 =	vmovc v11;
	v14 =	vmovc v27;
	v21 =	vadd.f32 $3.385588340e-08, v21;
	v11 =	vmov v26;
	v23 =	vadd.f32 $-4.998385610e-01, v23  }
.Ltmp1:
0xb3: {  	v10 =	vmovc v1;
	v1 =	vmovc v0;
	v0 =	vmov v5;
	v16 =	vld [tilespmem:s14+$0xC80];
	v25 =	vmul.f32 v25, v14;
	v24 =	vadd.f32 $-2.398262920e-01, v24;
	(pc) =	sbr.rel @p0 .LBB2_4-.Ltmp1, $4  }
0xb4: {  	v5 =	vmovc v7;
	v27 =	vadd.f32 v21, v28;
	v23 =	vmul.f32 v23, v9;
	v26 =	vand.u32 $0x7FFFFFFF, v22;
	v7 =	vmovc v22  }
0xb5: {  	v26 =	vsub.f32 $0.0e+00, v26;
	v28 =	vadd.f32 $-9.325221920e-02, v25;
	v29 =	vmul.f32 v24, v8  }
0xb6: {  	v19 =	vadd.f32 v27, v19;
	v22 =	vmul.f32 v27, v15;
	v21 =	vadd.f32 $9.999942770e-01, v23  }
0xb7: {  	v25 =	vmul.f32 $1.442695020e+00, v26;
	v24 =	vmul.f32 v28, v14;
	v23 =	vadd.f32 $3.315486610e-01, v29  }
0xb8: {  	_ = 	snop  }
0xb9: {  	(erf) = vpow2.f32 v25;
	_ =	sdelay $0x5  }
0xba: {  	v25 =	vpop (erf)  }
0xbb: {  	v26 =	vmul.f32 $-6.151485720e-03, v25;
	_ =	sdelay $0x1  }
0xbc: {  	v26 =	vadd.f32 $3.484979640e-02, v26;
	v27 =	vpop (erf)  }
0xbd: {  	v28 =	vmul.f32 $-6.151485720e-03, v27  }
0xbe: {  	v26 =	vmul.f32 v26, v25  }
0xbf: {  	v28 =	vadd.f32 $3.484979640e-02, v28  }
0xc0: {  	v26 =	vadd.f32 $-9.325221920e-02, v26  }
0xc1: {  	v24 =	vadd.f32 $1.658229530e-01, v24;
	v28 =	vmul.f32 v28, v27  }
0xc2: {  	v26 =	vmul.f32 v26, v25  }
0xc3: {  	v24 =	vmul.f32 v24, v14;
	v28 =	vadd.f32 $-9.325221920e-02, v28  }
0xc4: {  	v15 =	vadd.f32 v15, v18;
	v18 =	vadd.f32 $1.658229530e-01, v26  }
0xc5: {  	v9 =	vmul.f32 v21, v9;
	v24 =	vadd.f32 $-2.398262920e-01, v24;
	v26 =	vmul.f32 v28, v27  }
0xc6: {  	v10 =	vmax.f32 v10, $0.0e+00;
	v23 =	vmul.f32 v23, v8;
	v18 =	vmul.f32 v18, v25  }
0xc7: {  	v10 =	vsub.f32 v10, v17;
	v17 =	vmul.f32 v24, v14;
	v21 =	vadd.f32 $1.658229530e-01, v26  }
0xc8: {  	v23 =	vadd.f32 $-4.998385610e-01, v23;
	v18 =	vadd.f32 $-2.398262920e-01, v18  }
0xc9: {  	v9 =	vadd.f32 $3.385588340e-08, v9;
	v17 =	vadd.f32 $3.315486610e-01, v17;
	v21 =	vmul.f32 v21, v27  }
0xca: {  	v20 =	vadd.f32 v22, v20;
	v22 =	vmul.f32 v23, v8;
	v18 =	vmul.f32 v18, v25  }
0xcb: {  	v9 =	vadd.f32 v9, v10;
	v10 =	vmul.f32 v17, v14;
	v17 =	vadd.f32 $-2.398262920e-01, v21  }
0xcc: {  	v1 =	vmax.f32 v1, $0.0e+00;
	v18 =	vadd.f32 $3.315486610e-01, v18;
	v21 =	vadd.f32 $9.999942770e-01, v22  }
0xcd: {  	v0 =	vmax.f32 v0, $0.0e+00;
	v10 =	vadd.f32 $-4.998385610e-01, v10;
	v17 =	vmul.f32 v17, v27  }
0xce: {  	v1 =	vsub.f32 v1, v13;
	v18 =	vmul.f32 v18, v25;
	v8 =	vmul.f32 v21, v8  }
0xcf: {  	v0 =	vsub.f32 v0, v12;
	v10 =	vmul.f32 v10, v14;
	v13 =	vadd.f32 $3.315486610e-01, v17  }
0xd0: {  	v8 =	vadd.f32 $3.385588340e-08, v8;
	v17 =	vadd.f32 $-4.998385610e-01, v18  }
0xd1: {  	v19 =	vadd.f32 v9, v19;
	v10 =	vadd.f32 $9.999942770e-01, v10;
	v13 =	vmul.f32 v13, v27  }
0xd2: {  	v9 =	vmul.f32 v9, v6;
	v1 =	vadd.f32 v8, v1;
	v8 =	vmul.f32 v17, v25  }
0xd3: {  	v6 =	vadd.f32 v6, v15;
	v10 =	vmul.f32 v10, v14;
	v13 =	vadd.f32 $-4.998385610e-01, v13  }
0xd4: {  	v9 =	vadd.f32 v9, v20;
	v8 =	vadd.f32 $9.999942770e-01, v8  }
0xd5: {  	v10 =	vadd.f32 $3.385588340e-08, v10;
	v14 =	vadd.f32 v1, v19;
	v12 =	vmul.f32 v13, v27  }
0xd6: {  	v1 =	vmul.f32 v1, v4;
	v4 =	vadd.f32 v4, v6;
	v6 =	vmul.f32 v8, v25  }
0xd7: {  	v5 =	vmax.f32 v5, $0.0e+00;
	v0 =	vadd.f32 v10, v0;
	v8 =	vadd.f32 $9.999942770e-01, v12  }
0xd8: {  	v5 =	vsub.f32 v5, v11;
	v10 =	vmul.f32 v16, v7;
	v6 =	vadd.f32 $3.385588340e-08, v6  }
0xd9: {  	v1 =	vadd.f32 v1, v9;
	v9 =	vmul.f32 v0, v3;
	v8 =	vmul.f32 v8, v27  }
0xda: {  	v3 =	vadd.f32 v3, v4;
	v4 =	vadd.f32 v6, v5;
	v5 =	vmax.f32 v7, $0.0e+00  }
0xdb: {  	v5 =	vsub.f32 v5, v10;
	v6 =	vadd.f32 $3.385588340e-08, v8  }
0xdc: {  	v0 =	vadd.f32 v0, v14;
	v1 =	vadd.f32 v9, v1  }
0xdd: {  	v7 =	vmul.f32 v4, v2;
	v2 =	vadd.f32 v2, v3;
	v3 =	vadd.f32 v6, v5  }
0xde: {  	v0 =	vadd.f32 v4, v0  }
0xdf: {  	v1 =	vadd.f32 v7, v1;
	v2 =	vadd.f32 v16, v2;
	v4 =	vmul.f32 v3, v16  }
0xe0: {  	v0 =	vadd.f32 v3, v0  }
0xe1: {  	[tilespmem:$0x1910] =	vst v2;
	v1 =	vadd.f32 v4, v1  }
0xe2: {  	[tilespmem:$0x1AA0] =	vst v0  }
0xe3: {  	s13 =	simm.s32 $0x20;
	[tilespmem:$0x1C30] =	vst v1  }
0xe4: {  	v16 =	vld [tilespmem:s13+$0x0];
	_ =	sdelay $0x4  }
0xe5: {  	v0 =	vand.u32 $0x7FFFFFFF, v16  }
0xe6: {  	v0 =	vsub.f32 $0.0e+00, v0;
	_ =	sdelay $0x1  }
0xe7: {  	v0 =	vmul.f32 $1.442695020e+00, v0  }
0xe8: {  	s14 =	simm.s32 $0x1B0  }
0xe9: {  	v10 =	vld [tilespmem:s14+$0x0];
	(erf) = vpow2.f32 v0;
	_ =	sdelay $0x4  }
0xea: {  	v0 =	vand.u32 $0x7FFFFFFF, v10  }
0xeb: {  	s15 =	simm.s32 $0x340;
	v0 =	vsub.f32 $0.0e+00, v0  }
0xec: {  	v1 =	vld [tilespmem:s15+$0x0]  }
0xed: {  	v0 =	vmul.f32 $1.442695020e+00, v0  }
0xee: {  	v19 =	vpop (erf)  }
0xef: {  	(erf) = vpow2.f32 v0;
	v0 =	vmul.f32 $-6.151485720e-03, v19;
	_ =	sdelay $0x1  }
0xf0: {  	v2 =	vand.u32 $0x7FFFFFFF, v1;
	v0 =	vadd.f32 $3.484979640e-02, v0  }
0xf1: {  	v2 =	vsub.f32 $0.0e+00, v2  }
0xf2: {  	v0 =	vmul.f32 v0, v19  }
0xf3: {  	v2 =	vmul.f32 $1.442695020e+00, v2  }
0xf4: {  	v3 =	vadd.f32 $-9.325221920e-02, v0  }
0xf5: {  	(erf) = vpow2.f32 v2  }
0xf6: {  	v3 =	vmul.f32 v3, v19  }
0xf7: {  	s16 =	simm.s32 $0x4D0  }
0xf8: {  	v9 =	vpop (erf);
	v0 =	vld [tilespmem:s16+$0x0];
	v3 =	vadd.f32 $1.658229530e-01, v3  }
0xf9: {  	v2 =	vmul.f32 $-6.151485720e-03, v9  }
0xfa: {  	v3 =	vmul.f32 v3, v19  }
0xfb: {  	v2 =	vadd.f32 $3.484979640e-02, v2  }
0xfc: {  	v3 =	vadd.f32 $-2.398262920e-01, v3  }
0xfd: {  	v2 =	vmul.f32 v2, v9;
	v4 =	vand.u32 $0x7FFFFFFF, v0  }
0xfe: {  	v8 =	vpop (erf);
	v4 =	vsub.f32 $0.0e+00, v4;
	v3 =	vmul.f32 v3, v19  }
0xff: {  	v7 =	vmul.f32 $-6.151485720e-03, v8;
	v2 =	vadd.f32 $-9.325221920e-02, v2  }
0x100: {  	v4 =	vmul.f32 $1.442695020e+00, v4;
	v3 =	vadd.f32 $3.315486610e-01, v3  }
0x101: {  	s30 =	simm.s32 $0x660;
	v7 =	vadd.f32 $3.484979640e-02, v7;
	v2 =	vmul.f32 v2, v9  }
0x102: {  	v5 =	vld [tilespmem:s30+$0x0];
	(erf) = vpow2.f32 v4;
	v11 =	vmul.f32 v3, v19  }
0x103: {  	v7 =	vmul.f32 v7, v8;
	v2 =	vadd.f32 $1.658229530e-01, v2  }
0x104: {  	v15 =	vld [tilespmem:s13+$0xC80];
	v11 =	vadd.f32 $-4.998385610e-01, v11  }
0x105: {  	v7 =	vadd.f32 $-9.325221920e-02, v7;
	v2 =	vmul.f32 v2, v9  }
0x106: {  	v11 =	vmul.f32 v11, v19  }
0x107: {  	v14 =	vand.u32 $0x7FFFFFFF, v5;
	v22 =	vmul.f32 v7, v8;
	v12 =	vadd.f32 $-2.398262920e-01, v2  }
0x108: {  	v21 =	vsub.f32 $0.0e+00, v14;
	v24 =	vadd.f32 $9.999942770e-01, v11  }
0x109: {  	v20 =	vmul.f32 v15, v16;
	v22 =	vadd.f32 $1.658229530e-01, v22;
	v12 =	vmul.f32 v12, v9  }
0x10a: {  	v6 =	vld [tilespmem:s14+$0xC80];
	v16 =	vmax.f32 v16, $0.0e+00;
	v21 =	vmul.f32 $1.442695020e+00, v21;
	v19 =	vmul.f32 v24, v19  }
0x10b: {  	s31 =	simm.s32 $0x7F0;
	v16 =	vsub.f32 v16, v20;
	v4 =	vld [tilespmem:s15+$0xC80];
	v22 =	vmul.f32 v22, v8;
	v23 =	vadd.f32 $3.315486610e-01, v12;
	v14 =	vpop (erf)  }
0x10c: {  	v7 =	vld [tilespmem:s31+$0x0];
	(erf) = vpow2.f32 v21;
	v25 =	vmul.f32 $-6.151485720e-03, v14;
	v19 =	vadd.f32 $3.385588340e-08, v19  }
0x10d: {  	v3 =	vld [tilespmem:s16+$0xC80];
	v22 =	vadd.f32 $-2.398262920e-01, v22;
	v23 =	vmul.f32 v23, v9  }
0x10e: {  	v18 =	vimm.f32 $0.0e+00;
	v2 =	vld [tilespmem:s30+$0xC80];
	v24 =	vadd.f32 $3.484979640e-02, v25;
	v16 =	vadd.f32 v19, v16  }
0x10f: {  	v17 =	vmul.f32 v6, v10;
	v26 =	vmul.f32 v22, v8;
	v23 =	vadd.f32 $-4.998385610e-01, v23  }
0x110: {  	v20 =	vmul.f32 v24, v14;
	v19 =	vadd.f32 v16, v18;
	v22 =	vmul.f32 v16, v15;
	v16 =	vld [tilespmem:s31+$0xC80]  }
0x111: {  	v13 =	vmul.f32 v4, v1;
	v23 =	vmul.f32 v23, v9;
	v24 =	vand.u32 $0x7FFFFFFF, v7  }
0x112: {  	v12 =	vmul.f32 v3, v0;
	v24 =	vsub.f32 $0.0e+00, v24;
	v20 =	vadd.f32 $-9.325221920e-02, v20  }
0x113: {  	v11 =	vmul.f32 v2, v5;
	v21 =	vadd.f32 $9.999942770e-01, v23;
	v23 =	vadd.f32 $3.315486610e-01, v26  }
0x114: {  	s13 =	simm.s32 $0x2600;
	v25 =	vmul.f32 $1.442695020e+00, v24;
	v24 =	vmul.f32 v20, v14;
	v20 =	vimm.f32 $0.0e+00  }
.LBB2_6:
0x115: {  	v26 =	vmul.f32 v16, v7;
	v27 =	vpop (erf);
	v18 =	vadd.f32 v15, v18;
	v20 =	vadd.f32 v22, v20  }
0x116: {  	s14 =	sshra.s32 s13, $0x2;
	p0 =	sne.s32 s13, $0x2C40;
	s13 =	sadd.s32 $0x640, s13;
	v15 =	vmovc v6;
	v6 =	vmovc v4;
	v4 =	vmov v3;
	v3 =	vmov v2;
	v2 =	vmov v16  }
0x117: {  	v22 =	vld [tilespmem:s14+$0x0];
	(erf) = vpow2.f32 v25;
	v16 =	vmul.f32 $-6.151485720e-03, v27;
	v24 =	vadd.f32 $1.658229530e-01, v24  }
0x118: {  	v10 =	vmax.f32 v10, $0.0e+00;
	v21 =	vmul.f32 v21, v9;
	v9 =	vmovc v8;
	v23 =	vmul.f32 v23, v8;
	v8 =	vmovc v14  }
0x119: {  	v28 =	vsub.f32 v10, v17;
	v17 =	vmovc v13;
	v13 =	vmovc v12;
	v25 =	vadd.f32 $3.484979640e-02, v16;
	v24 =	vmul.f32 v24, v8  }
0x11a: {  	v12 =	vmovc v11;
	v14 =	vmovc v27;
	v21 =	vadd.f32 $3.385588340e-08, v21;
	v11 =	vmov v26;
	v23 =	vadd.f32 $-4.998385610e-01, v23  }
.Ltmp2:
0x11b: {  	v10 =	vmovc v1;
	v1 =	vmovc v0;
	v0 =	vmov v5;
	v16 =	vld [tilespmem:s14+$0xC80];
	v25 =	vmul.f32 v25, v14;
	v24 =	vadd.f32 $-2.398262920e-01, v24;
	(pc) =	sbr.rel @p0 .LBB2_6-.Ltmp2, $4  }
0x11c: {  	v5 =	vmovc v7;
	v27 =	vadd.f32 v21, v28;
	v23 =	vmul.f32 v23, v9;
	v26 =	vand.u32 $0x7FFFFFFF, v22;
	v7 =	vmovc v22  }
0x11d: {  	v26 =	vsub.f32 $0.0e+00, v26;
	v28 =	vadd.f32 $-9.325221920e-02, v25;
	v29 =	vmul.f32 v24, v8  }
0x11e: {  	v19 =	vadd.f32 v27, v19;
	v22 =	vmul.f32 v27, v15;
	v21 =	vadd.f32 $9.999942770e-01, v23  }
0x11f: {  	v25 =	vmul.f32 $1.442695020e+00, v26;
	v24 =	vmul.f32 v28, v14;
	v23 =	vadd.f32 $3.315486610e-01, v29  }
0x120: {  	_ = 	snop  }
0x121: {  	(erf) = vpow2.f32 v25;
	_ =	sdelay $0x5  }
0x122: {  	v25 =	vpop (erf)  }
0x123: {  	v26 =	vmul.f32 $-6.151485720e-03, v25;
	_ =	sdelay $0x1  }
0x124: {  	v26 =	vadd.f32 $3.484979640e-02, v26;
	v27 =	vpop (erf)  }
0x125: {  	v28 =	vmul.f32 $-6.151485720e-03, v27  }
0x126: {  	v26 =	vmul.f32 v26, v25  }
0x127: {  	v28 =	vadd.f32 $3.484979640e-02, v28  }
0x128: {  	v26 =	vadd.f32 $-9.325221920e-02, v26  }
0x129: {  	v24 =	vadd.f32 $1.658229530e-01, v24;
	v28 =	vmul.f32 v28, v27  }
0x12a: {  	v26 =	vmul.f32 v26, v25  }
0x12b: {  	v24 =	vmul.f32 v24, v14;
	v28 =	vadd.f32 $-9.325221920e-02, v28  }
0x12c: {  	v15 =	vadd.f32 v15, v18;
	v18 =	vadd.f32 $1.658229530e-01, v26  }
0x12d: {  	v9 =	vmul.f32 v21, v9;
	v24 =	vadd.f32 $-2.398262920e-01, v24;
	v26 =	vmul.f32 v28, v27  }
0x12e: {  	v10 =	vmax.f32 v10, $0.0e+00;
	v23 =	vmul.f32 v23, v8;
	v18 =	vmul.f32 v18, v25  }
0x12f: {  	v10 =	vsub.f32 v10, v17;
	v17 =	vmul.f32 v24, v14;
	v21 =	vadd.f32 $1.658229530e-01, v26  }
0x130: {  	v23 =	vadd.f32 $-4.998385610e-01, v23;
	v18 =	vadd.f32 $-2.398262920e-01, v18  }
0x131: {  	v9 =	vadd.f32 $3.385588340e-08, v9;
	v17 =	vadd.f32 $3.315486610e-01, v17;
	v21 =	vmul.f32 v21, v27  }
0x132: {  	v20 =	vadd.f32 v22, v20;
	v22 =	vmul.f32 v23, v8;
	v18 =	vmul.f32 v18, v25  }
0x133: {  	v9 =	vadd.f32 v9, v10;
	v10 =	vmul.f32 v17, v14;
	v17 =	vadd.f32 $-2.398262920e-01, v21  }
0x134: {  	v1 =	vmax.f32 v1, $0.0e+00;
	v18 =	vadd.f32 $3.315486610e-01, v18;
	v21 =	vadd.f32 $9.999942770e-01, v22  }
0x135: {  	v0 =	vmax.f32 v0, $0.0e+00;
	v10 =	vadd.f32 $-4.998385610e-01, v10;
	v17 =	vmul.f32 v17, v27  }
0x136: {  	v1 =	vsub.f32 v1, v13;
	v18 =	vmul.f32 v18, v25;
	v8 =	vmul.f32 v21, v8  }
0x137: {  	v0 =	vsub.f32 v0, v12;
	v10 =	vmul.f32 v10, v14;
	v13 =	vadd.f32 $3.315486610e-01, v17  }
0x138: {  	v8 =	vadd.f32 $3.385588340e-08, v8;
	v17 =	vadd.f32 $-4.998385610e-01, v18  }
0x139: {  	v19 =	vadd.f32 v9, v19;
	v10 =	vadd.f32 $9.999942770e-01, v10;
	v13 =	vmul.f32 v13, v27  }
0x13a: {  	v9 =	vmul.f32 v9, v6;
	v1 =	vadd.f32 v8, v1;
	v8 =	vmul.f32 v17, v25  }
0x13b: {  	v6 =	vadd.f32 v6, v15;
	v10 =	vmul.f32 v10, v14;
	v13 =	vadd.f32 $-4.998385610e-01, v13  }
0x13c: {  	v9 =	vadd.f32 v9, v20;
	v8 =	vadd.f32 $9.999942770e-01, v8  }
0x13d: {  	v10 =	vadd.f32 $3.385588340e-08, v10;
	v14 =	vadd.f32 v1, v19;
	v12 =	vmul.f32 v13, v27  }
0x13e: {  	v1 =	vmul.f32 v1, v4;
	v4 =	vadd.f32 v4, v6;
	v6 =	vmul.f32 v8, v25  }
0x13f: {  	v5 =	vmax.f32 v5, $0.0e+00;
	v0 =	vadd.f32 v10, v0;
	v8 =	vadd.f32 $9.999942770e-01, v12  }
0x140: {  	v5 =	vsub.f32 v5, v11;
	v10 =	vmul.f32 v16, v7;
	v6 =	vadd.f32 $3.385588340e-08, v6  }
0x141: {  	v1 =	vadd.f32 v1, v9;
	v9 =	vmul.f32 v0, v3;
	v8 =	vmul.f32 v8, v27  }
0x142: {  	v3 =	vadd.f32 v3, v4;
	v4 =	vadd.f32 v6, v5;
	v5 =	vmax.f32 v7, $0.0e+00  }
0x143: {  	v5 =	vsub.f32 v5, v10;
	v6 =	vadd.f32 $3.385588340e-08, v8  }
0x144: {  	v0 =	vadd.f32 v0, v14;
	v1 =	vadd.f32 v9, v1  }
0x145: {  	v7 =	vmul.f32 v4, v2;
	v2 =	vadd.f32 v2, v3;
	v3 =	vadd.f32 v6, v5  }
0x146: {  	v0 =	vadd.f32 v4, v0  }
0x147: {  	v1 =	vadd.f32 v7, v1;
	v2 =	vadd.f32 v16, v2;
	v4 =	vmul.f32 v3, v16  }
0x148: {  	v0 =	vadd.f32 v3, v0  }
0x149: {  	[tilespmem:$0x1920] =	vst v2;
	v1 =	vadd.f32 v4, v1  }
0x14a: {  	[tilespmem:$0x1AB0] =	vst v0  }
0x14b: {  	s13 =	simm.s32 $0x30;
	[tilespmem:$0x1C40] =	vst v1  }
0x14c: {  	v16 =	vld [tilespmem:s13+$0x0];
	_ =	sdelay $0x4  }
0x14d: {  	v0 =	vand.u32 $0x7FFFFFFF, v16  }
0x14e: {  	v0 =	vsub.f32 $0.0e+00, v0;
	_ =	sdelay $0x1  }
0x14f: {  	v0 =	vmul.f32 $1.442695020e+00, v0  }
0x150: {  	s14 =	simm.s32 $0x1C0  }
0x151: {  	v10 =	vld [tilespmem:s14+$0x0];
	(erf) = vpow2.f32 v0;
	_ =	sdelay $0x4  }
0x152: {  	v0 =	vand.u32 $0x7FFFFFFF, v10  }
0x153: {  	s15 =	simm.s32 $0x350;
	v0 =	vsub.f32 $0.0e+00, v0  }
0x154: {  	v1 =	vld [tilespmem:s15+$0x0]  }
0x155: {  	v0 =	vmul.f32 $1.442695020e+00, v0  }
0x156: {  	v19 =	vpop (erf)  }
0x157: {  	(erf) = vpow2.f32 v0;
	v0 =	vmul.f32 $-6.151485720e-03, v19;
	_ =	sdelay $0x1  }
0x158: {  	v2 =	vand.u32 $0x7FFFFFFF, v1;
	v0 =	vadd.f32 $3.484979640e-02, v0  }
0x159: {  	v2 =	vsub.f32 $0.0e+00, v2  }
0x15a: {  	v0 =	vmul.f32 v0, v19  }
0x15b: {  	v2 =	vmul.f32 $1.442695020e+00, v2  }
0x15c: {  	v3 =	vadd.f32 $-9.325221920e-02, v0  }
0x15d: {  	(erf) = vpow2.f32 v2  }
0x15e: {  	v3 =	vmul.f32 v3, v19  }
0x15f: {  	s16 =	simm.s32 $0x4E0  }
0x160: {  	v9 =	vpop (erf);
	v0 =	vld [tilespmem:s16+$0x0];
	v3 =	vadd.f32 $1.658229530e-01, v3  }
0x161: {  	v2 =	vmul.f32 $-6.151485720e-03, v9  }
0x162: {  	v3 =	vmul.f32 v3, v19  }
0x163: {  	v2 =	vadd.f32 $3.484979640e-02, v2  }
0x164: {  	v3 =	vadd.f32 $-2.398262920e-01, v3  }
0x165: {  	v2 =	vmul.f32 v2, v9;
	v4 =	vand.u32 $0x7FFFFFFF, v0  }
0x166: {  	v8 =	vpop (erf);
	v4 =	vsub.f32 $0.0e+00, v4;
	v3 =	vmul.f32 v3, v19  }
0x167: {  	v7 =	vmul.f32 $-6.151485720e-03, v8;
	v2 =	vadd.f32 $-9.325221920e-02, v2  }
0x168: {  	v4 =	vmul.f32 $1.442695020e+00, v4;
	v3 =	vadd.f32 $3.315486610e-01, v3  }
0x169: {  	s30 =	simm.s32 $0x670;
	v7 =	vadd.f32 $3.484979640e-02, v7;
	v2 =	vmul.f32 v2, v9  }
0x16a: {  	v5 =	vld [tilespmem:s30+$0x0];
	(erf) = vpow2.f32 v4;
	v11 =	vmul.f32 v3, v19  }
0x16b: {  	v7 =	vmul.f32 v7, v8;
	v2 =	vadd.f32 $1.658229530e-01, v2  }
0x16c: {  	v15 =	vld [tilespmem:s13+$0xC80];
	v11 =	vadd.f32 $-4.998385610e-01, v11  }
0x16d: {  	v7 =	vadd.f32 $-9.325221920e-02, v7;
	v2 =	vmul.f32 v2, v9  }
0x16e: {  	v11 =	vmul.f32 v11, v19  }
0x16f: {  	v14 =	vand.u32 $0x7FFFFFFF, v5;
	v22 =	vmul.f32 v7, v8;
	v12 =	vadd.f32 $-2.398262920e-01, v2  }
0x170: {  	v21 =	vsub.f32 $0.0e+00, v14;
	v24 =	vadd.f32 $9.999942770e-01, v11  }
0x171: {  	v20 =	vmul.f32 v15, v16;
	v22 =	vadd.f32 $1.658229530e-01, v22;
	v12 =	vmul.f32 v12, v9  }
0x172: {  	v6 =	vld [tilespmem:s14+$0xC80];
	v16 =	vmax.f32 v16, $0.0e+00;
	v21 =	vmul.f32 $1.442695020e+00, v21;
	v19 =	vmul.f32 v24, v19  }
0x173: {  	s31 =	simm.s32 $0x800;
	v16 =	vsub.f32 v16, v20;
	v4 =	vld [tilespmem:s15+$0xC80];
	v22 =	vmul.f32 v22, v8;
	v23 =	vadd.f32 $3.315486610e-01, v12;
	v14 =	vpop (erf)  }
0x174: {  	v7 =	vld [tilespmem:s31+$0x0];
	(erf) = vpow2.f32 v21;
	v25 =	vmul.f32 $-6.151485720e-03, v14;
	v19 =	vadd.f32 $3.385588340e-08, v19  }
0x175: {  	v3 =	vld [tilespmem:s16+$0xC80];
	v22 =	vadd.f32 $-2.398262920e-01, v22;
	v23 =	vmul.f32 v23, v9  }
0x176: {  	v18 =	vimm.f32 $0.0e+00;
	v2 =	vld [tilespmem:s30+$0xC80];
	v24 =	vadd.f32 $3.484979640e-02, v25;
	v16 =	vadd.f32 v19, v16  }
0x177: {  	v17 =	vmul.f32 v6, v10;
	v26 =	vmul.f32 v22, v8;
	v23 =	vadd.f32 $-4.998385610e-01, v23  }
0x178: {  	v20 =	vmul.f32 v24, v14;
	v19 =	vadd.f32 v16, v18;
	v22 =	vmul.f32 v16, v15;
	v16 =	vld [tilespmem:s31+$0xC80]  }
0x179: {  	v13 =	vmul.f32 v4, v1;
	v23 =	vmul.f32 v23, v9;
	v24 =	vand.u32 $0x7FFFFFFF, v7  }
0x17a: {  	v12 =	vmul.f32 v3, v0;
	v24 =	vsub.f32 $0.0e+00, v24;
	v20 =	vadd.f32 $-9.325221920e-02, v20  }
0x17b: {  	v11 =	vmul.f32 v2, v5;
	v21 =	vadd.f32 $9.999942770e-01, v23;
	v23 =	vadd.f32 $3.315486610e-01, v26  }
0x17c: {  	s13 =	simm.s32 $0x2640;
	v25 =	vmul.f32 $1.442695020e+00, v24;
	v24 =	vmul.f32 v20, v14;
	v20 =	vimm.f32 $0.0e+00  }
.LBB2_8:
0x17d: {  	v26 =	vmul.f32 v16, v7;
	v27 =	vpop (erf);
	v18 =	vadd.f32 v15, v18;
	v20 =	vadd.f32 v22, v20  }
0x17e: {  	s14 =	sshra.s32 s13, $0x2;
	p0 =	sne.s32 s13, $0x2C80;
	s13 =	sadd.s32 $0x640, s13;
	v15 =	vmovc v6;
	v6 =	vmovc v4;
	v4 =	vmov v3;
	v3 =	vmov v2;
	v2 =	vmov v16  }
0x17f: {  	v22 =	vld [tilespmem:s14+$0x0];
	(erf) = vpow2.f32 v25;
	v16 =	vmul.f32 $-6.151485720e-03, v27;
	v24 =	vadd.f32 $1.658229530e-01, v24  }
0x180: {  	v10 =	vmax.f32 v10, $0.0e+00;
	v21 =	vmul.f32 v21, v9;
	v9 =	vmovc v8;
	v23 =	vmul.f32 v23, v8;
	v8 =	vmovc v14  }
0x181: {  	v28 =	vsub.f32 v10, v17;
	v17 =	vmovc v13;
	v13 =	vmovc v12;
	v25 =	vadd.f32 $3.484979640e-02, v16;
	v24 =	vmul.f32 v24, v8  }
0x182: {  	v12 =	vmovc v11;
	v14 =	vmovc v27;
	v21 =	vadd.f32 $3.385588340e-08, v21;
	v11 =	vmov v26;
	v23 =	vadd.f32 $-4.998385610e-01, v23  }
.Ltmp3:
0x183: {  	v10 =	vmovc v1;
	v1 =	vmovc v0;
	v0 =	vmov v5;
	v16 =	vld [tilespmem:s14+$0xC80];
	v25 =	vmul.f32 v25, v14;
	v24 =	vadd.f32 $-2.398262920e-01, v24;
	(pc) =	sbr.rel @p0 .LBB2_8-.Ltmp3, $4  }
0x184: {  	v5 =	vmovc v7;
	v27 =	vadd.f32 v21, v28;
	v23 =	vmul.f32 v23, v9;
	v26 =	vand.u32 $0x7FFFFFFF, v22;
	v7 =	vmovc v22  }
0x185: {  	v26 =	vsub.f32 $0.0e+00, v26;
	v28 =	vadd.f32 $-9.325221920e-02, v25;
	v29 =	vmul.f32 v24, v8  }
0x186: {  	v19 =	vadd.f32 v27, v19;
	v22 =	vmul.f32 v27, v15;
	v21 =	vadd.f32 $9.999942770e-01, v23  }
0x187: {  	v25 =	vmul.f32 $1.442695020e+00, v26;
	v24 =	vmul.f32 v28, v14;
	v23 =	vadd.f32 $3.315486610e-01, v29  }
0x188: {  	_ = 	snop  }
0x189: {  	(erf) = vpow2.f32 v25;
	_ =	sdelay $0x5  }
0x18a: {  	v25 =	vpop (erf)  }
0x18b: {  	v26 =	vmul.f32 $-6.151485720e-03, v25;
	_ =	sdelay $0x1  }
0x18c: {  	v26 =	vadd.f32 $3.484979640e-02, v26;
	v27 =	vpop (erf)  }
0x18d: {  	v28 =	vmul.f32 $-6.151485720e-03, v27  }
0x18e: {  	v26 =	vmul.f32 v26, v25  }
0x18f: {  	v28 =	vadd.f32 $3.484979640e-02, v28  }
0x190: {  	v26 =	vadd.f32 $-9.325221920e-02, v26  }
0x191: {  	v24 =	vadd.f32 $1.658229530e-01, v24;
	v28 =	vmul.f32 v28, v27  }
0x192: {  	v26 =	vmul.f32 v26, v25  }
0x193: {  	v24 =	vmul.f32 v24, v14;
	v28 =	vadd.f32 $-9.325221920e-02, v28  }
0x194: {  	v15 =	vadd.f32 v15, v18;
	v18 =	vadd.f32 $1.658229530e-01, v26  }
0x195: {  	v9 =	vmul.f32 v21, v9;
	v24 =	vadd.f32 $-2.398262920e-01, v24;
	v26 =	vmul.f32 v28, v27  }
0x196: {  	v10 =	vmax.f32 v10, $0.0e+00;
	v23 =	vmul.f32 v23, v8;
	v18 =	vmul.f32 v18, v25  }
0x197: {  	v10 =	vsub.f32 v10, v17;
	v17 =	vmul.f32 v24, v14;
	v21 =	vadd.f32 $1.658229530e-01, v26  }
0x198: {  	v23 =	vadd.f32 $-4.998385610e-01, v23;
	v18 =	vadd.f32 $-2.398262920e-01, v18  }
0x199: {  	v9 =	vadd.f32 $3.385588340e-08, v9;
	v17 =	vadd.f32 $3.315486610e-01, v17;
	v21 =	vmul.f32 v21, v27  }
0x19a: {  	v20 =	vadd.f32 v22, v20;
	v22 =	vmul.f32 v23, v8;
	v18 =	vmul.f32 v18, v25  }
0x19b: {  	v9 =	vadd.f32 v9, v10;
	v10 =	vmul.f32 v17, v14;
	v17 =	vadd.f32 $-2.398262920e-01, v21  }
0x19c: {  	v1 =	vmax.f32 v1, $0.0e+00;
	v18 =	vadd.f32 $3.315486610e-01, v18;
	v21 =	vadd.f32 $9.999942770e-01, v22  }
0x19d: {  	v0 =	vmax.f32 v0, $0.0e+00;
	v10 =	vadd.f32 $-4.998385610e-01, v10;
	v17 =	vmul.f32 v17, v27  }
0x19e: {  	v1 =	vsub.f32 v1, v13;
	v18 =	vmul.f32 v18, v25;
	v8 =	vmul.f32 v21, v8  }
0x19f: {  	v0 =	vsub.f32 v0, v12;
	v10 =	vmul.f32 v10, v14;
	v13 =	vadd.f32 $3.315486610e-01, v17  }
0x1a0: {  	v8 =	vadd.f32 $3.385588340e-08, v8;
	v17 =	vadd.f32 $-4.998385610e-01, v18  }
0x1a1: {  	v19 =	vadd.f32 v9, v19;
	v10 =	vadd.f32 $9.999942770e-01, v10;
	v13 =	vmul.f32 v13, v27  }
0x1a2: {  	v9 =	vmul.f32 v9, v6;
	v1 =	vadd.f32 v8, v1;
	v8 =	vmul.f32 v17, v25  }
0x1a3: {  	v6 =	vadd.f32 v6, v15;
	v10 =	vmul.f32 v10, v14;
	v13 =	vadd.f32 $-4.998385610e-01, v13  }
0x1a4: {  	v9 =	vadd.f32 v9, v20;
	v8 =	vadd.f32 $9.999942770e-01, v8  }
0x1a5: {  	v10 =	vadd.f32 $3.385588340e-08, v10;
	v14 =	vadd.f32 v1, v19;
	v12 =	vmul.f32 v13, v27  }
0x1a6: {  	v1 =	vmul.f32 v1, v4;
	v4 =	vadd.f32 v4, v6;
	v6 =	vmul.f32 v8, v25  }
0x1a7: {  	v5 =	vmax.f32 v5, $0.0e+00;
	v0 =	vadd.f32 v10, v0;
	v8 =	vadd.f32 $9.999942770e-01, v12  }
0x1a8: {  	v5 =	vsub.f32 v5, v11;
	v10 =	vmul.f32 v16, v7;
	v6 =	vadd.f32 $3.385588340e-08, v6  }
0x1a9: {  	v1 =	vadd.f32 v1, v9;
	v9 =	vmul.f32 v0, v3;
	v8 =	vmul.f32 v8, v27  }
0x1aa: {  	v3 =	vadd.f32 v3, v4;
	v4 =	vadd.f32 v6, v5;
	v5 =	vmax.f32 v7, $0.0e+00  }
0x1ab: {  	v5 =	vsub.f32 v5, v10;
	v6 =	vadd.f32 $3.385588340e-08, v8  }
0x1ac: {  	v0 =	vadd.f32 v0, v14;
	v1 =	vadd.f32 v9, v1  }
0x1ad: {  	v7 =	vmul.f32 v4, v2;
	v2 =	vadd.f32 v2, v3;
	v3 =	vadd.f32 v6, v5  }
0x1ae: {  	v0 =	vadd.f32 v4, v0  }
0x1af: {  	v1 =	vadd.f32 v7, v1;
	v2 =	vadd.f32 v16, v2;
	v4 =	vmul.f32 v3, v16  }
0x1b0: {  	v0 =	vadd.f32 v3, v0  }
0x1b1: {  	[tilespmem:$0x1930] =	vst v2;
	v1 =	vadd.f32 v4, v1  }
0x1b2: {  	[tilespmem:$0x1AC0] =	vst v0  }
0x1b3: {  	s13 =	simm.s32 $0x40;
	[tilespmem:$0x1C50] =	vst v1  }
0x1b4: {  	v16 =	vld [tilespmem:s13+$0x0];
	_ =	sdelay $0x4  }
0x1b5: {  	v0 =	vand.u32 $0x7FFFFFFF, v16  }
0x1b6: {  	v0 =	vsub.f32 $0.0e+00, v0;
	_ =	sdelay $0x1  }
0x1b7: {  	v0 =	vmul.f32 $1.442695020e+00, v0  }
0x1b8: {  	s14 =	simm.s32 $0x1D0  }
0x1b9: {  	v10 =	vld [tilespmem:s14+$0x0];
	(erf) = vpow2.f32 v0;
	_ =	sdelay $0x4  }
0x1ba: {  	v0 =	vand.u32 $0x7FFFFFFF, v10  }
0x1bb: {  	s15 =	simm.s32 $0x360;
	v0 =	vsub.f32 $0.0e+00, v0  }
0x1bc: {  	v1 =	vld [tilespmem:s15+$0x0]  }
0x1bd: {  	v0 =	vmul.f32 $1.442695020e+00, v0  }
0x1be: {  	v19 =	vpop (erf)  }
0x1bf: {  	(erf) = vpow2.f32 v0;
	v0 =	vmul.f32 $-6.151485720e-03, v19;
	_ =	sdelay $0x1  }
0x1c0: {  	v2 =	vand.u32 $0x7FFFFFFF, v1;
	v0 =	vadd.f32 $3.484979640e-02, v0  }
0x1c1: {  	v2 =	vsub.f32 $0.0e+00, v2  }
0x1c2: {  	v0 =	vmul.f32 v0, v19  }
0x1c3: {  	v2 =	vmul.f32 $1.442695020e+00, v2  }
0x1c4: {  	v3 =	vadd.f32 $-9.325221920e-02, v0  }
0x1c5: {  	(erf) = vpow2.f32 v2  }
0x1c6: {  	v3 =	vmul.f32 v3, v19  }
0x1c7: {  	s16 =	simm.s32 $0x4F0  }
0x1c8: {  	v9 =	vpop (erf);
	v0 =	vld [tilespmem:s16+$0x0];
	v3 =	vadd.f32 $1.658229530e-01, v3  }
0x1c9: {  	v2 =	vmul.f32 $-6.151485720e-03, v9  }
0x1ca: {  	v3 =	vmul.f32 v3, v19  }
0x1cb: {  	v2 =	vadd.f32 $3.484979640e-02, v2  }
0x1cc: {  	v3 =	vadd.f32 $-2.398262920e-01, v3  }
0x1cd: {  	v2 =	vmul.f32 v2, v9;
	v4 =	vand.u32 $0x7FFFFFFF, v0  }
0x1ce: {  	v8 =	vpop (erf);
	v4 =	vsub.f32 $0.0e+00, v4;
	v3 =	vmul.f32 v3, v19  }
0x1cf: {  	v7 =	vmul.f32 $-6.151485720e-03, v8;
	v2 =	vadd.f32 $-9.325221920e-02, v2  }
0x1d0: {  	v4 =	vmul.f32 $1.442695020e+00, v4;
	v3 =	vadd.f32 $3.315486610e-01, v3  }
0x1d1: {  	s30 =	simm.s32 $0x680;
	v7 =	vadd.f32 $3.484979640e-02, v7;
	v2 =	vmul.f32 v2, v9  }
0x1d2: {  	v5 =	vld [tilespmem:s30+$0x0];
	(erf) = vpow2.f32 v4;
	v11 =	vmul.f32 v3, v19  }
0x1d3: {  	v7 =	vmul.f32 v7, v8;
	v2 =	vadd.f32 $1.658229530e-01, v2  }
0x1d4: {  	v15 =	vld [tilespmem:s13+$0xC80];
	v11 =	vadd.f32 $-4.998385610e-01, v11  }
0x1d5: {  	v7 =	vadd.f32 $-9.325221920e-02, v7;
	v2 =	vmul.f32 v2, v9  }
0x1d6: {  	v11 =	vmul.f32 v11, v19  }
0x1d7: {  	v14 =	vand.u32 $0x7FFFFFFF, v5;
	v22 =	vmul.f32 v7, v8;
	v12 =	vadd.f32 $-2.398262920e-01, v2  }
0x1d8: {  	v21 =	vsub.f32 $0.0e+00, v14;
	v24 =	vadd.f32 $9.999942770e-01, v11  }
0x1d9: {  	v20 =	vmul.f32 v15, v16;
	v22 =	vadd.f32 $1.658229530e-01, v22;
	v12 =	vmul.f32 v12, v9  }
0x1da: {  	v6 =	vld [tilespmem:s14+$0xC80];
	v16 =	vmax.f32 v16, $0.0e+00;
	v21 =	vmul.f32 $1.442695020e+00, v21;
	v19 =	vmul.f32 v24, v19  }
0x1db: {  	s31 =	simm.s32 $0x810;
	v16 =	vsub.f32 v16, v20;
	v4 =	vld [tilespmem:s15+$0xC80];
	v22 =	vmul.f32 v22, v8;
	v23 =	vadd.f32 $3.315486610e-01, v12;
	v14 =	vpop (erf)  }
0x1dc: {  	v7 =	vld [tilespmem:s31+$0x0];
	(erf) = vpow2.f32 v21;
	v25 =	vmul.f32 $-6.151485720e-03, v14;
	v19 =	vadd.f32 $3.385588340e-08, v19  }
0x1dd: {  	v3 =	vld [tilespmem:s16+$0xC80];
	v22 =	vadd.f32 $-2.398262920e-01, v22;
	v23 =	vmul.f32 v23, v9  }
0x1de: {  	v18 =	vimm.f32 $0.0e+00;
	v2 =	vld [tilespmem:s30+$0xC80];
	v24 =	vadd.f32 $3.484979640e-02, v25;
	v16 =	vadd.f32 v19, v16  }
0x1df: {  	v17 =	vmul.f32 v6, v10;
	v26 =	vmul.f32 v22, v8;
	v23 =	vadd.f32 $-4.998385610e-01, v23  }
0x1e0: {  	v20 =	vmul.f32 v24, v14;
	v19 =	vadd.f32 v16, v18;
	v22 =	vmul.f32 v16, v15;
	v16 =	vld [tilespmem:s31+$0xC80]  }
0x1e1: {  	v13 =	vmul.f32 v4, v1;
	v23 =	vmul.f32 v23, v9;
	v24 =	vand.u32 $0x7FFFFFFF, v7  }
0x1e2: {  	v12 =	vmul.f32 v3, v0;
	v24 =	vsub.f32 $0.0e+00, v24;
	v20 =	vadd.f32 $-9.325221920e-02, v20  }
0x1e3: {  	v11 =	vmul.f32 v2, v5;
	v21 =	vadd.f32 $9.999942770e-01, v23;
	v23 =	vadd.f32 $3.315486610e-01, v26  }
0x1e4: {  	s13 =	simm.s32 $0x2680;
	v25 =	vmul.f32 $1.442695020e+00, v24;
	v24 =	vmul.f32 v20, v14;
	v20 =	vimm.f32 $0.0e+00  }
.LBB2_10:
0x1e5: {  	v26 =	vmul.f32 v16, v7;
	v27 =	vpop (erf);
	v18 =	vadd.f32 v15, v18;
	v20 =	vadd.f32 v22, v20  }
0x1e6: {  	s14 =	sshra.s32 s13, $0x2;
	p0 =	sne.s32 s13, $0x2CC0;
	s13 =	sadd.s32 $0x640, s13;
	v15 =	vmovc v6;
	v6 =	vmovc v4;
	v4 =	vmov v3;
	v3 =	vmov v2;
	v2 =	vmov v16  }
0x1e7: {  	v22 =	vld [tilespmem:s14+$0x0];
	(erf) = vpow2.f32 v25;
	v16 =	vmul.f32 $-6.151485720e-03, v27;
	v24 =	vadd.f32 $1.658229530e-01, v24  }
0x1e8: {  	v10 =	vmax.f32 v10, $0.0e+00;
	v21 =	vmul.f32 v21, v9;
	v9 =	vmovc v8;
	v23 =	vmul.f32 v23, v8;
	v8 =	vmovc v14  }
0x1e9: {  	v28 =	vsub.f32 v10, v17;
	v17 =	vmovc v13;
	v13 =	vmovc v12;
	v25 =	vadd.f32 $3.484979640e-02, v16;
	v24 =	vmul.f32 v24, v8  }
0x1ea: {  	v12 =	vmovc v11;
	v14 =	vmovc v27;
	v21 =	vadd.f32 $3.385588340e-08, v21;
	v11 =	vmov v26;
	v23 =	vadd.f32 $-4.998385610e-01, v23  }
.Ltmp4:
0x1eb: {  	v10 =	vmovc v1;
	v1 =	vmovc v0;
	v0 =	vmov v5;
	v16 =	vld [tilespmem:s14+$0xC80];
	v25 =	vmul.f32 v25, v14;
	v24 =	vadd.f32 $-2.398262920e-01, v24;
	(pc) =	sbr.rel @p0 .LBB2_10-.Ltmp4, $4  }
0x1ec: {  	v5 =	vmovc v7;
	v27 =	vadd.f32 v21, v28;
	v23 =	vmul.f32 v23, v9;
	v26 =	vand.u32 $0x7FFFFFFF, v22;
	v7 =	vmovc v22  }
0x1ed: {  	v26 =	vsub.f32 $0.0e+00, v26;
	v28 =	vadd.f32 $-9.325221920e-02, v25;
	v29 =	vmul.f32 v24, v8  }
0x1ee: {  	v19 =	vadd.f32 v27, v19;
	v22 =	vmul.f32 v27, v15;
	v21 =	vadd.f32 $9.999942770e-01, v23  }
0x1ef: {  	v25 =	vmul.f32 $1.442695020e+00, v26;
	v24 =	vmul.f32 v28, v14;
	v23 =	vadd.f32 $3.315486610e-01, v29  }
0x1f0: {  	_ = 	snop  }
0x1f1: {  	(erf) = vpow2.f32 v25;
	_ =	sdelay $0x5  }
0x1f2: {  	v25 =	vpop (erf)  }
0x1f3: {  	v26 =	vmul.f32 $-6.151485720e-03, v25;
	_ =	sdelay $0x1  }
0x1f4: {  	v26 =	vadd.f32 $3.484979640e-02, v26;
	v27 =	vpop (erf)  }
0x1f5: {  	v28 =	vmul.f32 $-6.151485720e-03, v27  }
0x1f6: {  	v26 =	vmul.f32 v26, v25  }
0x1f7: {  	v28 =	vadd.f32 $3.484979640e-02, v28  }
0x1f8: {  	v26 =	vadd.f32 $-9.325221920e-02, v26  }
0x1f9: {  	v24 =	vadd.f32 $1.658229530e-01, v24;
	v28 =	vmul.f32 v28, v27  }
0x1fa: {  	v26 =	vmul.f32 v26, v25  }
0x1fb: {  	v24 =	vmul.f32 v24, v14;
	v28 =	vadd.f32 $-9.325221920e-02, v28  }
0x1fc: {  	v15 =	vadd.f32 v15, v18;
	v18 =	vadd.f32 $1.658229530e-01, v26  }
0x1fd: {  	v9 =	vmul.f32 v21, v9;
	v24 =	vadd.f32 $-2.398262920e-01, v24;
	v26 =	vmul.f32 v28, v27  }
0x1fe: {  	v10 =	vmax.f32 v10, $0.0e+00;
	v23 =	vmul.f32 v23, v8;
	v18 =	vmul.f32 v18, v25  }
0x1ff: {  	v10 =	vsub.f32 v10, v17;
	v17 =	vmul.f32 v24, v14;
	v21 =	vadd.f32 $1.658229530e-01, v26  }
0x200: {  	v23 =	vadd.f32 $-4.998385610e-01, v23;
	v18 =	vadd.f32 $-2.398262920e-01, v18  }
0x201: {  	v9 =	vadd.f32 $3.385588340e-08, v9;
	v17 =	vadd.f32 $3.315486610e-01, v17;
	v21 =	vmul.f32 v21, v27  }
0x202: {  	v20 =	vadd.f32 v22, v20;
	v22 =	vmul.f32 v23, v8;
	v18 =	vmul.f32 v18, v25  }
0x203: {  	v9 =	vadd.f32 v9, v10;
	v10 =	vmul.f32 v17, v14;
	v17 =	vadd.f32 $-2.398262920e-01, v21  }
0x204: {  	v1 =	vmax.f32 v1, $0.0e+00;
	v18 =	vadd.f32 $3.315486610e-01, v18;
	v21 =	vadd.f32 $9.999942770e-01, v22  }
0x205: {  	v0 =	vmax.f32 v0, $0.0e+00;
	v10 =	vadd.f32 $-4.998385610e-01, v10;
	v17 =	vmul.f32 v17, v27  }
0x206: {  	v1 =	vsub.f32 v1, v13;
	v18 =	vmul.f32 v18, v25;
	v8 =	vmul.f32 v21, v8  }
0x207: {  	v0 =	vsub.f32 v0, v12;
	v10 =	vmul.f32 v10, v14;
	v13 =	vadd.f32 $3.315486610e-01, v17  }
0x208: {  	v8 =	vadd.f32 $3.385588340e-08, v8;
	v17 =	vadd.f32 $-4.998385610e-01, v18  }
0x209: {  	v19 =	vadd.f32 v9, v19;
	v10 =	vadd.f32 $9.999942770e-01, v10;
	v13 =	vmul.f32 v13, v27  }
0x20a: {  	v9 =	vmul.f32 v9, v6;
	v1 =	vadd.f32 v8, v1;
	v8 =	vmul.f32 v17, v25  }
0x20b: {  	v6 =	vadd.f32 v6, v15;
	v10 =	vmul.f32 v10, v14;
	v13 =	vadd.f32 $-4.998385610e-01, v13  }
0x20c: {  	v9 =	vadd.f32 v9, v20;
	v8 =	vadd.f32 $9.999942770e-01, v8  }
0x20d: {  	v10 =	vadd.f32 $3.385588340e-08, v10;
	v14 =	vadd.f32 v1, v19;
	v12 =	vmul.f32 v13, v27  }
0x20e: {  	v1 =	vmul.f32 v1, v4;
	v4 =	vadd.f32 v4, v6;
	v6 =	vmul.f32 v8, v25  }
0x20f: {  	v5 =	vmax.f32 v5, $0.0e+00;
	v0 =	vadd.f32 v10, v0;
	v8 =	vadd.f32 $9.999942770e-01, v12  }
0x210: {  	v5 =	vsub.f32 v5, v11;
	v10 =	vmul.f32 v16, v7;
	v6 =	vadd.f32 $3.385588340e-08, v6  }
0x211: {  	v1 =	vadd.f32 v1, v9;
	v9 =	vmul.f32 v0, v3;
	v8 =	vmul.f32 v8, v27  }
0x212: {  	v3 =	vadd.f32 v3, v4;
	v4 =	vadd.f32 v6, v5;
	v5 =	vmax.f32 v7, $0.0e+00  }
0x213: {  	v5 =	vsub.f32 v5, v10;
	v6 =	vadd.f32 $3.385588340e-08, v8  }
0x214: {  	v0 =	vadd.f32 v0, v14;
	v1 =	vadd.f32 v9, v1  }
0x215: {  	v7 =	vmul.f32 v4, v2;
	v2 =	vadd.f32 v2, v3;
	v3 =	vadd.f32 v6, v5  }
0x216: {  	v0 =	vadd.f32 v4, v0  }
0x217: {  	v1 =	vadd.f32 v7, v1;
	v2 =	vadd.f32 v16, v2;
	v4 =	vmul.f32 v3, v16  }
0x218: {  	v0 =	vadd.f32 v3, v0  }
0x219: {  	[tilespmem:$0x1940] =	vst v2;
	v1 =	vadd.f32 v4, v1  }
0x21a: {  	[tilespmem:$0x1AD0] =	vst v0  }
0x21b: {  	s13 =	simm.s32 $0x50;
	[tilespmem:$0x1C60] =	vst v1  }
0x21c: {  	v16 =	vld [tilespmem:s13+$0x0];
	_ =	sdelay $0x4  }
0x21d: {  	v0 =	vand.u32 $0x7FFFFFFF, v16  }
0x21e: {  	v0 =	vsub.f32 $0.0e+00, v0;
	_ =	sdelay $0x1  }
0x21f: {  	v0 =	vmul.f32 $1.442695020e+00, v0  }
0x220: {  	s14 =	simm.s32 $0x1E0  }
0x221: {  	v10 =	vld [tilespmem:s14+$0x0];
	(erf) = vpow2.f32 v0;
	_ =	sdelay $0x4  }
0x222: {  	v0 =	vand.u32 $0x7FFFFFFF, v10  }
0x223: {  	s15 =	simm.s32 $0x370;
	v0 =	vsub.f32 $0.0e+00, v0  }
0x224: {  	v1 =	vld [tilespmem:s15+$0x0]  }
0x225: {  	v0 =	vmul.f32 $1.442695020e+00, v0  }
0x226: {  	v19 =	vpop (erf)  }
0x227: {  	(erf) = vpow2.f32 v0;
	v0 =	vmul.f32 $-6.151485720e-03, v19;
	_ =	sdelay $0x1  }
0x228: {  	v2 =	vand.u32 $0x7FFFFFFF, v1;
	v0 =	vadd.f32 $3.484979640e-02, v0  }
0x229: {  	v2 =	vsub.f32 $0.0e+00, v2  }
0x22a: {  	v0 =	vmul.f32 v0, v19  }
0x22b: {  	v2 =	vmul.f32 $1.442695020e+00, v2  }
0x22c: {  	v3 =	vadd.f32 $-9.325221920e-02, v0  }
0x22d: {  	(erf) = vpow2.f32 v2  }
0x22e: {  	v3 =	vmul.f32 v3, v19  }
0x22f: {  	s16 =	simm.s32 $0x500  }
0x230: {  	v9 =	vpop (erf);
	v0 =	vld [tilespmem:s16+$0x0];
	v3 =	vadd.f32 $1.658229530e-01, v3  }
0x231: {  	v2 =	vmul.f32 $-6.151485720e-03, v9  }
0x232: {  	v3 =	vmul.f32 v3, v19  }
0x233: {  	v2 =	vadd.f32 $3.484979640e-02, v2  }
0x234: {  	v3 =	vadd.f32 $-2.398262920e-01, v3  }
0x235: {  	v2 =	vmul.f32 v2, v9;
	v4 =	vand.u32 $0x7FFFFFFF, v0  }
0x236: {  	v8 =	vpop (erf);
	v4 =	vsub.f32 $0.0e+00, v4;
	v3 =	vmul.f32 v3, v19  }
0x237: {  	v7 =	vmul.f32 $-6.151485720e-03, v8;
	v2 =	vadd.f32 $-9.325221920e-02, v2  }
0x238: {  	v4 =	vmul.f32 $1.442695020e+00, v4;
	v3 =	vadd.f32 $3.315486610e-01, v3  }
0x239: {  	s30 =	simm.s32 $0x690;
	v7 =	vadd.f32 $3.484979640e-02, v7;
	v2 =	vmul.f32 v2, v9  }
0x23a: {  	v5 =	vld [tilespmem:s30+$0x0];
	(erf) = vpow2.f32 v4;
	v11 =	vmul.f32 v3, v19  }
0x23b: {  	v7 =	vmul.f32 v7, v8;
	v2 =	vadd.f32 $1.658229530e-01, v2  }
0x23c: {  	v15 =	vld [tilespmem:s13+$0xC80];
	v11 =	vadd.f32 $-4.998385610e-01, v11  }
0x23d: {  	v7 =	vadd.f32 $-9.325221920e-02, v7;
	v2 =	vmul.f32 v2, v9  }
0x23e: {  	v11 =	vmul.f32 v11, v19  }
0x23f: {  	v14 =	vand.u32 $0x7FFFFFFF, v5;
	v22 =	vmul.f32 v7, v8;
	v12 =	vadd.f32 $-2.398262920e-01, v2  }
0x240: {  	v21 =	vsub.f32 $0.0e+00, v14;
	v24 =	vadd.f32 $9.999942770e-01, v11  }
0x241: {  	v20 =	vmul.f32 v15, v16;
	v22 =	vadd.f32 $1.658229530e-01, v22;
	v12 =	vmul.f32 v12, v9  }
0x242: {  	v6 =	vld [tilespmem:s14+$0xC80];
	v16 =	vmax.f32 v16, $0.0e+00;
	v21 =	vmul.f32 $1.442695020e+00, v21;
	v19 =	vmul.f32 v24, v19  }
0x243: {  	s31 =	simm.s32 $0x820;
	v16 =	vsub.f32 v16, v20;
	v4 =	vld [tilespmem:s15+$0xC80];
	v22 =	vmul.f32 v22, v8;
	v23 =	vadd.f32 $3.315486610e-01, v12;
	v14 =	vpop (erf)  }
0x244: {  	v7 =	vld [tilespmem:s31+$0x0];
	(erf) = vpow2.f32 v21;
	v25 =	vmul.f32 $-6.151485720e-03, v14;
	v19 =	vadd.f32 $3.385588340e-08, v19  }
0x245: {  	v3 =	vld [tilespmem:s16+$0xC80];
	v22 =	vadd.f32 $-2.398262920e-01, v22;
	v23 =	vmul.f32 v23, v9  }
0x246: {  	v18 =	vimm.f32 $0.0e+00;
	v2 =	vld [tilespmem:s30+$0xC80];
	v24 =	vadd.f32 $3.484979640e-02, v25;
	v16 =	vadd.f32 v19, v16  }
0x247: {  	v17 =	vmul.f32 v6, v10;
	v26 =	vmul.f32 v22, v8;
	v23 =	vadd.f32 $-4.998385610e-01, v23  }
0x248: {  	v20 =	vmul.f32 v24, v14;
	v19 =	vadd.f32 v16, v18;
	v22 =	vmul.f32 v16, v15;
	v16 =	vld [tilespmem:s31+$0xC80]  }
0x249: {  	v13 =	vmul.f32 v4, v1;
	v23 =	vmul.f32 v23, v9;
	v24 =	vand.u32 $0x7FFFFFFF, v7  }
0x24a: {  	v12 =	vmul.f32 v3, v0;
	v24 =	vsub.f32 $0.0e+00, v24;
	v20 =	vadd.f32 $-9.325221920e-02, v20  }
0x24b: {  	v11 =	vmul.f32 v2, v5;
	v21 =	vadd.f32 $9.999942770e-01, v23;
	v23 =	vadd.f32 $3.315486610e-01, v26  }
0x24c: {  	s13 =	simm.s32 $0x26C0;
	v25 =	vmul.f32 $1.442695020e+00, v24;
	v24 =	vmul.f32 v20, v14;
	v20 =	vimm.f32 $0.0e+00  }
.LBB2_12:
0x24d: {  	v26 =	vmul.f32 v16, v7;
	v27 =	vpop (erf);
	v18 =	vadd.f32 v15, v18;
	v20 =	vadd.f32 v22, v20  }
0x24e: {  	s14 =	sshra.s32 s13, $0x2;
	p0 =	sne.s32 s13, $0x2D00;
	s13 =	sadd.s32 $0x640, s13;
	v15 =	vmovc v6;
	v6 =	vmovc v4;
	v4 =	vmov v3;
	v3 =	vmov v2;
	v2 =	vmov v16  }
0x24f: {  	v22 =	vld [tilespmem:s14+$0x0];
	(erf) = vpow2.f32 v25;
	v16 =	vmul.f32 $-6.151485720e-03, v27;
	v24 =	vadd.f32 $1.658229530e-01, v24  }
0x250: {  	v10 =	vmax.f32 v10, $0.0e+00;
	v21 =	vmul.f32 v21, v9;
	v9 =	vmovc v8;
	v23 =	vmul.f32 v23, v8;
	v8 =	vmovc v14  }
0x251: {  	v28 =	vsub.f32 v10, v17;
	v17 =	vmovc v13;
	v13 =	vmovc v12;
	v25 =	vadd.f32 $3.484979640e-02, v16;
	v24 =	vmul.f32 v24, v8  }
0x252: {  	v12 =	vmovc v11;
	v14 =	vmovc v27;
	v21 =	vadd.f32 $3.385588340e-08, v21;
	v11 =	vmov v26;
	v23 =	vadd.f32 $-4.998385610e-01, v23  }
.Ltmp5:
0x253: {  	v10 =	vmovc v1;
	v1 =	vmovc v0;
	v0 =	vmov v5;
	v16 =	vld [tilespmem:s14+$0xC80];
	v25 =	vmul.f32 v25, v14;
	v24 =	vadd.f32 $-2.398262920e-01, v24;
	(pc) =	sbr.rel @p0 .LBB2_12-.Ltmp5, $4  }
0x254: {  	v5 =	vmovc v7;
	v27 =	vadd.f32 v21, v28;
	v23 =	vmul.f32 v23, v9;
	v26 =	vand.u32 $0x7FFFFFFF, v22;
	v7 =	vmovc v22  }
0x255: {  	v26 =	vsub.f32 $0.0e+00, v26;
	v28 =	vadd.f32 $-9.325221920e-02, v25;
	v29 =	vmul.f32 v24, v8  }
0x256: {  	v19 =	vadd.f32 v27, v19;
	v22 =	vmul.f32 v27, v15;
	v21 =	vadd.f32 $9.999942770e-01, v23  }
0x257: {  	v25 =	vmul.f32 $1.442695020e+00, v26;
	v24 =	vmul.f32 v28, v14;
	v23 =	vadd.f32 $3.315486610e-01, v29  }
0x258: {  	_ = 	snop  }
0x259: {  	(erf) = vpow2.f32 v25;
	_ =	sdelay $0x5  }
0x25a: {  	v25 =	vpop (erf)  }
0x25b: {  	v26 =	vmul.f32 $-6.151485720e-03, v25;
	_ =	sdelay $0x1  }
0x25c: {  	v26 =	vadd.f32 $3.484979640e-02, v26;
	v27 =	vpop (erf)  }
0x25d: {  	v28 =	vmul.f32 $-6.151485720e-03, v27  }
0x25e: {  	v26 =	vmul.f32 v26, v25  }
0x25f: {  	v28 =	vadd.f32 $3.484979640e-02, v28  }
0x260: {  	v26 =	vadd.f32 $-9.325221920e-02, v26  }
0x261: {  	v24 =	vadd.f32 $1.658229530e-01, v24;
	v28 =	vmul.f32 v28, v27  }
0x262: {  	v26 =	vmul.f32 v26, v25  }
0x263: {  	v24 =	vmul.f32 v24, v14;
	v28 =	vadd.f32 $-9.325221920e-02, v28  }
0x264: {  	v15 =	vadd.f32 v15, v18;
	v18 =	vadd.f32 $1.658229530e-01, v26  }
0x265: {  	v9 =	vmul.f32 v21, v9;
	v24 =	vadd.f32 $-2.398262920e-01, v24;
	v26 =	vmul.f32 v28, v27  }
0x266: {  	v10 =	vmax.f32 v10, $0.0e+00;
	v23 =	vmul.f32 v23, v8;
	v18 =	vmul.f32 v18, v25  }
0x267: {  	v10 =	vsub.f32 v10, v17;
	v17 =	vmul.f32 v24, v14;
	v21 =	vadd.f32 $1.658229530e-01, v26  }
0x268: {  	v23 =	vadd.f32 $-4.998385610e-01, v23;
	v18 =	vadd.f32 $-2.398262920e-01, v18  }
0x269: {  	v9 =	vadd.f32 $3.385588340e-08, v9;
	v17 =	vadd.f32 $3.315486610e-01, v17;
	v21 =	vmul.f32 v21, v27  }
0x26a: {  	v20 =	vadd.f32 v22, v20;
	v22 =	vmul.f32 v23, v8;
	v18 =	vmul.f32 v18, v25  }
0x26b: {  	v9 =	vadd.f32 v9, v10;
	v10 =	vmul.f32 v17, v14;
	v17 =	vadd.f32 $-2.398262920e-01, v21  }
0x26c: {  	v1 =	vmax.f32 v1, $0.0e+00;
	v18 =	vadd.f32 $3.315486610e-01, v18;
	v21 =	vadd.f32 $9.999942770e-01, v22  }
0x26d: {  	v0 =	vmax.f32 v0, $0.0e+00;
	v10 =	vadd.f32 $-4.998385610e-01, v10;
	v17 =	vmul.f32 v17, v27  }
0x26e: {  	v1 =	vsub.f32 v1, v13;
	v18 =	vmul.f32 v18, v25;
	v8 =	vmul.f32 v21, v8  }
0x26f: {  	v0 =	vsub.f32 v0, v12;
	v10 =	vmul.f32 v10, v14;
	v13 =	vadd.f32 $3.315486610e-01, v17  }
0x270: {  	v8 =	vadd.f32 $3.385588340e-08, v8;
	v17 =	vadd.f32 $-4.998385610e-01, v18  }
0x271: {  	v19 =	vadd.f32 v9, v19;
	v10 =	vadd.f32 $9.999942770e-01, v10;
	v13 =	vmul.f32 v13, v27  }
0x272: {  	v9 =	vmul.f32 v9, v6;
	v1 =	vadd.f32 v8, v1;
	v8 =	vmul.f32 v17, v25  }
0x273: {  	v6 =	vadd.f32 v6, v15;
	v10 =	vmul.f32 v10, v14;
	v13 =	vadd.f32 $-4.998385610e-01, v13  }
0x274: {  	v9 =	vadd.f32 v9, v20;
	v8 =	vadd.f32 $9.999942770e-01, v8  }
0x275: {  	v10 =	vadd.f32 $3.385588340e-08, v10;
	v14 =	vadd.f32 v1, v19;
	v12 =	vmul.f32 v13, v27  }
0x276: {  	v1 =	vmul.f32 v1, v4;
	v4 =	vadd.f32 v4, v6;
	v6 =	vmul.f32 v8, v25  }
0x277: {  	v5 =	vmax.f32 v5, $0.0e+00;
	v0 =	vadd.f32 v10, v0;
	v8 =	vadd.f32 $9.999942770e-01, v12  }
0x278: {  	v5 =	vsub.f32 v5, v11;
	v10 =	vmul.f32 v16, v7;
	v6 =	vadd.f32 $3.385588340e-08, v6  }
0x279: {  	v1 =	vadd.f32 v1, v9;
	v9 =	vmul.f32 v0, v3;
	v8 =	vmul.f32 v8, v27  }
0x27a: {  	v3 =	vadd.f32 v3, v4;
	v4 =	vadd.f32 v6, v5;
	v5 =	vmax.f32 v7, $0.0e+00  }
0x27b: {  	v5 =	vsub.f32 v5, v10;
	v6 =	vadd.f32 $3.385588340e-08, v8  }
0x27c: {  	v0 =	vadd.f32 v0, v14;
	v1 =	vadd.f32 v9, v1  }
0x27d: {  	v7 =	vmul.f32 v4, v2;
	v2 =	vadd.f32 v2, v3;
	v3 =	vadd.f32 v6, v5  }
0x27e: {  	v0 =	vadd.f32 v4, v0  }
0x27f: {  	v1 =	vadd.f32 v7, v1;
	v2 =	vadd.f32 v16, v2;
	v4 =	vmul.f32 v3, v16  }
0x280: {  	v0 =	vadd.f32 v3, v0  }
0x281: {  	[tilespmem:$0x1950] =	vst v2;
	v1 =	vadd.f32 v4, v1  }
0x282: {  	[tilespmem:$0x1AE0] =	vst v0  }
0x283: {  	s13 =	simm.s32 $0x60;
	[tilespmem:$0x1C70] =	vst v1  }
0x284: {  	v16 =	vld [tilespmem:s13+$0x0];
	_ =	sdelay $0x4  }
0x285: {  	v0 =	vand.u32 $0x7FFFFFFF, v16  }
0x286: {  	v0 =	vsub.f32 $0.0e+00, v0;
	_ =	sdelay $0x1  }
0x287: {  	v0 =	vmul.f32 $1.442695020e+00, v0  }
0x288: {  	s14 =	simm.s32 $0x1F0  }
0x289: {  	v10 =	vld [tilespmem:s14+$0x0];
	(erf) = vpow2.f32 v0;
	_ =	sdelay $0x4  }
0x28a: {  	v0 =	vand.u32 $0x7FFFFFFF, v10  }
0x28b: {  	s15 =	simm.s32 $0x380;
	v0 =	vsub.f32 $0.0e+00, v0  }
0x28c: {  	v1 =	vld [tilespmem:s15+$0x0]  }
0x28d: {  	v0 =	vmul.f32 $1.442695020e+00, v0  }
0x28e: {  	v19 =	vpop (erf)  }
0x28f: {  	(erf) = vpow2.f32 v0;
	v0 =	vmul.f32 $-6.151485720e-03, v19;
	_ =	sdelay $0x1  }
0x290: {  	v2 =	vand.u32 $0x7FFFFFFF, v1;
	v0 =	vadd.f32 $3.484979640e-02, v0  }
0x291: {  	v2 =	vsub.f32 $0.0e+00, v2  }
0x292: {  	v0 =	vmul.f32 v0, v19  }
0x293: {  	v2 =	vmul.f32 $1.442695020e+00, v2  }
0x294: {  	v3 =	vadd.f32 $-9.325221920e-02, v0  }
0x295: {  	(erf) = vpow2.f32 v2  }
0x296: {  	v3 =	vmul.f32 v3, v19  }
0x297: {  	s16 =	simm.s32 $0x510  }
0x298: {  	v9 =	vpop (erf);
	v0 =	vld [tilespmem:s16+$0x0];
	v3 =	vadd.f32 $1.658229530e-01, v3  }
0x299: {  	v2 =	vmul.f32 $-6.151485720e-03, v9  }
0x29a: {  	v3 =	vmul.f32 v3, v19  }
0x29b: {  	v2 =	vadd.f32 $3.484979640e-02, v2  }
0x29c: {  	v3 =	vadd.f32 $-2.398262920e-01, v3  }
0x29d: {  	v2 =	vmul.f32 v2, v9;
	v4 =	vand.u32 $0x7FFFFFFF, v0  }
0x29e: {  	v8 =	vpop (erf);
	v4 =	vsub.f32 $0.0e+00, v4;
	v3 =	vmul.f32 v3, v19  }
0x29f: {  	v7 =	vmul.f32 $-6.151485720e-03, v8;
	v2 =	vadd.f32 $-9.325221920e-02, v2  }
0x2a0: {  	v4 =	vmul.f32 $1.442695020e+00, v4;
	v3 =	vadd.f32 $3.315486610e-01, v3  }
0x2a1: {  	s30 =	simm.s32 $0x6A0;
	v7 =	vadd.f32 $3.484979640e-02, v7;
	v2 =	vmul.f32 v2, v9  }
0x2a2: {  	v5 =	vld [tilespmem:s30+$0x0];
	(erf) = vpow2.f32 v4;
	v11 =	vmul.f32 v3, v19  }
0x2a3: {  	v7 =	vmul.f32 v7, v8;
	v2 =	vadd.f32 $1.658229530e-01, v2  }
0x2a4: {  	v15 =	vld [tilespmem:s13+$0xC80];
	v11 =	vadd.f32 $-4.998385610e-01, v11  }
0x2a5: {  	v7 =	vadd.f32 $-9.325221920e-02, v7;
	v2 =	vmul.f32 v2, v9  }
0x2a6: {  	v11 =	vmul.f32 v11, v19  }
0x2a7: {  	v14 =	vand.u32 $0x7FFFFFFF, v5;
	v22 =	vmul.f32 v7, v8;
	v12 =	vadd.f32 $-2.398262920e-01, v2  }
0x2a8: {  	v21 =	vsub.f32 $0.0e+00, v14;
	v24 =	vadd.f32 $9.999942770e-01, v11  }
0x2a9: {  	v20 =	vmul.f32 v15, v16;
	v22 =	vadd.f32 $1.658229530e-01, v22;
	v12 =	vmul.f32 v12, v9  }
0x2aa: {  	v6 =	vld [tilespmem:s14+$0xC80];
	v16 =	vmax.f32 v16, $0.0e+00;
	v21 =	vmul.f32 $1.442695020e+00, v21;
	v19 =	vmul.f32 v24, v19  }
0x2ab: {  	s31 =	simm.s32 $0x830;
	v16 =	vsub.f32 v16, v20;
	v4 =	vld [tilespmem:s15+$0xC80];
	v22 =	vmul.f32 v22, v8;
	v23 =	vadd.f32 $3.315486610e-01, v12;
	v14 =	vpop (erf)  }
0x2ac: {  	v7 =	vld [tilespmem:s31+$0x0];
	(erf) = vpow2.f32 v21;
	v25 =	vmul.f32 $-6.151485720e-03, v14;
	v19 =	vadd.f32 $3.385588340e-08, v19  }
0x2ad: {  	v3 =	vld [tilespmem:s16+$0xC80];
	v22 =	vadd.f32 $-2.398262920e-01, v22;
	v23 =	vmul.f32 v23, v9  }
0x2ae: {  	v18 =	vimm.f32 $0.0e+00;
	v2 =	vld [tilespmem:s30+$0xC80];
	v24 =	vadd.f32 $3.484979640e-02, v25;
	v16 =	vadd.f32 v19, v16  }
0x2af: {  	v17 =	vmul.f32 v6, v10;
	v26 =	vmul.f32 v22, v8;
	v23 =	vadd.f32 $-4.998385610e-01, v23  }
0x2b0: {  	v20 =	vmul.f32 v24, v14;
	v19 =	vadd.f32 v16, v18;
	v22 =	vmul.f32 v16, v15;
	v16 =	vld [tilespmem:s31+$0xC80]  }
0x2b1: {  	v13 =	vmul.f32 v4, v1;
	v23 =	vmul.f32 v23, v9;
	v24 =	vand.u32 $0x7FFFFFFF, v7  }
0x2b2: {  	v12 =	vmul.f32 v3, v0;
	v24 =	vsub.f32 $0.0e+00, v24;
	v20 =	vadd.f32 $-9.325221920e-02, v20  }
0x2b3: {  	v11 =	vmul.f32 v2, v5;
	v21 =	vadd.f32 $9.999942770e-01, v23;
	v23 =	vadd.f32 $3.315486610e-01, v26  }
0x2b4: {  	s13 =	simm.s32 $0x2700;
	v25 =	vmul.f32 $1.442695020e+00, v24;
	v24 =	vmul.f32 v20, v14;
	v20 =	vimm.f32 $0.0e+00  }
.LBB2_14:
0x2b5: {  	v26 =	vmul.f32 v16, v7;
	v27 =	vpop (erf);
	v18 =	vadd.f32 v15, v18;
	v20 =	vadd.f32 v22, v20  }
0x2b6: {  	s14 =	sshra.s32 s13, $0x2;
	p0 =	sne.s32 s13, $0x2D40;
	s13 =	sadd.s32 $0x640, s13;
	v15 =	vmovc v6;
	v6 =	vmovc v4;
	v4 =	vmov v3;
	v3 =	vmov v2;
	v2 =	vmov v16  }
0x2b7: {  	v22 =	vld [tilespmem:s14+$0x0];
	(erf) = vpow2.f32 v25;
	v16 =	vmul.f32 $-6.151485720e-03, v27;
	v24 =	vadd.f32 $1.658229530e-01, v24  }
0x2b8: {  	v10 =	vmax.f32 v10, $0.0e+00;
	v21 =	vmul.f32 v21, v9;
	v9 =	vmovc v8;
	v23 =	vmul.f32 v23, v8;
	v8 =	vmovc v14  }
0x2b9: {  	v28 =	vsub.f32 v10, v17;
	v17 =	vmovc v13;
	v13 =	vmovc v12;
	v25 =	vadd.f32 $3.484979640e-02, v16;
	v24 =	vmul.f32 v24, v8  }
0x2ba: {  	v12 =	vmovc v11;
	v14 =	vmovc v27;
	v21 =	vadd.f32 $3.385588340e-08, v21;
	v11 =	vmov v26;
	v23 =	vadd.f32 $-4.998385610e-01, v23  }
.Ltmp6:
0x2bb: {  	v10 =	vmovc v1;
	v1 =	vmovc v0;
	v0 =	vmov v5;
	v16 =	vld [tilespmem:s14+$0xC80];
	v25 =	vmul.f32 v25, v14;
	v24 =	vadd.f32 $-2.398262920e-01, v24;
	(pc) =	sbr.rel @p0 .LBB2_14-.Ltmp6, $4  }
0x2bc: {  	v5 =	vmovc v7;
	v27 =	vadd.f32 v21, v28;
	v23 =	vmul.f32 v23, v9;
	v26 =	vand.u32 $0x7FFFFFFF, v22;
	v7 =	vmovc v22  }
0x2bd: {  	v26 =	vsub.f32 $0.0e+00, v26;
	v28 =	vadd.f32 $-9.325221920e-02, v25;
	v29 =	vmul.f32 v24, v8  }
0x2be: {  	v19 =	vadd.f32 v27, v19;
	v22 =	vmul.f32 v27, v15;
	v21 =	vadd.f32 $9.999942770e-01, v23  }
0x2bf: {  	v25 =	vmul.f32 $1.442695020e+00, v26;
	v24 =	vmul.f32 v28, v14;
	v23 =	vadd.f32 $3.315486610e-01, v29  }
0x2c0: {  	_ = 	snop  }
0x2c1: {  	(erf) = vpow2.f32 v25;
	_ =	sdelay $0x5  }
0x2c2: {  	v25 =	vpop (erf)  }
0x2c3: {  	v26 =	vmul.f32 $-6.151485720e-03, v25;
	_ =	sdelay $0x1  }
0x2c4: {  	v26 =	vadd.f32 $3.484979640e-02, v26;
	v27 =	vpop (erf)  }
0x2c5: {  	v28 =	vmul.f32 $-6.151485720e-03, v27  }
0x2c6: {  	v26 =	vmul.f32 v26, v25  }
0x2c7: {  	v28 =	vadd.f32 $3.484979640e-02, v28  }
0x2c8: {  	v26 =	vadd.f32 $-9.325221920e-02, v26  }
0x2c9: {  	v24 =	vadd.f32 $1.658229530e-01, v24;
	v28 =	vmul.f32 v28, v27  }
0x2ca: {  	v26 =	vmul.f32 v26, v25  }
0x2cb: {  	v24 =	vmul.f32 v24, v14;
	v28 =	vadd.f32 $-9.325221920e-02, v28  }
0x2cc: {  	v15 =	vadd.f32 v15, v18;
	v18 =	vadd.f32 $1.658229530e-01, v26  }
0x2cd: {  	v9 =	vmul.f32 v21, v9;
	v24 =	vadd.f32 $-2.398262920e-01, v24;
	v26 =	vmul.f32 v28, v27  }
0x2ce: {  	v10 =	vmax.f32 v10, $0.0e+00;
	v23 =	vmul.f32 v23, v8;
	v18 =	vmul.f32 v18, v25  }
0x2cf: {  	v10 =	vsub.f32 v10, v17;
	v17 =	vmul.f32 v24, v14;
	v21 =	vadd.f32 $1.658229530e-01, v26  }
0x2d0: {  	v23 =	vadd.f32 $-4.998385610e-01, v23;
	v18 =	vadd.f32 $-2.398262920e-01, v18  }
0x2d1: {  	v9 =	vadd.f32 $3.385588340e-08, v9;
	v17 =	vadd.f32 $3.315486610e-01, v17;
	v21 =	vmul.f32 v21, v27  }
0x2d2: {  	v20 =	vadd.f32 v22, v20;
	v22 =	vmul.f32 v23, v8;
	v18 =	vmul.f32 v18, v25  }
0x2d3: {  	v9 =	vadd.f32 v9, v10;
	v10 =	vmul.f32 v17, v14;
	v17 =	vadd.f32 $-2.398262920e-01, v21  }
0x2d4: {  	v1 =	vmax.f32 v1, $0.0e+00;
	v18 =	vadd.f32 $3.315486610e-01, v18;
	v21 =	vadd.f32 $9.999942770e-01, v22  }
0x2d5: {  	v0 =	vmax.f32 v0, $0.0e+00;
	v10 =	vadd.f32 $-4.998385610e-01, v10;
	v17 =	vmul.f32 v17, v27  }
0x2d6: {  	v1 =	vsub.f32 v1, v13;
	v18 =	vmul.f32 v18, v25;
	v8 =	vmul.f32 v21, v8  }
0x2d7: {  	v0 =	vsub.f32 v0, v12;
	v10 =	vmul.f32 v10, v14;
	v13 =	vadd.f32 $3.315486610e-01, v17  }
0x2d8: {  	v8 =	vadd.f32 $3.385588340e-08, v8;
	v17 =	vadd.f32 $-4.998385610e-01, v18  }
0x2d9: {  	v19 =	vadd.f32 v9, v19;
	v10 =	vadd.f32 $9.999942770e-01, v10;
	v13 =	vmul.f32 v13, v27  }
0x2da: {  	v9 =	vmul.f32 v9, v6;
	v1 =	vadd.f32 v8, v1;
	v8 =	vmul.f32 v17, v25  }
0x2db: {  	v6 =	vadd.f32 v6, v15;
	v10 =	vmul.f32 v10, v14;
	v13 =	vadd.f32 $-4.998385610e-01, v13  }
0x2dc: {  	v9 =	vadd.f32 v9, v20;
	v8 =	vadd.f32 $9.999942770e-01, v8  }
0x2dd: {  	v10 =	vadd.f32 $3.385588340e-08, v10;
	v14 =	vadd.f32 v1, v19;
	v12 =	vmul.f32 v13, v27  }
0x2de: {  	v1 =	vmul.f32 v1, v4;
	v4 =	vadd.f32 v4, v6;
	v6 =	vmul.f32 v8, v25  }
0x2df: {  	v5 =	vmax.f32 v5, $0.0e+00;
	v0 =	vadd.f32 v10, v0;
	v8 =	vadd.f32 $9.999942770e-01, v12  }
0x2e0: {  	v5 =	vsub.f32 v5, v11;
	v10 =	vmul.f32 v16, v7;
	v6 =	vadd.f32 $3.385588340e-08, v6  }
0x2e1: {  	v1 =	vadd.f32 v1, v9;
	v9 =	vmul.f32 v0, v3;
	v8 =	vmul.f32 v8, v27  }
0x2e2: {  	v3 =	vadd.f32 v3, v4;
	v4 =	vadd.f32 v6, v5;
	v5 =	vmax.f32 v7, $0.0e+00  }
0x2e3: {  	v5 =	vsub.f32 v5, v10;
	v6 =	vadd.f32 $3.385588340e-08, v8  }
0x2e4: {  	v0 =	vadd.f32 v0, v14;
	v1 =	vadd.f32 v9, v1  }
0x2e5: {  	v7 =	vmul.f32 v4, v2;
	v2 =	vadd.f32 v2, v3;
	v3 =	vadd.f32 v6, v5  }
0x2e6: {  	v0 =	vadd.f32 v4, v0  }
0x2e7: {  	v1 =	vadd.f32 v7, v1;
	v2 =	vadd.f32 v16, v2;
	v4 =	vmul.f32 v3, v16  }
0x2e8: {  	v0 =	vadd.f32 v3, v0  }
0x2e9: {  	[tilespmem:$0x1960] =	vst v2;
	v1 =	vadd.f32 v4, v1  }
0x2ea: {  	[tilespmem:$0x1AF0] =	vst v0  }
0x2eb: {  	s13 =	simm.s32 $0x70;
	[tilespmem:$0x1C80] =	vst v1  }
0x2ec: {  	v16 =	vld [tilespmem:s13+$0x0];
	_ =	sdelay $0x4  }
0x2ed: {  	v0 =	vand.u32 $0x7FFFFFFF, v16  }
0x2ee: {  	v0 =	vsub.f32 $0.0e+00, v0;
	_ =	sdelay $0x1  }
0x2ef: {  	v0 =	vmul.f32 $1.442695020e+00, v0  }
0x2f0: {  	s14 =	simm.s32 $0x200  }
0x2f1: {  	v10 =	vld [tilespmem:s14+$0x0];
	(erf) = vpow2.f32 v0;
	_ =	sdelay $0x4  }
0x2f2: {  	v0 =	vand.u32 $0x7FFFFFFF, v10  }
0x2f3: {  	s15 =	simm.s32 $0x390;
	v0 =	vsub.f32 $0.0e+00, v0  }
0x2f4: {  	v1 =	vld [tilespmem:s15+$0x0]  }
0x2f5: {  	v0 =	vmul.f32 $1.442695020e+00, v0  }
0x2f6: {  	v19 =	vpop (erf)  }
0x2f7: {  	(erf) = vpow2.f32 v0;
	v0 =	vmul.f32 $-6.151485720e-03, v19;
	_ =	sdelay $0x1  }
0x2f8: {  	v2 =	vand.u32 $0x7FFFFFFF, v1;
	v0 =	vadd.f32 $3.484979640e-02, v0  }
0x2f9: {  	v2 =	vsub.f32 $0.0e+00, v2  }
0x2fa: {  	v0 =	vmul.f32 v0, v19  }
0x2fb: {  	v2 =	vmul.f32 $1.442695020e+00, v2  }
0x2fc: {  	v3 =	vadd.f32 $-9.325221920e-02, v0  }
0x2fd: {  	(erf) = vpow2.f32 v2  }
0x2fe: {  	v3 =	vmul.f32 v3, v19  }
0x2ff: {  	s16 =	simm.s32 $0x520  }
0x300: {  	v9 =	vpop (erf);
	v0 =	vld [tilespmem:s16+$0x0];
	v3 =	vadd.f32 $1.658229530e-01, v3  }
0x301: {  	v2 =	vmul.f32 $-6.151485720e-03, v9  }
0x302: {  	v3 =	vmul.f32 v3, v19  }
0x303: {  	v2 =	vadd.f32 $3.484979640e-02, v2  }
0x304: {  	v3 =	vadd.f32 $-2.398262920e-01, v3  }
0x305: {  	v2 =	vmul.f32 v2, v9;
	v4 =	vand.u32 $0x7FFFFFFF, v0  }
0x306: {  	v8 =	vpop (erf);
	v4 =	vsub.f32 $0.0e+00, v4;
	v3 =	vmul.f32 v3, v19  }
0x307: {  	v7 =	vmul.f32 $-6.151485720e-03, v8;
	v2 =	vadd.f32 $-9.325221920e-02, v2  }
0x308: {  	v4 =	vmul.f32 $1.442695020e+00, v4;
	v3 =	vadd.f32 $3.315486610e-01, v3  }
0x309: {  	s30 =	simm.s32 $0x6B0;
	v7 =	vadd.f32 $3.484979640e-02, v7;
	v2 =	vmul.f32 v2, v9  }
0x30a: {  	v5 =	vld [tilespmem:s30+$0x0];
	(erf) = vpow2.f32 v4;
	v11 =	vmul.f32 v3, v19  }
0x30b: {  	v7 =	vmul.f32 v7, v8;
	v2 =	vadd.f32 $1.658229530e-01, v2  }
0x30c: {  	v15 =	vld [tilespmem:s13+$0xC80];
	v11 =	vadd.f32 $-4.998385610e-01, v11  }
0x30d: {  	v7 =	vadd.f32 $-9.325221920e-02, v7;
	v2 =	vmul.f32 v2, v9  }
0x30e: {  	v11 =	vmul.f32 v11, v19  }
0x30f: {  	v14 =	vand.u32 $0x7FFFFFFF, v5;
	v22 =	vmul.f32 v7, v8;
	v12 =	vadd.f32 $-2.398262920e-01, v2  }
0x310: {  	v21 =	vsub.f32 $0.0e+00, v14;
	v24 =	vadd.f32 $9.999942770e-01, v11  }
0x311: {  	v20 =	vmul.f32 v15, v16;
	v22 =	vadd.f32 $1.658229530e-01, v22;
	v12 =	vmul.f32 v12, v9  }
0x312: {  	v6 =	vld [tilespmem:s14+$0xC80];
	v16 =	vmax.f32 v16, $0.0e+00;
	v21 =	vmul.f32 $1.442695020e+00, v21;
	v19 =	vmul.f32 v24, v19  }
0x313: {  	s31 =	simm.s32 $0x840;
	v16 =	vsub.f32 v16, v20;
	v4 =	vld [tilespmem:s15+$0xC80];
	v22 =	vmul.f32 v22, v8;
	v23 =	vadd.f32 $3.315486610e-01, v12;
	v14 =	vpop (erf)  }
0x314: {  	v7 =	vld [tilespmem:s31+$0x0];
	(erf) = vpow2.f32 v21;
	v25 =	vmul.f32 $-6.151485720e-03, v14;
	v19 =	vadd.f32 $3.385588340e-08, v19  }
0x315: {  	v3 =	vld [tilespmem:s16+$0xC80];
	v22 =	vadd.f32 $-2.398262920e-01, v22;
	v23 =	vmul.f32 v23, v9  }
0x316: {  	v18 =	vimm.f32 $0.0e+00;
	v2 =	vld [tilespmem:s30+$0xC80];
	v24 =	vadd.f32 $3.484979640e-02, v25;
	v16 =	vadd.f32 v19, v16  }
0x317: {  	v17 =	vmul.f32 v6, v10;
	v26 =	vmul.f32 v22, v8;
	v23 =	vadd.f32 $-4.998385610e-01, v23  }
0x318: {  	v20 =	vmul.f32 v24, v14;
	v19 =	vadd.f32 v16, v18;
	v22 =	vmul.f32 v16, v15;
	v16 =	vld [tilespmem:s31+$0xC80]  }
0x319: {  	v13 =	vmul.f32 v4, v1;
	v23 =	vmul.f32 v23, v9;
	v24 =	vand.u32 $0x7FFFFFFF, v7  }
0x31a: {  	v12 =	vmul.f32 v3, v0;
	v24 =	vsub.f32 $0.0e+00, v24;
	v20 =	vadd.f32 $-9.325221920e-02, v20  }
0x31b: {  	v11 =	vmul.f32 v2, v5;
	v21 =	vadd.f32 $9.999942770e-01, v23;
	v23 =	vadd.f32 $3.315486610e-01, v26  }
0x31c: {  	s13 =	simm.s32 $0x2740;
	v25 =	vmul.f32 $1.442695020e+00, v24;
	v24 =	vmul.f32 v20, v14;
	v20 =	vimm.f32 $0.0e+00  }
.LBB2_16:
0x31d: {  	v26 =	vmul.f32 v16, v7;
	v27 =	vpop (erf);
	v18 =	vadd.f32 v15, v18;
	v20 =	vadd.f32 v22, v20  }
0x31e: {  	s14 =	sshra.s32 s13, $0x2;
	p0 =	sne.s32 s13, $0x2D80;
	s13 =	sadd.s32 $0x640, s13;
	v15 =	vmovc v6;
	v6 =	vmovc v4;
	v4 =	vmov v3;
	v3 =	vmov v2;
	v2 =	vmov v16  }
0x31f: {  	v22 =	vld [tilespmem:s14+$0x0];
	(erf) = vpow2.f32 v25;
	v16 =	vmul.f32 $-6.151485720e-03, v27;
	v24 =	vadd.f32 $1.658229530e-01, v24  }
0x320: {  	v10 =	vmax.f32 v10, $0.0e+00;
	v21 =	vmul.f32 v21, v9;
	v9 =	vmovc v8;
	v23 =	vmul.f32 v23, v8;
	v8 =	vmovc v14  }
0x321: {  	v28 =	vsub.f32 v10, v17;
	v17 =	vmovc v13;
	v13 =	vmovc v12;
	v25 =	vadd.f32 $3.484979640e-02, v16;
	v24 =	vmul.f32 v24, v8  }
0x322: {  	v12 =	vmovc v11;
	v14 =	vmovc v27;
	v21 =	vadd.f32 $3.385588340e-08, v21;
	v11 =	vmov v26;
	v23 =	vadd.f32 $-4.998385610e-01, v23  }
.Ltmp7:
0x323: {  	v10 =	vmovc v1;
	v1 =	vmovc v0;
	v0 =	vmov v5;
	v16 =	vld [tilespmem:s14+$0xC80];
	v25 =	vmul.f32 v25, v14;
	v24 =	vadd.f32 $-2.398262920e-01, v24;
	(pc) =	sbr.rel @p0 .LBB2_16-.Ltmp7, $4  }
0x324: {  	v5 =	vmovc v7;
	v27 =	vadd.f32 v21, v28;
	v23 =	vmul.f32 v23, v9;
	v26 =	vand.u32 $0x7FFFFFFF, v22;
	v7 =	vmovc v22  }
0x325: {  	v26 =	vsub.f32 $0.0e+00, v26;
	v28 =	vadd.f32 $-9.325221920e-02, v25;
	v29 =	vmul.f32 v24, v8  }
0x326: {  	v19 =	vadd.f32 v27, v19;
	v22 =	vmul.f32 v27, v15;
	v21 =	vadd.f32 $9.999942770e-01, v23  }
0x327: {  	v25 =	vmul.f32 $1.442695020e+00, v26;
	v24 =	vmul.f32 v28, v14;
	v23 =	vadd.f32 $3.315486610e-01, v29  }
0x328: {  	_ = 	snop  }
0x329: {  	(erf) = vpow2.f32 v25;
	_ =	sdelay $0x5  }
0x32a: {  	v25 =	vpop (erf)  }
0x32b: {  	v26 =	vmul.f32 $-6.151485720e-03, v25;
	_ =	sdelay $0x1  }
0x32c: {  	v26 =	vadd.f32 $3.484979640e-02, v26;
	v27 =	vpop (erf)  }
0x32d: {  	v28 =	vmul.f32 $-6.151485720e-03, v27  }
0x32e: {  	v26 =	vmul.f32 v26, v25  }
0x32f: {  	v28 =	vadd.f32 $3.484979640e-02, v28  }
0x330: {  	v26 =	vadd.f32 $-9.325221920e-02, v26  }
0x331: {  	v24 =	vadd.f32 $1.658229530e-01, v24;
	v28 =	vmul.f32 v28, v27  }
0x332: {  	v26 =	vmul.f32 v26, v25  }
0x333: {  	v24 =	vmul.f32 v24, v14;
	v28 =	vadd.f32 $-9.325221920e-02, v28  }
0x334: {  	v15 =	vadd.f32 v15, v18;
	v18 =	vadd.f32 $1.658229530e-01, v26  }
0x335: {  	v9 =	vmul.f32 v21, v9;
	v24 =	vadd.f32 $-2.398262920e-01, v24;
	v26 =	vmul.f32 v28, v27  }
0x336: {  	v10 =	vmax.f32 v10, $0.0e+00;
	v23 =	vmul.f32 v23, v8;
	v18 =	vmul.f32 v18, v25  }
0x337: {  	v10 =	vsub.f32 v10, v17;
	v17 =	vmul.f32 v24, v14;
	v21 =	vadd.f32 $1.658229530e-01, v26  }
0x338: {  	v23 =	vadd.f32 $-4.998385610e-01, v23;
	v18 =	vadd.f32 $-2.398262920e-01, v18  }
0x339: {  	v9 =	vadd.f32 $3.385588340e-08, v9;
	v17 =	vadd.f32 $3.315486610e-01, v17;
	v21 =	vmul.f32 v21, v27  }
0x33a: {  	v20 =	vadd.f32 v22, v20;
	v22 =	vmul.f32 v23, v8;
	v18 =	vmul.f32 v18, v25  }
0x33b: {  	v9 =	vadd.f32 v9, v10;
	v10 =	vmul.f32 v17, v14;
	v17 =	vadd.f32 $-2.398262920e-01, v21  }
0x33c: {  	v1 =	vmax.f32 v1, $0.0e+00;
	v18 =	vadd.f32 $3.315486610e-01, v18;
	v21 =	vadd.f32 $9.999942770e-01, v22  }
0x33d: {  	v0 =	vmax.f32 v0, $0.0e+00;
	v10 =	vadd.f32 $-4.998385610e-01, v10;
	v17 =	vmul.f32 v17, v27  }
0x33e: {  	v1 =	vsub.f32 v1, v13;
	v18 =	vmul.f32 v18, v25;
	v8 =	vmul.f32 v21, v8  }
0x33f: {  	v0 =	vsub.f32 v0, v12;
	v10 =	vmul.f32 v10, v14;
	v13 =	vadd.f32 $3.315486610e-01, v17  }
0x340: {  	v8 =	vadd.f32 $3.385588340e-08, v8;
	v17 =	vadd.f32 $-4.998385610e-01, v18  }
0x341: {  	v19 =	vadd.f32 v9, v19;
	v10 =	vadd.f32 $9.999942770e-01, v10;
	v13 =	vmul.f32 v13, v27  }
0x342: {  	v9 =	vmul.f32 v9, v6;
	v1 =	vadd.f32 v8, v1;
	v8 =	vmul.f32 v17, v25  }
0x343: {  	v6 =	vadd.f32 v6, v15;
	v10 =	vmul.f32 v10, v14;
	v13 =	vadd.f32 $-4.998385610e-01, v13  }
0x344: {  	v9 =	vadd.f32 v9, v20;
	v8 =	vadd.f32 $9.999942770e-01, v8  }
0x345: {  	v10 =	vadd.f32 $3.385588340e-08, v10;
	v14 =	vadd.f32 v1, v19;
	v12 =	vmul.f32 v13, v27  }
0x346: {  	v1 =	vmul.f32 v1, v4;
	v4 =	vadd.f32 v4, v6;
	v6 =	vmul.f32 v8, v25  }
0x347: {  	v5 =	vmax.f32 v5, $0.0e+00;
	v0 =	vadd.f32 v10, v0;
	v8 =	vadd.f32 $9.999942770e-01, v12  }
0x348: {  	v5 =	vsub.f32 v5, v11;
	v10 =	vmul.f32 v16, v7;
	v6 =	vadd.f32 $3.385588340e-08, v6  }
0x349: {  	v1 =	vadd.f32 v1, v9;
	v9 =	vmul.f32 v0, v3;
	v8 =	vmul.f32 v8, v27  }
0x34a: {  	v3 =	vadd.f32 v3, v4;
	v4 =	vadd.f32 v6, v5;
	v5 =	vmax.f32 v7, $0.0e+00  }
0x34b: {  	v5 =	vsub.f32 v5, v10;
	v6 =	vadd.f32 $3.385588340e-08, v8  }
0x34c: {  	v0 =	vadd.f32 v0, v14;
	v1 =	vadd.f32 v9, v1  }
0x34d: {  	v7 =	vmul.f32 v4, v2;
	v2 =	vadd.f32 v2, v3;
	v3 =	vadd.f32 v6, v5  }
0x34e: {  	v0 =	vadd.f32 v4, v0  }
0x34f: {  	v1 =	vadd.f32 v7, v1;
	v2 =	vadd.f32 v16, v2;
	v4 =	vmul.f32 v3, v16  }
0x350: {  	v0 =	vadd.f32 v3, v0  }
0x351: {  	s13 =	simm.s32 $0x0;
	[tilespmem:$0x1970] =	vst v2;
	v1 =	vadd.f32 v4, v1  }
0x352: {  	s13 =	sand.u32 $0x3FFFFF80, s13;
	[tilespmem:$0x1B00] =	vst v0  }
0x353: {  	s14 =	sadd.s32 $0x80, s13;
	[tilespmem:$0x1C90] =	vst v1  }
0x354: {  	v9 =	vld [tilespmem:s14+$0x0];
	_ =	sdelay $0x4  }
0x355: {  	v0 =	vand.u32 $0x7FFFFFFF, v9  }
0x356: {  	v0 =	vsub.f32 $0.0e+00, v0  }
0x357: {  	s19 =	simm.s32 $0x190  }
0x358: {  	s14 =	sand.u32 $0x3FFFFF80, s19;
	v0 =	vmul.f32 $1.442695020e+00, v0  }
0x359: {  	s15 =	sadd.s32 $0x90, s14  }
0x35a: {  	v5 =	vld [tilespmem:s15+$0x0];
	(erf) = vpow2.f32 v0;
	_ =	sdelay $0x4  }
0x35b: {  	v0 =	vand.u32 $0x7FFFFFFF, v5  }
0x35c: {  	v0 =	vsub.f32 $0.0e+00, v0;
	_ =	sdelay $0x1  }
0x35d: {  	s20 =	simm.s32 $0x320;
	v1 =	vmul.f32 $1.442695020e+00, v0  }
0x35e: {  	s15 =	sand.u32 $0x3FFFFF80, s20;
	v17 =	vpop (erf)  }
0x35f: {  	s16 =	sadd.s32 $0xA0, s15;
	(erf) = vpow2.f32 v1;
	v1 =	vmul.f32 $-6.151485720e-03, v17  }
0x360: {  	v0 =	vld [tilespmem:s16+$0x0]  }
0x361: {  	v1 =	vadd.f32 $3.484979640e-02, v1;
	_ =	sdelay $0x1  }
0x362: {  	v1 =	vmul.f32 v1, v17;
	_ =	sdelay $0x1  }
0x363: {  	v2 =	vand.u32 $0x7FFFFFFF, v0;
	v1 =	vadd.f32 $-9.325221920e-02, v1  }
0x364: {  	v2 =	vsub.f32 $0.0e+00, v2  }
0x365: {  	s21 =	simm.s32 $0x4B0;
	v3 =	vmul.f32 v1, v17  }
0x366: {  	s16 =	sand.u32 $0x3FFFFF80, s21;
	v2 =	vmul.f32 $1.442695020e+00, v2  }
0x367: {  	s17 =	sadd.s32 $0xB0, s16;
	v12 =	vpop (erf);
	v3 =	vadd.f32 $1.658229530e-01, v3  }
0x368: {  	v1 =	vld [tilespmem:s17+$0x0];
	(erf) = vpow2.f32 v2;
	v2 =	vmul.f32 $-6.151485720e-03, v12  }
0x369: {  	v3 =	vmul.f32 v3, v17  }
0x36a: {  	v2 =	vadd.f32 $3.484979640e-02, v2  }
0x36b: {  	v3 =	vadd.f32 $-2.398262920e-01, v3  }
0x36c: {  	v2 =	vmul.f32 v2, v12  }
0x36d: {  	v4 =	vand.u32 $0x7FFFFFFF, v1;
	v3 =	vmul.f32 v3, v17  }
0x36e: {  	v4 =	vsub.f32 $0.0e+00, v4;
	v2 =	vadd.f32 $-9.325221920e-02, v2  }
0x36f: {  	v3 =	vadd.f32 $3.315486610e-01, v3  }
0x370: {  	s24 =	simm.s32 $0x640;
	v6 =	vmul.f32 $1.442695020e+00, v4;
	v10 =	vmul.f32 v2, v12  }
0x371: {  	s13 =	sadd.s32 $0xD00, s13;
	s22 =	sadd.s32 $0xD10, s14;
	s14 =	sand.u32 $0x3FFFFF80, s24;
	v8 =	vpop (erf);
	v13 =	vmul.f32 v3, v17  }
0x372: {  	v20 =	vld [tilespmem:s13+$0x0];
	s26 =	sadd.s32 $0xC0, s14;
	(erf) = vpow2.f32 v6;
	v11 =	vmul.f32 $-6.151485720e-03, v8;
	v10 =	vadd.f32 $1.658229530e-01, v10  }
0x373: {  	v6 =	vld [tilespmem:s26+$0x0];
	v15 =	vadd.f32 $-4.998385610e-01, v13  }
0x374: {  	v7 =	vld [tilespmem:s22+$0x0];
	s23 =	sadd.s32 $0xD20, s15;
	v11 =	vadd.f32 $3.484979640e-02, v11;
	v10 =	vmul.f32 v10, v12  }
0x375: {  	v4 =	vld [tilespmem:s23+$0x0];
	v15 =	vmul.f32 v15, v17  }
0x376: {  	s29 =	simm.s32 $0x7D0;
	v14 =	vimm.f32 $0.0e+00;
	s25 =	sadd.s32 $0xD30, s16;
	v11 =	vmul.f32 v11, v8;
	v19 =	vadd.f32 $-2.398262920e-01, v10  }
0x377: {  	s13 =	sand.u32 $0x3FFFFF80, s29;
	v18 =	vmul.f32 v20, v9;
	v24 =	vmax.f32 v9, $0.0e+00;
	v2 =	vld [tilespmem:s25+$0x0];
	v23 =	vadd.f32 $9.999942770e-01, v15  }
0x378: {  	s28 =	sadd.s32 $0xD40, s14;
	v21 =	vand.u32 $0x7FFFFFFF, v6;
	v22 =	vadd.f32 $-9.325221920e-02, v11;
	v19 =	vmul.f32 v19, v12  }
0x379: {  	s30 =	sadd.s32 $0xD0, s13;
	v16 =	vmul.f32 v7, v5;
	v3 =	vld [tilespmem:s28+$0x0];
	v21 =	vsub.f32 $0.0e+00, v21;
	v17 =	vmul.f32 v23, v17  }
0x37a: {  	v9 =	vld [tilespmem:s30+$0x0];
	v13 =	vmul.f32 v4, v0;
	v22 =	vmul.f32 v22, v8;
	v19 =	vadd.f32 $3.315486610e-01, v19  }
0x37b: {  	v21 =	vmul.f32 $1.442695020e+00, v21;
	v15 =	vpop (erf);
	v23 =	vsub.f32 v24, v18;
	v17 =	vadd.f32 $3.385588340e-08, v17  }
0x37c: {  	s31 =	sadd.s32 $0xD50, s13;
	v10 =	vmul.f32 v2, v1;
	v22 =	vadd.f32 $1.658229530e-01, v22;
	v18 =	vmul.f32 $-6.151485720e-03, v15  }
0x37d: {  	(erf) = vpow2.f32 v21;
	v19 =	vmul.f32 v19, v12;
	v26 =	vadd.f32 v17, v23;
	v17 =	vld [tilespmem:s31+$0x0]  }
0x37e: {  	v11 =	vmul.f32 v3, v6;
	v25 =	vmul.f32 v22, v8;
	v21 =	vadd.f32 $3.484979640e-02, v18  }
0x37f: {  	v22 =	vand.u32 $0x7FFFFFFF, v9;
	v18 =	vadd.f32 v20, v14;
	v19 =	vadd.f32 $-4.998385610e-01, v19  }
0x380: {  	v22 =	vsub.f32 $0.0e+00, v22;
	v23 =	vadd.f32 $-2.398262920e-01, v25;
	v24 =	vmul.f32 v21, v15  }
0x381: {  	s13 =	simm.s32 $0xD0;
	s14 =	simm.s32 $0xD50;
	s15 =	simm.s32 $0x960;
	v21 =	vmul.f32 v19, v12;
	v19 =	vadd.f32 v26, v14;
	v20 =	vmul.f32 v26, v20  }
.LBB2_18:
0x382: {  	v25 =	vmul.f32 v17, v9;
	v27 =	vadd.f32 $-9.325221920e-02, v24;
	s17 =	smov.u32 s15  }
0x383: {  	s16 =	sand.u32 $0x3FFFFF80, s15;
	s13 =	sadd.s32 $0x10, s13;
	v23 =	vmul.f32 v23, v8;
	v26 =	vmovc v4;
	v4 =	vmovc v2;
	v2 =	vmov v3;
	v3 =	vmov v17;
	s17 =	sadd.s32 $0x190, s15  }
0x384: {  	p0 =	sne.s32 s15, $0xAF0;
	v17 =	vmax.f32 v5, $0.0e+00;
	v5 =	vmovc v0;
	v0 =	vmovc v1;
	s18 =	sadd.s32 s16, s13;
	v21 =	vadd.f32 $9.999942770e-01, v21;
	v14 =	vadd.f32 v20, v14  }
0x385: {  	v1 =	vmovc v6;
	v6 =	vmovc v9;
	v20 =	vmul.f32 $1.442695020e+00, v22;
	v22 =	vmul.f32 v27, v15;
	v23 =	vadd.f32 $3.315486610e-01, v23;
	v9 =	vld [tilespmem:s18+$0x0]  }
0x386: {  	s14 =	sadd.s32 $0x10, s14;
	v27 =	vsub.f32 v17, v16;
	v16 =	vmov v13;
	v28 =	vmul.f32 v21, v12;
	v24 =	vpop (erf)  }
0x387: {  	s15 =	sadd.s32 s16, s14;
	v13 =	vmovc v10;
	v10 =	vmovc v11;
	v21 =	vadd.f32 $1.658229530e-01, v22;
	(erf) = vpow2.f32 v20;
	v20 =	vmul.f32 $-6.151485720e-03, v24  }
.Ltmp8:
0x388: {  	v11 =	vmovc v25;
	v12 =	vmovc v8;
	v22 =	vmul.f32 v23, v8;
	v8 =	vmov v15;
	v23 =	vadd.f32 $3.385588340e-08, v28;
	v17 =	vld [tilespmem:s15+$0x0];
	(pc) =	sbr.rel @p0 .LBB2_18-.Ltmp8, $4  }
0x389: {  	v18 =	vadd.f32 v7, v18;
	v15 =	vmovc v24;
	v21 =	vmul.f32 v21, v8;
	v20 =	vadd.f32 $3.484979640e-02, v20  }
0x38a: {  	v25 =	vadd.f32 $-4.998385610e-01, v22;
	v27 =	vadd.f32 v23, v27;
	v24 =	vand.u32 $0x7FFFFFFF, v9  }
0x38b: {  	v23 =	vadd.f32 $-2.398262920e-01, v21;
	v22 =	vsub.f32 $0.0e+00, v24;
	v24 =	vmul.f32 v20, v15  }
0x38c: {  	s15 =	smov.u32 s17;
	v21 =	vmul.f32 v25, v12;
	v19 =	vadd.f32 v27, v19;
	v20 =	vmul.f32 v27, v7;
	v7 =	vmovc v26  }
0x38d: {  	v22 =	vmul.f32 $1.442695020e+00, v22;
	_ =	sdelay $0x1  }
0x38e: {  	(erf) = vpow2.f32 v22;
	_ =	sdelay $0x5  }
0x38f: {  	v22 =	vpop (erf)  }
0x390: {  	v25 =	vmul.f32 $-6.151485720e-03, v22;
	_ =	sdelay $0x1  }
0x391: {  	v25 =	vadd.f32 $3.484979640e-02, v25;
	v26 =	vpop (erf)  }
0x392: {  	v24 =	vadd.f32 $-9.325221920e-02, v24;
	v27 =	vmul.f32 $-6.151485720e-03, v26  }
0x393: {  	v25 =	vmul.f32 v25, v22  }
0x394: {  	v24 =	vmul.f32 v24, v15;
	v27 =	vadd.f32 $3.484979640e-02, v27  }
0x395: {  	v25 =	vadd.f32 $-9.325221920e-02, v25  }
0x396: {  	v24 =	vadd.f32 $1.658229530e-01, v24;
	v27 =	vmul.f32 v27, v26  }
0x397: {  	v25 =	vmul.f32 v25, v22  }
0x398: {  	v24 =	vmul.f32 v24, v15;
	v27 =	vadd.f32 $-9.325221920e-02, v27  }
0x399: {  	v23 =	vmul.f32 v23, v8;
	v25 =	vadd.f32 $1.658229530e-01, v25  }
0x39a: {  	v21 =	vadd.f32 $9.999942770e-01, v21;
	v24 =	vadd.f32 $-2.398262920e-01, v24;
	v27 =	vmul.f32 v27, v26  }
0x39b: {  	v5 =	vmax.f32 v5, $0.0e+00;
	v23 =	vadd.f32 $3.315486610e-01, v23;
	v25 =	vmul.f32 v25, v22  }
0x39c: {  	v12 =	vmul.f32 v21, v12;
	v21 =	vmul.f32 v24, v15;
	v24 =	vadd.f32 $1.658229530e-01, v27  }
0x39d: {  	v18 =	vadd.f32 v7, v18;
	v23 =	vmul.f32 v23, v8;
	v25 =	vadd.f32 $-2.398262920e-01, v25  }
0x39e: {  	v5 =	vsub.f32 v5, v16;
	v16 =	vadd.f32 $3.315486610e-01, v21;
	v21 =	vmul.f32 v24, v26  }
0x39f: {  	v12 =	vadd.f32 $3.385588340e-08, v12;
	v23 =	vadd.f32 $-4.998385610e-01, v23;
	v24 =	vmul.f32 v25, v22  }
0x3a0: {  	v14 =	vadd.f32 v20, v14;
	v16 =	vmul.f32 v16, v15;
	v20 =	vadd.f32 $-2.398262920e-01, v21  }
0x3a1: {  	v5 =	vadd.f32 v12, v5;
	v12 =	vmul.f32 v23, v8;
	v21 =	vadd.f32 $3.315486610e-01, v24  }
0x3a2: {  	v0 =	vmax.f32 v0, $0.0e+00;
	v16 =	vadd.f32 $-4.998385610e-01, v16;
	v20 =	vmul.f32 v20, v26  }
0x3a3: {  	v19 =	vadd.f32 v5, v19;
	v12 =	vadd.f32 $9.999942770e-01, v12;
	v21 =	vmul.f32 v21, v22  }
0x3a4: {  	v5 =	vmul.f32 v5, v7;
	v7 =	vmul.f32 v16, v15;
	v16 =	vadd.f32 $3.315486610e-01, v20  }
0x3a5: {  	v1 =	vmax.f32 v1, $0.0e+00;
	v8 =	vmul.f32 v12, v8;
	v12 =	vadd.f32 $-4.998385610e-01, v21  }
0x3a6: {  	v5 =	vadd.f32 v5, v14;
	v7 =	vadd.f32 $9.999942770e-01, v7;
	v14 =	vmul.f32 v16, v26  }
0x3a7: {  	v0 =	vsub.f32 v0, v13;
	v8 =	vadd.f32 $3.385588340e-08, v8;
	v12 =	vmul.f32 v12, v22  }
0x3a8: {  	v1 =	vsub.f32 v1, v10;
	v7 =	vmul.f32 v7, v15;
	v14 =	vadd.f32 $-4.998385610e-01, v14  }
0x3a9: {  	v0 =	vadd.f32 v8, v0;
	v8 =	vadd.f32 $9.999942770e-01, v12  }
0x3aa: {  	v13 =	vadd.f32 v4, v18;
	v7 =	vadd.f32 $3.385588340e-08, v7;
	v10 =	vmul.f32 v14, v26  }
0x3ab: {  	v12 =	vadd.f32 v0, v19;
	v0 =	vmul.f32 v0, v4;
	v4 =	vmul.f32 v8, v22  }
0x3ac: {  	v6 =	vmax.f32 v6, $0.0e+00;
	v1 =	vadd.f32 v7, v1;
	v7 =	vadd.f32 $9.999942770e-01, v10  }
0x3ad: {  	v6 =	vsub.f32 v6, v11;
	v8 =	vmul.f32 v17, v9;
	v4 =	vadd.f32 $3.385588340e-08, v4  }
0x3ae: {  	v0 =	vadd.f32 v0, v5;
	v5 =	vadd.f32 v2, v13;
	v7 =	vmul.f32 v7, v26  }
0x3af: {  	v2 =	vmul.f32 v1, v2;
	v4 =	vadd.f32 v4, v6;
	v6 =	vmax.f32 v9, $0.0e+00  }
0x3b0: {  	v6 =	vsub.f32 v6, v8;
	v7 =	vadd.f32 $3.385588340e-08, v7  }
0x3b1: {  	v1 =	vadd.f32 v1, v12;
	v0 =	vadd.f32 v2, v0  }
0x3b2: {  	v2 =	vadd.f32 v3, v5;
	v3 =	vmul.f32 v4, v3;
	v5 =	vadd.f32 v7, v6  }
0x3b3: {  	v1 =	vadd.f32 v4, v1  }
0x3b4: {  	v2 =	vadd.f32 v17, v2;
	v0 =	vadd.f32 v3, v0;
	v3 =	vmul.f32 v5, v17  }
0x3b5: {  	v1 =	vadd.f32 v5, v1  }
0x3b6: {  	[tilespmem:$0x1980] =	vst v2;
	v0 =	vadd.f32 v3, v0  }
0x3b7: {  	[tilespmem:$0x1B10] =	vst v1  }
0x3b8: {  	s13 =	simm.s32 $0x90;
	[tilespmem:$0x1CA0] =	vst v0  }
0x3b9: {  	v16 =	vld [tilespmem:s13+$0x0];
	_ =	sdelay $0x4  }
0x3ba: {  	v0 =	vand.u32 $0x7FFFFFFF, v16  }
0x3bb: {  	v0 =	vsub.f32 $0.0e+00, v0;
	_ =	sdelay $0x1  }
0x3bc: {  	v0 =	vmul.f32 $1.442695020e+00, v0  }
0x3bd: {  	s14 =	simm.s32 $0x220  }
0x3be: {  	v10 =	vld [tilespmem:s14+$0x0];
	(erf) = vpow2.f32 v0;
	_ =	sdelay $0x4  }
0x3bf: {  	v0 =	vand.u32 $0x7FFFFFFF, v10  }
0x3c0: {  	s15 =	simm.s32 $0x3B0;
	v0 =	vsub.f32 $0.0e+00, v0  }
0x3c1: {  	v1 =	vld [tilespmem:s15+$0x0]  }
0x3c2: {  	v0 =	vmul.f32 $1.442695020e+00, v0  }
0x3c3: {  	v19 =	vpop (erf)  }
0x3c4: {  	(erf) = vpow2.f32 v0;
	v0 =	vmul.f32 $-6.151485720e-03, v19;
	_ =	sdelay $0x1  }
0x3c5: {  	v2 =	vand.u32 $0x7FFFFFFF, v1;
	v0 =	vadd.f32 $3.484979640e-02, v0  }
0x3c6: {  	v2 =	vsub.f32 $0.0e+00, v2  }
0x3c7: {  	v0 =	vmul.f32 v0, v19  }
0x3c8: {  	v2 =	vmul.f32 $1.442695020e+00, v2  }
0x3c9: {  	v3 =	vadd.f32 $-9.325221920e-02, v0  }
0x3ca: {  	(erf) = vpow2.f32 v2  }
0x3cb: {  	v3 =	vmul.f32 v3, v19  }
0x3cc: {  	s16 =	simm.s32 $0x540  }
0x3cd: {  	v9 =	vpop (erf);
	v0 =	vld [tilespmem:s16+$0x0];
	v3 =	vadd.f32 $1.658229530e-01, v3  }
0x3ce: {  	v2 =	vmul.f32 $-6.151485720e-03, v9  }
0x3cf: {  	v3 =	vmul.f32 v3, v19  }
0x3d0: {  	v2 =	vadd.f32 $3.484979640e-02, v2  }
0x3d1: {  	v3 =	vadd.f32 $-2.398262920e-01, v3  }
0x3d2: {  	v2 =	vmul.f32 v2, v9;
	v4 =	vand.u32 $0x7FFFFFFF, v0  }
0x3d3: {  	v8 =	vpop (erf);
	v4 =	vsub.f32 $0.0e+00, v4;
	v3 =	vmul.f32 v3, v19  }
0x3d4: {  	v7 =	vmul.f32 $-6.151485720e-03, v8;
	v2 =	vadd.f32 $-9.325221920e-02, v2  }
0x3d5: {  	v4 =	vmul.f32 $1.442695020e+00, v4;
	v3 =	vadd.f32 $3.315486610e-01, v3  }
0x3d6: {  	s30 =	simm.s32 $0x6D0;
	v7 =	vadd.f32 $3.484979640e-02, v7;
	v2 =	vmul.f32 v2, v9  }
0x3d7: {  	v5 =	vld [tilespmem:s30+$0x0];
	(erf) = vpow2.f32 v4;
	v11 =	vmul.f32 v3, v19  }
0x3d8: {  	v7 =	vmul.f32 v7, v8;
	v2 =	vadd.f32 $1.658229530e-01, v2  }
0x3d9: {  	v15 =	vld [tilespmem:s13+$0xC80];
	v11 =	vadd.f32 $-4.998385610e-01, v11  }
0x3da: {  	v7 =	vadd.f32 $-9.325221920e-02, v7;
	v2 =	vmul.f32 v2, v9  }
0x3db: {  	v11 =	vmul.f32 v11, v19  }
0x3dc: {  	v14 =	vand.u32 $0x7FFFFFFF, v5;
	v22 =	vmul.f32 v7, v8;
	v12 =	vadd.f32 $-2.398262920e-01, v2  }
0x3dd: {  	v21 =	vsub.f32 $0.0e+00, v14;
	v24 =	vadd.f32 $9.999942770e-01, v11  }
0x3de: {  	v20 =	vmul.f32 v15, v16;
	v22 =	vadd.f32 $1.658229530e-01, v22;
	v12 =	vmul.f32 v12, v9  }
0x3df: {  	v6 =	vld [tilespmem:s14+$0xC80];
	v16 =	vmax.f32 v16, $0.0e+00;
	v21 =	vmul.f32 $1.442695020e+00, v21;
	v19 =	vmul.f32 v24, v19  }
0x3e0: {  	s31 =	simm.s32 $0x860;
	v16 =	vsub.f32 v16, v20;
	v4 =	vld [tilespmem:s15+$0xC80];
	v22 =	vmul.f32 v22, v8;
	v23 =	vadd.f32 $3.315486610e-01, v12;
	v14 =	vpop (erf)  }
0x3e1: {  	v7 =	vld [tilespmem:s31+$0x0];
	(erf) = vpow2.f32 v21;
	v25 =	vmul.f32 $-6.151485720e-03, v14;
	v19 =	vadd.f32 $3.385588340e-08, v19  }
0x3e2: {  	v3 =	vld [tilespmem:s16+$0xC80];
	v22 =	vadd.f32 $-2.398262920e-01, v22;
	v23 =	vmul.f32 v23, v9  }
0x3e3: {  	v18 =	vimm.f32 $0.0e+00;
	v2 =	vld [tilespmem:s30+$0xC80];
	v24 =	vadd.f32 $3.484979640e-02, v25;
	v16 =	vadd.f32 v19, v16  }
0x3e4: {  	v17 =	vmul.f32 v6, v10;
	v26 =	vmul.f32 v22, v8;
	v23 =	vadd.f32 $-4.998385610e-01, v23  }
0x3e5: {  	v20 =	vmul.f32 v24, v14;
	v19 =	vadd.f32 v16, v18;
	v22 =	vmul.f32 v16, v15;
	v16 =	vld [tilespmem:s31+$0xC80]  }
0x3e6: {  	v13 =	vmul.f32 v4, v1;
	v23 =	vmul.f32 v23, v9;
	v24 =	vand.u32 $0x7FFFFFFF, v7  }
0x3e7: {  	v12 =	vmul.f32 v3, v0;
	v24 =	vsub.f32 $0.0e+00, v24;
	v20 =	vadd.f32 $-9.325221920e-02, v20  }
0x3e8: {  	v11 =	vmul.f32 v2, v5;
	v21 =	vadd.f32 $9.999942770e-01, v23;
	v23 =	vadd.f32 $3.315486610e-01, v26  }
0x3e9: {  	s13 =	simm.s32 $0x27C0;
	v25 =	vmul.f32 $1.442695020e+00, v24;
	v24 =	vmul.f32 v20, v14;
	v20 =	vimm.f32 $0.0e+00  }
.LBB2_20:
0x3ea: {  	v26 =	vmul.f32 v16, v7;
	v27 =	vpop (erf);
	v18 =	vadd.f32 v15, v18;
	v20 =	vadd.f32 v22, v20  }
0x3eb: {  	s14 =	sshra.s32 s13, $0x2;
	p0 =	sne.s32 s13, $0x2E00;
	s13 =	sadd.s32 $0x640, s13;
	v15 =	vmovc v6;
	v6 =	vmovc v4;
	v4 =	vmov v3;
	v3 =	vmov v2;
	v2 =	vmov v16  }
0x3ec: {  	v22 =	vld [tilespmem:s14+$0x0];
	(erf) = vpow2.f32 v25;
	v16 =	vmul.f32 $-6.151485720e-03, v27;
	v24 =	vadd.f32 $1.658229530e-01, v24  }
0x3ed: {  	v10 =	vmax.f32 v10, $0.0e+00;
	v21 =	vmul.f32 v21, v9;
	v9 =	vmovc v8;
	v23 =	vmul.f32 v23, v8;
	v8 =	vmovc v14  }
0x3ee: {  	v28 =	vsub.f32 v10, v17;
	v17 =	vmovc v13;
	v13 =	vmovc v12;
	v25 =	vadd.f32 $3.484979640e-02, v16;
	v24 =	vmul.f32 v24, v8  }
0x3ef: {  	v12 =	vmovc v11;
	v14 =	vmovc v27;
	v21 =	vadd.f32 $3.385588340e-08, v21;
	v11 =	vmov v26;
	v23 =	vadd.f32 $-4.998385610e-01, v23  }
.Ltmp9:
0x3f0: {  	v10 =	vmovc v1;
	v1 =	vmovc v0;
	v0 =	vmov v5;
	v16 =	vld [tilespmem:s14+$0xC80];
	v25 =	vmul.f32 v25, v14;
	v24 =	vadd.f32 $-2.398262920e-01, v24;
	(pc) =	sbr.rel @p0 .LBB2_20-.Ltmp9, $4  }
0x3f1: {  	v5 =	vmovc v7;
	v27 =	vadd.f32 v21, v28;
	v23 =	vmul.f32 v23, v9;
	v26 =	vand.u32 $0x7FFFFFFF, v22;
	v7 =	vmovc v22  }
0x3f2: {  	v26 =	vsub.f32 $0.0e+00, v26;
	v28 =	vadd.f32 $-9.325221920e-02, v25;
	v29 =	vmul.f32 v24, v8  }
0x3f3: {  	v19 =	vadd.f32 v27, v19;
	v22 =	vmul.f32 v27, v15;
	v21 =	vadd.f32 $9.999942770e-01, v23  }
0x3f4: {  	v25 =	vmul.f32 $1.442695020e+00, v26;
	v24 =	vmul.f32 v28, v14;
	v23 =	vadd.f32 $3.315486610e-01, v29  }
0x3f5: {  	_ = 	snop  }
0x3f6: {  	(erf) = vpow2.f32 v25;
	_ =	sdelay $0x5  }
0x3f7: {  	v25 =	vpop (erf)  }
0x3f8: {  	v26 =	vmul.f32 $-6.151485720e-03, v25;
	_ =	sdelay $0x1  }
0x3f9: {  	v26 =	vadd.f32 $3.484979640e-02, v26;
	v27 =	vpop (erf)  }
0x3fa: {  	v28 =	vmul.f32 $-6.151485720e-03, v27  }
0x3fb: {  	v26 =	vmul.f32 v26, v25  }
0x3fc: {  	v28 =	vadd.f32 $3.484979640e-02, v28  }
0x3fd: {  	v26 =	vadd.f32 $-9.325221920e-02, v26  }
0x3fe: {  	v24 =	vadd.f32 $1.658229530e-01, v24;
	v28 =	vmul.f32 v28, v27  }
0x3ff: {  	v26 =	vmul.f32 v26, v25  }
0x400: {  	v24 =	vmul.f32 v24, v14;
	v28 =	vadd.f32 $-9.325221920e-02, v28  }
0x401: {  	v15 =	vadd.f32 v15, v18;
	v18 =	vadd.f32 $1.658229530e-01, v26  }
0x402: {  	v9 =	vmul.f32 v21, v9;
	v24 =	vadd.f32 $-2.398262920e-01, v24;
	v26 =	vmul.f32 v28, v27  }
0x403: {  	v10 =	vmax.f32 v10, $0.0e+00;
	v23 =	vmul.f32 v23, v8;
	v18 =	vmul.f32 v18, v25  }
0x404: {  	v10 =	vsub.f32 v10, v17;
	v17 =	vmul.f32 v24, v14;
	v21 =	vadd.f32 $1.658229530e-01, v26  }
0x405: {  	v23 =	vadd.f32 $-4.998385610e-01, v23;
	v18 =	vadd.f32 $-2.398262920e-01, v18  }
0x406: {  	v9 =	vadd.f32 $3.385588340e-08, v9;
	v17 =	vadd.f32 $3.315486610e-01, v17;
	v21 =	vmul.f32 v21, v27  }
0x407: {  	v20 =	vadd.f32 v22, v20;
	v22 =	vmul.f32 v23, v8;
	v18 =	vmul.f32 v18, v25  }
0x408: {  	v9 =	vadd.f32 v9, v10;
	v10 =	vmul.f32 v17, v14;
	v17 =	vadd.f32 $-2.398262920e-01, v21  }
0x409: {  	v1 =	vmax.f32 v1, $0.0e+00;
	v18 =	vadd.f32 $3.315486610e-01, v18;
	v21 =	vadd.f32 $9.999942770e-01, v22  }
0x40a: {  	v0 =	vmax.f32 v0, $0.0e+00;
	v10 =	vadd.f32 $-4.998385610e-01, v10;
	v17 =	vmul.f32 v17, v27  }
0x40b: {  	v1 =	vsub.f32 v1, v13;
	v18 =	vmul.f32 v18, v25;
	v8 =	vmul.f32 v21, v8  }
0x40c: {  	v0 =	vsub.f32 v0, v12;
	v10 =	vmul.f32 v10, v14;
	v13 =	vadd.f32 $3.315486610e-01, v17  }
0x40d: {  	v8 =	vadd.f32 $3.385588340e-08, v8;
	v17 =	vadd.f32 $-4.998385610e-01, v18  }
0x40e: {  	v19 =	vadd.f32 v9, v19;
	v10 =	vadd.f32 $9.999942770e-01, v10;
	v13 =	vmul.f32 v13, v27  }
0x40f: {  	v9 =	vmul.f32 v9, v6;
	v1 =	vadd.f32 v8, v1;
	v8 =	vmul.f32 v17, v25  }
0x410: {  	v6 =	vadd.f32 v6, v15;
	v10 =	vmul.f32 v10, v14;
	v13 =	vadd.f32 $-4.998385610e-01, v13  }
0x411: {  	v9 =	vadd.f32 v9, v20;
	v8 =	vadd.f32 $9.999942770e-01, v8  }
0x412: {  	v10 =	vadd.f32 $3.385588340e-08, v10;
	v14 =	vadd.f32 v1, v19;
	v12 =	vmul.f32 v13, v27  }
0x413: {  	v1 =	vmul.f32 v1, v4;
	v4 =	vadd.f32 v4, v6;
	v6 =	vmul.f32 v8, v25  }
0x414: {  	v5 =	vmax.f32 v5, $0.0e+00;
	v0 =	vadd.f32 v10, v0;
	v8 =	vadd.f32 $9.999942770e-01, v12  }
0x415: {  	v5 =	vsub.f32 v5, v11;
	v10 =	vmul.f32 v16, v7;
	v6 =	vadd.f32 $3.385588340e-08, v6  }
0x416: {  	v1 =	vadd.f32 v1, v9;
	v9 =	vmul.f32 v0, v3;
	v8 =	vmul.f32 v8, v27  }
0x417: {  	v3 =	vadd.f32 v3, v4;
	v4 =	vadd.f32 v6, v5;
	v5 =	vmax.f32 v7, $0.0e+00  }
0x418: {  	v5 =	vsub.f32 v5, v10;
	v6 =	vadd.f32 $3.385588340e-08, v8  }
0x419: {  	v0 =	vadd.f32 v0, v14;
	v1 =	vadd.f32 v9, v1  }
0x41a: {  	v7 =	vmul.f32 v4, v2;
	v2 =	vadd.f32 v2, v3;
	v3 =	vadd.f32 v6, v5  }
0x41b: {  	v0 =	vadd.f32 v4, v0  }
0x41c: {  	v1 =	vadd.f32 v7, v1;
	v2 =	vadd.f32 v16, v2;
	v4 =	vmul.f32 v3, v16  }
0x41d: {  	v0 =	vadd.f32 v3, v0  }
0x41e: {  	[tilespmem:$0x1990] =	vst v2;
	v1 =	vadd.f32 v4, v1  }
0x41f: {  	[tilespmem:$0x1B20] =	vst v0  }
0x420: {  	s13 =	simm.s32 $0xA0;
	[tilespmem:$0x1CB0] =	vst v1  }
0x421: {  	v16 =	vld [tilespmem:s13+$0x0];
	_ =	sdelay $0x4  }
0x422: {  	v0 =	vand.u32 $0x7FFFFFFF, v16  }
0x423: {  	v0 =	vsub.f32 $0.0e+00, v0;
	_ =	sdelay $0x1  }
0x424: {  	v0 =	vmul.f32 $1.442695020e+00, v0  }
0x425: {  	s14 =	simm.s32 $0x230  }
0x426: {  	v10 =	vld [tilespmem:s14+$0x0];
	(erf) = vpow2.f32 v0;
	_ =	sdelay $0x4  }
0x427: {  	v0 =	vand.u32 $0x7FFFFFFF, v10  }
0x428: {  	s15 =	simm.s32 $0x3C0;
	v0 =	vsub.f32 $0.0e+00, v0  }
0x429: {  	v1 =	vld [tilespmem:s15+$0x0]  }
0x42a: {  	v0 =	vmul.f32 $1.442695020e+00, v0  }
0x42b: {  	v19 =	vpop (erf)  }
0x42c: {  	(erf) = vpow2.f32 v0;
	v0 =	vmul.f32 $-6.151485720e-03, v19;
	_ =	sdelay $0x1  }
0x42d: {  	v2 =	vand.u32 $0x7FFFFFFF, v1;
	v0 =	vadd.f32 $3.484979640e-02, v0  }
0x42e: {  	v2 =	vsub.f32 $0.0e+00, v2  }
0x42f: {  	v0 =	vmul.f32 v0, v19  }
0x430: {  	v2 =	vmul.f32 $1.442695020e+00, v2  }
0x431: {  	v3 =	vadd.f32 $-9.325221920e-02, v0  }
0x432: {  	(erf) = vpow2.f32 v2  }
0x433: {  	v3 =	vmul.f32 v3, v19  }
0x434: {  	s16 =	simm.s32 $0x550  }
0x435: {  	v9 =	vpop (erf);
	v0 =	vld [tilespmem:s16+$0x0];
	v3 =	vadd.f32 $1.658229530e-01, v3  }
0x436: {  	v2 =	vmul.f32 $-6.151485720e-03, v9  }
0x437: {  	v3 =	vmul.f32 v3, v19  }
0x438: {  	v2 =	vadd.f32 $3.484979640e-02, v2  }
0x439: {  	v3 =	vadd.f32 $-2.398262920e-01, v3  }
0x43a: {  	v2 =	vmul.f32 v2, v9;
	v4 =	vand.u32 $0x7FFFFFFF, v0  }
0x43b: {  	v8 =	vpop (erf);
	v4 =	vsub.f32 $0.0e+00, v4;
	v3 =	vmul.f32 v3, v19  }
0x43c: {  	v7 =	vmul.f32 $-6.151485720e-03, v8;
	v2 =	vadd.f32 $-9.325221920e-02, v2  }
0x43d: {  	v4 =	vmul.f32 $1.442695020e+00, v4;
	v3 =	vadd.f32 $3.315486610e-01, v3  }
0x43e: {  	s30 =	simm.s32 $0x6E0;
	v7 =	vadd.f32 $3.484979640e-02, v7;
	v2 =	vmul.f32 v2, v9  }
0x43f: {  	v5 =	vld [tilespmem:s30+$0x0];
	(erf) = vpow2.f32 v4;
	v11 =	vmul.f32 v3, v19  }
0x440: {  	v7 =	vmul.f32 v7, v8;
	v2 =	vadd.f32 $1.658229530e-01, v2  }
0x441: {  	v15 =	vld [tilespmem:s13+$0xC80];
	v11 =	vadd.f32 $-4.998385610e-01, v11  }
0x442: {  	v7 =	vadd.f32 $-9.325221920e-02, v7;
	v2 =	vmul.f32 v2, v9  }
0x443: {  	v11 =	vmul.f32 v11, v19  }
0x444: {  	v14 =	vand.u32 $0x7FFFFFFF, v5;
	v22 =	vmul.f32 v7, v8;
	v12 =	vadd.f32 $-2.398262920e-01, v2  }
0x445: {  	v21 =	vsub.f32 $0.0e+00, v14;
	v24 =	vadd.f32 $9.999942770e-01, v11  }
0x446: {  	v20 =	vmul.f32 v15, v16;
	v22 =	vadd.f32 $1.658229530e-01, v22;
	v12 =	vmul.f32 v12, v9  }
0x447: {  	v6 =	vld [tilespmem:s14+$0xC80];
	v16 =	vmax.f32 v16, $0.0e+00;
	v21 =	vmul.f32 $1.442695020e+00, v21;
	v19 =	vmul.f32 v24, v19  }
0x448: {  	s31 =	simm.s32 $0x870;
	v16 =	vsub.f32 v16, v20;
	v4 =	vld [tilespmem:s15+$0xC80];
	v22 =	vmul.f32 v22, v8;
	v23 =	vadd.f32 $3.315486610e-01, v12;
	v14 =	vpop (erf)  }
0x449: {  	v7 =	vld [tilespmem:s31+$0x0];
	(erf) = vpow2.f32 v21;
	v25 =	vmul.f32 $-6.151485720e-03, v14;
	v19 =	vadd.f32 $3.385588340e-08, v19  }
0x44a: {  	v3 =	vld [tilespmem:s16+$0xC80];
	v22 =	vadd.f32 $-2.398262920e-01, v22;
	v23 =	vmul.f32 v23, v9  }
0x44b: {  	v18 =	vimm.f32 $0.0e+00;
	v2 =	vld [tilespmem:s30+$0xC80];
	v24 =	vadd.f32 $3.484979640e-02, v25;
	v16 =	vadd.f32 v19, v16  }
0x44c: {  	v17 =	vmul.f32 v6, v10;
	v26 =	vmul.f32 v22, v8;
	v23 =	vadd.f32 $-4.998385610e-01, v23  }
0x44d: {  	v20 =	vmul.f32 v24, v14;
	v19 =	vadd.f32 v16, v18;
	v22 =	vmul.f32 v16, v15;
	v16 =	vld [tilespmem:s31+$0xC80]  }
0x44e: {  	v13 =	vmul.f32 v4, v1;
	v23 =	vmul.f32 v23, v9;
	v24 =	vand.u32 $0x7FFFFFFF, v7  }
0x44f: {  	v12 =	vmul.f32 v3, v0;
	v24 =	vsub.f32 $0.0e+00, v24;
	v20 =	vadd.f32 $-9.325221920e-02, v20  }
0x450: {  	v11 =	vmul.f32 v2, v5;
	v21 =	vadd.f32 $9.999942770e-01, v23;
	v23 =	vadd.f32 $3.315486610e-01, v26  }
0x451: {  	s13 =	simm.s32 $0x2800;
	v25 =	vmul.f32 $1.442695020e+00, v24;
	v24 =	vmul.f32 v20, v14;
	v20 =	vimm.f32 $0.0e+00  }
.LBB2_22:
0x452: {  	v26 =	vmul.f32 v16, v7;
	v27 =	vpop (erf);
	v18 =	vadd.f32 v15, v18;
	v20 =	vadd.f32 v22, v20  }
0x453: {  	s14 =	sshra.s32 s13, $0x2;
	p0 =	sne.s32 s13, $0x2E40;
	s13 =	sadd.s32 $0x640, s13;
	v15 =	vmovc v6;
	v6 =	vmovc v4;
	v4 =	vmov v3;
	v3 =	vmov v2;
	v2 =	vmov v16  }
0x454: {  	v22 =	vld [tilespmem:s14+$0x0];
	(erf) = vpow2.f32 v25;
	v16 =	vmul.f32 $-6.151485720e-03, v27;
	v24 =	vadd.f32 $1.658229530e-01, v24  }
0x455: {  	v10 =	vmax.f32 v10, $0.0e+00;
	v21 =	vmul.f32 v21, v9;
	v9 =	vmovc v8;
	v23 =	vmul.f32 v23, v8;
	v8 =	vmovc v14  }
0x456: {  	v28 =	vsub.f32 v10, v17;
	v17 =	vmovc v13;
	v13 =	vmovc v12;
	v25 =	vadd.f32 $3.484979640e-02, v16;
	v24 =	vmul.f32 v24, v8  }
0x457: {  	v12 =	vmovc v11;
	v14 =	vmovc v27;
	v21 =	vadd.f32 $3.385588340e-08, v21;
	v11 =	vmov v26;
	v23 =	vadd.f32 $-4.998385610e-01, v23  }
.Ltmp10:
0x458: {  	v10 =	vmovc v1;
	v1 =	vmovc v0;
	v0 =	vmov v5;
	v16 =	vld [tilespmem:s14+$0xC80];
	v25 =	vmul.f32 v25, v14;
	v24 =	vadd.f32 $-2.398262920e-01, v24;
	(pc) =	sbr.rel @p0 .LBB2_22-.Ltmp10, $4  }
0x459: {  	v5 =	vmovc v7;
	v27 =	vadd.f32 v21, v28;
	v23 =	vmul.f32 v23, v9;
	v26 =	vand.u32 $0x7FFFFFFF, v22;
	v7 =	vmovc v22  }
0x45a: {  	v26 =	vsub.f32 $0.0e+00, v26;
	v28 =	vadd.f32 $-9.325221920e-02, v25;
	v29 =	vmul.f32 v24, v8  }
0x45b: {  	v19 =	vadd.f32 v27, v19;
	v22 =	vmul.f32 v27, v15;
	v21 =	vadd.f32 $9.999942770e-01, v23  }
0x45c: {  	v25 =	vmul.f32 $1.442695020e+00, v26;
	v24 =	vmul.f32 v28, v14;
	v23 =	vadd.f32 $3.315486610e-01, v29  }
0x45d: {  	_ = 	snop  }
0x45e: {  	(erf) = vpow2.f32 v25;
	_ =	sdelay $0x5  }
0x45f: {  	v25 =	vpop (erf)  }
0x460: {  	v26 =	vmul.f32 $-6.151485720e-03, v25;
	_ =	sdelay $0x1  }
0x461: {  	v26 =	vadd.f32 $3.484979640e-02, v26;
	v27 =	vpop (erf)  }
0x462: {  	v28 =	vmul.f32 $-6.151485720e-03, v27  }
0x463: {  	v26 =	vmul.f32 v26, v25  }
0x464: {  	v28 =	vadd.f32 $3.484979640e-02, v28  }
0x465: {  	v26 =	vadd.f32 $-9.325221920e-02, v26  }
0x466: {  	v24 =	vadd.f32 $1.658229530e-01, v24;
	v28 =	vmul.f32 v28, v27  }
0x467: {  	v26 =	vmul.f32 v26, v25  }
0x468: {  	v24 =	vmul.f32 v24, v14;
	v28 =	vadd.f32 $-9.325221920e-02, v28  }
0x469: {  	v15 =	vadd.f32 v15, v18;
	v18 =	vadd.f32 $1.658229530e-01, v26  }
0x46a: {  	v9 =	vmul.f32 v21, v9;
	v24 =	vadd.f32 $-2.398262920e-01, v24;
	v26 =	vmul.f32 v28, v27  }
0x46b: {  	v10 =	vmax.f32 v10, $0.0e+00;
	v23 =	vmul.f32 v23, v8;
	v18 =	vmul.f32 v18, v25  }
0x46c: {  	v10 =	vsub.f32 v10, v17;
	v17 =	vmul.f32 v24, v14;
	v21 =	vadd.f32 $1.658229530e-01, v26  }
0x46d: {  	v23 =	vadd.f32 $-4.998385610e-01, v23;
	v18 =	vadd.f32 $-2.398262920e-01, v18  }
0x46e: {  	v9 =	vadd.f32 $3.385588340e-08, v9;
	v17 =	vadd.f32 $3.315486610e-01, v17;
	v21 =	vmul.f32 v21, v27  }
0x46f: {  	v20 =	vadd.f32 v22, v20;
	v22 =	vmul.f32 v23, v8;
	v18 =	vmul.f32 v18, v25  }
0x470: {  	v9 =	vadd.f32 v9, v10;
	v10 =	vmul.f32 v17, v14;
	v17 =	vadd.f32 $-2.398262920e-01, v21  }
0x471: {  	v1 =	vmax.f32 v1, $0.0e+00;
	v18 =	vadd.f32 $3.315486610e-01, v18;
	v21 =	vadd.f32 $9.999942770e-01, v22  }
0x472: {  	v0 =	vmax.f32 v0, $0.0e+00;
	v10 =	vadd.f32 $-4.998385610e-01, v10;
	v17 =	vmul.f32 v17, v27  }
0x473: {  	v1 =	vsub.f32 v1, v13;
	v18 =	vmul.f32 v18, v25;
	v8 =	vmul.f32 v21, v8  }
0x474: {  	v0 =	vsub.f32 v0, v12;
	v10 =	vmul.f32 v10, v14;
	v13 =	vadd.f32 $3.315486610e-01, v17  }
0x475: {  	v8 =	vadd.f32 $3.385588340e-08, v8;
	v17 =	vadd.f32 $-4.998385610e-01, v18  }
0x476: {  	v19 =	vadd.f32 v9, v19;
	v10 =	vadd.f32 $9.999942770e-01, v10;
	v13 =	vmul.f32 v13, v27  }
0x477: {  	v9 =	vmul.f32 v9, v6;
	v1 =	vadd.f32 v8, v1;
	v8 =	vmul.f32 v17, v25  }
0x478: {  	v6 =	vadd.f32 v6, v15;
	v10 =	vmul.f32 v10, v14;
	v13 =	vadd.f32 $-4.998385610e-01, v13  }
0x479: {  	v9 =	vadd.f32 v9, v20;
	v8 =	vadd.f32 $9.999942770e-01, v8  }
0x47a: {  	v10 =	vadd.f32 $3.385588340e-08, v10;
	v14 =	vadd.f32 v1, v19;
	v12 =	vmul.f32 v13, v27  }
0x47b: {  	v1 =	vmul.f32 v1, v4;
	v4 =	vadd.f32 v4, v6;
	v6 =	vmul.f32 v8, v25  }
0x47c: {  	v5 =	vmax.f32 v5, $0.0e+00;
	v0 =	vadd.f32 v10, v0;
	v8 =	vadd.f32 $9.999942770e-01, v12  }
0x47d: {  	v5 =	vsub.f32 v5, v11;
	v10 =	vmul.f32 v16, v7;
	v6 =	vadd.f32 $3.385588340e-08, v6  }
0x47e: {  	v1 =	vadd.f32 v1, v9;
	v9 =	vmul.f32 v0, v3;
	v8 =	vmul.f32 v8, v27  }
0x47f: {  	v3 =	vadd.f32 v3, v4;
	v4 =	vadd.f32 v6, v5;
	v5 =	vmax.f32 v7, $0.0e+00  }
0x480: {  	v5 =	vsub.f32 v5, v10;
	v6 =	vadd.f32 $3.385588340e-08, v8  }
0x481: {  	v0 =	vadd.f32 v0, v14;
	v1 =	vadd.f32 v9, v1  }
0x482: {  	v7 =	vmul.f32 v4, v2;
	v2 =	vadd.f32 v2, v3;
	v3 =	vadd.f32 v6, v5  }
0x483: {  	v0 =	vadd.f32 v4, v0  }
0x484: {  	v1 =	vadd.f32 v7, v1;
	v2 =	vadd.f32 v16, v2;
	v4 =	vmul.f32 v3, v16  }
0x485: {  	v0 =	vadd.f32 v3, v0  }
0x486: {  	[tilespmem:$0x19A0] =	vst v2;
	v1 =	vadd.f32 v4, v1  }
0x487: {  	[tilespmem:$0x1B30] =	vst v0  }
0x488: {  	s13 =	simm.s32 $0xB0;
	[tilespmem:$0x1CC0] =	vst v1  }
0x489: {  	v16 =	vld [tilespmem:s13+$0x0];
	_ =	sdelay $0x4  }
0x48a: {  	v0 =	vand.u32 $0x7FFFFFFF, v16  }
0x48b: {  	v0 =	vsub.f32 $0.0e+00, v0;
	_ =	sdelay $0x1  }
0x48c: {  	v0 =	vmul.f32 $1.442695020e+00, v0  }
0x48d: {  	s14 =	simm.s32 $0x240  }
0x48e: {  	v10 =	vld [tilespmem:s14+$0x0];
	(erf) = vpow2.f32 v0;
	_ =	sdelay $0x4  }
0x48f: {  	v0 =	vand.u32 $0x7FFFFFFF, v10  }
0x490: {  	s15 =	simm.s32 $0x3D0;
	v0 =	vsub.f32 $0.0e+00, v0  }
0x491: {  	v1 =	vld [tilespmem:s15+$0x0]  }
0x492: {  	v0 =	vmul.f32 $1.442695020e+00, v0  }
0x493: {  	v19 =	vpop (erf)  }
0x494: {  	(erf) = vpow2.f32 v0;
	v0 =	vmul.f32 $-6.151485720e-03, v19;
	_ =	sdelay $0x1  }
0x495: {  	v2 =	vand.u32 $0x7FFFFFFF, v1;
	v0 =	vadd.f32 $3.484979640e-02, v0  }
0x496: {  	v2 =	vsub.f32 $0.0e+00, v2  }
0x497: {  	v0 =	vmul.f32 v0, v19  }
0x498: {  	v2 =	vmul.f32 $1.442695020e+00, v2  }
0x499: {  	v3 =	vadd.f32 $-9.325221920e-02, v0  }
0x49a: {  	(erf) = vpow2.f32 v2  }
0x49b: {  	v3 =	vmul.f32 v3, v19  }
0x49c: {  	s16 =	simm.s32 $0x560  }
0x49d: {  	v9 =	vpop (erf);
	v0 =	vld [tilespmem:s16+$0x0];
	v3 =	vadd.f32 $1.658229530e-01, v3  }
0x49e: {  	v2 =	vmul.f32 $-6.151485720e-03, v9  }
0x49f: {  	v3 =	vmul.f32 v3, v19  }
0x4a0: {  	v2 =	vadd.f32 $3.484979640e-02, v2  }
0x4a1: {  	v3 =	vadd.f32 $-2.398262920e-01, v3  }
0x4a2: {  	v2 =	vmul.f32 v2, v9;
	v4 =	vand.u32 $0x7FFFFFFF, v0  }
0x4a3: {  	v8 =	vpop (erf);
	v4 =	vsub.f32 $0.0e+00, v4;
	v3 =	vmul.f32 v3, v19  }
0x4a4: {  	v7 =	vmul.f32 $-6.151485720e-03, v8;
	v2 =	vadd.f32 $-9.325221920e-02, v2  }
0x4a5: {  	v4 =	vmul.f32 $1.442695020e+00, v4;
	v3 =	vadd.f32 $3.315486610e-01, v3  }
0x4a6: {  	s30 =	simm.s32 $0x6F0;
	v7 =	vadd.f32 $3.484979640e-02, v7;
	v2 =	vmul.f32 v2, v9  }
0x4a7: {  	v5 =	vld [tilespmem:s30+$0x0];
	(erf) = vpow2.f32 v4;
	v11 =	vmul.f32 v3, v19  }
0x4a8: {  	v7 =	vmul.f32 v7, v8;
	v2 =	vadd.f32 $1.658229530e-01, v2  }
0x4a9: {  	v15 =	vld [tilespmem:s13+$0xC80];
	v11 =	vadd.f32 $-4.998385610e-01, v11  }
0x4aa: {  	v7 =	vadd.f32 $-9.325221920e-02, v7;
	v2 =	vmul.f32 v2, v9  }
0x4ab: {  	v11 =	vmul.f32 v11, v19  }
0x4ac: {  	v14 =	vand.u32 $0x7FFFFFFF, v5;
	v22 =	vmul.f32 v7, v8;
	v12 =	vadd.f32 $-2.398262920e-01, v2  }
0x4ad: {  	v21 =	vsub.f32 $0.0e+00, v14;
	v24 =	vadd.f32 $9.999942770e-01, v11  }
0x4ae: {  	v20 =	vmul.f32 v15, v16;
	v22 =	vadd.f32 $1.658229530e-01, v22;
	v12 =	vmul.f32 v12, v9  }
0x4af: {  	v6 =	vld [tilespmem:s14+$0xC80];
	v16 =	vmax.f32 v16, $0.0e+00;
	v21 =	vmul.f32 $1.442695020e+00, v21;
	v19 =	vmul.f32 v24, v19  }
0x4b0: {  	s31 =	simm.s32 $0x880;
	v16 =	vsub.f32 v16, v20;
	v4 =	vld [tilespmem:s15+$0xC80];
	v22 =	vmul.f32 v22, v8;
	v23 =	vadd.f32 $3.315486610e-01, v12;
	v14 =	vpop (erf)  }
0x4b1: {  	v7 =	vld [tilespmem:s31+$0x0];
	(erf) = vpow2.f32 v21;
	v25 =	vmul.f32 $-6.151485720e-03, v14;
	v19 =	vadd.f32 $3.385588340e-08, v19  }
0x4b2: {  	v3 =	vld [tilespmem:s16+$0xC80];
	v22 =	vadd.f32 $-2.398262920e-01, v22;
	v23 =	vmul.f32 v23, v9  }
0x4b3: {  	v18 =	vimm.f32 $0.0e+00;
	v2 =	vld [tilespmem:s30+$0xC80];
	v24 =	vadd.f32 $3.484979640e-02, v25;
	v16 =	vadd.f32 v19, v16  }
0x4b4: {  	v17 =	vmul.f32 v6, v10;
	v26 =	vmul.f32 v22, v8;
	v23 =	vadd.f32 $-4.998385610e-01, v23  }
0x4b5: {  	v20 =	vmul.f32 v24, v14;
	v19 =	vadd.f32 v16, v18;
	v22 =	vmul.f32 v16, v15;
	v16 =	vld [tilespmem:s31+$0xC80]  }
0x4b6: {  	v13 =	vmul.f32 v4, v1;
	v23 =	vmul.f32 v23, v9;
	v24 =	vand.u32 $0x7FFFFFFF, v7  }
0x4b7: {  	v12 =	vmul.f32 v3, v0;
	v24 =	vsub.f32 $0.0e+00, v24;
	v20 =	vadd.f32 $-9.325221920e-02, v20  }
0x4b8: {  	v11 =	vmul.f32 v2, v5;
	v21 =	vadd.f32 $9.999942770e-01, v23;
	v23 =	vadd.f32 $3.315486610e-01, v26  }
0x4b9: {  	s13 =	simm.s32 $0x2840;
	v25 =	vmul.f32 $1.442695020e+00, v24;
	v24 =	vmul.f32 v20, v14;
	v20 =	vimm.f32 $0.0e+00  }
.LBB2_24:
0x4ba: {  	v26 =	vmul.f32 v16, v7;
	v27 =	vpop (erf);
	v18 =	vadd.f32 v15, v18;
	v20 =	vadd.f32 v22, v20  }
0x4bb: {  	s14 =	sshra.s32 s13, $0x2;
	p0 =	sne.s32 s13, $0x2E80;
	s13 =	sadd.s32 $0x640, s13;
	v15 =	vmovc v6;
	v6 =	vmovc v4;
	v4 =	vmov v3;
	v3 =	vmov v2;
	v2 =	vmov v16  }
0x4bc: {  	v22 =	vld [tilespmem:s14+$0x0];
	(erf) = vpow2.f32 v25;
	v16 =	vmul.f32 $-6.151485720e-03, v27;
	v24 =	vadd.f32 $1.658229530e-01, v24  }
0x4bd: {  	v10 =	vmax.f32 v10, $0.0e+00;
	v21 =	vmul.f32 v21, v9;
	v9 =	vmovc v8;
	v23 =	vmul.f32 v23, v8;
	v8 =	vmovc v14  }
0x4be: {  	v28 =	vsub.f32 v10, v17;
	v17 =	vmovc v13;
	v13 =	vmovc v12;
	v25 =	vadd.f32 $3.484979640e-02, v16;
	v24 =	vmul.f32 v24, v8  }
0x4bf: {  	v12 =	vmovc v11;
	v14 =	vmovc v27;
	v21 =	vadd.f32 $3.385588340e-08, v21;
	v11 =	vmov v26;
	v23 =	vadd.f32 $-4.998385610e-01, v23  }
.Ltmp11:
0x4c0: {  	v10 =	vmovc v1;
	v1 =	vmovc v0;
	v0 =	vmov v5;
	v16 =	vld [tilespmem:s14+$0xC80];
	v25 =	vmul.f32 v25, v14;
	v24 =	vadd.f32 $-2.398262920e-01, v24;
	(pc) =	sbr.rel @p0 .LBB2_24-.Ltmp11, $4  }
0x4c1: {  	v5 =	vmovc v7;
	v27 =	vadd.f32 v21, v28;
	v23 =	vmul.f32 v23, v9;
	v26 =	vand.u32 $0x7FFFFFFF, v22;
	v7 =	vmovc v22  }
0x4c2: {  	v26 =	vsub.f32 $0.0e+00, v26;
	v28 =	vadd.f32 $-9.325221920e-02, v25;
	v29 =	vmul.f32 v24, v8  }
0x4c3: {  	v19 =	vadd.f32 v27, v19;
	v22 =	vmul.f32 v27, v15;
	v21 =	vadd.f32 $9.999942770e-01, v23  }
0x4c4: {  	v25 =	vmul.f32 $1.442695020e+00, v26;
	v24 =	vmul.f32 v28, v14;
	v23 =	vadd.f32 $3.315486610e-01, v29  }
0x4c5: {  	_ = 	snop  }
0x4c6: {  	(erf) = vpow2.f32 v25;
	_ =	sdelay $0x5  }
0x4c7: {  	v25 =	vpop (erf)  }
0x4c8: {  	v26 =	vmul.f32 $-6.151485720e-03, v25;
	_ =	sdelay $0x1  }
0x4c9: {  	v26 =	vadd.f32 $3.484979640e-02, v26;
	v27 =	vpop (erf)  }
0x4ca: {  	v28 =	vmul.f32 $-6.151485720e-03, v27  }
0x4cb: {  	v26 =	vmul.f32 v26, v25  }
0x4cc: {  	v28 =	vadd.f32 $3.484979640e-02, v28  }
0x4cd: {  	v26 =	vadd.f32 $-9.325221920e-02, v26  }
0x4ce: {  	v24 =	vadd.f32 $1.658229530e-01, v24;
	v28 =	vmul.f32 v28, v27  }
0x4cf: {  	v26 =	vmul.f32 v26, v25  }
0x4d0: {  	v24 =	vmul.f32 v24, v14;
	v28 =	vadd.f32 $-9.325221920e-02, v28  }
0x4d1: {  	v15 =	vadd.f32 v15, v18;
	v18 =	vadd.f32 $1.658229530e-01, v26  }
0x4d2: {  	v9 =	vmul.f32 v21, v9;
	v24 =	vadd.f32 $-2.398262920e-01, v24;
	v26 =	vmul.f32 v28, v27  }
0x4d3: {  	v10 =	vmax.f32 v10, $0.0e+00;
	v23 =	vmul.f32 v23, v8;
	v18 =	vmul.f32 v18, v25  }
0x4d4: {  	v10 =	vsub.f32 v10, v17;
	v17 =	vmul.f32 v24, v14;
	v21 =	vadd.f32 $1.658229530e-01, v26  }
0x4d5: {  	v23 =	vadd.f32 $-4.998385610e-01, v23;
	v18 =	vadd.f32 $-2.398262920e-01, v18  }
0x4d6: {  	v9 =	vadd.f32 $3.385588340e-08, v9;
	v17 =	vadd.f32 $3.315486610e-01, v17;
	v21 =	vmul.f32 v21, v27  }
0x4d7: {  	v20 =	vadd.f32 v22, v20;
	v22 =	vmul.f32 v23, v8;
	v18 =	vmul.f32 v18, v25  }
0x4d8: {  	v9 =	vadd.f32 v9, v10;
	v10 =	vmul.f32 v17, v14;
	v17 =	vadd.f32 $-2.398262920e-01, v21  }
0x4d9: {  	v1 =	vmax.f32 v1, $0.0e+00;
	v18 =	vadd.f32 $3.315486610e-01, v18;
	v21 =	vadd.f32 $9.999942770e-01, v22  }
0x4da: {  	v0 =	vmax.f32 v0, $0.0e+00;
	v10 =	vadd.f32 $-4.998385610e-01, v10;
	v17 =	vmul.f32 v17, v27  }
0x4db: {  	v1 =	vsub.f32 v1, v13;
	v18 =	vmul.f32 v18, v25;
	v8 =	vmul.f32 v21, v8  }
0x4dc: {  	v0 =	vsub.f32 v0, v12;
	v10 =	vmul.f32 v10, v14;
	v13 =	vadd.f32 $3.315486610e-01, v17  }
0x4dd: {  	v8 =	vadd.f32 $3.385588340e-08, v8;
	v17 =	vadd.f32 $-4.998385610e-01, v18  }
0x4de: {  	v19 =	vadd.f32 v9, v19;
	v10 =	vadd.f32 $9.999942770e-01, v10;
	v13 =	vmul.f32 v13, v27  }
0x4df: {  	v9 =	vmul.f32 v9, v6;
	v1 =	vadd.f32 v8, v1;
	v8 =	vmul.f32 v17, v25  }
0x4e0: {  	v6 =	vadd.f32 v6, v15;
	v10 =	vmul.f32 v10, v14;
	v13 =	vadd.f32 $-4.998385610e-01, v13  }
0x4e1: {  	v9 =	vadd.f32 v9, v20;
	v8 =	vadd.f32 $9.999942770e-01, v8  }
0x4e2: {  	v10 =	vadd.f32 $3.385588340e-08, v10;
	v14 =	vadd.f32 v1, v19;
	v12 =	vmul.f32 v13, v27  }
0x4e3: {  	v1 =	vmul.f32 v1, v4;
	v4 =	vadd.f32 v4, v6;
	v6 =	vmul.f32 v8, v25  }
0x4e4: {  	v5 =	vmax.f32 v5, $0.0e+00;
	v0 =	vadd.f32 v10, v0;
	v8 =	vadd.f32 $9.999942770e-01, v12  }
0x4e5: {  	v5 =	vsub.f32 v5, v11;
	v10 =	vmul.f32 v16, v7;
	v6 =	vadd.f32 $3.385588340e-08, v6  }
0x4e6: {  	v1 =	vadd.f32 v1, v9;
	v9 =	vmul.f32 v0, v3;
	v8 =	vmul.f32 v8, v27  }
0x4e7: {  	v3 =	vadd.f32 v3, v4;
	v4 =	vadd.f32 v6, v5;
	v5 =	vmax.f32 v7, $0.0e+00  }
0x4e8: {  	v5 =	vsub.f32 v5, v10;
	v6 =	vadd.f32 $3.385588340e-08, v8  }
0x4e9: {  	v0 =	vadd.f32 v0, v14;
	v1 =	vadd.f32 v9, v1  }
0x4ea: {  	v7 =	vmul.f32 v4, v2;
	v2 =	vadd.f32 v2, v3;
	v3 =	vadd.f32 v6, v5  }
0x4eb: {  	v0 =	vadd.f32 v4, v0  }
0x4ec: {  	v1 =	vadd.f32 v7, v1;
	v2 =	vadd.f32 v16, v2;
	v4 =	vmul.f32 v3, v16  }
0x4ed: {  	v0 =	vadd.f32 v3, v0  }
0x4ee: {  	[tilespmem:$0x19B0] =	vst v2;
	v1 =	vadd.f32 v4, v1  }
0x4ef: {  	[tilespmem:$0x1B40] =	vst v0  }
0x4f0: {  	s13 =	simm.s32 $0xC0;
	[tilespmem:$0x1CD0] =	vst v1  }
0x4f1: {  	v16 =	vld [tilespmem:s13+$0x0];
	_ =	sdelay $0x4  }
0x4f2: {  	v0 =	vand.u32 $0x7FFFFFFF, v16  }
0x4f3: {  	v0 =	vsub.f32 $0.0e+00, v0;
	_ =	sdelay $0x1  }
0x4f4: {  	v0 =	vmul.f32 $1.442695020e+00, v0  }
0x4f5: {  	s14 =	simm.s32 $0x250  }
0x4f6: {  	v10 =	vld [tilespmem:s14+$0x0];
	(erf) = vpow2.f32 v0;
	_ =	sdelay $0x4  }
0x4f7: {  	v0 =	vand.u32 $0x7FFFFFFF, v10  }
0x4f8: {  	s15 =	simm.s32 $0x3E0;
	v0 =	vsub.f32 $0.0e+00, v0  }
0x4f9: {  	v1 =	vld [tilespmem:s15+$0x0]  }
0x4fa: {  	v0 =	vmul.f32 $1.442695020e+00, v0  }
0x4fb: {  	v19 =	vpop (erf)  }
0x4fc: {  	(erf) = vpow2.f32 v0;
	v0 =	vmul.f32 $-6.151485720e-03, v19;
	_ =	sdelay $0x1  }
0x4fd: {  	v2 =	vand.u32 $0x7FFFFFFF, v1;
	v0 =	vadd.f32 $3.484979640e-02, v0  }
0x4fe: {  	v2 =	vsub.f32 $0.0e+00, v2  }
0x4ff: {  	v0 =	vmul.f32 v0, v19  }
0x500: {  	v2 =	vmul.f32 $1.442695020e+00, v2  }
0x501: {  	v3 =	vadd.f32 $-9.325221920e-02, v0  }
0x502: {  	(erf) = vpow2.f32 v2  }
0x503: {  	v3 =	vmul.f32 v3, v19  }
0x504: {  	s16 =	simm.s32 $0x570  }
0x505: {  	v9 =	vpop (erf);
	v0 =	vld [tilespmem:s16+$0x0];
	v3 =	vadd.f32 $1.658229530e-01, v3  }
0x506: {  	v2 =	vmul.f32 $-6.151485720e-03, v9  }
0x507: {  	v3 =	vmul.f32 v3, v19  }
0x508: {  	v2 =	vadd.f32 $3.484979640e-02, v2  }
0x509: {  	v3 =	vadd.f32 $-2.398262920e-01, v3  }
0x50a: {  	v2 =	vmul.f32 v2, v9;
	v4 =	vand.u32 $0x7FFFFFFF, v0  }
0x50b: {  	v8 =	vpop (erf);
	v4 =	vsub.f32 $0.0e+00, v4;
	v3 =	vmul.f32 v3, v19  }
0x50c: {  	v7 =	vmul.f32 $-6.151485720e-03, v8;
	v2 =	vadd.f32 $-9.325221920e-02, v2  }
0x50d: {  	v4 =	vmul.f32 $1.442695020e+00, v4;
	v3 =	vadd.f32 $3.315486610e-01, v3  }
0x50e: {  	s30 =	simm.s32 $0x700;
	v7 =	vadd.f32 $3.484979640e-02, v7;
	v2 =	vmul.f32 v2, v9  }
0x50f: {  	v5 =	vld [tilespmem:s30+$0x0];
	(erf) = vpow2.f32 v4;
	v11 =	vmul.f32 v3, v19  }
0x510: {  	v7 =	vmul.f32 v7, v8;
	v2 =	vadd.f32 $1.658229530e-01, v2  }
0x511: {  	v15 =	vld [tilespmem:s13+$0xC80];
	v11 =	vadd.f32 $-4.998385610e-01, v11  }
0x512: {  	v7 =	vadd.f32 $-9.325221920e-02, v7;
	v2 =	vmul.f32 v2, v9  }
0x513: {  	v11 =	vmul.f32 v11, v19  }
0x514: {  	v14 =	vand.u32 $0x7FFFFFFF, v5;
	v22 =	vmul.f32 v7, v8;
	v12 =	vadd.f32 $-2.398262920e-01, v2  }
0x515: {  	v21 =	vsub.f32 $0.0e+00, v14;
	v24 =	vadd.f32 $9.999942770e-01, v11  }
0x516: {  	v20 =	vmul.f32 v15, v16;
	v22 =	vadd.f32 $1.658229530e-01, v22;
	v12 =	vmul.f32 v12, v9  }
0x517: {  	v6 =	vld [tilespmem:s14+$0xC80];
	v16 =	vmax.f32 v16, $0.0e+00;
	v21 =	vmul.f32 $1.442695020e+00, v21;
	v19 =	vmul.f32 v24, v19  }
0x518: {  	s31 =	simm.s32 $0x890;
	v16 =	vsub.f32 v16, v20;
	v4 =	vld [tilespmem:s15+$0xC80];
	v22 =	vmul.f32 v22, v8;
	v23 =	vadd.f32 $3.315486610e-01, v12;
	v14 =	vpop (erf)  }
0x519: {  	v7 =	vld [tilespmem:s31+$0x0];
	(erf) = vpow2.f32 v21;
	v25 =	vmul.f32 $-6.151485720e-03, v14;
	v19 =	vadd.f32 $3.385588340e-08, v19  }
0x51a: {  	v3 =	vld [tilespmem:s16+$0xC80];
	v22 =	vadd.f32 $-2.398262920e-01, v22;
	v23 =	vmul.f32 v23, v9  }
0x51b: {  	v18 =	vimm.f32 $0.0e+00;
	v2 =	vld [tilespmem:s30+$0xC80];
	v24 =	vadd.f32 $3.484979640e-02, v25;
	v16 =	vadd.f32 v19, v16  }
0x51c: {  	v17 =	vmul.f32 v6, v10;
	v26 =	vmul.f32 v22, v8;
	v23 =	vadd.f32 $-4.998385610e-01, v23  }
0x51d: {  	v20 =	vmul.f32 v24, v14;
	v19 =	vadd.f32 v16, v18;
	v22 =	vmul.f32 v16, v15;
	v16 =	vld [tilespmem:s31+$0xC80]  }
0x51e: {  	v13 =	vmul.f32 v4, v1;
	v23 =	vmul.f32 v23, v9;
	v24 =	vand.u32 $0x7FFFFFFF, v7  }
0x51f: {  	v12 =	vmul.f32 v3, v0;
	v24 =	vsub.f32 $0.0e+00, v24;
	v20 =	vadd.f32 $-9.325221920e-02, v20  }
0x520: {  	v11 =	vmul.f32 v2, v5;
	v21 =	vadd.f32 $9.999942770e-01, v23;
	v23 =	vadd.f32 $3.315486610e-01, v26  }
0x521: {  	s13 =	simm.s32 $0x2880;
	v25 =	vmul.f32 $1.442695020e+00, v24;
	v24 =	vmul.f32 v20, v14;
	v20 =	vimm.f32 $0.0e+00  }
.LBB2_26:
0x522: {  	v26 =	vmul.f32 v16, v7;
	v27 =	vpop (erf);
	v18 =	vadd.f32 v15, v18;
	v20 =	vadd.f32 v22, v20  }
0x523: {  	s14 =	sshra.s32 s13, $0x2;
	p0 =	sne.s32 s13, $0x2EC0;
	s13 =	sadd.s32 $0x640, s13;
	v15 =	vmovc v6;
	v6 =	vmovc v4;
	v4 =	vmov v3;
	v3 =	vmov v2;
	v2 =	vmov v16  }
0x524: {  	v22 =	vld [tilespmem:s14+$0x0];
	(erf) = vpow2.f32 v25;
	v16 =	vmul.f32 $-6.151485720e-03, v27;
	v24 =	vadd.f32 $1.658229530e-01, v24  }
0x525: {  	v10 =	vmax.f32 v10, $0.0e+00;
	v21 =	vmul.f32 v21, v9;
	v9 =	vmovc v8;
	v23 =	vmul.f32 v23, v8;
	v8 =	vmovc v14  }
0x526: {  	v28 =	vsub.f32 v10, v17;
	v17 =	vmovc v13;
	v13 =	vmovc v12;
	v25 =	vadd.f32 $3.484979640e-02, v16;
	v24 =	vmul.f32 v24, v8  }
0x527: {  	v12 =	vmovc v11;
	v14 =	vmovc v27;
	v21 =	vadd.f32 $3.385588340e-08, v21;
	v11 =	vmov v26;
	v23 =	vadd.f32 $-4.998385610e-01, v23  }
.Ltmp12:
0x528: {  	v10 =	vmovc v1;
	v1 =	vmovc v0;
	v0 =	vmov v5;
	v16 =	vld [tilespmem:s14+$0xC80];
	v25 =	vmul.f32 v25, v14;
	v24 =	vadd.f32 $-2.398262920e-01, v24;
	(pc) =	sbr.rel @p0 .LBB2_26-.Ltmp12, $4  }
0x529: {  	v5 =	vmovc v7;
	v27 =	vadd.f32 v21, v28;
	v23 =	vmul.f32 v23, v9;
	v26 =	vand.u32 $0x7FFFFFFF, v22;
	v7 =	vmovc v22  }
0x52a: {  	v26 =	vsub.f32 $0.0e+00, v26;
	v28 =	vadd.f32 $-9.325221920e-02, v25;
	v29 =	vmul.f32 v24, v8  }
0x52b: {  	v19 =	vadd.f32 v27, v19;
	v22 =	vmul.f32 v27, v15;
	v21 =	vadd.f32 $9.999942770e-01, v23  }
0x52c: {  	v25 =	vmul.f32 $1.442695020e+00, v26;
	v24 =	vmul.f32 v28, v14;
	v23 =	vadd.f32 $3.315486610e-01, v29  }
0x52d: {  	_ = 	snop  }
0x52e: {  	(erf) = vpow2.f32 v25;
	_ =	sdelay $0x5  }
0x52f: {  	v25 =	vpop (erf)  }
0x530: {  	v26 =	vmul.f32 $-6.151485720e-03, v25;
	_ =	sdelay $0x1  }
0x531: {  	v26 =	vadd.f32 $3.484979640e-02, v26;
	v27 =	vpop (erf)  }
0x532: {  	v28 =	vmul.f32 $-6.151485720e-03, v27  }
0x533: {  	v26 =	vmul.f32 v26, v25  }
0x534: {  	v28 =	vadd.f32 $3.484979640e-02, v28  }
0x535: {  	v26 =	vadd.f32 $-9.325221920e-02, v26  }
0x536: {  	v24 =	vadd.f32 $1.658229530e-01, v24;
	v28 =	vmul.f32 v28, v27  }
0x537: {  	v26 =	vmul.f32 v26, v25  }
0x538: {  	v24 =	vmul.f32 v24, v14;
	v28 =	vadd.f32 $-9.325221920e-02, v28  }
0x539: {  	v15 =	vadd.f32 v15, v18;
	v18 =	vadd.f32 $1.658229530e-01, v26  }
0x53a: {  	v9 =	vmul.f32 v21, v9;
	v24 =	vadd.f32 $-2.398262920e-01, v24;
	v26 =	vmul.f32 v28, v27  }
0x53b: {  	v10 =	vmax.f32 v10, $0.0e+00;
	v23 =	vmul.f32 v23, v8;
	v18 =	vmul.f32 v18, v25  }
0x53c: {  	v10 =	vsub.f32 v10, v17;
	v17 =	vmul.f32 v24, v14;
	v21 =	vadd.f32 $1.658229530e-01, v26  }
0x53d: {  	v23 =	vadd.f32 $-4.998385610e-01, v23;
	v18 =	vadd.f32 $-2.398262920e-01, v18  }
0x53e: {  	v9 =	vadd.f32 $3.385588340e-08, v9;
	v17 =	vadd.f32 $3.315486610e-01, v17;
	v21 =	vmul.f32 v21, v27  }
0x53f: {  	v20 =	vadd.f32 v22, v20;
	v22 =	vmul.f32 v23, v8;
	v18 =	vmul.f32 v18, v25  }
0x540: {  	v9 =	vadd.f32 v9, v10;
	v10 =	vmul.f32 v17, v14;
	v17 =	vadd.f32 $-2.398262920e-01, v21  }
0x541: {  	v1 =	vmax.f32 v1, $0.0e+00;
	v18 =	vadd.f32 $3.315486610e-01, v18;
	v21 =	vadd.f32 $9.999942770e-01, v22  }
0x542: {  	v0 =	vmax.f32 v0, $0.0e+00;
	v10 =	vadd.f32 $-4.998385610e-01, v10;
	v17 =	vmul.f32 v17, v27  }
0x543: {  	v1 =	vsub.f32 v1, v13;
	v18 =	vmul.f32 v18, v25;
	v8 =	vmul.f32 v21, v8  }
0x544: {  	v0 =	vsub.f32 v0, v12;
	v10 =	vmul.f32 v10, v14;
	v13 =	vadd.f32 $3.315486610e-01, v17  }
0x545: {  	v8 =	vadd.f32 $3.385588340e-08, v8;
	v17 =	vadd.f32 $-4.998385610e-01, v18  }
0x546: {  	v19 =	vadd.f32 v9, v19;
	v10 =	vadd.f32 $9.999942770e-01, v10;
	v13 =	vmul.f32 v13, v27  }
0x547: {  	v9 =	vmul.f32 v9, v6;
	v1 =	vadd.f32 v8, v1;
	v8 =	vmul.f32 v17, v25  }
0x548: {  	v6 =	vadd.f32 v6, v15;
	v10 =	vmul.f32 v10, v14;
	v13 =	vadd.f32 $-4.998385610e-01, v13  }
0x549: {  	v9 =	vadd.f32 v9, v20;
	v8 =	vadd.f32 $9.999942770e-01, v8  }
0x54a: {  	v10 =	vadd.f32 $3.385588340e-08, v10;
	v14 =	vadd.f32 v1, v19;
	v12 =	vmul.f32 v13, v27  }
0x54b: {  	v1 =	vmul.f32 v1, v4;
	v4 =	vadd.f32 v4, v6;
	v6 =	vmul.f32 v8, v25  }
0x54c: {  	v5 =	vmax.f32 v5, $0.0e+00;
	v0 =	vadd.f32 v10, v0;
	v8 =	vadd.f32 $9.999942770e-01, v12  }
0x54d: {  	v5 =	vsub.f32 v5, v11;
	v10 =	vmul.f32 v16, v7;
	v6 =	vadd.f32 $3.385588340e-08, v6  }
0x54e: {  	v1 =	vadd.f32 v1, v9;
	v9 =	vmul.f32 v0, v3;
	v8 =	vmul.f32 v8, v27  }
0x54f: {  	v3 =	vadd.f32 v3, v4;
	v4 =	vadd.f32 v6, v5;
	v5 =	vmax.f32 v7, $0.0e+00  }
0x550: {  	v5 =	vsub.f32 v5, v10;
	v6 =	vadd.f32 $3.385588340e-08, v8  }
0x551: {  	v0 =	vadd.f32 v0, v14;
	v1 =	vadd.f32 v9, v1  }
0x552: {  	v7 =	vmul.f32 v4, v2;
	v2 =	vadd.f32 v2, v3;
	v3 =	vadd.f32 v6, v5  }
0x553: {  	v0 =	vadd.f32 v4, v0  }
0x554: {  	v1 =	vadd.f32 v7, v1;
	v2 =	vadd.f32 v16, v2;
	v4 =	vmul.f32 v3, v16  }
0x555: {  	v0 =	vadd.f32 v3, v0  }
0x556: {  	[tilespmem:$0x19C0] =	vst v2;
	v1 =	vadd.f32 v4, v1  }
0x557: {  	[tilespmem:$0x1B50] =	vst v0  }
0x558: {  	s13 =	simm.s32 $0xD0;
	[tilespmem:$0x1CE0] =	vst v1  }
0x559: {  	v16 =	vld [tilespmem:s13+$0x0];
	_ =	sdelay $0x4  }
0x55a: {  	v0 =	vand.u32 $0x7FFFFFFF, v16  }
0x55b: {  	v0 =	vsub.f32 $0.0e+00, v0;
	_ =	sdelay $0x1  }
0x55c: {  	v0 =	vmul.f32 $1.442695020e+00, v0  }
0x55d: {  	s14 =	simm.s32 $0x260  }
0x55e: {  	v10 =	vld [tilespmem:s14+$0x0];
	(erf) = vpow2.f32 v0;
	_ =	sdelay $0x4  }
0x55f: {  	v0 =	vand.u32 $0x7FFFFFFF, v10  }
0x560: {  	s15 =	simm.s32 $0x3F0;
	v0 =	vsub.f32 $0.0e+00, v0  }
0x561: {  	v1 =	vld [tilespmem:s15+$0x0]  }
0x562: {  	v0 =	vmul.f32 $1.442695020e+00, v0  }
0x563: {  	v19 =	vpop (erf)  }
0x564: {  	(erf) = vpow2.f32 v0;
	v0 =	vmul.f32 $-6.151485720e-03, v19;
	_ =	sdelay $0x1  }
0x565: {  	v2 =	vand.u32 $0x7FFFFFFF, v1;
	v0 =	vadd.f32 $3.484979640e-02, v0  }
0x566: {  	v2 =	vsub.f32 $0.0e+00, v2  }
0x567: {  	v0 =	vmul.f32 v0, v19  }
0x568: {  	v2 =	vmul.f32 $1.442695020e+00, v2  }
0x569: {  	v3 =	vadd.f32 $-9.325221920e-02, v0  }
0x56a: {  	(erf) = vpow2.f32 v2  }
0x56b: {  	v3 =	vmul.f32 v3, v19  }
0x56c: {  	s16 =	simm.s32 $0x580  }
0x56d: {  	v9 =	vpop (erf);
	v0 =	vld [tilespmem:s16+$0x0];
	v3 =	vadd.f32 $1.658229530e-01, v3  }
0x56e: {  	v2 =	vmul.f32 $-6.151485720e-03, v9  }
0x56f: {  	v3 =	vmul.f32 v3, v19  }
0x570: {  	v2 =	vadd.f32 $3.484979640e-02, v2  }
0x571: {  	v3 =	vadd.f32 $-2.398262920e-01, v3  }
0x572: {  	v2 =	vmul.f32 v2, v9;
	v4 =	vand.u32 $0x7FFFFFFF, v0  }
0x573: {  	v8 =	vpop (erf);
	v4 =	vsub.f32 $0.0e+00, v4;
	v3 =	vmul.f32 v3, v19  }
0x574: {  	v7 =	vmul.f32 $-6.151485720e-03, v8;
	v2 =	vadd.f32 $-9.325221920e-02, v2  }
0x575: {  	v4 =	vmul.f32 $1.442695020e+00, v4;
	v3 =	vadd.f32 $3.315486610e-01, v3  }
0x576: {  	s30 =	simm.s32 $0x710;
	v7 =	vadd.f32 $3.484979640e-02, v7;
	v2 =	vmul.f32 v2, v9  }
0x577: {  	v5 =	vld [tilespmem:s30+$0x0];
	(erf) = vpow2.f32 v4;
	v11 =	vmul.f32 v3, v19  }
0x578: {  	v7 =	vmul.f32 v7, v8;
	v2 =	vadd.f32 $1.658229530e-01, v2  }
0x579: {  	v15 =	vld [tilespmem:s13+$0xC80];
	v11 =	vadd.f32 $-4.998385610e-01, v11  }
0x57a: {  	v7 =	vadd.f32 $-9.325221920e-02, v7;
	v2 =	vmul.f32 v2, v9  }
0x57b: {  	v11 =	vmul.f32 v11, v19  }
0x57c: {  	v14 =	vand.u32 $0x7FFFFFFF, v5;
	v22 =	vmul.f32 v7, v8;
	v12 =	vadd.f32 $-2.398262920e-01, v2  }
0x57d: {  	v21 =	vsub.f32 $0.0e+00, v14;
	v24 =	vadd.f32 $9.999942770e-01, v11  }
0x57e: {  	v20 =	vmul.f32 v15, v16;
	v22 =	vadd.f32 $1.658229530e-01, v22;
	v12 =	vmul.f32 v12, v9  }
0x57f: {  	v6 =	vld [tilespmem:s14+$0xC80];
	v16 =	vmax.f32 v16, $0.0e+00;
	v21 =	vmul.f32 $1.442695020e+00, v21;
	v19 =	vmul.f32 v24, v19  }
0x580: {  	s31 =	simm.s32 $0x8A0;
	v16 =	vsub.f32 v16, v20;
	v4 =	vld [tilespmem:s15+$0xC80];
	v22 =	vmul.f32 v22, v8;
	v23 =	vadd.f32 $3.315486610e-01, v12;
	v14 =	vpop (erf)  }
0x581: {  	v7 =	vld [tilespmem:s31+$0x0];
	(erf) = vpow2.f32 v21;
	v25 =	vmul.f32 $-6.151485720e-03, v14;
	v19 =	vadd.f32 $3.385588340e-08, v19  }
0x582: {  	v3 =	vld [tilespmem:s16+$0xC80];
	v22 =	vadd.f32 $-2.398262920e-01, v22;
	v23 =	vmul.f32 v23, v9  }
0x583: {  	v18 =	vimm.f32 $0.0e+00;
	v2 =	vld [tilespmem:s30+$0xC80];
	v24 =	vadd.f32 $3.484979640e-02, v25;
	v16 =	vadd.f32 v19, v16  }
0x584: {  	v17 =	vmul.f32 v6, v10;
	v26 =	vmul.f32 v22, v8;
	v23 =	vadd.f32 $-4.998385610e-01, v23  }
0x585: {  	v20 =	vmul.f32 v24, v14;
	v19 =	vadd.f32 v16, v18;
	v22 =	vmul.f32 v16, v15;
	v16 =	vld [tilespmem:s31+$0xC80]  }
0x586: {  	v13 =	vmul.f32 v4, v1;
	v23 =	vmul.f32 v23, v9;
	v24 =	vand.u32 $0x7FFFFFFF, v7  }
0x587: {  	v12 =	vmul.f32 v3, v0;
	v24 =	vsub.f32 $0.0e+00, v24;
	v20 =	vadd.f32 $-9.325221920e-02, v20  }
0x588: {  	v11 =	vmul.f32 v2, v5;
	v21 =	vadd.f32 $9.999942770e-01, v23;
	v23 =	vadd.f32 $3.315486610e-01, v26  }
0x589: {  	s13 =	simm.s32 $0x28C0;
	v25 =	vmul.f32 $1.442695020e+00, v24;
	v24 =	vmul.f32 v20, v14;
	v20 =	vimm.f32 $0.0e+00  }
.LBB2_28:
0x58a: {  	v26 =	vmul.f32 v16, v7;
	v27 =	vpop (erf);
	v18 =	vadd.f32 v15, v18;
	v20 =	vadd.f32 v22, v20  }
0x58b: {  	s14 =	sshra.s32 s13, $0x2;
	p0 =	sne.s32 s13, $0x2F00;
	s13 =	sadd.s32 $0x640, s13;
	v15 =	vmovc v6;
	v6 =	vmovc v4;
	v4 =	vmov v3;
	v3 =	vmov v2;
	v2 =	vmov v16  }
0x58c: {  	v22 =	vld [tilespmem:s14+$0x0];
	(erf) = vpow2.f32 v25;
	v16 =	vmul.f32 $-6.151485720e-03, v27;
	v24 =	vadd.f32 $1.658229530e-01, v24  }
0x58d: {  	v10 =	vmax.f32 v10, $0.0e+00;
	v21 =	vmul.f32 v21, v9;
	v9 =	vmovc v8;
	v23 =	vmul.f32 v23, v8;
	v8 =	vmovc v14  }
0x58e: {  	v28 =	vsub.f32 v10, v17;
	v17 =	vmovc v13;
	v13 =	vmovc v12;
	v25 =	vadd.f32 $3.484979640e-02, v16;
	v24 =	vmul.f32 v24, v8  }
0x58f: {  	v12 =	vmovc v11;
	v14 =	vmovc v27;
	v21 =	vadd.f32 $3.385588340e-08, v21;
	v11 =	vmov v26;
	v23 =	vadd.f32 $-4.998385610e-01, v23  }
.Ltmp13:
0x590: {  	v10 =	vmovc v1;
	v1 =	vmovc v0;
	v0 =	vmov v5;
	v16 =	vld [tilespmem:s14+$0xC80];
	v25 =	vmul.f32 v25, v14;
	v24 =	vadd.f32 $-2.398262920e-01, v24;
	(pc) =	sbr.rel @p0 .LBB2_28-.Ltmp13, $4  }
0x591: {  	v5 =	vmovc v7;
	v27 =	vadd.f32 v21, v28;
	v23 =	vmul.f32 v23, v9;
	v26 =	vand.u32 $0x7FFFFFFF, v22;
	v7 =	vmovc v22  }
0x592: {  	v26 =	vsub.f32 $0.0e+00, v26;
	v28 =	vadd.f32 $-9.325221920e-02, v25;
	v29 =	vmul.f32 v24, v8  }
0x593: {  	v19 =	vadd.f32 v27, v19;
	v22 =	vmul.f32 v27, v15;
	v21 =	vadd.f32 $9.999942770e-01, v23  }
0x594: {  	v25 =	vmul.f32 $1.442695020e+00, v26;
	v24 =	vmul.f32 v28, v14;
	v23 =	vadd.f32 $3.315486610e-01, v29  }
0x595: {  	_ = 	snop  }
0x596: {  	(erf) = vpow2.f32 v25;
	_ =	sdelay $0x5  }
0x597: {  	v25 =	vpop (erf)  }
0x598: {  	v26 =	vmul.f32 $-6.151485720e-03, v25;
	_ =	sdelay $0x1  }
0x599: {  	v26 =	vadd.f32 $3.484979640e-02, v26;
	v27 =	vpop (erf)  }
0x59a: {  	v28 =	vmul.f32 $-6.151485720e-03, v27  }
0x59b: {  	v26 =	vmul.f32 v26, v25  }
0x59c: {  	v28 =	vadd.f32 $3.484979640e-02, v28  }
0x59d: {  	v26 =	vadd.f32 $-9.325221920e-02, v26  }
0x59e: {  	v24 =	vadd.f32 $1.658229530e-01, v24;
	v28 =	vmul.f32 v28, v27  }
0x59f: {  	v26 =	vmul.f32 v26, v25  }
0x5a0: {  	v24 =	vmul.f32 v24, v14;
	v28 =	vadd.f32 $-9.325221920e-02, v28  }
0x5a1: {  	v15 =	vadd.f32 v15, v18;
	v18 =	vadd.f32 $1.658229530e-01, v26  }
0x5a2: {  	v9 =	vmul.f32 v21, v9;
	v24 =	vadd.f32 $-2.398262920e-01, v24;
	v26 =	vmul.f32 v28, v27  }
0x5a3: {  	v10 =	vmax.f32 v10, $0.0e+00;
	v23 =	vmul.f32 v23, v8;
	v18 =	vmul.f32 v18, v25  }
0x5a4: {  	v10 =	vsub.f32 v10, v17;
	v17 =	vmul.f32 v24, v14;
	v21 =	vadd.f32 $1.658229530e-01, v26  }
0x5a5: {  	v23 =	vadd.f32 $-4.998385610e-01, v23;
	v18 =	vadd.f32 $-2.398262920e-01, v18  }
0x5a6: {  	v9 =	vadd.f32 $3.385588340e-08, v9;
	v17 =	vadd.f32 $3.315486610e-01, v17;
	v21 =	vmul.f32 v21, v27  }
0x5a7: {  	v20 =	vadd.f32 v22, v20;
	v22 =	vmul.f32 v23, v8;
	v18 =	vmul.f32 v18, v25  }
0x5a8: {  	v9 =	vadd.f32 v9, v10;
	v10 =	vmul.f32 v17, v14;
	v17 =	vadd.f32 $-2.398262920e-01, v21  }
0x5a9: {  	v1 =	vmax.f32 v1, $0.0e+00;
	v18 =	vadd.f32 $3.315486610e-01, v18;
	v21 =	vadd.f32 $9.999942770e-01, v22  }
0x5aa: {  	v0 =	vmax.f32 v0, $0.0e+00;
	v10 =	vadd.f32 $-4.998385610e-01, v10;
	v17 =	vmul.f32 v17, v27  }
0x5ab: {  	v1 =	vsub.f32 v1, v13;
	v18 =	vmul.f32 v18, v25;
	v8 =	vmul.f32 v21, v8  }
0x5ac: {  	v0 =	vsub.f32 v0, v12;
	v10 =	vmul.f32 v10, v14;
	v13 =	vadd.f32 $3.315486610e-01, v17  }
0x5ad: {  	v8 =	vadd.f32 $3.385588340e-08, v8;
	v17 =	vadd.f32 $-4.998385610e-01, v18  }
0x5ae: {  	v19 =	vadd.f32 v9, v19;
	v10 =	vadd.f32 $9.999942770e-01, v10;
	v13 =	vmul.f32 v13, v27  }
0x5af: {  	v9 =	vmul.f32 v9, v6;
	v1 =	vadd.f32 v8, v1;
	v8 =	vmul.f32 v17, v25  }
0x5b0: {  	v6 =	vadd.f32 v6, v15;
	v10 =	vmul.f32 v10, v14;
	v13 =	vadd.f32 $-4.998385610e-01, v13  }
0x5b1: {  	v9 =	vadd.f32 v9, v20;
	v8 =	vadd.f32 $9.999942770e-01, v8  }
0x5b2: {  	v10 =	vadd.f32 $3.385588340e-08, v10;
	v14 =	vadd.f32 v1, v19;
	v12 =	vmul.f32 v13, v27  }
0x5b3: {  	v1 =	vmul.f32 v1, v4;
	v4 =	vadd.f32 v4, v6;
	v6 =	vmul.f32 v8, v25  }
0x5b4: {  	v5 =	vmax.f32 v5, $0.0e+00;
	v0 =	vadd.f32 v10, v0;
	v8 =	vadd.f32 $9.999942770e-01, v12  }
0x5b5: {  	v5 =	vsub.f32 v5, v11;
	v10 =	vmul.f32 v16, v7;
	v6 =	vadd.f32 $3.385588340e-08, v6  }
0x5b6: {  	v1 =	vadd.f32 v1, v9;
	v9 =	vmul.f32 v0, v3;
	v8 =	vmul.f32 v8, v27  }
0x5b7: {  	v3 =	vadd.f32 v3, v4;
	v4 =	vadd.f32 v6, v5;
	v5 =	vmax.f32 v7, $0.0e+00  }
0x5b8: {  	v5 =	vsub.f32 v5, v10;
	v6 =	vadd.f32 $3.385588340e-08, v8  }
0x5b9: {  	v0 =	vadd.f32 v0, v14;
	v1 =	vadd.f32 v9, v1  }
0x5ba: {  	v7 =	vmul.f32 v4, v2;
	v2 =	vadd.f32 v2, v3;
	v3 =	vadd.f32 v6, v5  }
0x5bb: {  	v0 =	vadd.f32 v4, v0  }
0x5bc: {  	v1 =	vadd.f32 v7, v1;
	v2 =	vadd.f32 v16, v2;
	v4 =	vmul.f32 v3, v16  }
0x5bd: {  	v0 =	vadd.f32 v3, v0  }
0x5be: {  	[tilespmem:$0x19D0] =	vst v2;
	v1 =	vadd.f32 v4, v1  }
0x5bf: {  	[tilespmem:$0x1B60] =	vst v0  }
0x5c0: {  	s13 =	simm.s32 $0xE0;
	[tilespmem:$0x1CF0] =	vst v1  }
0x5c1: {  	v16 =	vld [tilespmem:s13+$0x0];
	_ =	sdelay $0x4  }
0x5c2: {  	v0 =	vand.u32 $0x7FFFFFFF, v16  }
0x5c3: {  	v0 =	vsub.f32 $0.0e+00, v0;
	_ =	sdelay $0x1  }
0x5c4: {  	v0 =	vmul.f32 $1.442695020e+00, v0  }
0x5c5: {  	s14 =	simm.s32 $0x270  }
0x5c6: {  	v10 =	vld [tilespmem:s14+$0x0];
	(erf) = vpow2.f32 v0;
	_ =	sdelay $0x4  }
0x5c7: {  	v0 =	vand.u32 $0x7FFFFFFF, v10  }
0x5c8: {  	s15 =	simm.s32 $0x400;
	v0 =	vsub.f32 $0.0e+00, v0  }
0x5c9: {  	v1 =	vld [tilespmem:s15+$0x0]  }
0x5ca: {  	v0 =	vmul.f32 $1.442695020e+00, v0  }
0x5cb: {  	v19 =	vpop (erf)  }
0x5cc: {  	(erf) = vpow2.f32 v0;
	v0 =	vmul.f32 $-6.151485720e-03, v19;
	_ =	sdelay $0x1  }
0x5cd: {  	v2 =	vand.u32 $0x7FFFFFFF, v1;
	v0 =	vadd.f32 $3.484979640e-02, v0  }
0x5ce: {  	v2 =	vsub.f32 $0.0e+00, v2  }
0x5cf: {  	v0 =	vmul.f32 v0, v19  }
0x5d0: {  	v2 =	vmul.f32 $1.442695020e+00, v2  }
0x5d1: {  	v3 =	vadd.f32 $-9.325221920e-02, v0  }
0x5d2: {  	(erf) = vpow2.f32 v2  }
0x5d3: {  	v3 =	vmul.f32 v3, v19  }
0x5d4: {  	s16 =	simm.s32 $0x590  }
0x5d5: {  	v9 =	vpop (erf);
	v0 =	vld [tilespmem:s16+$0x0];
	v3 =	vadd.f32 $1.658229530e-01, v3  }
0x5d6: {  	v2 =	vmul.f32 $-6.151485720e-03, v9  }
0x5d7: {  	v3 =	vmul.f32 v3, v19  }
0x5d8: {  	v2 =	vadd.f32 $3.484979640e-02, v2  }
0x5d9: {  	v3 =	vadd.f32 $-2.398262920e-01, v3  }
0x5da: {  	v2 =	vmul.f32 v2, v9;
	v4 =	vand.u32 $0x7FFFFFFF, v0  }
0x5db: {  	v8 =	vpop (erf);
	v4 =	vsub.f32 $0.0e+00, v4;
	v3 =	vmul.f32 v3, v19  }
0x5dc: {  	v7 =	vmul.f32 $-6.151485720e-03, v8;
	v2 =	vadd.f32 $-9.325221920e-02, v2  }
0x5dd: {  	v4 =	vmul.f32 $1.442695020e+00, v4;
	v3 =	vadd.f32 $3.315486610e-01, v3  }
0x5de: {  	s30 =	simm.s32 $0x720;
	v7 =	vadd.f32 $3.484979640e-02, v7;
	v2 =	vmul.f32 v2, v9  }
0x5df: {  	v5 =	vld [tilespmem:s30+$0x0];
	(erf) = vpow2.f32 v4;
	v11 =	vmul.f32 v3, v19  }
0x5e0: {  	v7 =	vmul.f32 v7, v8;
	v2 =	vadd.f32 $1.658229530e-01, v2  }
0x5e1: {  	v15 =	vld [tilespmem:s13+$0xC80];
	v11 =	vadd.f32 $-4.998385610e-01, v11  }
0x5e2: {  	v7 =	vadd.f32 $-9.325221920e-02, v7;
	v2 =	vmul.f32 v2, v9  }
0x5e3: {  	v11 =	vmul.f32 v11, v19  }
0x5e4: {  	v14 =	vand.u32 $0x7FFFFFFF, v5;
	v22 =	vmul.f32 v7, v8;
	v12 =	vadd.f32 $-2.398262920e-01, v2  }
0x5e5: {  	v21 =	vsub.f32 $0.0e+00, v14;
	v24 =	vadd.f32 $9.999942770e-01, v11  }
0x5e6: {  	v20 =	vmul.f32 v15, v16;
	v22 =	vadd.f32 $1.658229530e-01, v22;
	v12 =	vmul.f32 v12, v9  }
0x5e7: {  	v6 =	vld [tilespmem:s14+$0xC80];
	v16 =	vmax.f32 v16, $0.0e+00;
	v21 =	vmul.f32 $1.442695020e+00, v21;
	v19 =	vmul.f32 v24, v19  }
0x5e8: {  	s31 =	simm.s32 $0x8B0;
	v16 =	vsub.f32 v16, v20;
	v4 =	vld [tilespmem:s15+$0xC80];
	v22 =	vmul.f32 v22, v8;
	v23 =	vadd.f32 $3.315486610e-01, v12;
	v14 =	vpop (erf)  }
0x5e9: {  	v7 =	vld [tilespmem:s31+$0x0];
	(erf) = vpow2.f32 v21;
	v25 =	vmul.f32 $-6.151485720e-03, v14;
	v19 =	vadd.f32 $3.385588340e-08, v19  }
0x5ea: {  	v3 =	vld [tilespmem:s16+$0xC80];
	v22 =	vadd.f32 $-2.398262920e-01, v22;
	v23 =	vmul.f32 v23, v9  }
0x5eb: {  	v18 =	vimm.f32 $0.0e+00;
	v2 =	vld [tilespmem:s30+$0xC80];
	v24 =	vadd.f32 $3.484979640e-02, v25;
	v16 =	vadd.f32 v19, v16  }
0x5ec: {  	v17 =	vmul.f32 v6, v10;
	v26 =	vmul.f32 v22, v8;
	v23 =	vadd.f32 $-4.998385610e-01, v23  }
0x5ed: {  	v20 =	vmul.f32 v24, v14;
	v19 =	vadd.f32 v16, v18;
	v22 =	vmul.f32 v16, v15;
	v16 =	vld [tilespmem:s31+$0xC80]  }
0x5ee: {  	v13 =	vmul.f32 v4, v1;
	v23 =	vmul.f32 v23, v9;
	v24 =	vand.u32 $0x7FFFFFFF, v7  }
0x5ef: {  	v12 =	vmul.f32 v3, v0;
	v24 =	vsub.f32 $0.0e+00, v24;
	v20 =	vadd.f32 $-9.325221920e-02, v20  }
0x5f0: {  	v11 =	vmul.f32 v2, v5;
	v21 =	vadd.f32 $9.999942770e-01, v23;
	v23 =	vadd.f32 $3.315486610e-01, v26  }
0x5f1: {  	s13 =	simm.s32 $0x2900;
	v25 =	vmul.f32 $1.442695020e+00, v24;
	v24 =	vmul.f32 v20, v14;
	v20 =	vimm.f32 $0.0e+00  }
.LBB2_30:
0x5f2: {  	v26 =	vmul.f32 v16, v7;
	v27 =	vpop (erf);
	v18 =	vadd.f32 v15, v18;
	v20 =	vadd.f32 v22, v20  }
0x5f3: {  	s14 =	sshra.s32 s13, $0x2;
	p0 =	sne.s32 s13, $0x2F40;
	s13 =	sadd.s32 $0x640, s13;
	v15 =	vmovc v6;
	v6 =	vmovc v4;
	v4 =	vmov v3;
	v3 =	vmov v2;
	v2 =	vmov v16  }
0x5f4: {  	v22 =	vld [tilespmem:s14+$0x0];
	(erf) = vpow2.f32 v25;
	v16 =	vmul.f32 $-6.151485720e-03, v27;
	v24 =	vadd.f32 $1.658229530e-01, v24  }
0x5f5: {  	v10 =	vmax.f32 v10, $0.0e+00;
	v21 =	vmul.f32 v21, v9;
	v9 =	vmovc v8;
	v23 =	vmul.f32 v23, v8;
	v8 =	vmovc v14  }
0x5f6: {  	v28 =	vsub.f32 v10, v17;
	v17 =	vmovc v13;
	v13 =	vmovc v12;
	v25 =	vadd.f32 $3.484979640e-02, v16;
	v24 =	vmul.f32 v24, v8  }
0x5f7: {  	v12 =	vmovc v11;
	v14 =	vmovc v27;
	v21 =	vadd.f32 $3.385588340e-08, v21;
	v11 =	vmov v26;
	v23 =	vadd.f32 $-4.998385610e-01, v23  }
.Ltmp14:
0x5f8: {  	v10 =	vmovc v1;
	v1 =	vmovc v0;
	v0 =	vmov v5;
	v16 =	vld [tilespmem:s14+$0xC80];
	v25 =	vmul.f32 v25, v14;
	v24 =	vadd.f32 $-2.398262920e-01, v24;
	(pc) =	sbr.rel @p0 .LBB2_30-.Ltmp14, $4  }
0x5f9: {  	v5 =	vmovc v7;
	v27 =	vadd.f32 v21, v28;
	v23 =	vmul.f32 v23, v9;
	v26 =	vand.u32 $0x7FFFFFFF, v22;
	v7 =	vmovc v22  }
0x5fa: {  	v26 =	vsub.f32 $0.0e+00, v26;
	v28 =	vadd.f32 $-9.325221920e-02, v25;
	v29 =	vmul.f32 v24, v8  }
0x5fb: {  	v19 =	vadd.f32 v27, v19;
	v22 =	vmul.f32 v27, v15;
	v21 =	vadd.f32 $9.999942770e-01, v23  }
0x5fc: {  	v25 =	vmul.f32 $1.442695020e+00, v26;
	v24 =	vmul.f32 v28, v14;
	v23 =	vadd.f32 $3.315486610e-01, v29  }
0x5fd: {  	_ = 	snop  }
0x5fe: {  	(erf) = vpow2.f32 v25;
	_ =	sdelay $0x5  }
0x5ff: {  	v25 =	vpop (erf)  }
0x600: {  	v26 =	vmul.f32 $-6.151485720e-03, v25;
	_ =	sdelay $0x1  }
0x601: {  	v26 =	vadd.f32 $3.484979640e-02, v26;
	v27 =	vpop (erf)  }
0x602: {  	v28 =	vmul.f32 $-6.151485720e-03, v27  }
0x603: {  	v26 =	vmul.f32 v26, v25  }
0x604: {  	v28 =	vadd.f32 $3.484979640e-02, v28  }
0x605: {  	v26 =	vadd.f32 $-9.325221920e-02, v26  }
0x606: {  	v24 =	vadd.f32 $1.658229530e-01, v24;
	v28 =	vmul.f32 v28, v27  }
0x607: {  	v26 =	vmul.f32 v26, v25  }
0x608: {  	v24 =	vmul.f32 v24, v14;
	v28 =	vadd.f32 $-9.325221920e-02, v28  }
0x609: {  	v15 =	vadd.f32 v15, v18;
	v18 =	vadd.f32 $1.658229530e-01, v26  }
0x60a: {  	v9 =	vmul.f32 v21, v9;
	v24 =	vadd.f32 $-2.398262920e-01, v24;
	v26 =	vmul.f32 v28, v27  }
0x60b: {  	v10 =	vmax.f32 v10, $0.0e+00;
	v23 =	vmul.f32 v23, v8;
	v18 =	vmul.f32 v18, v25  }
0x60c: {  	v10 =	vsub.f32 v10, v17;
	v17 =	vmul.f32 v24, v14;
	v21 =	vadd.f32 $1.658229530e-01, v26  }
0x60d: {  	v23 =	vadd.f32 $-4.998385610e-01, v23;
	v18 =	vadd.f32 $-2.398262920e-01, v18  }
0x60e: {  	v9 =	vadd.f32 $3.385588340e-08, v9;
	v17 =	vadd.f32 $3.315486610e-01, v17;
	v21 =	vmul.f32 v21, v27  }
0x60f: {  	v20 =	vadd.f32 v22, v20;
	v22 =	vmul.f32 v23, v8;
	v18 =	vmul.f32 v18, v25  }
0x610: {  	v9 =	vadd.f32 v9, v10;
	v10 =	vmul.f32 v17, v14;
	v17 =	vadd.f32 $-2.398262920e-01, v21  }
0x611: {  	v1 =	vmax.f32 v1, $0.0e+00;
	v18 =	vadd.f32 $3.315486610e-01, v18;
	v21 =	vadd.f32 $9.999942770e-01, v22  }
0x612: {  	v0 =	vmax.f32 v0, $0.0e+00;
	v10 =	vadd.f32 $-4.998385610e-01, v10;
	v17 =	vmul.f32 v17, v27  }
0x613: {  	v1 =	vsub.f32 v1, v13;
	v18 =	vmul.f32 v18, v25;
	v8 =	vmul.f32 v21, v8  }
0x614: {  	v0 =	vsub.f32 v0, v12;
	v10 =	vmul.f32 v10, v14;
	v13 =	vadd.f32 $3.315486610e-01, v17  }
0x615: {  	v8 =	vadd.f32 $3.385588340e-08, v8;
	v17 =	vadd.f32 $-4.998385610e-01, v18  }
0x616: {  	v19 =	vadd.f32 v9, v19;
	v10 =	vadd.f32 $9.999942770e-01, v10;
	v13 =	vmul.f32 v13, v27  }
0x617: {  	v9 =	vmul.f32 v9, v6;
	v1 =	vadd.f32 v8, v1;
	v8 =	vmul.f32 v17, v25  }
0x618: {  	v6 =	vadd.f32 v6, v15;
	v10 =	vmul.f32 v10, v14;
	v13 =	vadd.f32 $-4.998385610e-01, v13  }
0x619: {  	v9 =	vadd.f32 v9, v20;
	v8 =	vadd.f32 $9.999942770e-01, v8  }
0x61a: {  	v10 =	vadd.f32 $3.385588340e-08, v10;
	v14 =	vadd.f32 v1, v19;
	v12 =	vmul.f32 v13, v27  }
0x61b: {  	v1 =	vmul.f32 v1, v4;
	v4 =	vadd.f32 v4, v6;
	v6 =	vmul.f32 v8, v25  }
0x61c: {  	v5 =	vmax.f32 v5, $0.0e+00;
	v0 =	vadd.f32 v10, v0;
	v8 =	vadd.f32 $9.999942770e-01, v12  }
0x61d: {  	v5 =	vsub.f32 v5, v11;
	v10 =	vmul.f32 v16, v7;
	v6 =	vadd.f32 $3.385588340e-08, v6  }
0x61e: {  	v1 =	vadd.f32 v1, v9;
	v9 =	vmul.f32 v0, v3;
	v8 =	vmul.f32 v8, v27  }
0x61f: {  	v3 =	vadd.f32 v3, v4;
	v4 =	vadd.f32 v6, v5;
	v5 =	vmax.f32 v7, $0.0e+00  }
0x620: {  	v5 =	vsub.f32 v5, v10;
	v6 =	vadd.f32 $3.385588340e-08, v8  }
0x621: {  	v0 =	vadd.f32 v0, v14;
	v1 =	vadd.f32 v9, v1  }
0x622: {  	v7 =	vmul.f32 v4, v2;
	v2 =	vadd.f32 v2, v3;
	v3 =	vadd.f32 v6, v5  }
0x623: {  	v0 =	vadd.f32 v4, v0  }
0x624: {  	v1 =	vadd.f32 v7, v1;
	v2 =	vadd.f32 v16, v2;
	v4 =	vmul.f32 v3, v16  }
0x625: {  	v0 =	vadd.f32 v3, v0  }
0x626: {  	[tilespmem:$0x19E0] =	vst v2;
	v1 =	vadd.f32 v4, v1  }
0x627: {  	[tilespmem:$0x1B70] =	vst v0  }
0x628: {  	s13 =	simm.s32 $0xF0;
	[tilespmem:$0x1D00] =	vst v1  }
0x629: {  	v16 =	vld [tilespmem:s13+$0x0];
	_ =	sdelay $0x4  }
0x62a: {  	v0 =	vand.u32 $0x7FFFFFFF, v16  }
0x62b: {  	v0 =	vsub.f32 $0.0e+00, v0;
	_ =	sdelay $0x1  }
0x62c: {  	v0 =	vmul.f32 $1.442695020e+00, v0  }
0x62d: {  	s14 =	simm.s32 $0x280  }
0x62e: {  	v10 =	vld [tilespmem:s14+$0x0];
	(erf) = vpow2.f32 v0;
	_ =	sdelay $0x4  }
0x62f: {  	v0 =	vand.u32 $0x7FFFFFFF, v10  }
0x630: {  	s15 =	simm.s32 $0x410;
	v0 =	vsub.f32 $0.0e+00, v0  }
0x631: {  	v1 =	vld [tilespmem:s15+$0x0]  }
0x632: {  	v0 =	vmul.f32 $1.442695020e+00, v0  }
0x633: {  	v19 =	vpop (erf)  }
0x634: {  	(erf) = vpow2.f32 v0;
	v0 =	vmul.f32 $-6.151485720e-03, v19;
	_ =	sdelay $0x1  }
0x635: {  	v2 =	vand.u32 $0x7FFFFFFF, v1;
	v0 =	vadd.f32 $3.484979640e-02, v0  }
0x636: {  	v2 =	vsub.f32 $0.0e+00, v2  }
0x637: {  	v0 =	vmul.f32 v0, v19  }
0x638: {  	v2 =	vmul.f32 $1.442695020e+00, v2  }
0x639: {  	v3 =	vadd.f32 $-9.325221920e-02, v0  }
0x63a: {  	(erf) = vpow2.f32 v2  }
0x63b: {  	v3 =	vmul.f32 v3, v19  }
0x63c: {  	s16 =	simm.s32 $0x5A0  }
0x63d: {  	v9 =	vpop (erf);
	v0 =	vld [tilespmem:s16+$0x0];
	v3 =	vadd.f32 $1.658229530e-01, v3  }
0x63e: {  	v2 =	vmul.f32 $-6.151485720e-03, v9  }
0x63f: {  	v3 =	vmul.f32 v3, v19  }
0x640: {  	v2 =	vadd.f32 $3.484979640e-02, v2  }
0x641: {  	v3 =	vadd.f32 $-2.398262920e-01, v3  }
0x642: {  	v2 =	vmul.f32 v2, v9;
	v4 =	vand.u32 $0x7FFFFFFF, v0  }
0x643: {  	v8 =	vpop (erf);
	v4 =	vsub.f32 $0.0e+00, v4;
	v3 =	vmul.f32 v3, v19  }
0x644: {  	v7 =	vmul.f32 $-6.151485720e-03, v8;
	v2 =	vadd.f32 $-9.325221920e-02, v2  }
0x645: {  	v4 =	vmul.f32 $1.442695020e+00, v4;
	v3 =	vadd.f32 $3.315486610e-01, v3  }
0x646: {  	s30 =	simm.s32 $0x730;
	v7 =	vadd.f32 $3.484979640e-02, v7;
	v2 =	vmul.f32 v2, v9  }
0x647: {  	v5 =	vld [tilespmem:s30+$0x0];
	(erf) = vpow2.f32 v4;
	v11 =	vmul.f32 v3, v19  }
0x648: {  	v7 =	vmul.f32 v7, v8;
	v2 =	vadd.f32 $1.658229530e-01, v2  }
0x649: {  	v15 =	vld [tilespmem:s13+$0xC80];
	v11 =	vadd.f32 $-4.998385610e-01, v11  }
0x64a: {  	v7 =	vadd.f32 $-9.325221920e-02, v7;
	v2 =	vmul.f32 v2, v9  }
0x64b: {  	v11 =	vmul.f32 v11, v19  }
0x64c: {  	v14 =	vand.u32 $0x7FFFFFFF, v5;
	v22 =	vmul.f32 v7, v8;
	v12 =	vadd.f32 $-2.398262920e-01, v2  }
0x64d: {  	v21 =	vsub.f32 $0.0e+00, v14;
	v24 =	vadd.f32 $9.999942770e-01, v11  }
0x64e: {  	v20 =	vmul.f32 v15, v16;
	v22 =	vadd.f32 $1.658229530e-01, v22;
	v12 =	vmul.f32 v12, v9  }
0x64f: {  	v6 =	vld [tilespmem:s14+$0xC80];
	v16 =	vmax.f32 v16, $0.0e+00;
	v21 =	vmul.f32 $1.442695020e+00, v21;
	v19 =	vmul.f32 v24, v19  }
0x650: {  	s31 =	simm.s32 $0x8C0;
	v16 =	vsub.f32 v16, v20;
	v4 =	vld [tilespmem:s15+$0xC80];
	v22 =	vmul.f32 v22, v8;
	v23 =	vadd.f32 $3.315486610e-01, v12;
	v14 =	vpop (erf)  }
0x651: {  	v7 =	vld [tilespmem:s31+$0x0];
	(erf) = vpow2.f32 v21;
	v25 =	vmul.f32 $-6.151485720e-03, v14;
	v19 =	vadd.f32 $3.385588340e-08, v19  }
0x652: {  	v3 =	vld [tilespmem:s16+$0xC80];
	v22 =	vadd.f32 $-2.398262920e-01, v22;
	v23 =	vmul.f32 v23, v9  }
0x653: {  	v18 =	vimm.f32 $0.0e+00;
	v2 =	vld [tilespmem:s30+$0xC80];
	v24 =	vadd.f32 $3.484979640e-02, v25;
	v16 =	vadd.f32 v19, v16  }
0x654: {  	v17 =	vmul.f32 v6, v10;
	v26 =	vmul.f32 v22, v8;
	v23 =	vadd.f32 $-4.998385610e-01, v23  }
0x655: {  	v20 =	vmul.f32 v24, v14;
	v19 =	vadd.f32 v16, v18;
	v22 =	vmul.f32 v16, v15;
	v16 =	vld [tilespmem:s31+$0xC80]  }
0x656: {  	v13 =	vmul.f32 v4, v1;
	v23 =	vmul.f32 v23, v9;
	v24 =	vand.u32 $0x7FFFFFFF, v7  }
0x657: {  	v12 =	vmul.f32 v3, v0;
	v24 =	vsub.f32 $0.0e+00, v24;
	v20 =	vadd.f32 $-9.325221920e-02, v20  }
0x658: {  	v11 =	vmul.f32 v2, v5;
	v21 =	vadd.f32 $9.999942770e-01, v23;
	v23 =	vadd.f32 $3.315486610e-01, v26  }
0x659: {  	s13 =	simm.s32 $0x2940;
	v25 =	vmul.f32 $1.442695020e+00, v24;
	v24 =	vmul.f32 v20, v14;
	v20 =	vimm.f32 $0.0e+00  }
.LBB2_32:
0x65a: {  	v26 =	vmul.f32 v16, v7;
	v27 =	vpop (erf);
	v18 =	vadd.f32 v15, v18;
	v20 =	vadd.f32 v22, v20  }
0x65b: {  	s14 =	sshra.s32 s13, $0x2;
	p0 =	sne.s32 s13, $0x2F80;
	s13 =	sadd.s32 $0x640, s13;
	v15 =	vmovc v6;
	v6 =	vmovc v4;
	v4 =	vmov v3;
	v3 =	vmov v2;
	v2 =	vmov v16  }
0x65c: {  	v22 =	vld [tilespmem:s14+$0x0];
	(erf) = vpow2.f32 v25;
	v16 =	vmul.f32 $-6.151485720e-03, v27;
	v24 =	vadd.f32 $1.658229530e-01, v24  }
0x65d: {  	v10 =	vmax.f32 v10, $0.0e+00;
	v21 =	vmul.f32 v21, v9;
	v9 =	vmovc v8;
	v23 =	vmul.f32 v23, v8;
	v8 =	vmovc v14  }
0x65e: {  	v28 =	vsub.f32 v10, v17;
	v17 =	vmovc v13;
	v13 =	vmovc v12;
	v25 =	vadd.f32 $3.484979640e-02, v16;
	v24 =	vmul.f32 v24, v8  }
0x65f: {  	v12 =	vmovc v11;
	v14 =	vmovc v27;
	v21 =	vadd.f32 $3.385588340e-08, v21;
	v11 =	vmov v26;
	v23 =	vadd.f32 $-4.998385610e-01, v23  }
.Ltmp15:
0x660: {  	v10 =	vmovc v1;
	v1 =	vmovc v0;
	v0 =	vmov v5;
	v16 =	vld [tilespmem:s14+$0xC80];
	v25 =	vmul.f32 v25, v14;
	v24 =	vadd.f32 $-2.398262920e-01, v24;
	(pc) =	sbr.rel @p0 .LBB2_32-.Ltmp15, $4  }
0x661: {  	v5 =	vmovc v7;
	v27 =	vadd.f32 v21, v28;
	v23 =	vmul.f32 v23, v9;
	v26 =	vand.u32 $0x7FFFFFFF, v22;
	v7 =	vmovc v22  }
0x662: {  	v26 =	vsub.f32 $0.0e+00, v26;
	v28 =	vadd.f32 $-9.325221920e-02, v25;
	v29 =	vmul.f32 v24, v8  }
0x663: {  	v19 =	vadd.f32 v27, v19;
	v22 =	vmul.f32 v27, v15;
	v21 =	vadd.f32 $9.999942770e-01, v23  }
0x664: {  	v25 =	vmul.f32 $1.442695020e+00, v26;
	v24 =	vmul.f32 v28, v14;
	v23 =	vadd.f32 $3.315486610e-01, v29  }
0x665: {  	_ = 	snop  }
0x666: {  	(erf) = vpow2.f32 v25;
	_ =	sdelay $0x5  }
0x667: {  	v25 =	vpop (erf)  }
0x668: {  	v26 =	vmul.f32 $-6.151485720e-03, v25;
	_ =	sdelay $0x1  }
0x669: {  	v26 =	vadd.f32 $3.484979640e-02, v26;
	v27 =	vpop (erf)  }
0x66a: {  	v28 =	vmul.f32 $-6.151485720e-03, v27  }
0x66b: {  	v26 =	vmul.f32 v26, v25  }
0x66c: {  	v28 =	vadd.f32 $3.484979640e-02, v28  }
0x66d: {  	v26 =	vadd.f32 $-9.325221920e-02, v26  }
0x66e: {  	v24 =	vadd.f32 $1.658229530e-01, v24;
	v28 =	vmul.f32 v28, v27  }
0x66f: {  	v26 =	vmul.f32 v26, v25  }
0x670: {  	v24 =	vmul.f32 v24, v14;
	v28 =	vadd.f32 $-9.325221920e-02, v28  }
0x671: {  	v15 =	vadd.f32 v15, v18;
	v18 =	vadd.f32 $1.658229530e-01, v26  }
0x672: {  	v9 =	vmul.f32 v21, v9;
	v24 =	vadd.f32 $-2.398262920e-01, v24;
	v26 =	vmul.f32 v28, v27  }
0x673: {  	v10 =	vmax.f32 v10, $0.0e+00;
	v23 =	vmul.f32 v23, v8;
	v18 =	vmul.f32 v18, v25  }
0x674: {  	v10 =	vsub.f32 v10, v17;
	v17 =	vmul.f32 v24, v14;
	v21 =	vadd.f32 $1.658229530e-01, v26  }
0x675: {  	v23 =	vadd.f32 $-4.998385610e-01, v23;
	v18 =	vadd.f32 $-2.398262920e-01, v18  }
0x676: {  	v9 =	vadd.f32 $3.385588340e-08, v9;
	v17 =	vadd.f32 $3.315486610e-01, v17;
	v21 =	vmul.f32 v21, v27  }
0x677: {  	v20 =	vadd.f32 v22, v20;
	v22 =	vmul.f32 v23, v8;
	v18 =	vmul.f32 v18, v25  }
0x678: {  	v9 =	vadd.f32 v9, v10;
	v10 =	vmul.f32 v17, v14;
	v17 =	vadd.f32 $-2.398262920e-01, v21  }
0x679: {  	v1 =	vmax.f32 v1, $0.0e+00;
	v18 =	vadd.f32 $3.315486610e-01, v18;
	v21 =	vadd.f32 $9.999942770e-01, v22  }
0x67a: {  	v0 =	vmax.f32 v0, $0.0e+00;
	v10 =	vadd.f32 $-4.998385610e-01, v10;
	v17 =	vmul.f32 v17, v27  }
0x67b: {  	v1 =	vsub.f32 v1, v13;
	v18 =	vmul.f32 v18, v25;
	v8 =	vmul.f32 v21, v8  }
0x67c: {  	v0 =	vsub.f32 v0, v12;
	v10 =	vmul.f32 v10, v14;
	v13 =	vadd.f32 $3.315486610e-01, v17  }
0x67d: {  	v8 =	vadd.f32 $3.385588340e-08, v8;
	v17 =	vadd.f32 $-4.998385610e-01, v18  }
0x67e: {  	v19 =	vadd.f32 v9, v19;
	v10 =	vadd.f32 $9.999942770e-01, v10;
	v13 =	vmul.f32 v13, v27  }
0x67f: {  	v9 =	vmul.f32 v9, v6;
	v1 =	vadd.f32 v8, v1;
	v8 =	vmul.f32 v17, v25  }
0x680: {  	v6 =	vadd.f32 v6, v15;
	v10 =	vmul.f32 v10, v14;
	v13 =	vadd.f32 $-4.998385610e-01, v13  }
0x681: {  	v9 =	vadd.f32 v9, v20;
	v8 =	vadd.f32 $9.999942770e-01, v8  }
0x682: {  	v10 =	vadd.f32 $3.385588340e-08, v10;
	v14 =	vadd.f32 v1, v19;
	v12 =	vmul.f32 v13, v27  }
0x683: {  	v1 =	vmul.f32 v1, v4;
	v4 =	vadd.f32 v4, v6;
	v6 =	vmul.f32 v8, v25  }
0x684: {  	v5 =	vmax.f32 v5, $0.0e+00;
	v0 =	vadd.f32 v10, v0;
	v8 =	vadd.f32 $9.999942770e-01, v12  }
0x685: {  	v5 =	vsub.f32 v5, v11;
	v10 =	vmul.f32 v16, v7;
	v6 =	vadd.f32 $3.385588340e-08, v6  }
0x686: {  	v1 =	vadd.f32 v1, v9;
	v9 =	vmul.f32 v0, v3;
	v8 =	vmul.f32 v8, v27  }
0x687: {  	v3 =	vadd.f32 v3, v4;
	v4 =	vadd.f32 v6, v5;
	v5 =	vmax.f32 v7, $0.0e+00  }
0x688: {  	v5 =	vsub.f32 v5, v10;
	v6 =	vadd.f32 $3.385588340e-08, v8  }
0x689: {  	v0 =	vadd.f32 v0, v14;
	v1 =	vadd.f32 v9, v1  }
0x68a: {  	v7 =	vmul.f32 v4, v2;
	v2 =	vadd.f32 v2, v3;
	v3 =	vadd.f32 v6, v5  }
0x68b: {  	v0 =	vadd.f32 v4, v0  }
0x68c: {  	v1 =	vadd.f32 v7, v1;
	v2 =	vadd.f32 v16, v2;
	v4 =	vmul.f32 v3, v16  }
0x68d: {  	v0 =	vadd.f32 v3, v0  }
0x68e: {  	s13 =	simm.s32 $0x0;
	[tilespmem:$0x19F0] =	vst v2;
	v1 =	vadd.f32 v4, v1  }
0x68f: {  	s13 =	sand.u32 $0x3FFFFF80, s13;
	[tilespmem:$0x1B80] =	vst v0  }
0x690: {  	s14 =	sadd.s32 $0x100, s13;
	[tilespmem:$0x1D10] =	vst v1  }
0x691: {  	v9 =	vld [tilespmem:s14+$0x0];
	_ =	sdelay $0x4  }
0x692: {  	v0 =	vand.u32 $0x7FFFFFFF, v9  }
0x693: {  	v0 =	vsub.f32 $0.0e+00, v0  }
0x694: {  	s19 =	simm.s32 $0x190  }
0x695: {  	s14 =	sand.u32 $0x3FFFFF80, s19;
	v0 =	vmul.f32 $1.442695020e+00, v0  }
0x696: {  	s15 =	sadd.s32 $0x110, s14  }
0x697: {  	v5 =	vld [tilespmem:s15+$0x0];
	(erf) = vpow2.f32 v0;
	_ =	sdelay $0x4  }
0x698: {  	v0 =	vand.u32 $0x7FFFFFFF, v5  }
0x699: {  	v0 =	vsub.f32 $0.0e+00, v0;
	_ =	sdelay $0x1  }
0x69a: {  	s20 =	simm.s32 $0x320;
	v1 =	vmul.f32 $1.442695020e+00, v0  }
0x69b: {  	s15 =	sand.u32 $0x3FFFFF80, s20;
	v17 =	vpop (erf)  }
0x69c: {  	s16 =	sadd.s32 $0x120, s15;
	(erf) = vpow2.f32 v1;
	v1 =	vmul.f32 $-6.151485720e-03, v17  }
0x69d: {  	v0 =	vld [tilespmem:s16+$0x0]  }
0x69e: {  	v1 =	vadd.f32 $3.484979640e-02, v1;
	_ =	sdelay $0x1  }
0x69f: {  	v1 =	vmul.f32 v1, v17;
	_ =	sdelay $0x1  }
0x6a0: {  	v2 =	vand.u32 $0x7FFFFFFF, v0;
	v1 =	vadd.f32 $-9.325221920e-02, v1  }
0x6a1: {  	v2 =	vsub.f32 $0.0e+00, v2  }
0x6a2: {  	s21 =	simm.s32 $0x4B0;
	v3 =	vmul.f32 v1, v17  }
0x6a3: {  	s16 =	sand.u32 $0x3FFFFF80, s21;
	v2 =	vmul.f32 $1.442695020e+00, v2  }
0x6a4: {  	s17 =	sadd.s32 $0x130, s16;
	v12 =	vpop (erf);
	v3 =	vadd.f32 $1.658229530e-01, v3  }
0x6a5: {  	v1 =	vld [tilespmem:s17+$0x0];
	(erf) = vpow2.f32 v2;
	v2 =	vmul.f32 $-6.151485720e-03, v12  }
0x6a6: {  	v3 =	vmul.f32 v3, v17  }
0x6a7: {  	v2 =	vadd.f32 $3.484979640e-02, v2  }
0x6a8: {  	v3 =	vadd.f32 $-2.398262920e-01, v3  }
0x6a9: {  	v2 =	vmul.f32 v2, v12  }
0x6aa: {  	v4 =	vand.u32 $0x7FFFFFFF, v1;
	v3 =	vmul.f32 v3, v17  }
0x6ab: {  	v4 =	vsub.f32 $0.0e+00, v4;
	v2 =	vadd.f32 $-9.325221920e-02, v2  }
0x6ac: {  	v3 =	vadd.f32 $3.315486610e-01, v3  }
0x6ad: {  	s24 =	simm.s32 $0x640;
	v6 =	vmul.f32 $1.442695020e+00, v4;
	v10 =	vmul.f32 v2, v12  }
0x6ae: {  	s13 =	sadd.s32 $0xD80, s13;
	s22 =	sadd.s32 $0xD90, s14;
	s14 =	sand.u32 $0x3FFFFF80, s24;
	v8 =	vpop (erf);
	v13 =	vmul.f32 v3, v17  }
0x6af: {  	v20 =	vld [tilespmem:s13+$0x0];
	s26 =	sadd.s32 $0x140, s14;
	(erf) = vpow2.f32 v6;
	v11 =	vmul.f32 $-6.151485720e-03, v8;
	v10 =	vadd.f32 $1.658229530e-01, v10  }
0x6b0: {  	v6 =	vld [tilespmem:s26+$0x0];
	v15 =	vadd.f32 $-4.998385610e-01, v13  }
0x6b1: {  	v7 =	vld [tilespmem:s22+$0x0];
	s23 =	sadd.s32 $0xDA0, s15;
	v11 =	vadd.f32 $3.484979640e-02, v11;
	v10 =	vmul.f32 v10, v12  }
0x6b2: {  	v4 =	vld [tilespmem:s23+$0x0];
	v15 =	vmul.f32 v15, v17  }
0x6b3: {  	s29 =	simm.s32 $0x7D0;
	v14 =	vimm.f32 $0.0e+00;
	s25 =	sadd.s32 $0xDB0, s16;
	v11 =	vmul.f32 v11, v8;
	v19 =	vadd.f32 $-2.398262920e-01, v10  }
0x6b4: {  	s13 =	sand.u32 $0x3FFFFF80, s29;
	v18 =	vmul.f32 v20, v9;
	v24 =	vmax.f32 v9, $0.0e+00;
	v2 =	vld [tilespmem:s25+$0x0];
	v23 =	vadd.f32 $9.999942770e-01, v15  }
0x6b5: {  	s28 =	sadd.s32 $0xDC0, s14;
	v21 =	vand.u32 $0x7FFFFFFF, v6;
	v22 =	vadd.f32 $-9.325221920e-02, v11;
	v19 =	vmul.f32 v19, v12  }
0x6b6: {  	s30 =	sadd.s32 $0x150, s13;
	v16 =	vmul.f32 v7, v5;
	v3 =	vld [tilespmem:s28+$0x0];
	v21 =	vsub.f32 $0.0e+00, v21;
	v17 =	vmul.f32 v23, v17  }
0x6b7: {  	v9 =	vld [tilespmem:s30+$0x0];
	v13 =	vmul.f32 v4, v0;
	v22 =	vmul.f32 v22, v8;
	v19 =	vadd.f32 $3.315486610e-01, v19  }
0x6b8: {  	v21 =	vmul.f32 $1.442695020e+00, v21;
	v15 =	vpop (erf);
	v23 =	vsub.f32 v24, v18;
	v17 =	vadd.f32 $3.385588340e-08, v17  }
0x6b9: {  	s31 =	sadd.s32 $0xDD0, s13;
	v10 =	vmul.f32 v2, v1;
	v22 =	vadd.f32 $1.658229530e-01, v22;
	v18 =	vmul.f32 $-6.151485720e-03, v15  }
0x6ba: {  	(erf) = vpow2.f32 v21;
	v19 =	vmul.f32 v19, v12;
	v26 =	vadd.f32 v17, v23;
	v17 =	vld [tilespmem:s31+$0x0]  }
0x6bb: {  	v11 =	vmul.f32 v3, v6;
	v25 =	vmul.f32 v22, v8;
	v21 =	vadd.f32 $3.484979640e-02, v18  }
0x6bc: {  	v22 =	vand.u32 $0x7FFFFFFF, v9;
	v18 =	vadd.f32 v20, v14;
	v19 =	vadd.f32 $-4.998385610e-01, v19  }
0x6bd: {  	v22 =	vsub.f32 $0.0e+00, v22;
	v23 =	vadd.f32 $-2.398262920e-01, v25;
	v24 =	vmul.f32 v21, v15  }
0x6be: {  	s13 =	simm.s32 $0x150;
	s14 =	simm.s32 $0xDD0;
	s15 =	simm.s32 $0x960;
	v21 =	vmul.f32 v19, v12;
	v19 =	vadd.f32 v26, v14;
	v20 =	vmul.f32 v26, v20  }
.LBB2_34:
0x6bf: {  	v25 =	vmul.f32 v17, v9;
	v27 =	vadd.f32 $-9.325221920e-02, v24;
	s17 =	smov.u32 s15  }
0x6c0: {  	s16 =	sand.u32 $0x3FFFFF80, s15;
	s13 =	sadd.s32 $0x10, s13;
	v23 =	vmul.f32 v23, v8;
	v26 =	vmovc v4;
	v4 =	vmovc v2;
	v2 =	vmov v3;
	v3 =	vmov v17;
	s17 =	sadd.s32 $0x190, s15  }
0x6c1: {  	p0 =	sne.s32 s15, $0xAF0;
	v17 =	vmax.f32 v5, $0.0e+00;
	v5 =	vmovc v0;
	v0 =	vmovc v1;
	s18 =	sadd.s32 s16, s13;
	v21 =	vadd.f32 $9.999942770e-01, v21;
	v14 =	vadd.f32 v20, v14  }
0x6c2: {  	v1 =	vmovc v6;
	v6 =	vmovc v9;
	v20 =	vmul.f32 $1.442695020e+00, v22;
	v22 =	vmul.f32 v27, v15;
	v23 =	vadd.f32 $3.315486610e-01, v23;
	v9 =	vld [tilespmem:s18+$0x0]  }
0x6c3: {  	s14 =	sadd.s32 $0x10, s14;
	v27 =	vsub.f32 v17, v16;
	v16 =	vmov v13;
	v28 =	vmul.f32 v21, v12;
	v24 =	vpop (erf)  }
0x6c4: {  	s15 =	sadd.s32 s16, s14;
	v13 =	vmovc v10;
	v10 =	vmovc v11;
	v21 =	vadd.f32 $1.658229530e-01, v22;
	(erf) = vpow2.f32 v20;
	v20 =	vmul.f32 $-6.151485720e-03, v24  }
.Ltmp16:
0x6c5: {  	v11 =	vmovc v25;
	v12 =	vmovc v8;
	v22 =	vmul.f32 v23, v8;
	v8 =	vmov v15;
	v23 =	vadd.f32 $3.385588340e-08, v28;
	v17 =	vld [tilespmem:s15+$0x0];
	(pc) =	sbr.rel @p0 .LBB2_34-.Ltmp16, $4  }
0x6c6: {  	v18 =	vadd.f32 v7, v18;
	v15 =	vmovc v24;
	v21 =	vmul.f32 v21, v8;
	v20 =	vadd.f32 $3.484979640e-02, v20  }
0x6c7: {  	v25 =	vadd.f32 $-4.998385610e-01, v22;
	v27 =	vadd.f32 v23, v27;
	v24 =	vand.u32 $0x7FFFFFFF, v9  }
0x6c8: {  	v23 =	vadd.f32 $-2.398262920e-01, v21;
	v22 =	vsub.f32 $0.0e+00, v24;
	v24 =	vmul.f32 v20, v15  }
0x6c9: {  	s15 =	smov.u32 s17;
	v21 =	vmul.f32 v25, v12;
	v19 =	vadd.f32 v27, v19;
	v20 =	vmul.f32 v27, v7;
	v7 =	vmovc v26  }
0x6ca: {  	v22 =	vmul.f32 $1.442695020e+00, v22;
	_ =	sdelay $0x1  }
0x6cb: {  	(erf) = vpow2.f32 v22;
	_ =	sdelay $0x5  }
0x6cc: {  	v22 =	vpop (erf)  }
0x6cd: {  	v25 =	vmul.f32 $-6.151485720e-03, v22;
	_ =	sdelay $0x1  }
0x6ce: {  	v25 =	vadd.f32 $3.484979640e-02, v25;
	v26 =	vpop (erf)  }
0x6cf: {  	v24 =	vadd.f32 $-9.325221920e-02, v24;
	v27 =	vmul.f32 $-6.151485720e-03, v26  }
0x6d0: {  	v25 =	vmul.f32 v25, v22  }
0x6d1: {  	v24 =	vmul.f32 v24, v15;
	v27 =	vadd.f32 $3.484979640e-02, v27  }
0x6d2: {  	v25 =	vadd.f32 $-9.325221920e-02, v25  }
0x6d3: {  	v24 =	vadd.f32 $1.658229530e-01, v24;
	v27 =	vmul.f32 v27, v26  }
0x6d4: {  	v25 =	vmul.f32 v25, v22  }
0x6d5: {  	v24 =	vmul.f32 v24, v15;
	v27 =	vadd.f32 $-9.325221920e-02, v27  }
0x6d6: {  	v23 =	vmul.f32 v23, v8;
	v25 =	vadd.f32 $1.658229530e-01, v25  }
0x6d7: {  	v21 =	vadd.f32 $9.999942770e-01, v21;
	v24 =	vadd.f32 $-2.398262920e-01, v24;
	v27 =	vmul.f32 v27, v26  }
0x6d8: {  	v5 =	vmax.f32 v5, $0.0e+00;
	v23 =	vadd.f32 $3.315486610e-01, v23;
	v25 =	vmul.f32 v25, v22  }
0x6d9: {  	v12 =	vmul.f32 v21, v12;
	v21 =	vmul.f32 v24, v15;
	v24 =	vadd.f32 $1.658229530e-01, v27  }
0x6da: {  	v18 =	vadd.f32 v7, v18;
	v23 =	vmul.f32 v23, v8;
	v25 =	vadd.f32 $-2.398262920e-01, v25  }
0x6db: {  	v5 =	vsub.f32 v5, v16;
	v16 =	vadd.f32 $3.315486610e-01, v21;
	v21 =	vmul.f32 v24, v26  }
0x6dc: {  	v12 =	vadd.f32 $3.385588340e-08, v12;
	v23 =	vadd.f32 $-4.998385610e-01, v23;
	v24 =	vmul.f32 v25, v22  }
0x6dd: {  	v14 =	vadd.f32 v20, v14;
	v16 =	vmul.f32 v16, v15;
	v20 =	vadd.f32 $-2.398262920e-01, v21  }
0x6de: {  	v5 =	vadd.f32 v12, v5;
	v12 =	vmul.f32 v23, v8;
	v21 =	vadd.f32 $3.315486610e-01, v24  }
0x6df: {  	v0 =	vmax.f32 v0, $0.0e+00;
	v16 =	vadd.f32 $-4.998385610e-01, v16;
	v20 =	vmul.f32 v20, v26  }
0x6e0: {  	v19 =	vadd.f32 v5, v19;
	v12 =	vadd.f32 $9.999942770e-01, v12;
	v21 =	vmul.f32 v21, v22  }
0x6e1: {  	v5 =	vmul.f32 v5, v7;
	v7 =	vmul.f32 v16, v15;
	v16 =	vadd.f32 $3.315486610e-01, v20  }
0x6e2: {  	v1 =	vmax.f32 v1, $0.0e+00;
	v8 =	vmul.f32 v12, v8;
	v12 =	vadd.f32 $-4.998385610e-01, v21  }
0x6e3: {  	v5 =	vadd.f32 v5, v14;
	v7 =	vadd.f32 $9.999942770e-01, v7;
	v14 =	vmul.f32 v16, v26  }
0x6e4: {  	v0 =	vsub.f32 v0, v13;
	v8 =	vadd.f32 $3.385588340e-08, v8;
	v12 =	vmul.f32 v12, v22  }
0x6e5: {  	v1 =	vsub.f32 v1, v10;
	v7 =	vmul.f32 v7, v15;
	v14 =	vadd.f32 $-4.998385610e-01, v14  }
0x6e6: {  	v0 =	vadd.f32 v8, v0;
	v8 =	vadd.f32 $9.999942770e-01, v12  }
0x6e7: {  	v13 =	vadd.f32 v4, v18;
	v7 =	vadd.f32 $3.385588340e-08, v7;
	v10 =	vmul.f32 v14, v26  }
0x6e8: {  	v12 =	vadd.f32 v0, v19;
	v0 =	vmul.f32 v0, v4;
	v4 =	vmul.f32 v8, v22  }
0x6e9: {  	v6 =	vmax.f32 v6, $0.0e+00;
	v1 =	vadd.f32 v7, v1;
	v7 =	vadd.f32 $9.999942770e-01, v10  }
0x6ea: {  	v6 =	vsub.f32 v6, v11;
	v8 =	vmul.f32 v17, v9;
	v4 =	vadd.f32 $3.385588340e-08, v4  }
0x6eb: {  	v0 =	vadd.f32 v0, v5;
	v5 =	vadd.f32 v2, v13;
	v7 =	vmul.f32 v7, v26  }
0x6ec: {  	v2 =	vmul.f32 v1, v2;
	v4 =	vadd.f32 v4, v6;
	v6 =	vmax.f32 v9, $0.0e+00  }
0x6ed: {  	v6 =	vsub.f32 v6, v8;
	v7 =	vadd.f32 $3.385588340e-08, v7  }
0x6ee: {  	v1 =	vadd.f32 v1, v12;
	v0 =	vadd.f32 v2, v0  }
0x6ef: {  	v2 =	vadd.f32 v3, v5;
	v3 =	vmul.f32 v4, v3;
	v5 =	vadd.f32 v7, v6  }
0x6f0: {  	v1 =	vadd.f32 v4, v1  }
0x6f1: {  	v2 =	vadd.f32 v17, v2;
	v0 =	vadd.f32 v3, v0;
	v3 =	vmul.f32 v5, v17  }
0x6f2: {  	v1 =	vadd.f32 v5, v1  }
0x6f3: {  	[tilespmem:$0x1A00] =	vst v2;
	v0 =	vadd.f32 v3, v0  }
0x6f4: {  	[tilespmem:$0x1B90] =	vst v1  }
0x6f5: {  	s13 =	simm.s32 $0x110;
	[tilespmem:$0x1D20] =	vst v0  }
0x6f6: {  	v16 =	vld [tilespmem:s13+$0x0];
	_ =	sdelay $0x4  }
0x6f7: {  	v0 =	vand.u32 $0x7FFFFFFF, v16  }
0x6f8: {  	v0 =	vsub.f32 $0.0e+00, v0;
	_ =	sdelay $0x1  }
0x6f9: {  	v0 =	vmul.f32 $1.442695020e+00, v0  }
0x6fa: {  	s14 =	simm.s32 $0x2A0  }
0x6fb: {  	v10 =	vld [tilespmem:s14+$0x0];
	(erf) = vpow2.f32 v0;
	_ =	sdelay $0x4  }
0x6fc: {  	v0 =	vand.u32 $0x7FFFFFFF, v10  }
0x6fd: {  	s15 =	simm.s32 $0x430;
	v0 =	vsub.f32 $0.0e+00, v0  }
0x6fe: {  	v1 =	vld [tilespmem:s15+$0x0]  }
0x6ff: {  	v0 =	vmul.f32 $1.442695020e+00, v0  }
0x700: {  	v19 =	vpop (erf)  }
0x701: {  	(erf) = vpow2.f32 v0;
	v0 =	vmul.f32 $-6.151485720e-03, v19;
	_ =	sdelay $0x1  }
0x702: {  	v2 =	vand.u32 $0x7FFFFFFF, v1;
	v0 =	vadd.f32 $3.484979640e-02, v0  }
0x703: {  	v2 =	vsub.f32 $0.0e+00, v2  }
0x704: {  	v0 =	vmul.f32 v0, v19  }
0x705: {  	v2 =	vmul.f32 $1.442695020e+00, v2  }
0x706: {  	v3 =	vadd.f32 $-9.325221920e-02, v0  }
0x707: {  	(erf) = vpow2.f32 v2  }
0x708: {  	v3 =	vmul.f32 v3, v19  }
0x709: {  	s16 =	simm.s32 $0x5C0  }
0x70a: {  	v9 =	vpop (erf);
	v0 =	vld [tilespmem:s16+$0x0];
	v3 =	vadd.f32 $1.658229530e-01, v3  }
0x70b: {  	v2 =	vmul.f32 $-6.151485720e-03, v9  }
0x70c: {  	v3 =	vmul.f32 v3, v19  }
0x70d: {  	v2 =	vadd.f32 $3.484979640e-02, v2  }
0x70e: {  	v3 =	vadd.f32 $-2.398262920e-01, v3  }
0x70f: {  	v2 =	vmul.f32 v2, v9;
	v4 =	vand.u32 $0x7FFFFFFF, v0  }
0x710: {  	v8 =	vpop (erf);
	v4 =	vsub.f32 $0.0e+00, v4;
	v3 =	vmul.f32 v3, v19  }
0x711: {  	v7 =	vmul.f32 $-6.151485720e-03, v8;
	v2 =	vadd.f32 $-9.325221920e-02, v2  }
0x712: {  	v4 =	vmul.f32 $1.442695020e+00, v4;
	v3 =	vadd.f32 $3.315486610e-01, v3  }
0x713: {  	s30 =	simm.s32 $0x750;
	v7 =	vadd.f32 $3.484979640e-02, v7;
	v2 =	vmul.f32 v2, v9  }
0x714: {  	v5 =	vld [tilespmem:s30+$0x0];
	(erf) = vpow2.f32 v4;
	v11 =	vmul.f32 v3, v19  }
0x715: {  	v7 =	vmul.f32 v7, v8;
	v2 =	vadd.f32 $1.658229530e-01, v2  }
0x716: {  	v15 =	vld [tilespmem:s13+$0xC80];
	v11 =	vadd.f32 $-4.998385610e-01, v11  }
0x717: {  	v7 =	vadd.f32 $-9.325221920e-02, v7;
	v2 =	vmul.f32 v2, v9  }
0x718: {  	v11 =	vmul.f32 v11, v19  }
0x719: {  	v14 =	vand.u32 $0x7FFFFFFF, v5;
	v22 =	vmul.f32 v7, v8;
	v12 =	vadd.f32 $-2.398262920e-01, v2  }
0x71a: {  	v21 =	vsub.f32 $0.0e+00, v14;
	v24 =	vadd.f32 $9.999942770e-01, v11  }
0x71b: {  	v20 =	vmul.f32 v15, v16;
	v22 =	vadd.f32 $1.658229530e-01, v22;
	v12 =	vmul.f32 v12, v9  }
0x71c: {  	v6 =	vld [tilespmem:s14+$0xC80];
	v16 =	vmax.f32 v16, $0.0e+00;
	v21 =	vmul.f32 $1.442695020e+00, v21;
	v19 =	vmul.f32 v24, v19  }
0x71d: {  	s31 =	simm.s32 $0x8E0;
	v16 =	vsub.f32 v16, v20;
	v4 =	vld [tilespmem:s15+$0xC80];
	v22 =	vmul.f32 v22, v8;
	v23 =	vadd.f32 $3.315486610e-01, v12;
	v14 =	vpop (erf)  }
0x71e: {  	v7 =	vld [tilespmem:s31+$0x0];
	(erf) = vpow2.f32 v21;
	v25 =	vmul.f32 $-6.151485720e-03, v14;
	v19 =	vadd.f32 $3.385588340e-08, v19  }
0x71f: {  	v3 =	vld [tilespmem:s16+$0xC80];
	v22 =	vadd.f32 $-2.398262920e-01, v22;
	v23 =	vmul.f32 v23, v9  }
0x720: {  	v18 =	vimm.f32 $0.0e+00;
	v2 =	vld [tilespmem:s30+$0xC80];
	v24 =	vadd.f32 $3.484979640e-02, v25;
	v16 =	vadd.f32 v19, v16  }
0x721: {  	v17 =	vmul.f32 v6, v10;
	v26 =	vmul.f32 v22, v8;
	v23 =	vadd.f32 $-4.998385610e-01, v23  }
0x722: {  	v20 =	vmul.f32 v24, v14;
	v19 =	vadd.f32 v16, v18;
	v22 =	vmul.f32 v16, v15;
	v16 =	vld [tilespmem:s31+$0xC80]  }
0x723: {  	v13 =	vmul.f32 v4, v1;
	v23 =	vmul.f32 v23, v9;
	v24 =	vand.u32 $0x7FFFFFFF, v7  }
0x724: {  	v12 =	vmul.f32 v3, v0;
	v24 =	vsub.f32 $0.0e+00, v24;
	v20 =	vadd.f32 $-9.325221920e-02, v20  }
0x725: {  	v11 =	vmul.f32 v2, v5;
	v21 =	vadd.f32 $9.999942770e-01, v23;
	v23 =	vadd.f32 $3.315486610e-01, v26  }
0x726: {  	s13 =	simm.s32 $0x29C0;
	v25 =	vmul.f32 $1.442695020e+00, v24;
	v24 =	vmul.f32 v20, v14;
	v20 =	vimm.f32 $0.0e+00  }
.LBB2_36:
0x727: {  	v26 =	vmul.f32 v16, v7;
	v27 =	vpop (erf);
	v18 =	vadd.f32 v15, v18;
	v20 =	vadd.f32 v22, v20  }
0x728: {  	s14 =	sshra.s32 s13, $0x2;
	p0 =	sne.s32 s13, $0x3000;
	s13 =	sadd.s32 $0x640, s13;
	v15 =	vmovc v6;
	v6 =	vmovc v4;
	v4 =	vmov v3;
	v3 =	vmov v2;
	v2 =	vmov v16  }
0x729: {  	v22 =	vld [tilespmem:s14+$0x0];
	(erf) = vpow2.f32 v25;
	v16 =	vmul.f32 $-6.151485720e-03, v27;
	v24 =	vadd.f32 $1.658229530e-01, v24  }
0x72a: {  	v10 =	vmax.f32 v10, $0.0e+00;
	v21 =	vmul.f32 v21, v9;
	v9 =	vmovc v8;
	v23 =	vmul.f32 v23, v8;
	v8 =	vmovc v14  }
0x72b: {  	v28 =	vsub.f32 v10, v17;
	v17 =	vmovc v13;
	v13 =	vmovc v12;
	v25 =	vadd.f32 $3.484979640e-02, v16;
	v24 =	vmul.f32 v24, v8  }
0x72c: {  	v12 =	vmovc v11;
	v14 =	vmovc v27;
	v21 =	vadd.f32 $3.385588340e-08, v21;
	v11 =	vmov v26;
	v23 =	vadd.f32 $-4.998385610e-01, v23  }
.Ltmp17:
0x72d: {  	v10 =	vmovc v1;
	v1 =	vmovc v0;
	v0 =	vmov v5;
	v16 =	vld [tilespmem:s14+$0xC80];
	v25 =	vmul.f32 v25, v14;
	v24 =	vadd.f32 $-2.398262920e-01, v24;
	(pc) =	sbr.rel @p0 .LBB2_36-.Ltmp17, $4  }
0x72e: {  	v5 =	vmovc v7;
	v27 =	vadd.f32 v21, v28;
	v23 =	vmul.f32 v23, v9;
	v26 =	vand.u32 $0x7FFFFFFF, v22;
	v7 =	vmovc v22  }
0x72f: {  	v26 =	vsub.f32 $0.0e+00, v26;
	v28 =	vadd.f32 $-9.325221920e-02, v25;
	v29 =	vmul.f32 v24, v8  }
0x730: {  	v19 =	vadd.f32 v27, v19;
	v22 =	vmul.f32 v27, v15;
	v21 =	vadd.f32 $9.999942770e-01, v23  }
0x731: {  	v25 =	vmul.f32 $1.442695020e+00, v26;
	v24 =	vmul.f32 v28, v14;
	v23 =	vadd.f32 $3.315486610e-01, v29  }
0x732: {  	_ = 	snop  }
0x733: {  	(erf) = vpow2.f32 v25;
	_ =	sdelay $0x5  }
0x734: {  	v25 =	vpop (erf)  }
0x735: {  	v26 =	vmul.f32 $-6.151485720e-03, v25;
	_ =	sdelay $0x1  }
0x736: {  	v26 =	vadd.f32 $3.484979640e-02, v26;
	v27 =	vpop (erf)  }
0x737: {  	v28 =	vmul.f32 $-6.151485720e-03, v27  }
0x738: {  	v26 =	vmul.f32 v26, v25  }
0x739: {  	v28 =	vadd.f32 $3.484979640e-02, v28  }
0x73a: {  	v26 =	vadd.f32 $-9.325221920e-02, v26  }
0x73b: {  	v24 =	vadd.f32 $1.658229530e-01, v24;
	v28 =	vmul.f32 v28, v27  }
0x73c: {  	v26 =	vmul.f32 v26, v25  }
0x73d: {  	v24 =	vmul.f32 v24, v14;
	v28 =	vadd.f32 $-9.325221920e-02, v28  }
0x73e: {  	v15 =	vadd.f32 v15, v18;
	v18 =	vadd.f32 $1.658229530e-01, v26  }
0x73f: {  	v9 =	vmul.f32 v21, v9;
	v24 =	vadd.f32 $-2.398262920e-01, v24;
	v26 =	vmul.f32 v28, v27  }
0x740: {  	v10 =	vmax.f32 v10, $0.0e+00;
	v23 =	vmul.f32 v23, v8;
	v18 =	vmul.f32 v18, v25  }
0x741: {  	v10 =	vsub.f32 v10, v17;
	v17 =	vmul.f32 v24, v14;
	v21 =	vadd.f32 $1.658229530e-01, v26  }
0x742: {  	v23 =	vadd.f32 $-4.998385610e-01, v23;
	v18 =	vadd.f32 $-2.398262920e-01, v18  }
0x743: {  	v9 =	vadd.f32 $3.385588340e-08, v9;
	v17 =	vadd.f32 $3.315486610e-01, v17;
	v21 =	vmul.f32 v21, v27  }
0x744: {  	v20 =	vadd.f32 v22, v20;
	v22 =	vmul.f32 v23, v8;
	v18 =	vmul.f32 v18, v25  }
0x745: {  	v9 =	vadd.f32 v9, v10;
	v10 =	vmul.f32 v17, v14;
	v17 =	vadd.f32 $-2.398262920e-01, v21  }
0x746: {  	v1 =	vmax.f32 v1, $0.0e+00;
	v18 =	vadd.f32 $3.315486610e-01, v18;
	v21 =	vadd.f32 $9.999942770e-01, v22  }
0x747: {  	v0 =	vmax.f32 v0, $0.0e+00;
	v10 =	vadd.f32 $-4.998385610e-01, v10;
	v17 =	vmul.f32 v17, v27  }
0x748: {  	v1 =	vsub.f32 v1, v13;
	v18 =	vmul.f32 v18, v25;
	v8 =	vmul.f32 v21, v8  }
0x749: {  	v0 =	vsub.f32 v0, v12;
	v10 =	vmul.f32 v10, v14;
	v13 =	vadd.f32 $3.315486610e-01, v17  }
0x74a: {  	v8 =	vadd.f32 $3.385588340e-08, v8;
	v17 =	vadd.f32 $-4.998385610e-01, v18  }
0x74b: {  	v19 =	vadd.f32 v9, v19;
	v10 =	vadd.f32 $9.999942770e-01, v10;
	v13 =	vmul.f32 v13, v27  }
0x74c: {  	v9 =	vmul.f32 v9, v6;
	v1 =	vadd.f32 v8, v1;
	v8 =	vmul.f32 v17, v25  }
0x74d: {  	v6 =	vadd.f32 v6, v15;
	v10 =	vmul.f32 v10, v14;
	v13 =	vadd.f32 $-4.998385610e-01, v13  }
0x74e: {  	v9 =	vadd.f32 v9, v20;
	v8 =	vadd.f32 $9.999942770e-01, v8  }
0x74f: {  	v10 =	vadd.f32 $3.385588340e-08, v10;
	v14 =	vadd.f32 v1, v19;
	v12 =	vmul.f32 v13, v27  }
0x750: {  	v1 =	vmul.f32 v1, v4;
	v4 =	vadd.f32 v4, v6;
	v6 =	vmul.f32 v8, v25  }
0x751: {  	v5 =	vmax.f32 v5, $0.0e+00;
	v0 =	vadd.f32 v10, v0;
	v8 =	vadd.f32 $9.999942770e-01, v12  }
0x752: {  	v5 =	vsub.f32 v5, v11;
	v10 =	vmul.f32 v16, v7;
	v6 =	vadd.f32 $3.385588340e-08, v6  }
0x753: {  	v1 =	vadd.f32 v1, v9;
	v9 =	vmul.f32 v0, v3;
	v8 =	vmul.f32 v8, v27  }
0x754: {  	v3 =	vadd.f32 v3, v4;
	v4 =	vadd.f32 v6, v5;
	v5 =	vmax.f32 v7, $0.0e+00  }
0x755: {  	v5 =	vsub.f32 v5, v10;
	v6 =	vadd.f32 $3.385588340e-08, v8  }
0x756: {  	v0 =	vadd.f32 v0, v14;
	v1 =	vadd.f32 v9, v1  }
0x757: {  	v7 =	vmul.f32 v4, v2;
	v2 =	vadd.f32 v2, v3;
	v3 =	vadd.f32 v6, v5  }
0x758: {  	v0 =	vadd.f32 v4, v0  }
0x759: {  	v1 =	vadd.f32 v7, v1;
	v2 =	vadd.f32 v16, v2;
	v4 =	vmul.f32 v3, v16  }
0x75a: {  	v0 =	vadd.f32 v3, v0  }
0x75b: {  	[tilespmem:$0x1A10] =	vst v2;
	v1 =	vadd.f32 v4, v1  }
0x75c: {  	[tilespmem:$0x1BA0] =	vst v0  }
0x75d: {  	s13 =	simm.s32 $0x120;
	[tilespmem:$0x1D30] =	vst v1  }
0x75e: {  	v16 =	vld [tilespmem:s13+$0x0];
	_ =	sdelay $0x4  }
0x75f: {  	v0 =	vand.u32 $0x7FFFFFFF, v16  }
0x760: {  	v0 =	vsub.f32 $0.0e+00, v0;
	_ =	sdelay $0x1  }
0x761: {  	v0 =	vmul.f32 $1.442695020e+00, v0  }
0x762: {  	s14 =	simm.s32 $0x2B0  }
0x763: {  	v10 =	vld [tilespmem:s14+$0x0];
	(erf) = vpow2.f32 v0;
	_ =	sdelay $0x4  }
0x764: {  	v0 =	vand.u32 $0x7FFFFFFF, v10  }
0x765: {  	s15 =	simm.s32 $0x440;
	v0 =	vsub.f32 $0.0e+00, v0  }
0x766: {  	v1 =	vld [tilespmem:s15+$0x0]  }
0x767: {  	v0 =	vmul.f32 $1.442695020e+00, v0  }
0x768: {  	v19 =	vpop (erf)  }
0x769: {  	(erf) = vpow2.f32 v0;
	v0 =	vmul.f32 $-6.151485720e-03, v19;
	_ =	sdelay $0x1  }
0x76a: {  	v2 =	vand.u32 $0x7FFFFFFF, v1;
	v0 =	vadd.f32 $3.484979640e-02, v0  }
0x76b: {  	v2 =	vsub.f32 $0.0e+00, v2  }
0x76c: {  	v0 =	vmul.f32 v0, v19  }
0x76d: {  	v2 =	vmul.f32 $1.442695020e+00, v2  }
0x76e: {  	v3 =	vadd.f32 $-9.325221920e-02, v0  }
0x76f: {  	(erf) = vpow2.f32 v2  }
0x770: {  	v3 =	vmul.f32 v3, v19  }
0x771: {  	s16 =	simm.s32 $0x5D0  }
0x772: {  	v9 =	vpop (erf);
	v0 =	vld [tilespmem:s16+$0x0];
	v3 =	vadd.f32 $1.658229530e-01, v3  }
0x773: {  	v2 =	vmul.f32 $-6.151485720e-03, v9  }
0x774: {  	v3 =	vmul.f32 v3, v19  }
0x775: {  	v2 =	vadd.f32 $3.484979640e-02, v2  }
0x776: {  	v3 =	vadd.f32 $-2.398262920e-01, v3  }
0x777: {  	v2 =	vmul.f32 v2, v9;
	v4 =	vand.u32 $0x7FFFFFFF, v0  }
0x778: {  	v8 =	vpop (erf);
	v4 =	vsub.f32 $0.0e+00, v4;
	v3 =	vmul.f32 v3, v19  }
0x779: {  	v7 =	vmul.f32 $-6.151485720e-03, v8;
	v2 =	vadd.f32 $-9.325221920e-02, v2  }
0x77a: {  	v4 =	vmul.f32 $1.442695020e+00, v4;
	v3 =	vadd.f32 $3.315486610e-01, v3  }
0x77b: {  	s30 =	simm.s32 $0x760;
	v7 =	vadd.f32 $3.484979640e-02, v7;
	v2 =	vmul.f32 v2, v9  }
0x77c: {  	v5 =	vld [tilespmem:s30+$0x0];
	(erf) = vpow2.f32 v4;
	v11 =	vmul.f32 v3, v19  }
0x77d: {  	v7 =	vmul.f32 v7, v8;
	v2 =	vadd.f32 $1.658229530e-01, v2  }
0x77e: {  	v15 =	vld [tilespmem:s13+$0xC80];
	v11 =	vadd.f32 $-4.998385610e-01, v11  }
0x77f: {  	v7 =	vadd.f32 $-9.325221920e-02, v7;
	v2 =	vmul.f32 v2, v9  }
0x780: {  	v11 =	vmul.f32 v11, v19  }
0x781: {  	v14 =	vand.u32 $0x7FFFFFFF, v5;
	v22 =	vmul.f32 v7, v8;
	v12 =	vadd.f32 $-2.398262920e-01, v2  }
0x782: {  	v21 =	vsub.f32 $0.0e+00, v14;
	v24 =	vadd.f32 $9.999942770e-01, v11  }
0x783: {  	v20 =	vmul.f32 v15, v16;
	v22 =	vadd.f32 $1.658229530e-01, v22;
	v12 =	vmul.f32 v12, v9  }
0x784: {  	v6 =	vld [tilespmem:s14+$0xC80];
	v16 =	vmax.f32 v16, $0.0e+00;
	v21 =	vmul.f32 $1.442695020e+00, v21;
	v19 =	vmul.f32 v24, v19  }
0x785: {  	s31 =	simm.s32 $0x8F0;
	v16 =	vsub.f32 v16, v20;
	v4 =	vld [tilespmem:s15+$0xC80];
	v22 =	vmul.f32 v22, v8;
	v23 =	vadd.f32 $3.315486610e-01, v12;
	v14 =	vpop (erf)  }
0x786: {  	v7 =	vld [tilespmem:s31+$0x0];
	(erf) = vpow2.f32 v21;
	v25 =	vmul.f32 $-6.151485720e-03, v14;
	v19 =	vadd.f32 $3.385588340e-08, v19  }
0x787: {  	v3 =	vld [tilespmem:s16+$0xC80];
	v22 =	vadd.f32 $-2.398262920e-01, v22;
	v23 =	vmul.f32 v23, v9  }
0x788: {  	v18 =	vimm.f32 $0.0e+00;
	v2 =	vld [tilespmem:s30+$0xC80];
	v24 =	vadd.f32 $3.484979640e-02, v25;
	v16 =	vadd.f32 v19, v16  }
0x789: {  	v17 =	vmul.f32 v6, v10;
	v26 =	vmul.f32 v22, v8;
	v23 =	vadd.f32 $-4.998385610e-01, v23  }
0x78a: {  	v20 =	vmul.f32 v24, v14;
	v19 =	vadd.f32 v16, v18;
	v22 =	vmul.f32 v16, v15;
	v16 =	vld [tilespmem:s31+$0xC80]  }
0x78b: {  	v13 =	vmul.f32 v4, v1;
	v23 =	vmul.f32 v23, v9;
	v24 =	vand.u32 $0x7FFFFFFF, v7  }
0x78c: {  	v12 =	vmul.f32 v3, v0;
	v24 =	vsub.f32 $0.0e+00, v24;
	v20 =	vadd.f32 $-9.325221920e-02, v20  }
0x78d: {  	v11 =	vmul.f32 v2, v5;
	v21 =	vadd.f32 $9.999942770e-01, v23;
	v23 =	vadd.f32 $3.315486610e-01, v26  }
0x78e: {  	s13 =	simm.s32 $0x2A00;
	v25 =	vmul.f32 $1.442695020e+00, v24;
	v24 =	vmul.f32 v20, v14;
	v20 =	vimm.f32 $0.0e+00  }
.LBB2_38:
0x78f: {  	v26 =	vmul.f32 v16, v7;
	v27 =	vpop (erf);
	v18 =	vadd.f32 v15, v18;
	v20 =	vadd.f32 v22, v20  }
0x790: {  	s14 =	sshra.s32 s13, $0x2;
	p0 =	sne.s32 s13, $0x3040;
	s13 =	sadd.s32 $0x640, s13;
	v15 =	vmovc v6;
	v6 =	vmovc v4;
	v4 =	vmov v3;
	v3 =	vmov v2;
	v2 =	vmov v16  }
0x791: {  	v22 =	vld [tilespmem:s14+$0x0];
	(erf) = vpow2.f32 v25;
	v16 =	vmul.f32 $-6.151485720e-03, v27;
	v24 =	vadd.f32 $1.658229530e-01, v24  }
0x792: {  	v10 =	vmax.f32 v10, $0.0e+00;
	v21 =	vmul.f32 v21, v9;
	v9 =	vmovc v8;
	v23 =	vmul.f32 v23, v8;
	v8 =	vmovc v14  }
0x793: {  	v28 =	vsub.f32 v10, v17;
	v17 =	vmovc v13;
	v13 =	vmovc v12;
	v25 =	vadd.f32 $3.484979640e-02, v16;
	v24 =	vmul.f32 v24, v8  }
0x794: {  	v12 =	vmovc v11;
	v14 =	vmovc v27;
	v21 =	vadd.f32 $3.385588340e-08, v21;
	v11 =	vmov v26;
	v23 =	vadd.f32 $-4.998385610e-01, v23  }
.Ltmp18:
0x795: {  	v10 =	vmovc v1;
	v1 =	vmovc v0;
	v0 =	vmov v5;
	v16 =	vld [tilespmem:s14+$0xC80];
	v25 =	vmul.f32 v25, v14;
	v24 =	vadd.f32 $-2.398262920e-01, v24;
	(pc) =	sbr.rel @p0 .LBB2_38-.Ltmp18, $4  }
0x796: {  	v5 =	vmovc v7;
	v27 =	vadd.f32 v21, v28;
	v23 =	vmul.f32 v23, v9;
	v26 =	vand.u32 $0x7FFFFFFF, v22;
	v7 =	vmovc v22  }
0x797: {  	v26 =	vsub.f32 $0.0e+00, v26;
	v28 =	vadd.f32 $-9.325221920e-02, v25;
	v29 =	vmul.f32 v24, v8  }
0x798: {  	v19 =	vadd.f32 v27, v19;
	v22 =	vmul.f32 v27, v15;
	v21 =	vadd.f32 $9.999942770e-01, v23  }
0x799: {  	v25 =	vmul.f32 $1.442695020e+00, v26;
	v24 =	vmul.f32 v28, v14;
	v23 =	vadd.f32 $3.315486610e-01, v29  }
0x79a: {  	_ = 	snop  }
0x79b: {  	(erf) = vpow2.f32 v25;
	_ =	sdelay $0x5  }
0x79c: {  	v25 =	vpop (erf)  }
0x79d: {  	v26 =	vmul.f32 $-6.151485720e-03, v25;
	_ =	sdelay $0x1  }
0x79e: {  	v26 =	vadd.f32 $3.484979640e-02, v26;
	v27 =	vpop (erf)  }
0x79f: {  	v28 =	vmul.f32 $-6.151485720e-03, v27  }
0x7a0: {  	v26 =	vmul.f32 v26, v25  }
0x7a1: {  	v28 =	vadd.f32 $3.484979640e-02, v28  }
0x7a2: {  	v26 =	vadd.f32 $-9.325221920e-02, v26  }
0x7a3: {  	v24 =	vadd.f32 $1.658229530e-01, v24;
	v28 =	vmul.f32 v28, v27  }
0x7a4: {  	v26 =	vmul.f32 v26, v25  }
0x7a5: {  	v24 =	vmul.f32 v24, v14;
	v28 =	vadd.f32 $-9.325221920e-02, v28  }
0x7a6: {  	v15 =	vadd.f32 v15, v18;
	v18 =	vadd.f32 $1.658229530e-01, v26  }
0x7a7: {  	v9 =	vmul.f32 v21, v9;
	v24 =	vadd.f32 $-2.398262920e-01, v24;
	v26 =	vmul.f32 v28, v27  }
0x7a8: {  	v10 =	vmax.f32 v10, $0.0e+00;
	v23 =	vmul.f32 v23, v8;
	v18 =	vmul.f32 v18, v25  }
0x7a9: {  	v10 =	vsub.f32 v10, v17;
	v17 =	vmul.f32 v24, v14;
	v21 =	vadd.f32 $1.658229530e-01, v26  }
0x7aa: {  	v23 =	vadd.f32 $-4.998385610e-01, v23;
	v18 =	vadd.f32 $-2.398262920e-01, v18  }
0x7ab: {  	v9 =	vadd.f32 $3.385588340e-08, v9;
	v17 =	vadd.f32 $3.315486610e-01, v17;
	v21 =	vmul.f32 v21, v27  }
0x7ac: {  	v20 =	vadd.f32 v22, v20;
	v22 =	vmul.f32 v23, v8;
	v18 =	vmul.f32 v18, v25  }
0x7ad: {  	v9 =	vadd.f32 v9, v10;
	v10 =	vmul.f32 v17, v14;
	v17 =	vadd.f32 $-2.398262920e-01, v21  }
0x7ae: {  	v1 =	vmax.f32 v1, $0.0e+00;
	v18 =	vadd.f32 $3.315486610e-01, v18;
	v21 =	vadd.f32 $9.999942770e-01, v22  }
0x7af: {  	v0 =	vmax.f32 v0, $0.0e+00;
	v10 =	vadd.f32 $-4.998385610e-01, v10;
	v17 =	vmul.f32 v17, v27  }
0x7b0: {  	v1 =	vsub.f32 v1, v13;
	v18 =	vmul.f32 v18, v25;
	v8 =	vmul.f32 v21, v8  }
0x7b1: {  	v0 =	vsub.f32 v0, v12;
	v10 =	vmul.f32 v10, v14;
	v13 =	vadd.f32 $3.315486610e-01, v17  }
0x7b2: {  	v8 =	vadd.f32 $3.385588340e-08, v8;
	v17 =	vadd.f32 $-4.998385610e-01, v18  }
0x7b3: {  	v19 =	vadd.f32 v9, v19;
	v10 =	vadd.f32 $9.999942770e-01, v10;
	v13 =	vmul.f32 v13, v27  }
0x7b4: {  	v9 =	vmul.f32 v9, v6;
	v1 =	vadd.f32 v8, v1;
	v8 =	vmul.f32 v17, v25  }
0x7b5: {  	v6 =	vadd.f32 v6, v15;
	v10 =	vmul.f32 v10, v14;
	v13 =	vadd.f32 $-4.998385610e-01, v13  }
0x7b6: {  	v9 =	vadd.f32 v9, v20;
	v8 =	vadd.f32 $9.999942770e-01, v8  }
0x7b7: {  	v10 =	vadd.f32 $3.385588340e-08, v10;
	v14 =	vadd.f32 v1, v19;
	v12 =	vmul.f32 v13, v27  }
0x7b8: {  	v1 =	vmul.f32 v1, v4;
	v4 =	vadd.f32 v4, v6;
	v6 =	vmul.f32 v8, v25  }
0x7b9: {  	v5 =	vmax.f32 v5, $0.0e+00;
	v0 =	vadd.f32 v10, v0;
	v8 =	vadd.f32 $9.999942770e-01, v12  }
0x7ba: {  	v5 =	vsub.f32 v5, v11;
	v10 =	vmul.f32 v16, v7;
	v6 =	vadd.f32 $3.385588340e-08, v6  }
0x7bb: {  	v1 =	vadd.f32 v1, v9;
	v9 =	vmul.f32 v0, v3;
	v8 =	vmul.f32 v8, v27  }
0x7bc: {  	v3 =	vadd.f32 v3, v4;
	v4 =	vadd.f32 v6, v5;
	v5 =	vmax.f32 v7, $0.0e+00  }
0x7bd: {  	v5 =	vsub.f32 v5, v10;
	v6 =	vadd.f32 $3.385588340e-08, v8  }
0x7be: {  	v0 =	vadd.f32 v0, v14;
	v1 =	vadd.f32 v9, v1  }
0x7bf: {  	v7 =	vmul.f32 v4, v2;
	v2 =	vadd.f32 v2, v3;
	v3 =	vadd.f32 v6, v5  }
0x7c0: {  	v0 =	vadd.f32 v4, v0  }
0x7c1: {  	v1 =	vadd.f32 v7, v1;
	v2 =	vadd.f32 v16, v2;
	v4 =	vmul.f32 v3, v16  }
0x7c2: {  	v0 =	vadd.f32 v3, v0  }
0x7c3: {  	[tilespmem:$0x1A20] =	vst v2;
	v1 =	vadd.f32 v4, v1  }
0x7c4: {  	[tilespmem:$0x1BB0] =	vst v0  }
0x7c5: {  	s13 =	simm.s32 $0x130;
	[tilespmem:$0x1D40] =	vst v1  }
0x7c6: {  	v16 =	vld [tilespmem:s13+$0x0];
	_ =	sdelay $0x4  }
0x7c7: {  	v0 =	vand.u32 $0x7FFFFFFF, v16  }
0x7c8: {  	v0 =	vsub.f32 $0.0e+00, v0;
	_ =	sdelay $0x1  }
0x7c9: {  	v0 =	vmul.f32 $1.442695020e+00, v0  }
0x7ca: {  	s14 =	simm.s32 $0x2C0  }
0x7cb: {  	v10 =	vld [tilespmem:s14+$0x0];
	(erf) = vpow2.f32 v0;
	_ =	sdelay $0x4  }
0x7cc: {  	v0 =	vand.u32 $0x7FFFFFFF, v10  }
0x7cd: {  	s15 =	simm.s32 $0x450;
	v0 =	vsub.f32 $0.0e+00, v0  }
0x7ce: {  	v1 =	vld [tilespmem:s15+$0x0]  }
0x7cf: {  	v0 =	vmul.f32 $1.442695020e+00, v0  }
0x7d0: {  	v19 =	vpop (erf)  }
0x7d1: {  	(erf) = vpow2.f32 v0;
	v0 =	vmul.f32 $-6.151485720e-03, v19;
	_ =	sdelay $0x1  }
0x7d2: {  	v2 =	vand.u32 $0x7FFFFFFF, v1;
	v0 =	vadd.f32 $3.484979640e-02, v0  }
0x7d3: {  	v2 =	vsub.f32 $0.0e+00, v2  }
0x7d4: {  	v0 =	vmul.f32 v0, v19  }
0x7d5: {  	v2 =	vmul.f32 $1.442695020e+00, v2  }
0x7d6: {  	v3 =	vadd.f32 $-9.325221920e-02, v0  }
0x7d7: {  	(erf) = vpow2.f32 v2  }
0x7d8: {  	v3 =	vmul.f32 v3, v19  }
0x7d9: {  	s16 =	simm.s32 $0x5E0  }
0x7da: {  	v9 =	vpop (erf);
	v0 =	vld [tilespmem:s16+$0x0];
	v3 =	vadd.f32 $1.658229530e-01, v3  }
0x7db: {  	v2 =	vmul.f32 $-6.151485720e-03, v9  }
0x7dc: {  	v3 =	vmul.f32 v3, v19  }
0x7dd: {  	v2 =	vadd.f32 $3.484979640e-02, v2  }
0x7de: {  	v3 =	vadd.f32 $-2.398262920e-01, v3  }
0x7df: {  	v2 =	vmul.f32 v2, v9;
	v4 =	vand.u32 $0x7FFFFFFF, v0  }
0x7e0: {  	v8 =	vpop (erf);
	v4 =	vsub.f32 $0.0e+00, v4;
	v3 =	vmul.f32 v3, v19  }
0x7e1: {  	v7 =	vmul.f32 $-6.151485720e-03, v8;
	v2 =	vadd.f32 $-9.325221920e-02, v2  }
0x7e2: {  	v4 =	vmul.f32 $1.442695020e+00, v4;
	v3 =	vadd.f32 $3.315486610e-01, v3  }
0x7e3: {  	s30 =	simm.s32 $0x770;
	v7 =	vadd.f32 $3.484979640e-02, v7;
	v2 =	vmul.f32 v2, v9  }
0x7e4: {  	v5 =	vld [tilespmem:s30+$0x0];
	(erf) = vpow2.f32 v4;
	v11 =	vmul.f32 v3, v19  }
0x7e5: {  	v7 =	vmul.f32 v7, v8;
	v2 =	vadd.f32 $1.658229530e-01, v2  }
0x7e6: {  	v15 =	vld [tilespmem:s13+$0xC80];
	v11 =	vadd.f32 $-4.998385610e-01, v11  }
0x7e7: {  	v7 =	vadd.f32 $-9.325221920e-02, v7;
	v2 =	vmul.f32 v2, v9  }
0x7e8: {  	v11 =	vmul.f32 v11, v19  }
0x7e9: {  	v14 =	vand.u32 $0x7FFFFFFF, v5;
	v22 =	vmul.f32 v7, v8;
	v12 =	vadd.f32 $-2.398262920e-01, v2  }
0x7ea: {  	v21 =	vsub.f32 $0.0e+00, v14;
	v24 =	vadd.f32 $9.999942770e-01, v11  }
0x7eb: {  	v20 =	vmul.f32 v15, v16;
	v22 =	vadd.f32 $1.658229530e-01, v22;
	v12 =	vmul.f32 v12, v9  }
0x7ec: {  	v6 =	vld [tilespmem:s14+$0xC80];
	v16 =	vmax.f32 v16, $0.0e+00;
	v21 =	vmul.f32 $1.442695020e+00, v21;
	v19 =	vmul.f32 v24, v19  }
0x7ed: {  	s31 =	simm.s32 $0x900;
	v16 =	vsub.f32 v16, v20;
	v4 =	vld [tilespmem:s15+$0xC80];
	v22 =	vmul.f32 v22, v8;
	v23 =	vadd.f32 $3.315486610e-01, v12;
	v14 =	vpop (erf)  }
0x7ee: {  	v7 =	vld [tilespmem:s31+$0x0];
	(erf) = vpow2.f32 v21;
	v25 =	vmul.f32 $-6.151485720e-03, v14;
	v19 =	vadd.f32 $3.385588340e-08, v19  }
0x7ef: {  	v3 =	vld [tilespmem:s16+$0xC80];
	v22 =	vadd.f32 $-2.398262920e-01, v22;
	v23 =	vmul.f32 v23, v9  }
0x7f0: {  	v18 =	vimm.f32 $0.0e+00;
	v2 =	vld [tilespmem:s30+$0xC80];
	v24 =	vadd.f32 $3.484979640e-02, v25;
	v16 =	vadd.f32 v19, v16  }
0x7f1: {  	v17 =	vmul.f32 v6, v10;
	v26 =	vmul.f32 v22, v8;
	v23 =	vadd.f32 $-4.998385610e-01, v23  }
0x7f2: {  	v20 =	vmul.f32 v24, v14;
	v19 =	vadd.f32 v16, v18;
	v22 =	vmul.f32 v16, v15;
	v16 =	vld [tilespmem:s31+$0xC80]  }
0x7f3: {  	v13 =	vmul.f32 v4, v1;
	v23 =	vmul.f32 v23, v9;
	v24 =	vand.u32 $0x7FFFFFFF, v7  }
0x7f4: {  	v12 =	vmul.f32 v3, v0;
	v24 =	vsub.f32 $0.0e+00, v24;
	v20 =	vadd.f32 $-9.325221920e-02, v20  }
0x7f5: {  	v11 =	vmul.f32 v2, v5;
	v21 =	vadd.f32 $9.999942770e-01, v23;
	v23 =	vadd.f32 $3.315486610e-01, v26  }
0x7f6: {  	s13 =	simm.s32 $0x2A40;
	v25 =	vmul.f32 $1.442695020e+00, v24;
	v24 =	vmul.f32 v20, v14;
	v20 =	vimm.f32 $0.0e+00  }
.LBB2_40:
0x7f7: {  	v26 =	vmul.f32 v16, v7;
	v27 =	vpop (erf);
	v18 =	vadd.f32 v15, v18;
	v20 =	vadd.f32 v22, v20  }
0x7f8: {  	s14 =	sshra.s32 s13, $0x2;
	p0 =	sne.s32 s13, $0x3080;
	s13 =	sadd.s32 $0x640, s13;
	v15 =	vmovc v6;
	v6 =	vmovc v4;
	v4 =	vmov v3;
	v3 =	vmov v2;
	v2 =	vmov v16  }
0x7f9: {  	v22 =	vld [tilespmem:s14+$0x0];
	(erf) = vpow2.f32 v25;
	v16 =	vmul.f32 $-6.151485720e-03, v27;
	v24 =	vadd.f32 $1.658229530e-01, v24  }
0x7fa: {  	v10 =	vmax.f32 v10, $0.0e+00;
	v21 =	vmul.f32 v21, v9;
	v9 =	vmovc v8;
	v23 =	vmul.f32 v23, v8;
	v8 =	vmovc v14  }
0x7fb: {  	v28 =	vsub.f32 v10, v17;
	v17 =	vmovc v13;
	v13 =	vmovc v12;
	v25 =	vadd.f32 $3.484979640e-02, v16;
	v24 =	vmul.f32 v24, v8  }
0x7fc: {  	v12 =	vmovc v11;
	v14 =	vmovc v27;
	v21 =	vadd.f32 $3.385588340e-08, v21;
	v11 =	vmov v26;
	v23 =	vadd.f32 $-4.998385610e-01, v23  }
.Ltmp19:
0x7fd: {  	v10 =	vmovc v1;
	v1 =	vmovc v0;
	v0 =	vmov v5;
	v16 =	vld [tilespmem:s14+$0xC80];
	v25 =	vmul.f32 v25, v14;
	v24 =	vadd.f32 $-2.398262920e-01, v24;
	(pc) =	sbr.rel @p0 .LBB2_40-.Ltmp19, $4  }
0x7fe: {  	v5 =	vmovc v7;
	v27 =	vadd.f32 v21, v28;
	v23 =	vmul.f32 v23, v9;
	v26 =	vand.u32 $0x7FFFFFFF, v22;
	v7 =	vmovc v22  }
0x7ff: {  	v26 =	vsub.f32 $0.0e+00, v26;
	v28 =	vadd.f32 $-9.325221920e-02, v25;
	v29 =	vmul.f32 v24, v8  }
0x800: {  	v19 =	vadd.f32 v27, v19;
	v22 =	vmul.f32 v27, v15;
	v21 =	vadd.f32 $9.999942770e-01, v23  }
0x801: {  	v25 =	vmul.f32 $1.442695020e+00, v26;
	v24 =	vmul.f32 v28, v14;
	v23 =	vadd.f32 $3.315486610e-01, v29  }
0x802: {  	_ = 	snop  }
0x803: {  	(erf) = vpow2.f32 v25;
	_ =	sdelay $0x5  }
0x804: {  	v25 =	vpop (erf)  }
0x805: {  	v26 =	vmul.f32 $-6.151485720e-03, v25;
	_ =	sdelay $0x1  }
0x806: {  	v26 =	vadd.f32 $3.484979640e-02, v26;
	v27 =	vpop (erf)  }
0x807: {  	v28 =	vmul.f32 $-6.151485720e-03, v27  }
0x808: {  	v26 =	vmul.f32 v26, v25  }
0x809: {  	v28 =	vadd.f32 $3.484979640e-02, v28  }
0x80a: {  	v26 =	vadd.f32 $-9.325221920e-02, v26  }
0x80b: {  	v24 =	vadd.f32 $1.658229530e-01, v24;
	v28 =	vmul.f32 v28, v27  }
0x80c: {  	v26 =	vmul.f32 v26, v25  }
0x80d: {  	v24 =	vmul.f32 v24, v14;
	v28 =	vadd.f32 $-9.325221920e-02, v28  }
0x80e: {  	v15 =	vadd.f32 v15, v18;
	v18 =	vadd.f32 $1.658229530e-01, v26  }
0x80f: {  	v9 =	vmul.f32 v21, v9;
	v24 =	vadd.f32 $-2.398262920e-01, v24;
	v26 =	vmul.f32 v28, v27  }
0x810: {  	v10 =	vmax.f32 v10, $0.0e+00;
	v23 =	vmul.f32 v23, v8;
	v18 =	vmul.f32 v18, v25  }
0x811: {  	v10 =	vsub.f32 v10, v17;
	v17 =	vmul.f32 v24, v14;
	v21 =	vadd.f32 $1.658229530e-01, v26  }
0x812: {  	v23 =	vadd.f32 $-4.998385610e-01, v23;
	v18 =	vadd.f32 $-2.398262920e-01, v18  }
0x813: {  	v9 =	vadd.f32 $3.385588340e-08, v9;
	v17 =	vadd.f32 $3.315486610e-01, v17;
	v21 =	vmul.f32 v21, v27  }
0x814: {  	v20 =	vadd.f32 v22, v20;
	v22 =	vmul.f32 v23, v8;
	v18 =	vmul.f32 v18, v25  }
0x815: {  	v9 =	vadd.f32 v9, v10;
	v10 =	vmul.f32 v17, v14;
	v17 =	vadd.f32 $-2.398262920e-01, v21  }
0x816: {  	v1 =	vmax.f32 v1, $0.0e+00;
	v18 =	vadd.f32 $3.315486610e-01, v18;
	v21 =	vadd.f32 $9.999942770e-01, v22  }
0x817: {  	v0 =	vmax.f32 v0, $0.0e+00;
	v10 =	vadd.f32 $-4.998385610e-01, v10;
	v17 =	vmul.f32 v17, v27  }
0x818: {  	v1 =	vsub.f32 v1, v13;
	v18 =	vmul.f32 v18, v25;
	v8 =	vmul.f32 v21, v8  }
0x819: {  	v0 =	vsub.f32 v0, v12;
	v10 =	vmul.f32 v10, v14;
	v13 =	vadd.f32 $3.315486610e-01, v17  }
0x81a: {  	v8 =	vadd.f32 $3.385588340e-08, v8;
	v17 =	vadd.f32 $-4.998385610e-01, v18  }
0x81b: {  	v19 =	vadd.f32 v9, v19;
	v10 =	vadd.f32 $9.999942770e-01, v10;
	v13 =	vmul.f32 v13, v27  }
0x81c: {  	v9 =	vmul.f32 v9, v6;
	v1 =	vadd.f32 v8, v1;
	v8 =	vmul.f32 v17, v25  }
0x81d: {  	v6 =	vadd.f32 v6, v15;
	v10 =	vmul.f32 v10, v14;
	v13 =	vadd.f32 $-4.998385610e-01, v13  }
0x81e: {  	v9 =	vadd.f32 v9, v20;
	v8 =	vadd.f32 $9.999942770e-01, v8  }
0x81f: {  	v10 =	vadd.f32 $3.385588340e-08, v10;
	v14 =	vadd.f32 v1, v19;
	v12 =	vmul.f32 v13, v27  }
0x820: {  	v1 =	vmul.f32 v1, v4;
	v4 =	vadd.f32 v4, v6;
	v6 =	vmul.f32 v8, v25  }
0x821: {  	v5 =	vmax.f32 v5, $0.0e+00;
	v0 =	vadd.f32 v10, v0;
	v8 =	vadd.f32 $9.999942770e-01, v12  }
0x822: {  	v5 =	vsub.f32 v5, v11;
	v10 =	vmul.f32 v16, v7;
	v6 =	vadd.f32 $3.385588340e-08, v6  }
0x823: {  	v1 =	vadd.f32 v1, v9;
	v9 =	vmul.f32 v0, v3;
	v8 =	vmul.f32 v8, v27  }
0x824: {  	v3 =	vadd.f32 v3, v4;
	v4 =	vadd.f32 v6, v5;
	v5 =	vmax.f32 v7, $0.0e+00  }
0x825: {  	v5 =	vsub.f32 v5, v10;
	v6 =	vadd.f32 $3.385588340e-08, v8  }
0x826: {  	v0 =	vadd.f32 v0, v14;
	v1 =	vadd.f32 v9, v1  }
0x827: {  	v7 =	vmul.f32 v4, v2;
	v2 =	vadd.f32 v2, v3;
	v3 =	vadd.f32 v6, v5  }
0x828: {  	v0 =	vadd.f32 v4, v0  }
0x829: {  	v1 =	vadd.f32 v7, v1;
	v2 =	vadd.f32 v16, v2;
	v4 =	vmul.f32 v3, v16  }
0x82a: {  	v0 =	vadd.f32 v3, v0  }
0x82b: {  	[tilespmem:$0x1A30] =	vst v2;
	v1 =	vadd.f32 v4, v1  }
0x82c: {  	[tilespmem:$0x1BC0] =	vst v0  }
0x82d: {  	s13 =	simm.s32 $0x140;
	[tilespmem:$0x1D50] =	vst v1  }
0x82e: {  	v16 =	vld [tilespmem:s13+$0x0];
	_ =	sdelay $0x4  }
0x82f: {  	v0 =	vand.u32 $0x7FFFFFFF, v16  }
0x830: {  	v0 =	vsub.f32 $0.0e+00, v0;
	_ =	sdelay $0x1  }
0x831: {  	v0 =	vmul.f32 $1.442695020e+00, v0  }
0x832: {  	s14 =	simm.s32 $0x2D0  }
0x833: {  	v10 =	vld [tilespmem:s14+$0x0];
	(erf) = vpow2.f32 v0;
	_ =	sdelay $0x4  }
0x834: {  	v0 =	vand.u32 $0x7FFFFFFF, v10  }
0x835: {  	s15 =	simm.s32 $0x460;
	v0 =	vsub.f32 $0.0e+00, v0  }
0x836: {  	v1 =	vld [tilespmem:s15+$0x0]  }
0x837: {  	v0 =	vmul.f32 $1.442695020e+00, v0  }
0x838: {  	v19 =	vpop (erf)  }
0x839: {  	(erf) = vpow2.f32 v0;
	v0 =	vmul.f32 $-6.151485720e-03, v19;
	_ =	sdelay $0x1  }
0x83a: {  	v2 =	vand.u32 $0x7FFFFFFF, v1;
	v0 =	vadd.f32 $3.484979640e-02, v0  }
0x83b: {  	v2 =	vsub.f32 $0.0e+00, v2  }
0x83c: {  	v0 =	vmul.f32 v0, v19  }
0x83d: {  	v2 =	vmul.f32 $1.442695020e+00, v2  }
0x83e: {  	v3 =	vadd.f32 $-9.325221920e-02, v0  }
0x83f: {  	(erf) = vpow2.f32 v2  }
0x840: {  	v3 =	vmul.f32 v3, v19  }
0x841: {  	s16 =	simm.s32 $0x5F0  }
0x842: {  	v9 =	vpop (erf);
	v0 =	vld [tilespmem:s16+$0x0];
	v3 =	vadd.f32 $1.658229530e-01, v3  }
0x843: {  	v2 =	vmul.f32 $-6.151485720e-03, v9  }
0x844: {  	v3 =	vmul.f32 v3, v19  }
0x845: {  	v2 =	vadd.f32 $3.484979640e-02, v2  }
0x846: {  	v3 =	vadd.f32 $-2.398262920e-01, v3  }
0x847: {  	v2 =	vmul.f32 v2, v9;
	v4 =	vand.u32 $0x7FFFFFFF, v0  }
0x848: {  	v8 =	vpop (erf);
	v4 =	vsub.f32 $0.0e+00, v4;
	v3 =	vmul.f32 v3, v19  }
0x849: {  	v7 =	vmul.f32 $-6.151485720e-03, v8;
	v2 =	vadd.f32 $-9.325221920e-02, v2  }
0x84a: {  	v4 =	vmul.f32 $1.442695020e+00, v4;
	v3 =	vadd.f32 $3.315486610e-01, v3  }
0x84b: {  	s30 =	simm.s32 $0x780;
	v7 =	vadd.f32 $3.484979640e-02, v7;
	v2 =	vmul.f32 v2, v9  }
0x84c: {  	v5 =	vld [tilespmem:s30+$0x0];
	(erf) = vpow2.f32 v4;
	v11 =	vmul.f32 v3, v19  }
0x84d: {  	v7 =	vmul.f32 v7, v8;
	v2 =	vadd.f32 $1.658229530e-01, v2  }
0x84e: {  	v15 =	vld [tilespmem:s13+$0xC80];
	v11 =	vadd.f32 $-4.998385610e-01, v11  }
0x84f: {  	v7 =	vadd.f32 $-9.325221920e-02, v7;
	v2 =	vmul.f32 v2, v9  }
0x850: {  	v11 =	vmul.f32 v11, v19  }
0x851: {  	v14 =	vand.u32 $0x7FFFFFFF, v5;
	v22 =	vmul.f32 v7, v8;
	v12 =	vadd.f32 $-2.398262920e-01, v2  }
0x852: {  	v21 =	vsub.f32 $0.0e+00, v14;
	v24 =	vadd.f32 $9.999942770e-01, v11  }
0x853: {  	v20 =	vmul.f32 v15, v16;
	v22 =	vadd.f32 $1.658229530e-01, v22;
	v12 =	vmul.f32 v12, v9  }
0x854: {  	v6 =	vld [tilespmem:s14+$0xC80];
	v16 =	vmax.f32 v16, $0.0e+00;
	v21 =	vmul.f32 $1.442695020e+00, v21;
	v19 =	vmul.f32 v24, v19  }
0x855: {  	s31 =	simm.s32 $0x910;
	v16 =	vsub.f32 v16, v20;
	v4 =	vld [tilespmem:s15+$0xC80];
	v22 =	vmul.f32 v22, v8;
	v23 =	vadd.f32 $3.315486610e-01, v12;
	v14 =	vpop (erf)  }
0x856: {  	v7 =	vld [tilespmem:s31+$0x0];
	(erf) = vpow2.f32 v21;
	v25 =	vmul.f32 $-6.151485720e-03, v14;
	v19 =	vadd.f32 $3.385588340e-08, v19  }
0x857: {  	v3 =	vld [tilespmem:s16+$0xC80];
	v22 =	vadd.f32 $-2.398262920e-01, v22;
	v23 =	vmul.f32 v23, v9  }
0x858: {  	v18 =	vimm.f32 $0.0e+00;
	v2 =	vld [tilespmem:s30+$0xC80];
	v24 =	vadd.f32 $3.484979640e-02, v25;
	v16 =	vadd.f32 v19, v16  }
0x859: {  	v17 =	vmul.f32 v6, v10;
	v26 =	vmul.f32 v22, v8;
	v23 =	vadd.f32 $-4.998385610e-01, v23  }
0x85a: {  	v20 =	vmul.f32 v24, v14;
	v19 =	vadd.f32 v16, v18;
	v22 =	vmul.f32 v16, v15;
	v16 =	vld [tilespmem:s31+$0xC80]  }
0x85b: {  	v13 =	vmul.f32 v4, v1;
	v23 =	vmul.f32 v23, v9;
	v24 =	vand.u32 $0x7FFFFFFF, v7  }
0x85c: {  	v12 =	vmul.f32 v3, v0;
	v24 =	vsub.f32 $0.0e+00, v24;
	v20 =	vadd.f32 $-9.325221920e-02, v20  }
0x85d: {  	v11 =	vmul.f32 v2, v5;
	v21 =	vadd.f32 $9.999942770e-01, v23;
	v23 =	vadd.f32 $3.315486610e-01, v26  }
0x85e: {  	s13 =	simm.s32 $0x2A80;
	v25 =	vmul.f32 $1.442695020e+00, v24;
	v24 =	vmul.f32 v20, v14;
	v20 =	vimm.f32 $0.0e+00  }
.LBB2_42:
0x85f: {  	v26 =	vmul.f32 v16, v7;
	v27 =	vpop (erf);
	v18 =	vadd.f32 v15, v18;
	v20 =	vadd.f32 v22, v20  }
0x860: {  	s14 =	sshra.s32 s13, $0x2;
	p0 =	sne.s32 s13, $0x30C0;
	s13 =	sadd.s32 $0x640, s13;
	v15 =	vmovc v6;
	v6 =	vmovc v4;
	v4 =	vmov v3;
	v3 =	vmov v2;
	v2 =	vmov v16  }
0x861: {  	v22 =	vld [tilespmem:s14+$0x0];
	(erf) = vpow2.f32 v25;
	v16 =	vmul.f32 $-6.151485720e-03, v27;
	v24 =	vadd.f32 $1.658229530e-01, v24  }
0x862: {  	v10 =	vmax.f32 v10, $0.0e+00;
	v21 =	vmul.f32 v21, v9;
	v9 =	vmovc v8;
	v23 =	vmul.f32 v23, v8;
	v8 =	vmovc v14  }
0x863: {  	v28 =	vsub.f32 v10, v17;
	v17 =	vmovc v13;
	v13 =	vmovc v12;
	v25 =	vadd.f32 $3.484979640e-02, v16;
	v24 =	vmul.f32 v24, v8  }
0x864: {  	v12 =	vmovc v11;
	v14 =	vmovc v27;
	v21 =	vadd.f32 $3.385588340e-08, v21;
	v11 =	vmov v26;
	v23 =	vadd.f32 $-4.998385610e-01, v23  }
.Ltmp20:
0x865: {  	v10 =	vmovc v1;
	v1 =	vmovc v0;
	v0 =	vmov v5;
	v16 =	vld [tilespmem:s14+$0xC80];
	v25 =	vmul.f32 v25, v14;
	v24 =	vadd.f32 $-2.398262920e-01, v24;
	(pc) =	sbr.rel @p0 .LBB2_42-.Ltmp20, $4  }
0x866: {  	v5 =	vmovc v7;
	v27 =	vadd.f32 v21, v28;
	v23 =	vmul.f32 v23, v9;
	v26 =	vand.u32 $0x7FFFFFFF, v22;
	v7 =	vmovc v22  }
0x867: {  	v26 =	vsub.f32 $0.0e+00, v26;
	v28 =	vadd.f32 $-9.325221920e-02, v25;
	v29 =	vmul.f32 v24, v8  }
0x868: {  	v19 =	vadd.f32 v27, v19;
	v22 =	vmul.f32 v27, v15;
	v21 =	vadd.f32 $9.999942770e-01, v23  }
0x869: {  	v25 =	vmul.f32 $1.442695020e+00, v26;
	v24 =	vmul.f32 v28, v14;
	v23 =	vadd.f32 $3.315486610e-01, v29  }
0x86a: {  	_ = 	snop  }
0x86b: {  	(erf) = vpow2.f32 v25;
	_ =	sdelay $0x5  }
0x86c: {  	v25 =	vpop (erf)  }
0x86d: {  	v26 =	vmul.f32 $-6.151485720e-03, v25;
	_ =	sdelay $0x1  }
0x86e: {  	v26 =	vadd.f32 $3.484979640e-02, v26;
	v27 =	vpop (erf)  }
0x86f: {  	v28 =	vmul.f32 $-6.151485720e-03, v27  }
0x870: {  	v26 =	vmul.f32 v26, v25  }
0x871: {  	v28 =	vadd.f32 $3.484979640e-02, v28  }
0x872: {  	v26 =	vadd.f32 $-9.325221920e-02, v26  }
0x873: {  	v24 =	vadd.f32 $1.658229530e-01, v24;
	v28 =	vmul.f32 v28, v27  }
0x874: {  	v26 =	vmul.f32 v26, v25  }
0x875: {  	v24 =	vmul.f32 v24, v14;
	v28 =	vadd.f32 $-9.325221920e-02, v28  }
0x876: {  	v15 =	vadd.f32 v15, v18;
	v18 =	vadd.f32 $1.658229530e-01, v26  }
0x877: {  	v9 =	vmul.f32 v21, v9;
	v24 =	vadd.f32 $-2.398262920e-01, v24;
	v26 =	vmul.f32 v28, v27  }
0x878: {  	v10 =	vmax.f32 v10, $0.0e+00;
	v23 =	vmul.f32 v23, v8;
	v18 =	vmul.f32 v18, v25  }
0x879: {  	v10 =	vsub.f32 v10, v17;
	v17 =	vmul.f32 v24, v14;
	v21 =	vadd.f32 $1.658229530e-01, v26  }
0x87a: {  	v23 =	vadd.f32 $-4.998385610e-01, v23;
	v18 =	vadd.f32 $-2.398262920e-01, v18  }
0x87b: {  	v9 =	vadd.f32 $3.385588340e-08, v9;
	v17 =	vadd.f32 $3.315486610e-01, v17;
	v21 =	vmul.f32 v21, v27  }
0x87c: {  	v20 =	vadd.f32 v22, v20;
	v22 =	vmul.f32 v23, v8;
	v18 =	vmul.f32 v18, v25  }
0x87d: {  	v9 =	vadd.f32 v9, v10;
	v10 =	vmul.f32 v17, v14;
	v17 =	vadd.f32 $-2.398262920e-01, v21  }
0x87e: {  	v1 =	vmax.f32 v1, $0.0e+00;
	v18 =	vadd.f32 $3.315486610e-01, v18;
	v21 =	vadd.f32 $9.999942770e-01, v22  }
0x87f: {  	v0 =	vmax.f32 v0, $0.0e+00;
	v10 =	vadd.f32 $-4.998385610e-01, v10;
	v17 =	vmul.f32 v17, v27  }
0x880: {  	v1 =	vsub.f32 v1, v13;
	v18 =	vmul.f32 v18, v25;
	v8 =	vmul.f32 v21, v8  }
0x881: {  	v0 =	vsub.f32 v0, v12;
	v10 =	vmul.f32 v10, v14;
	v13 =	vadd.f32 $3.315486610e-01, v17  }
0x882: {  	v8 =	vadd.f32 $3.385588340e-08, v8;
	v17 =	vadd.f32 $-4.998385610e-01, v18  }
0x883: {  	v19 =	vadd.f32 v9, v19;
	v10 =	vadd.f32 $9.999942770e-01, v10;
	v13 =	vmul.f32 v13, v27  }
0x884: {  	v9 =	vmul.f32 v9, v6;
	v1 =	vadd.f32 v8, v1;
	v8 =	vmul.f32 v17, v25  }
0x885: {  	v6 =	vadd.f32 v6, v15;
	v10 =	vmul.f32 v10, v14;
	v13 =	vadd.f32 $-4.998385610e-01, v13  }
0x886: {  	v9 =	vadd.f32 v9, v20;
	v8 =	vadd.f32 $9.999942770e-01, v8  }
0x887: {  	v10 =	vadd.f32 $3.385588340e-08, v10;
	v14 =	vadd.f32 v1, v19;
	v12 =	vmul.f32 v13, v27  }
0x888: {  	v1 =	vmul.f32 v1, v4;
	v4 =	vadd.f32 v4, v6;
	v6 =	vmul.f32 v8, v25  }
0x889: {  	v5 =	vmax.f32 v5, $0.0e+00;
	v0 =	vadd.f32 v10, v0;
	v8 =	vadd.f32 $9.999942770e-01, v12  }
0x88a: {  	v5 =	vsub.f32 v5, v11;
	v10 =	vmul.f32 v16, v7;
	v6 =	vadd.f32 $3.385588340e-08, v6  }
0x88b: {  	v1 =	vadd.f32 v1, v9;
	v9 =	vmul.f32 v0, v3;
	v8 =	vmul.f32 v8, v27  }
0x88c: {  	v3 =	vadd.f32 v3, v4;
	v4 =	vadd.f32 v6, v5;
	v5 =	vmax.f32 v7, $0.0e+00  }
0x88d: {  	v5 =	vsub.f32 v5, v10;
	v6 =	vadd.f32 $3.385588340e-08, v8  }
0x88e: {  	v0 =	vadd.f32 v0, v14;
	v1 =	vadd.f32 v9, v1  }
0x88f: {  	v7 =	vmul.f32 v4, v2;
	v2 =	vadd.f32 v2, v3;
	v3 =	vadd.f32 v6, v5  }
0x890: {  	v0 =	vadd.f32 v4, v0  }
0x891: {  	v1 =	vadd.f32 v7, v1;
	v2 =	vadd.f32 v16, v2;
	v4 =	vmul.f32 v3, v16  }
0x892: {  	v0 =	vadd.f32 v3, v0  }
0x893: {  	[tilespmem:$0x1A40] =	vst v2;
	v1 =	vadd.f32 v4, v1  }
0x894: {  	[tilespmem:$0x1BD0] =	vst v0  }
0x895: {  	s13 =	simm.s32 $0x150;
	[tilespmem:$0x1D60] =	vst v1  }
0x896: {  	v16 =	vld [tilespmem:s13+$0x0];
	_ =	sdelay $0x4  }
0x897: {  	v0 =	vand.u32 $0x7FFFFFFF, v16  }
0x898: {  	v0 =	vsub.f32 $0.0e+00, v0;
	_ =	sdelay $0x1  }
0x899: {  	v0 =	vmul.f32 $1.442695020e+00, v0  }
0x89a: {  	s14 =	simm.s32 $0x2E0  }
0x89b: {  	v10 =	vld [tilespmem:s14+$0x0];
	(erf) = vpow2.f32 v0;
	_ =	sdelay $0x4  }
0x89c: {  	v0 =	vand.u32 $0x7FFFFFFF, v10  }
0x89d: {  	s15 =	simm.s32 $0x470;
	v0 =	vsub.f32 $0.0e+00, v0  }
0x89e: {  	v1 =	vld [tilespmem:s15+$0x0]  }
0x89f: {  	v0 =	vmul.f32 $1.442695020e+00, v0  }
0x8a0: {  	v19 =	vpop (erf)  }
0x8a1: {  	(erf) = vpow2.f32 v0;
	v0 =	vmul.f32 $-6.151485720e-03, v19;
	_ =	sdelay $0x1  }
0x8a2: {  	v2 =	vand.u32 $0x7FFFFFFF, v1;
	v0 =	vadd.f32 $3.484979640e-02, v0  }
0x8a3: {  	v2 =	vsub.f32 $0.0e+00, v2  }
0x8a4: {  	v0 =	vmul.f32 v0, v19  }
0x8a5: {  	v2 =	vmul.f32 $1.442695020e+00, v2  }
0x8a6: {  	v3 =	vadd.f32 $-9.325221920e-02, v0  }
0x8a7: {  	(erf) = vpow2.f32 v2  }
0x8a8: {  	v3 =	vmul.f32 v3, v19  }
0x8a9: {  	s16 =	simm.s32 $0x600  }
0x8aa: {  	v9 =	vpop (erf);
	v0 =	vld [tilespmem:s16+$0x0];
	v3 =	vadd.f32 $1.658229530e-01, v3  }
0x8ab: {  	v2 =	vmul.f32 $-6.151485720e-03, v9  }
0x8ac: {  	v3 =	vmul.f32 v3, v19  }
0x8ad: {  	v2 =	vadd.f32 $3.484979640e-02, v2  }
0x8ae: {  	v3 =	vadd.f32 $-2.398262920e-01, v3  }
0x8af: {  	v2 =	vmul.f32 v2, v9;
	v4 =	vand.u32 $0x7FFFFFFF, v0  }
0x8b0: {  	v8 =	vpop (erf);
	v4 =	vsub.f32 $0.0e+00, v4;
	v3 =	vmul.f32 v3, v19  }
0x8b1: {  	v7 =	vmul.f32 $-6.151485720e-03, v8;
	v2 =	vadd.f32 $-9.325221920e-02, v2  }
0x8b2: {  	v4 =	vmul.f32 $1.442695020e+00, v4;
	v3 =	vadd.f32 $3.315486610e-01, v3  }
0x8b3: {  	s30 =	simm.s32 $0x790;
	v7 =	vadd.f32 $3.484979640e-02, v7;
	v2 =	vmul.f32 v2, v9  }
0x8b4: {  	v5 =	vld [tilespmem:s30+$0x0];
	(erf) = vpow2.f32 v4;
	v11 =	vmul.f32 v3, v19  }
0x8b5: {  	v7 =	vmul.f32 v7, v8;
	v2 =	vadd.f32 $1.658229530e-01, v2  }
0x8b6: {  	v15 =	vld [tilespmem:s13+$0xC80];
	v11 =	vadd.f32 $-4.998385610e-01, v11  }
0x8b7: {  	v7 =	vadd.f32 $-9.325221920e-02, v7;
	v2 =	vmul.f32 v2, v9  }
0x8b8: {  	v11 =	vmul.f32 v11, v19  }
0x8b9: {  	v14 =	vand.u32 $0x7FFFFFFF, v5;
	v22 =	vmul.f32 v7, v8;
	v12 =	vadd.f32 $-2.398262920e-01, v2  }
0x8ba: {  	v21 =	vsub.f32 $0.0e+00, v14;
	v24 =	vadd.f32 $9.999942770e-01, v11  }
0x8bb: {  	v20 =	vmul.f32 v15, v16;
	v22 =	vadd.f32 $1.658229530e-01, v22;
	v12 =	vmul.f32 v12, v9  }
0x8bc: {  	v6 =	vld [tilespmem:s14+$0xC80];
	v16 =	vmax.f32 v16, $0.0e+00;
	v21 =	vmul.f32 $1.442695020e+00, v21;
	v19 =	vmul.f32 v24, v19  }
0x8bd: {  	s31 =	simm.s32 $0x920;
	v16 =	vsub.f32 v16, v20;
	v4 =	vld [tilespmem:s15+$0xC80];
	v22 =	vmul.f32 v22, v8;
	v23 =	vadd.f32 $3.315486610e-01, v12;
	v14 =	vpop (erf)  }
0x8be: {  	v7 =	vld [tilespmem:s31+$0x0];
	(erf) = vpow2.f32 v21;
	v25 =	vmul.f32 $-6.151485720e-03, v14;
	v19 =	vadd.f32 $3.385588340e-08, v19  }
0x8bf: {  	v3 =	vld [tilespmem:s16+$0xC80];
	v22 =	vadd.f32 $-2.398262920e-01, v22;
	v23 =	vmul.f32 v23, v9  }
0x8c0: {  	v18 =	vimm.f32 $0.0e+00;
	v2 =	vld [tilespmem:s30+$0xC80];
	v24 =	vadd.f32 $3.484979640e-02, v25;
	v16 =	vadd.f32 v19, v16  }
0x8c1: {  	v17 =	vmul.f32 v6, v10;
	v26 =	vmul.f32 v22, v8;
	v23 =	vadd.f32 $-4.998385610e-01, v23  }
0x8c2: {  	v20 =	vmul.f32 v24, v14;
	v19 =	vadd.f32 v16, v18;
	v22 =	vmul.f32 v16, v15;
	v16 =	vld [tilespmem:s31+$0xC80]  }
0x8c3: {  	v13 =	vmul.f32 v4, v1;
	v23 =	vmul.f32 v23, v9;
	v24 =	vand.u32 $0x7FFFFFFF, v7  }
0x8c4: {  	v12 =	vmul.f32 v3, v0;
	v24 =	vsub.f32 $0.0e+00, v24;
	v20 =	vadd.f32 $-9.325221920e-02, v20  }
0x8c5: {  	v11 =	vmul.f32 v2, v5;
	v21 =	vadd.f32 $9.999942770e-01, v23;
	v23 =	vadd.f32 $3.315486610e-01, v26  }
0x8c6: {  	s13 =	simm.s32 $0x2AC0;
	v25 =	vmul.f32 $1.442695020e+00, v24;
	v24 =	vmul.f32 v20, v14;
	v20 =	vimm.f32 $0.0e+00  }
.LBB2_44:
0x8c7: {  	v26 =	vmul.f32 v16, v7;
	v27 =	vpop (erf);
	v18 =	vadd.f32 v15, v18;
	v20 =	vadd.f32 v22, v20  }
0x8c8: {  	s14 =	sshra.s32 s13, $0x2;
	p0 =	sne.s32 s13, $0x3100;
	s13 =	sadd.s32 $0x640, s13;
	v15 =	vmovc v6;
	v6 =	vmovc v4;
	v4 =	vmov v3;
	v3 =	vmov v2;
	v2 =	vmov v16  }
0x8c9: {  	v22 =	vld [tilespmem:s14+$0x0];
	(erf) = vpow2.f32 v25;
	v16 =	vmul.f32 $-6.151485720e-03, v27;
	v24 =	vadd.f32 $1.658229530e-01, v24  }
0x8ca: {  	v10 =	vmax.f32 v10, $0.0e+00;
	v21 =	vmul.f32 v21, v9;
	v9 =	vmovc v8;
	v23 =	vmul.f32 v23, v8;
	v8 =	vmovc v14  }
0x8cb: {  	v28 =	vsub.f32 v10, v17;
	v17 =	vmovc v13;
	v13 =	vmovc v12;
	v25 =	vadd.f32 $3.484979640e-02, v16;
	v24 =	vmul.f32 v24, v8  }
0x8cc: {  	v12 =	vmovc v11;
	v14 =	vmovc v27;
	v21 =	vadd.f32 $3.385588340e-08, v21;
	v11 =	vmov v26;
	v23 =	vadd.f32 $-4.998385610e-01, v23  }
.Ltmp21:
0x8cd: {  	v10 =	vmovc v1;
	v1 =	vmovc v0;
	v0 =	vmov v5;
	v16 =	vld [tilespmem:s14+$0xC80];
	v25 =	vmul.f32 v25, v14;
	v24 =	vadd.f32 $-2.398262920e-01, v24;
	(pc) =	sbr.rel @p0 .LBB2_44-.Ltmp21, $4  }
0x8ce: {  	v5 =	vmovc v7;
	v27 =	vadd.f32 v21, v28;
	v23 =	vmul.f32 v23, v9;
	v26 =	vand.u32 $0x7FFFFFFF, v22;
	v7 =	vmovc v22  }
0x8cf: {  	v26 =	vsub.f32 $0.0e+00, v26;
	v28 =	vadd.f32 $-9.325221920e-02, v25;
	v29 =	vmul.f32 v24, v8  }
0x8d0: {  	v19 =	vadd.f32 v27, v19;
	v22 =	vmul.f32 v27, v15;
	v21 =	vadd.f32 $9.999942770e-01, v23  }
0x8d1: {  	v25 =	vmul.f32 $1.442695020e+00, v26;
	v24 =	vmul.f32 v28, v14;
	v23 =	vadd.f32 $3.315486610e-01, v29  }
0x8d2: {  	_ = 	snop  }
0x8d3: {  	(erf) = vpow2.f32 v25;
	_ =	sdelay $0x5  }
0x8d4: {  	v25 =	vpop (erf)  }
0x8d5: {  	v26 =	vmul.f32 $-6.151485720e-03, v25;
	_ =	sdelay $0x1  }
0x8d6: {  	v26 =	vadd.f32 $3.484979640e-02, v26;
	v27 =	vpop (erf)  }
0x8d7: {  	v28 =	vmul.f32 $-6.151485720e-03, v27  }
0x8d8: {  	v26 =	vmul.f32 v26, v25  }
0x8d9: {  	v28 =	vadd.f32 $3.484979640e-02, v28  }
0x8da: {  	v26 =	vadd.f32 $-9.325221920e-02, v26  }
0x8db: {  	v24 =	vadd.f32 $1.658229530e-01, v24;
	v28 =	vmul.f32 v28, v27  }
0x8dc: {  	v26 =	vmul.f32 v26, v25  }
0x8dd: {  	v24 =	vmul.f32 v24, v14;
	v28 =	vadd.f32 $-9.325221920e-02, v28  }
0x8de: {  	v15 =	vadd.f32 v15, v18;
	v18 =	vadd.f32 $1.658229530e-01, v26  }
0x8df: {  	v9 =	vmul.f32 v21, v9;
	v24 =	vadd.f32 $-2.398262920e-01, v24;
	v26 =	vmul.f32 v28, v27  }
0x8e0: {  	v10 =	vmax.f32 v10, $0.0e+00;
	v23 =	vmul.f32 v23, v8;
	v18 =	vmul.f32 v18, v25  }
0x8e1: {  	v10 =	vsub.f32 v10, v17;
	v17 =	vmul.f32 v24, v14;
	v21 =	vadd.f32 $1.658229530e-01, v26  }
0x8e2: {  	v23 =	vadd.f32 $-4.998385610e-01, v23;
	v18 =	vadd.f32 $-2.398262920e-01, v18  }
0x8e3: {  	v9 =	vadd.f32 $3.385588340e-08, v9;
	v17 =	vadd.f32 $3.315486610e-01, v17;
	v21 =	vmul.f32 v21, v27  }
0x8e4: {  	v20 =	vadd.f32 v22, v20;
	v22 =	vmul.f32 v23, v8;
	v18 =	vmul.f32 v18, v25  }
0x8e5: {  	v9 =	vadd.f32 v9, v10;
	v10 =	vmul.f32 v17, v14;
	v17 =	vadd.f32 $-2.398262920e-01, v21  }
0x8e6: {  	v1 =	vmax.f32 v1, $0.0e+00;
	v18 =	vadd.f32 $3.315486610e-01, v18;
	v21 =	vadd.f32 $9.999942770e-01, v22  }
0x8e7: {  	v0 =	vmax.f32 v0, $0.0e+00;
	v10 =	vadd.f32 $-4.998385610e-01, v10;
	v17 =	vmul.f32 v17, v27  }
0x8e8: {  	v1 =	vsub.f32 v1, v13;
	v18 =	vmul.f32 v18, v25;
	v8 =	vmul.f32 v21, v8  }
0x8e9: {  	v0 =	vsub.f32 v0, v12;
	v10 =	vmul.f32 v10, v14;
	v13 =	vadd.f32 $3.315486610e-01, v17  }
0x8ea: {  	v8 =	vadd.f32 $3.385588340e-08, v8;
	v17 =	vadd.f32 $-4.998385610e-01, v18  }
0x8eb: {  	v19 =	vadd.f32 v9, v19;
	v10 =	vadd.f32 $9.999942770e-01, v10;
	v13 =	vmul.f32 v13, v27  }
0x8ec: {  	v9 =	vmul.f32 v9, v6;
	v1 =	vadd.f32 v8, v1;
	v8 =	vmul.f32 v17, v25  }
0x8ed: {  	v6 =	vadd.f32 v6, v15;
	v10 =	vmul.f32 v10, v14;
	v13 =	vadd.f32 $-4.998385610e-01, v13  }
0x8ee: {  	v9 =	vadd.f32 v9, v20;
	v8 =	vadd.f32 $9.999942770e-01, v8  }
0x8ef: {  	v10 =	vadd.f32 $3.385588340e-08, v10;
	v14 =	vadd.f32 v1, v19;
	v12 =	vmul.f32 v13, v27  }
0x8f0: {  	v1 =	vmul.f32 v1, v4;
	v4 =	vadd.f32 v4, v6;
	v6 =	vmul.f32 v8, v25  }
0x8f1: {  	v5 =	vmax.f32 v5, $0.0e+00;
	v0 =	vadd.f32 v10, v0;
	v8 =	vadd.f32 $9.999942770e-01, v12  }
0x8f2: {  	v5 =	vsub.f32 v5, v11;
	v10 =	vmul.f32 v16, v7;
	v6 =	vadd.f32 $3.385588340e-08, v6  }
0x8f3: {  	v1 =	vadd.f32 v1, v9;
	v9 =	vmul.f32 v0, v3;
	v8 =	vmul.f32 v8, v27  }
0x8f4: {  	v3 =	vadd.f32 v3, v4;
	v4 =	vadd.f32 v6, v5;
	v5 =	vmax.f32 v7, $0.0e+00  }
0x8f5: {  	v5 =	vsub.f32 v5, v10;
	v6 =	vadd.f32 $3.385588340e-08, v8  }
0x8f6: {  	v0 =	vadd.f32 v0, v14;
	v1 =	vadd.f32 v9, v1  }
0x8f7: {  	v7 =	vmul.f32 v4, v2;
	v2 =	vadd.f32 v2, v3;
	v3 =	vadd.f32 v6, v5  }
0x8f8: {  	v0 =	vadd.f32 v4, v0  }
0x8f9: {  	v1 =	vadd.f32 v7, v1;
	v2 =	vadd.f32 v16, v2;
	v4 =	vmul.f32 v3, v16  }
0x8fa: {  	v0 =	vadd.f32 v3, v0  }
0x8fb: {  	[tilespmem:$0x1A50] =	vst v2;
	v1 =	vadd.f32 v4, v1  }
0x8fc: {  	[tilespmem:$0x1BE0] =	vst v0  }
0x8fd: {  	s13 =	simm.s32 $0x160;
	[tilespmem:$0x1D70] =	vst v1  }
0x8fe: {  	v16 =	vld [tilespmem:s13+$0x0];
	_ =	sdelay $0x4  }
0x8ff: {  	v0 =	vand.u32 $0x7FFFFFFF, v16  }
0x900: {  	v0 =	vsub.f32 $0.0e+00, v0;
	_ =	sdelay $0x1  }
0x901: {  	v0 =	vmul.f32 $1.442695020e+00, v0  }
0x902: {  	s14 =	simm.s32 $0x2F0  }
0x903: {  	v10 =	vld [tilespmem:s14+$0x0];
	(erf) = vpow2.f32 v0;
	_ =	sdelay $0x4  }
0x904: {  	v0 =	vand.u32 $0x7FFFFFFF, v10  }
0x905: {  	s15 =	simm.s32 $0x480;
	v0 =	vsub.f32 $0.0e+00, v0  }
0x906: {  	v1 =	vld [tilespmem:s15+$0x0]  }
0x907: {  	v0 =	vmul.f32 $1.442695020e+00, v0  }
0x908: {  	v19 =	vpop (erf)  }
0x909: {  	(erf) = vpow2.f32 v0;
	v0 =	vmul.f32 $-6.151485720e-03, v19;
	_ =	sdelay $0x1  }
0x90a: {  	v2 =	vand.u32 $0x7FFFFFFF, v1;
	v0 =	vadd.f32 $3.484979640e-02, v0  }
0x90b: {  	v2 =	vsub.f32 $0.0e+00, v2  }
0x90c: {  	v0 =	vmul.f32 v0, v19  }
0x90d: {  	v2 =	vmul.f32 $1.442695020e+00, v2  }
0x90e: {  	v3 =	vadd.f32 $-9.325221920e-02, v0  }
0x90f: {  	(erf) = vpow2.f32 v2  }
0x910: {  	v3 =	vmul.f32 v3, v19  }
0x911: {  	s16 =	simm.s32 $0x610  }
0x912: {  	v9 =	vpop (erf);
	v0 =	vld [tilespmem:s16+$0x0];
	v3 =	vadd.f32 $1.658229530e-01, v3  }
0x913: {  	v2 =	vmul.f32 $-6.151485720e-03, v9  }
0x914: {  	v3 =	vmul.f32 v3, v19  }
0x915: {  	v2 =	vadd.f32 $3.484979640e-02, v2  }
0x916: {  	v3 =	vadd.f32 $-2.398262920e-01, v3  }
0x917: {  	v2 =	vmul.f32 v2, v9;
	v4 =	vand.u32 $0x7FFFFFFF, v0  }
0x918: {  	v8 =	vpop (erf);
	v4 =	vsub.f32 $0.0e+00, v4;
	v3 =	vmul.f32 v3, v19  }
0x919: {  	v7 =	vmul.f32 $-6.151485720e-03, v8;
	v2 =	vadd.f32 $-9.325221920e-02, v2  }
0x91a: {  	v4 =	vmul.f32 $1.442695020e+00, v4;
	v3 =	vadd.f32 $3.315486610e-01, v3  }
0x91b: {  	s30 =	simm.s32 $0x7A0;
	v7 =	vadd.f32 $3.484979640e-02, v7;
	v2 =	vmul.f32 v2, v9  }
0x91c: {  	v5 =	vld [tilespmem:s30+$0x0];
	(erf) = vpow2.f32 v4;
	v11 =	vmul.f32 v3, v19  }
0x91d: {  	v7 =	vmul.f32 v7, v8;
	v2 =	vadd.f32 $1.658229530e-01, v2  }
0x91e: {  	v15 =	vld [tilespmem:s13+$0xC80];
	v11 =	vadd.f32 $-4.998385610e-01, v11  }
0x91f: {  	v7 =	vadd.f32 $-9.325221920e-02, v7;
	v2 =	vmul.f32 v2, v9  }
0x920: {  	v11 =	vmul.f32 v11, v19  }
0x921: {  	v14 =	vand.u32 $0x7FFFFFFF, v5;
	v22 =	vmul.f32 v7, v8;
	v12 =	vadd.f32 $-2.398262920e-01, v2  }
0x922: {  	v21 =	vsub.f32 $0.0e+00, v14;
	v24 =	vadd.f32 $9.999942770e-01, v11  }
0x923: {  	v20 =	vmul.f32 v15, v16;
	v22 =	vadd.f32 $1.658229530e-01, v22;
	v12 =	vmul.f32 v12, v9  }
0x924: {  	v6 =	vld [tilespmem:s14+$0xC80];
	v16 =	vmax.f32 v16, $0.0e+00;
	v21 =	vmul.f32 $1.442695020e+00, v21;
	v19 =	vmul.f32 v24, v19  }
0x925: {  	s31 =	simm.s32 $0x930;
	v16 =	vsub.f32 v16, v20;
	v4 =	vld [tilespmem:s15+$0xC80];
	v22 =	vmul.f32 v22, v8;
	v23 =	vadd.f32 $3.315486610e-01, v12;
	v14 =	vpop (erf)  }
0x926: {  	v7 =	vld [tilespmem:s31+$0x0];
	(erf) = vpow2.f32 v21;
	v25 =	vmul.f32 $-6.151485720e-03, v14;
	v19 =	vadd.f32 $3.385588340e-08, v19  }
0x927: {  	v3 =	vld [tilespmem:s16+$0xC80];
	v22 =	vadd.f32 $-2.398262920e-01, v22;
	v23 =	vmul.f32 v23, v9  }
0x928: {  	v18 =	vimm.f32 $0.0e+00;
	v2 =	vld [tilespmem:s30+$0xC80];
	v24 =	vadd.f32 $3.484979640e-02, v25;
	v16 =	vadd.f32 v19, v16  }
0x929: {  	v17 =	vmul.f32 v6, v10;
	v26 =	vmul.f32 v22, v8;
	v23 =	vadd.f32 $-4.998385610e-01, v23  }
0x92a: {  	v20 =	vmul.f32 v24, v14;
	v19 =	vadd.f32 v16, v18;
	v22 =	vmul.f32 v16, v15;
	v16 =	vld [tilespmem:s31+$0xC80]  }
0x92b: {  	v13 =	vmul.f32 v4, v1;
	v23 =	vmul.f32 v23, v9;
	v24 =	vand.u32 $0x7FFFFFFF, v7  }
0x92c: {  	v12 =	vmul.f32 v3, v0;
	v24 =	vsub.f32 $0.0e+00, v24;
	v20 =	vadd.f32 $-9.325221920e-02, v20  }
0x92d: {  	v11 =	vmul.f32 v2, v5;
	v21 =	vadd.f32 $9.999942770e-01, v23;
	v23 =	vadd.f32 $3.315486610e-01, v26  }
0x92e: {  	s13 =	simm.s32 $0x2B00;
	v25 =	vmul.f32 $1.442695020e+00, v24;
	v24 =	vmul.f32 v20, v14;
	v20 =	vimm.f32 $0.0e+00  }
.LBB2_46:
0x92f: {  	v26 =	vmul.f32 v16, v7;
	v27 =	vpop (erf);
	v18 =	vadd.f32 v15, v18;
	v20 =	vadd.f32 v22, v20  }
0x930: {  	s14 =	sshra.s32 s13, $0x2;
	p0 =	sne.s32 s13, $0x3140;
	s13 =	sadd.s32 $0x640, s13;
	v15 =	vmovc v6;
	v6 =	vmovc v4;
	v4 =	vmov v3;
	v3 =	vmov v2;
	v2 =	vmov v16  }
0x931: {  	v22 =	vld [tilespmem:s14+$0x0];
	(erf) = vpow2.f32 v25;
	v16 =	vmul.f32 $-6.151485720e-03, v27;
	v24 =	vadd.f32 $1.658229530e-01, v24  }
0x932: {  	v10 =	vmax.f32 v10, $0.0e+00;
	v21 =	vmul.f32 v21, v9;
	v9 =	vmovc v8;
	v23 =	vmul.f32 v23, v8;
	v8 =	vmovc v14  }
0x933: {  	v28 =	vsub.f32 v10, v17;
	v17 =	vmovc v13;
	v13 =	vmovc v12;
	v25 =	vadd.f32 $3.484979640e-02, v16;
	v24 =	vmul.f32 v24, v8  }
0x934: {  	v12 =	vmovc v11;
	v14 =	vmovc v27;
	v21 =	vadd.f32 $3.385588340e-08, v21;
	v11 =	vmov v26;
	v23 =	vadd.f32 $-4.998385610e-01, v23  }
.Ltmp22:
0x935: {  	v10 =	vmovc v1;
	v1 =	vmovc v0;
	v0 =	vmov v5;
	v16 =	vld [tilespmem:s14+$0xC80];
	v25 =	vmul.f32 v25, v14;
	v24 =	vadd.f32 $-2.398262920e-01, v24;
	(pc) =	sbr.rel @p0 .LBB2_46-.Ltmp22, $4  }
0x936: {  	v5 =	vmovc v7;
	v27 =	vadd.f32 v21, v28;
	v23 =	vmul.f32 v23, v9;
	v26 =	vand.u32 $0x7FFFFFFF, v22;
	v7 =	vmovc v22  }
0x937: {  	v26 =	vsub.f32 $0.0e+00, v26;
	v28 =	vadd.f32 $-9.325221920e-02, v25;
	v29 =	vmul.f32 v24, v8  }
0x938: {  	v19 =	vadd.f32 v27, v19;
	v22 =	vmul.f32 v27, v15;
	v21 =	vadd.f32 $9.999942770e-01, v23  }
0x939: {  	v25 =	vmul.f32 $1.442695020e+00, v26;
	v24 =	vmul.f32 v28, v14;
	v23 =	vadd.f32 $3.315486610e-01, v29  }
0x93a: {  	_ = 	snop  }
0x93b: {  	(erf) = vpow2.f32 v25;
	_ =	sdelay $0x5  }
0x93c: {  	v25 =	vpop (erf)  }
0x93d: {  	v26 =	vmul.f32 $-6.151485720e-03, v25;
	_ =	sdelay $0x1  }
0x93e: {  	v26 =	vadd.f32 $3.484979640e-02, v26;
	v27 =	vpop (erf)  }
0x93f: {  	v28 =	vmul.f32 $-6.151485720e-03, v27  }
0x940: {  	v26 =	vmul.f32 v26, v25  }
0x941: {  	v28 =	vadd.f32 $3.484979640e-02, v28  }
0x942: {  	v26 =	vadd.f32 $-9.325221920e-02, v26  }
0x943: {  	v24 =	vadd.f32 $1.658229530e-01, v24;
	v28 =	vmul.f32 v28, v27  }
0x944: {  	v26 =	vmul.f32 v26, v25  }
0x945: {  	v24 =	vmul.f32 v24, v14;
	v28 =	vadd.f32 $-9.325221920e-02, v28  }
0x946: {  	v15 =	vadd.f32 v15, v18;
	v18 =	vadd.f32 $1.658229530e-01, v26  }
0x947: {  	v9 =	vmul.f32 v21, v9;
	v24 =	vadd.f32 $-2.398262920e-01, v24;
	v26 =	vmul.f32 v28, v27  }
0x948: {  	v10 =	vmax.f32 v10, $0.0e+00;
	v23 =	vmul.f32 v23, v8;
	v18 =	vmul.f32 v18, v25  }
0x949: {  	v10 =	vsub.f32 v10, v17;
	v17 =	vmul.f32 v24, v14;
	v21 =	vadd.f32 $1.658229530e-01, v26  }
0x94a: {  	v23 =	vadd.f32 $-4.998385610e-01, v23;
	v18 =	vadd.f32 $-2.398262920e-01, v18  }
0x94b: {  	v9 =	vadd.f32 $3.385588340e-08, v9;
	v17 =	vadd.f32 $3.315486610e-01, v17;
	v21 =	vmul.f32 v21, v27  }
0x94c: {  	v20 =	vadd.f32 v22, v20;
	v22 =	vmul.f32 v23, v8;
	v18 =	vmul.f32 v18, v25  }
0x94d: {  	v9 =	vadd.f32 v9, v10;
	v10 =	vmul.f32 v17, v14;
	v17 =	vadd.f32 $-2.398262920e-01, v21  }
0x94e: {  	v1 =	vmax.f32 v1, $0.0e+00;
	v18 =	vadd.f32 $3.315486610e-01, v18;
	v21 =	vadd.f32 $9.999942770e-01, v22  }
0x94f: {  	v0 =	vmax.f32 v0, $0.0e+00;
	v10 =	vadd.f32 $-4.998385610e-01, v10;
	v17 =	vmul.f32 v17, v27  }
0x950: {  	v1 =	vsub.f32 v1, v13;
	v18 =	vmul.f32 v18, v25;
	v8 =	vmul.f32 v21, v8  }
0x951: {  	v0 =	vsub.f32 v0, v12;
	v10 =	vmul.f32 v10, v14;
	v13 =	vadd.f32 $3.315486610e-01, v17  }
0x952: {  	v8 =	vadd.f32 $3.385588340e-08, v8;
	v17 =	vadd.f32 $-4.998385610e-01, v18  }
0x953: {  	v19 =	vadd.f32 v9, v19;
	v10 =	vadd.f32 $9.999942770e-01, v10;
	v13 =	vmul.f32 v13, v27  }
0x954: {  	v9 =	vmul.f32 v9, v6;
	v1 =	vadd.f32 v8, v1;
	v8 =	vmul.f32 v17, v25  }
0x955: {  	v6 =	vadd.f32 v6, v15;
	v10 =	vmul.f32 v10, v14;
	v13 =	vadd.f32 $-4.998385610e-01, v13  }
0x956: {  	v9 =	vadd.f32 v9, v20;
	v8 =	vadd.f32 $9.999942770e-01, v8  }
0x957: {  	v10 =	vadd.f32 $3.385588340e-08, v10;
	v14 =	vadd.f32 v1, v19;
	v12 =	vmul.f32 v13, v27  }
0x958: {  	v1 =	vmul.f32 v1, v4;
	v4 =	vadd.f32 v4, v6;
	v6 =	vmul.f32 v8, v25  }
0x959: {  	v5 =	vmax.f32 v5, $0.0e+00;
	v0 =	vadd.f32 v10, v0;
	v8 =	vadd.f32 $9.999942770e-01, v12  }
0x95a: {  	v5 =	vsub.f32 v5, v11;
	v10 =	vmul.f32 v16, v7;
	v6 =	vadd.f32 $3.385588340e-08, v6  }
0x95b: {  	v1 =	vadd.f32 v1, v9;
	v9 =	vmul.f32 v0, v3;
	v8 =	vmul.f32 v8, v27  }
0x95c: {  	v3 =	vadd.f32 v3, v4;
	v4 =	vadd.f32 v6, v5;
	v5 =	vmax.f32 v7, $0.0e+00  }
0x95d: {  	v5 =	vsub.f32 v5, v10;
	v6 =	vadd.f32 $3.385588340e-08, v8  }
0x95e: {  	v0 =	vadd.f32 v0, v14;
	v1 =	vadd.f32 v9, v1  }
0x95f: {  	v7 =	vmul.f32 v4, v2;
	v2 =	vadd.f32 v2, v3;
	v3 =	vadd.f32 v6, v5  }
0x960: {  	v0 =	vadd.f32 v4, v0  }
0x961: {  	v1 =	vadd.f32 v7, v1;
	v2 =	vadd.f32 v16, v2;
	v4 =	vmul.f32 v3, v16  }
0x962: {  	v0 =	vadd.f32 v3, v0  }
0x963: {  	[tilespmem:$0x1A60] =	vst v2;
	v1 =	vadd.f32 v4, v1  }
0x964: {  	[tilespmem:$0x1BF0] =	vst v0  }
0x965: {  	s13 =	simm.s32 $0x170;
	[tilespmem:$0x1D80] =	vst v1  }
0x966: {  	v16 =	vld [tilespmem:s13+$0x0];
	_ =	sdelay $0x4  }
0x967: {  	v0 =	vand.u32 $0x7FFFFFFF, v16  }
0x968: {  	v0 =	vsub.f32 $0.0e+00, v0;
	_ =	sdelay $0x1  }
0x969: {  	v0 =	vmul.f32 $1.442695020e+00, v0  }
0x96a: {  	s14 =	simm.s32 $0x300  }
0x96b: {  	v10 =	vld [tilespmem:s14+$0x0];
	(erf) = vpow2.f32 v0;
	_ =	sdelay $0x4  }
0x96c: {  	v0 =	vand.u32 $0x7FFFFFFF, v10  }
0x96d: {  	s15 =	simm.s32 $0x490;
	v0 =	vsub.f32 $0.0e+00, v0  }
0x96e: {  	v1 =	vld [tilespmem:s15+$0x0]  }
0x96f: {  	v0 =	vmul.f32 $1.442695020e+00, v0  }
0x970: {  	v19 =	vpop (erf)  }
0x971: {  	(erf) = vpow2.f32 v0;
	v0 =	vmul.f32 $-6.151485720e-03, v19;
	_ =	sdelay $0x1  }
0x972: {  	v2 =	vand.u32 $0x7FFFFFFF, v1;
	v0 =	vadd.f32 $3.484979640e-02, v0  }
0x973: {  	v2 =	vsub.f32 $0.0e+00, v2  }
0x974: {  	v0 =	vmul.f32 v0, v19  }
0x975: {  	v2 =	vmul.f32 $1.442695020e+00, v2  }
0x976: {  	v3 =	vadd.f32 $-9.325221920e-02, v0  }
0x977: {  	(erf) = vpow2.f32 v2  }
0x978: {  	v3 =	vmul.f32 v3, v19  }
0x979: {  	s16 =	simm.s32 $0x620  }
0x97a: {  	v9 =	vpop (erf);
	v0 =	vld [tilespmem:s16+$0x0];
	v3 =	vadd.f32 $1.658229530e-01, v3  }
0x97b: {  	v2 =	vmul.f32 $-6.151485720e-03, v9  }
0x97c: {  	v3 =	vmul.f32 v3, v19  }
0x97d: {  	v2 =	vadd.f32 $3.484979640e-02, v2  }
0x97e: {  	v3 =	vadd.f32 $-2.398262920e-01, v3  }
0x97f: {  	v2 =	vmul.f32 v2, v9;
	v4 =	vand.u32 $0x7FFFFFFF, v0  }
0x980: {  	v8 =	vpop (erf);
	v4 =	vsub.f32 $0.0e+00, v4;
	v3 =	vmul.f32 v3, v19  }
0x981: {  	v7 =	vmul.f32 $-6.151485720e-03, v8;
	v2 =	vadd.f32 $-9.325221920e-02, v2  }
0x982: {  	v4 =	vmul.f32 $1.442695020e+00, v4;
	v3 =	vadd.f32 $3.315486610e-01, v3  }
0x983: {  	s30 =	simm.s32 $0x7B0;
	v7 =	vadd.f32 $3.484979640e-02, v7;
	v2 =	vmul.f32 v2, v9  }
0x984: {  	v5 =	vld [tilespmem:s30+$0x0];
	(erf) = vpow2.f32 v4;
	v11 =	vmul.f32 v3, v19  }
0x985: {  	v7 =	vmul.f32 v7, v8;
	v2 =	vadd.f32 $1.658229530e-01, v2  }
0x986: {  	v15 =	vld [tilespmem:s13+$0xC80];
	v11 =	vadd.f32 $-4.998385610e-01, v11  }
0x987: {  	v7 =	vadd.f32 $-9.325221920e-02, v7;
	v2 =	vmul.f32 v2, v9  }
0x988: {  	v11 =	vmul.f32 v11, v19  }
0x989: {  	v14 =	vand.u32 $0x7FFFFFFF, v5;
	v22 =	vmul.f32 v7, v8;
	v12 =	vadd.f32 $-2.398262920e-01, v2  }
0x98a: {  	v21 =	vsub.f32 $0.0e+00, v14;
	v24 =	vadd.f32 $9.999942770e-01, v11  }
0x98b: {  	v20 =	vmul.f32 v15, v16;
	v22 =	vadd.f32 $1.658229530e-01, v22;
	v12 =	vmul.f32 v12, v9  }
0x98c: {  	v6 =	vld [tilespmem:s14+$0xC80];
	v16 =	vmax.f32 v16, $0.0e+00;
	v21 =	vmul.f32 $1.442695020e+00, v21;
	v19 =	vmul.f32 v24, v19  }
0x98d: {  	s31 =	simm.s32 $0x940;
	v16 =	vsub.f32 v16, v20;
	v4 =	vld [tilespmem:s15+$0xC80];
	v22 =	vmul.f32 v22, v8;
	v23 =	vadd.f32 $3.315486610e-01, v12;
	v14 =	vpop (erf)  }
0x98e: {  	v7 =	vld [tilespmem:s31+$0x0];
	(erf) = vpow2.f32 v21;
	v25 =	vmul.f32 $-6.151485720e-03, v14;
	v19 =	vadd.f32 $3.385588340e-08, v19  }
0x98f: {  	v3 =	vld [tilespmem:s16+$0xC80];
	v22 =	vadd.f32 $-2.398262920e-01, v22;
	v23 =	vmul.f32 v23, v9  }
0x990: {  	v18 =	vimm.f32 $0.0e+00;
	v2 =	vld [tilespmem:s30+$0xC80];
	v24 =	vadd.f32 $3.484979640e-02, v25;
	v16 =	vadd.f32 v19, v16  }
0x991: {  	v17 =	vmul.f32 v6, v10;
	v26 =	vmul.f32 v22, v8;
	v23 =	vadd.f32 $-4.998385610e-01, v23  }
0x992: {  	v20 =	vmul.f32 v24, v14;
	v19 =	vadd.f32 v16, v18;
	v22 =	vmul.f32 v16, v15;
	v16 =	vld [tilespmem:s31+$0xC80]  }
0x993: {  	v13 =	vmul.f32 v4, v1;
	v23 =	vmul.f32 v23, v9;
	v24 =	vand.u32 $0x7FFFFFFF, v7  }
0x994: {  	v12 =	vmul.f32 v3, v0;
	v24 =	vsub.f32 $0.0e+00, v24;
	v20 =	vadd.f32 $-9.325221920e-02, v20  }
0x995: {  	v11 =	vmul.f32 v2, v5;
	v21 =	vadd.f32 $9.999942770e-01, v23;
	v23 =	vadd.f32 $3.315486610e-01, v26  }
0x996: {  	s13 =	simm.s32 $0x2B40;
	v25 =	vmul.f32 $1.442695020e+00, v24;
	v24 =	vmul.f32 v20, v14;
	v20 =	vimm.f32 $0.0e+00  }
.LBB2_48:
0x997: {  	v26 =	vmul.f32 v16, v7;
	v27 =	vpop (erf);
	v18 =	vadd.f32 v15, v18;
	v20 =	vadd.f32 v22, v20  }
0x998: {  	s14 =	sshra.s32 s13, $0x2;
	p0 =	sne.s32 s13, $0x3180;
	s13 =	sadd.s32 $0x640, s13;
	v15 =	vmovc v6;
	v6 =	vmovc v4;
	v4 =	vmov v3;
	v3 =	vmov v2;
	v2 =	vmov v16  }
0x999: {  	v22 =	vld [tilespmem:s14+$0x0];
	(erf) = vpow2.f32 v25;
	v16 =	vmul.f32 $-6.151485720e-03, v27;
	v24 =	vadd.f32 $1.658229530e-01, v24  }
0x99a: {  	v10 =	vmax.f32 v10, $0.0e+00;
	v21 =	vmul.f32 v21, v9;
	v9 =	vmovc v8;
	v23 =	vmul.f32 v23, v8;
	v8 =	vmovc v14  }
0x99b: {  	v28 =	vsub.f32 v10, v17;
	v17 =	vmovc v13;
	v13 =	vmovc v12;
	v25 =	vadd.f32 $3.484979640e-02, v16;
	v24 =	vmul.f32 v24, v8  }
0x99c: {  	v12 =	vmovc v11;
	v14 =	vmovc v27;
	v21 =	vadd.f32 $3.385588340e-08, v21;
	v11 =	vmov v26;
	v23 =	vadd.f32 $-4.998385610e-01, v23  }
.Ltmp23:
0x99d: {  	v10 =	vmovc v1;
	v1 =	vmovc v0;
	v0 =	vmov v5;
	v16 =	vld [tilespmem:s14+$0xC80];
	v25 =	vmul.f32 v25, v14;
	v24 =	vadd.f32 $-2.398262920e-01, v24;
	(pc) =	sbr.rel @p0 .LBB2_48-.Ltmp23, $4  }
0x99e: {  	v5 =	vmovc v7;
	v27 =	vadd.f32 v21, v28;
	v23 =	vmul.f32 v23, v9;
	v26 =	vand.u32 $0x7FFFFFFF, v22;
	v7 =	vmovc v22  }
0x99f: {  	v26 =	vsub.f32 $0.0e+00, v26;
	v28 =	vadd.f32 $-9.325221920e-02, v25;
	v29 =	vmul.f32 v24, v8  }
0x9a0: {  	v19 =	vadd.f32 v27, v19;
	v22 =	vmul.f32 v27, v15;
	v21 =	vadd.f32 $9.999942770e-01, v23  }
0x9a1: {  	v25 =	vmul.f32 $1.442695020e+00, v26;
	v24 =	vmul.f32 v28, v14;
	v23 =	vadd.f32 $3.315486610e-01, v29  }
0x9a2: {  	_ = 	snop  }
0x9a3: {  	(erf) = vpow2.f32 v25;
	_ =	sdelay $0x5  }
0x9a4: {  	v25 =	vpop (erf)  }
0x9a5: {  	v26 =	vmul.f32 $-6.151485720e-03, v25;
	_ =	sdelay $0x1  }
0x9a6: {  	v26 =	vadd.f32 $3.484979640e-02, v26;
	v27 =	vpop (erf)  }
0x9a7: {  	v28 =	vmul.f32 $-6.151485720e-03, v27  }
0x9a8: {  	v26 =	vmul.f32 v26, v25  }
0x9a9: {  	v28 =	vadd.f32 $3.484979640e-02, v28  }
0x9aa: {  	v26 =	vadd.f32 $-9.325221920e-02, v26  }
0x9ab: {  	v24 =	vadd.f32 $1.658229530e-01, v24;
	v28 =	vmul.f32 v28, v27  }
0x9ac: {  	v26 =	vmul.f32 v26, v25  }
0x9ad: {  	v24 =	vmul.f32 v24, v14;
	v28 =	vadd.f32 $-9.325221920e-02, v28  }
0x9ae: {  	v15 =	vadd.f32 v15, v18;
	v18 =	vadd.f32 $1.658229530e-01, v26  }
0x9af: {  	v9 =	vmul.f32 v21, v9;
	v24 =	vadd.f32 $-2.398262920e-01, v24;
	v26 =	vmul.f32 v28, v27  }
0x9b0: {  	v10 =	vmax.f32 v10, $0.0e+00;
	v23 =	vmul.f32 v23, v8;
	v18 =	vmul.f32 v18, v25  }
0x9b1: {  	v10 =	vsub.f32 v10, v17;
	v17 =	vmul.f32 v24, v14;
	v21 =	vadd.f32 $1.658229530e-01, v26  }
0x9b2: {  	v23 =	vadd.f32 $-4.998385610e-01, v23;
	v18 =	vadd.f32 $-2.398262920e-01, v18  }
0x9b3: {  	v9 =	vadd.f32 $3.385588340e-08, v9;
	v17 =	vadd.f32 $3.315486610e-01, v17;
	v21 =	vmul.f32 v21, v27  }
0x9b4: {  	v20 =	vadd.f32 v22, v20;
	v22 =	vmul.f32 v23, v8;
	v18 =	vmul.f32 v18, v25  }
0x9b5: {  	v9 =	vadd.f32 v9, v10;
	v10 =	vmul.f32 v17, v14;
	v17 =	vadd.f32 $-2.398262920e-01, v21  }
0x9b6: {  	v1 =	vmax.f32 v1, $0.0e+00;
	v18 =	vadd.f32 $3.315486610e-01, v18;
	v21 =	vadd.f32 $9.999942770e-01, v22  }
0x9b7: {  	v0 =	vmax.f32 v0, $0.0e+00;
	v10 =	vadd.f32 $-4.998385610e-01, v10;
	v17 =	vmul.f32 v17, v27  }
0x9b8: {  	v1 =	vsub.f32 v1, v13;
	v18 =	vmul.f32 v18, v25;
	v8 =	vmul.f32 v21, v8  }
0x9b9: {  	v0 =	vsub.f32 v0, v12;
	v10 =	vmul.f32 v10, v14;
	v13 =	vadd.f32 $3.315486610e-01, v17  }
0x9ba: {  	v8 =	vadd.f32 $3.385588340e-08, v8;
	v17 =	vadd.f32 $-4.998385610e-01, v18  }
0x9bb: {  	v19 =	vadd.f32 v9, v19;
	v10 =	vadd.f32 $9.999942770e-01, v10;
	v13 =	vmul.f32 v13, v27  }
0x9bc: {  	v9 =	vmul.f32 v9, v6;
	v1 =	vadd.f32 v8, v1;
	v8 =	vmul.f32 v17, v25  }
0x9bd: {  	v6 =	vadd.f32 v6, v15;
	v10 =	vmul.f32 v10, v14;
	v13 =	vadd.f32 $-4.998385610e-01, v13  }
0x9be: {  	v9 =	vadd.f32 v9, v20;
	v8 =	vadd.f32 $9.999942770e-01, v8  }
0x9bf: {  	v10 =	vadd.f32 $3.385588340e-08, v10;
	v14 =	vadd.f32 v1, v19;
	v12 =	vmul.f32 v13, v27  }
0x9c0: {  	v1 =	vmul.f32 v1, v4;
	v4 =	vadd.f32 v4, v6;
	v6 =	vmul.f32 v8, v25  }
0x9c1: {  	v5 =	vmax.f32 v5, $0.0e+00;
	v0 =	vadd.f32 v10, v0;
	v8 =	vadd.f32 $9.999942770e-01, v12  }
0x9c2: {  	v5 =	vsub.f32 v5, v11;
	v10 =	vmul.f32 v16, v7;
	v6 =	vadd.f32 $3.385588340e-08, v6  }
0x9c3: {  	v1 =	vadd.f32 v1, v9;
	v9 =	vmul.f32 v0, v3;
	v8 =	vmul.f32 v8, v27  }
0x9c4: {  	v3 =	vadd.f32 v3, v4;
	v4 =	vadd.f32 v6, v5;
	v5 =	vmax.f32 v7, $0.0e+00  }
0x9c5: {  	v5 =	vsub.f32 v5, v10;
	v6 =	vadd.f32 $3.385588340e-08, v8  }
0x9c6: {  	v0 =	vadd.f32 v0, v14;
	v1 =	vadd.f32 v9, v1  }
0x9c7: {  	v7 =	vmul.f32 v4, v2;
	v2 =	vadd.f32 v2, v3;
	v3 =	vadd.f32 v6, v5  }
0x9c8: {  	v0 =	vadd.f32 v4, v0  }
0x9c9: {  	v1 =	vadd.f32 v7, v1;
	v2 =	vadd.f32 v16, v2;
	v4 =	vmul.f32 v3, v16  }
0x9ca: {  	v0 =	vadd.f32 v3, v0  }
0x9cb: {  	s13 =	simm.s32 $0x0;
	[tilespmem:$0x1A70] =	vst v2;
	v1 =	vadd.f32 v4, v1  }
0x9cc: {  	s13 =	sand.u32 $0x3FFFFF80, s13;
	[tilespmem:$0x1C00] =	vst v0  }
0x9cd: {  	s14 =	sadd.s32 $0x180, s13;
	[tilespmem:$0x1D90] =	vst v1  }
0x9ce: {  	v9 =	vld [tilespmem:s14+$0x0];
	_ =	sdelay $0x4  }
0x9cf: {  	v0 =	vand.u32 $0x7FFFFFFF, v9  }
0x9d0: {  	v0 =	vsub.f32 $0.0e+00, v0  }
0x9d1: {  	s19 =	simm.s32 $0x190  }
0x9d2: {  	s14 =	sand.u32 $0x3FFFFF80, s19;
	v0 =	vmul.f32 $1.442695020e+00, v0  }
0x9d3: {  	s15 =	sadd.s32 $0x190, s14  }
0x9d4: {  	v5 =	vld [tilespmem:s15+$0x0];
	(erf) = vpow2.f32 v0;
	_ =	sdelay $0x4  }
0x9d5: {  	v0 =	vand.u32 $0x7FFFFFFF, v5  }
0x9d6: {  	v0 =	vsub.f32 $0.0e+00, v0;
	_ =	sdelay $0x1  }
0x9d7: {  	s20 =	simm.s32 $0x320;
	v1 =	vmul.f32 $1.442695020e+00, v0  }
0x9d8: {  	s15 =	sand.u32 $0x3FFFFF80, s20;
	v17 =	vpop (erf)  }
0x9d9: {  	s16 =	sadd.s32 $0x1A0, s15;
	(erf) = vpow2.f32 v1;
	v1 =	vmul.f32 $-6.151485720e-03, v17  }
0x9da: {  	v0 =	vld [tilespmem:s16+$0x0]  }
0x9db: {  	v1 =	vadd.f32 $3.484979640e-02, v1;
	_ =	sdelay $0x1  }
0x9dc: {  	v1 =	vmul.f32 v1, v17;
	_ =	sdelay $0x1  }
0x9dd: {  	v2 =	vand.u32 $0x7FFFFFFF, v0;
	v1 =	vadd.f32 $-9.325221920e-02, v1  }
0x9de: {  	v2 =	vsub.f32 $0.0e+00, v2  }
0x9df: {  	s21 =	simm.s32 $0x4B0;
	v3 =	vmul.f32 v1, v17  }
0x9e0: {  	s16 =	sand.u32 $0x3FFFFF80, s21;
	v2 =	vmul.f32 $1.442695020e+00, v2  }
0x9e1: {  	s17 =	sadd.s32 $0x1B0, s16;
	v12 =	vpop (erf);
	v3 =	vadd.f32 $1.658229530e-01, v3  }
0x9e2: {  	v1 =	vld [tilespmem:s17+$0x0];
	(erf) = vpow2.f32 v2;
	v2 =	vmul.f32 $-6.151485720e-03, v12  }
0x9e3: {  	v3 =	vmul.f32 v3, v17  }
0x9e4: {  	v2 =	vadd.f32 $3.484979640e-02, v2  }
0x9e5: {  	v3 =	vadd.f32 $-2.398262920e-01, v3  }
0x9e6: {  	v2 =	vmul.f32 v2, v12  }
0x9e7: {  	v4 =	vand.u32 $0x7FFFFFFF, v1;
	v3 =	vmul.f32 v3, v17  }
0x9e8: {  	v4 =	vsub.f32 $0.0e+00, v4;
	v2 =	vadd.f32 $-9.325221920e-02, v2  }
0x9e9: {  	v3 =	vadd.f32 $3.315486610e-01, v3  }
0x9ea: {  	s24 =	simm.s32 $0x640;
	v6 =	vmul.f32 $1.442695020e+00, v4;
	v10 =	vmul.f32 v2, v12  }
0x9eb: {  	s13 =	sadd.s32 $0xE00, s13;
	s22 =	sadd.s32 $0xE10, s14;
	s14 =	sand.u32 $0x3FFFFF80, s24;
	v8 =	vpop (erf);
	v13 =	vmul.f32 v3, v17  }
0x9ec: {  	v20 =	vld [tilespmem:s13+$0x0];
	s26 =	sadd.s32 $0x1C0, s14;
	(erf) = vpow2.f32 v6;
	v11 =	vmul.f32 $-6.151485720e-03, v8;
	v10 =	vadd.f32 $1.658229530e-01, v10  }
0x9ed: {  	v6 =	vld [tilespmem:s26+$0x0];
	v15 =	vadd.f32 $-4.998385610e-01, v13  }
0x9ee: {  	v7 =	vld [tilespmem:s22+$0x0];
	s23 =	sadd.s32 $0xE20, s15;
	v11 =	vadd.f32 $3.484979640e-02, v11;
	v10 =	vmul.f32 v10, v12  }
0x9ef: {  	v4 =	vld [tilespmem:s23+$0x0];
	v15 =	vmul.f32 v15, v17  }
0x9f0: {  	s29 =	simm.s32 $0x7D0;
	v14 =	vimm.f32 $0.0e+00;
	s25 =	sadd.s32 $0xE30, s16;
	v11 =	vmul.f32 v11, v8;
	v19 =	vadd.f32 $-2.398262920e-01, v10  }
0x9f1: {  	s13 =	sand.u32 $0x3FFFFF80, s29;
	v18 =	vmul.f32 v20, v9;
	v24 =	vmax.f32 v9, $0.0e+00;
	v2 =	vld [tilespmem:s25+$0x0];
	v23 =	vadd.f32 $9.999942770e-01, v15  }
0x9f2: {  	s28 =	sadd.s32 $0xE40, s14;
	v21 =	vand.u32 $0x7FFFFFFF, v6;
	v22 =	vadd.f32 $-9.325221920e-02, v11;
	v19 =	vmul.f32 v19, v12  }
0x9f3: {  	s30 =	sadd.s32 $0x1D0, s13;
	v16 =	vmul.f32 v7, v5;
	v3 =	vld [tilespmem:s28+$0x0];
	v21 =	vsub.f32 $0.0e+00, v21;
	v17 =	vmul.f32 v23, v17  }
0x9f4: {  	v9 =	vld [tilespmem:s30+$0x0];
	v13 =	vmul.f32 v4, v0;
	v22 =	vmul.f32 v22, v8;
	v19 =	vadd.f32 $3.315486610e-01, v19  }
0x9f5: {  	v21 =	vmul.f32 $1.442695020e+00, v21;
	v15 =	vpop (erf);
	v23 =	vsub.f32 v24, v18;
	v17 =	vadd.f32 $3.385588340e-08, v17  }
0x9f6: {  	s31 =	sadd.s32 $0xE50, s13;
	v10 =	vmul.f32 v2, v1;
	v22 =	vadd.f32 $1.658229530e-01, v22;
	v18 =	vmul.f32 $-6.151485720e-03, v15  }
0x9f7: {  	(erf) = vpow2.f32 v21;
	v19 =	vmul.f32 v19, v12;
	v26 =	vadd.f32 v17, v23;
	v17 =	vld [tilespmem:s31+$0x0]  }
0x9f8: {  	v11 =	vmul.f32 v3, v6;
	v25 =	vmul.f32 v22, v8;
	v21 =	vadd.f32 $3.484979640e-02, v18  }
0x9f9: {  	v22 =	vand.u32 $0x7FFFFFFF, v9;
	v18 =	vadd.f32 v20, v14;
	v19 =	vadd.f32 $-4.998385610e-01, v19  }
0x9fa: {  	v22 =	vsub.f32 $0.0e+00, v22;
	v23 =	vadd.f32 $-2.398262920e-01, v25;
	v24 =	vmul.f32 v21, v15  }
0x9fb: {  	s13 =	simm.s32 $0x1D0;
	s14 =	simm.s32 $0xE50;
	s15 =	simm.s32 $0x960;
	v21 =	vmul.f32 v19, v12;
	v19 =	vadd.f32 v26, v14;
	v20 =	vmul.f32 v26, v20  }
.LBB2_50:
0x9fc: {  	v25 =	vmul.f32 v17, v9;
	v27 =	vadd.f32 $-9.325221920e-02, v24;
	s17 =	smov.u32 s15  }
0x9fd: {  	s16 =	sand.u32 $0x3FFFFF80, s15;
	s13 =	sadd.s32 $0x10, s13;
	v23 =	vmul.f32 v23, v8;
	v26 =	vmovc v4;
	v4 =	vmovc v2;
	v2 =	vmov v3;
	v3 =	vmov v17;
	s17 =	sadd.s32 $0x190, s15  }
0x9fe: {  	p0 =	sne.s32 s15, $0xAF0;
	v17 =	vmax.f32 v5, $0.0e+00;
	v5 =	vmovc v0;
	v0 =	vmovc v1;
	s18 =	sadd.s32 s16, s13;
	v21 =	vadd.f32 $9.999942770e-01, v21;
	v14 =	vadd.f32 v20, v14  }
0x9ff: {  	v1 =	vmovc v6;
	v6 =	vmovc v9;
	v20 =	vmul.f32 $1.442695020e+00, v22;
	v22 =	vmul.f32 v27, v15;
	v23 =	vadd.f32 $3.315486610e-01, v23;
	v9 =	vld [tilespmem:s18+$0x0]  }
0xa00: {  	s14 =	sadd.s32 $0x10, s14;
	v27 =	vsub.f32 v17, v16;
	v16 =	vmov v13;
	v28 =	vmul.f32 v21, v12;
	v24 =	vpop (erf)  }
0xa01: {  	s15 =	sadd.s32 s16, s14;
	v13 =	vmovc v10;
	v10 =	vmovc v11;
	v21 =	vadd.f32 $1.658229530e-01, v22;
	(erf) = vpow2.f32 v20;
	v20 =	vmul.f32 $-6.151485720e-03, v24  }
.Ltmp24:
0xa02: {  	v11 =	vmovc v25;
	v12 =	vmovc v8;
	v22 =	vmul.f32 v23, v8;
	v8 =	vmov v15;
	v23 =	vadd.f32 $3.385588340e-08, v28;
	v17 =	vld [tilespmem:s15+$0x0];
	(pc) =	sbr.rel @p0 .LBB2_50-.Ltmp24, $4  }
0xa03: {  	v18 =	vadd.f32 v7, v18;
	v15 =	vmovc v24;
	v21 =	vmul.f32 v21, v8;
	v20 =	vadd.f32 $3.484979640e-02, v20  }
0xa04: {  	v25 =	vadd.f32 $-4.998385610e-01, v22;
	v27 =	vadd.f32 v23, v27;
	v24 =	vand.u32 $0x7FFFFFFF, v9  }
0xa05: {  	v23 =	vadd.f32 $-2.398262920e-01, v21;
	v22 =	vsub.f32 $0.0e+00, v24;
	v24 =	vmul.f32 v20, v15  }
0xa06: {  	s15 =	smov.u32 s17;
	v21 =	vmul.f32 v25, v12;
	v19 =	vadd.f32 v27, v19;
	v20 =	vmul.f32 v27, v7;
	v7 =	vmovc v26  }
0xa07: {  	v22 =	vmul.f32 $1.442695020e+00, v22;
	_ =	sdelay $0x1  }
0xa08: {  	(erf) = vpow2.f32 v22;
	_ =	sdelay $0x5  }
0xa09: {  	v36 =	vpop (erf)  }
0xa0a: {  	v25 =	vmul.f32 $-6.151485720e-03, v36;
	_ =	sdelay $0x1  }
0xa0b: {  	v25 =	vadd.f32 $3.484979640e-02, v25;
	v26 =	vpop (erf)  }
0xa0c: {  	v27 =	vmul.f32 $-6.151485720e-03, v26  }
0xa0d: {  	v25 =	vmul.f32 v25, v36  }
0xa0e: {  	v24 =	vadd.f32 $-9.325221920e-02, v24;
	v27 =	vadd.f32 $3.484979640e-02, v27  }
0xa0f: {  	v25 =	vadd.f32 $-9.325221920e-02, v25  }
0xa10: {  	v24 =	vmul.f32 v24, v15;
	v27 =	vmul.f32 v27, v26  }
0xa11: {  	v25 =	vmul.f32 v25, v36  }
0xa12: {  	v23 =	vmul.f32 v23, v8;
	v24 =	vadd.f32 $1.658229530e-01, v24;
	v27 =	vadd.f32 $-9.325221920e-02, v27  }
0xa13: {  	v5 =	vmax.f32 v5, $0.0e+00;
	v18 =	vadd.f32 v7, v18;
	v25 =	vadd.f32 $1.658229530e-01, v25  }
0xa14: {  	v21 =	vadd.f32 $9.999942770e-01, v21;
	v24 =	vmul.f32 v24, v15;
	v27 =	vmul.f32 v27, v26  }
0xa15: {  	v5 =	vsub.f32 v5, v16;
	v23 =	vadd.f32 $3.315486610e-01, v23;
	v25 =	vmul.f32 v25, v36  }
0xa16: {  	v24 =	vadd.f32 $-2.398262920e-01, v24;
	v38 =	vadd.f32 $1.658229530e-01, v27  }
0xa17: {  	v12 =	vmul.f32 v21, v12;
	v23 =	vmul.f32 v23, v8;
	v25 =	vadd.f32 $-2.398262920e-01, v25  }
0xa18: {  	v14 =	vadd.f32 v20, v14;
	v37 =	vmul.f32 v24, v15;
	v40 =	vmul.f32 v38, v26  }
0xa19: {  	v12 =	vadd.f32 $3.385588340e-08, v12;
	v23 =	vadd.f32 $-4.998385610e-01, v23;
	v41 =	vmul.f32 v25, v36  }
0xa1a: {  	v39 =	vadd.f32 $3.315486610e-01, v37;
	v42 =	vadd.f32 $-2.398262920e-01, v40  }
0xa1b: {  	v0 =	vmax.f32 v0, $0.0e+00;
	v5 =	vadd.f32 v12, v5;
	v44 =	vadd.f32 $3.315486610e-01, v41  }
0xa1c: {  	v0 =	vsub.f32 v0, v13;
	v16 =	vmul.f32 v39, v15;
	v20 =	vmul.f32 v42, v26  }
0xa1d: {  	v43 =	vmul.f32 v23, v8;
	v19 =	vadd.f32 v5, v19;
	v21 =	vmul.f32 v44, v36  }
0xa1e: {  	v1 =	vmax.f32 v1, $0.0e+00;
	v16 =	vadd.f32 $-4.998385610e-01, v16;
	v46 =	vadd.f32 $3.315486610e-01, v20  }
0xa1f: {  	v5 =	vmul.f32 v5, v7;
	v12 =	vadd.f32 $9.999942770e-01, v43;
	v48 =	vadd.f32 $-4.998385610e-01, v21  }
0xa20: {  	v1 =	vsub.f32 v1, v10;
	v45 =	vmul.f32 v16, v15;
	v49 =	vmul.f32 v46, v26  }
0xa21: {  	v5 =	vadd.f32 v5, v14;
	v47 =	vmul.f32 v12, v8;
	v12 =	vmul.f32 v48, v36  }
0xa22: {  	v7 =	vadd.f32 $9.999942770e-01, v45;
	v14 =	vadd.f32 $-4.998385610e-01, v49  }
0xa23: {  	v6 =	vmax.f32 v6, $0.0e+00;
	v8 =	vadd.f32 $3.385588340e-08, v47;
	v51 =	vadd.f32 $9.999942770e-01, v12  }
0xa24: {  	v6 =	vsub.f32 v6, v11;
	v7 =	vmul.f32 v7, v15;
	v52 =	vmul.f32 v14, v26  }
0xa25: {  	v50 =	vadd.f32 v4, v18;
	v0 =	vadd.f32 v8, v0;
	v54 =	vmul.f32 v51, v36  }
0xa26: {  	v56 =	vmul.f32 v17, v9;
	v7 =	vadd.f32 $3.385588340e-08, v7;
	v55 =	vadd.f32 $9.999942770e-01, v52  }
0xa27: {  	v53 =	vadd.f32 v0, v19;
	v0 =	vmul.f32 v0, v4;
	v4 =	vadd.f32 $3.385588340e-08, v54  }
0xa28: {  	v57 =	vadd.f32 v2, v50;
	v1 =	vadd.f32 v7, v1;
	v7 =	vmul.f32 v55, v26  }
0xa29: {  	v59 =	vmax.f32 v9, $0.0e+00;
	v0 =	vadd.f32 v0, v5;
	v4 =	vadd.f32 v4, v6  }
0xa2a: {  	v58 =	vmul.f32 v1, v2;
	v6 =	vsub.f32 v59, v56;
	v7 =	vadd.f32 $3.385588340e-08, v7  }
0xa2b: {  	v60 =	vadd.f32 v3, v57;
	v1 =	vadd.f32 v1, v53  }
0xa2c: {  	v0 =	vadd.f32 v58, v0;
	v61 =	vmul.f32 v4, v3;
	v62 =	vadd.f32 v7, v6  }
0xa2d: {  	v1 =	vadd.f32 v4, v1  }
0xa2e: {  	v2 =	vadd.f32 v17, v60;
	v0 =	vadd.f32 v61, v0;
	v63 =	vmul.f32 v62, v17  }
0xa2f: {  	v1 =	vadd.f32 v62, v1  }
0xa30: {  	s12 =	sadd.s32 $0x1, s12;
	[tilespmem:$0x1A80] =	vst v2;
	v0 =	vadd.f32 v63, v0  }
0xa31: {  	p0 =	sne.s32 s12, s6;
	[tilespmem:$0x1C10] =	vst v1  }
.Ltmp25:
0xa32: {  	[tilespmem:$0x1DA0] =	vst v0;
	(pc) =	sbr.rel @p0 .LBB2_1-.Ltmp25, $4  }
0xa33: {  	[hbm4b:s5+s9] =	stream.strided.scatter [tilespmem:s11], [sflag:$0x1], $0x500, s10, s9, $0x38;
	[tilespmem:$0x1E00] =	vst v63  }
0xa34: {  	_ =	swait.ge [sflag:s7], $0x500  }
0xa35: {  	[sflag:s7] =	ssyncset.done $0x0  }
0xa36: {  	[sflag:s7] =	ssyncadd.s32 $0xFFFFFB00  }
0xa37: {  	_ =	sfence.sel $0x180000  }
0xa38: {  	[bflag:$0x0] =	sbarrier.arrive $0xFFFF  }
0xa39: {  	p0 =	sne.s32 s0, $0x0;
	_ =	strace $0x90000047  }
0xa3a: {  	s0 =	sadd.s32 @!p0 $0x100000, s1;
	[bflag:$0x2] =	sbarrier.arrive $0xFFFF  }
0xa3b: {  	[sflag:s0] =	ssyncadd.tile.s32 @!p0 $0x1;
	_ =	shalt  }
.Lfunc_end2:
_tile_overlayer_lowered:
.L_overlay_start_2:
0xa3c: {  	(tag) =	ssettag $0x2  }
0xa3d: {  	s0 =	rddreg [dreg:$0x0];
	s2 =	stileid.u32  }
0xa3e: {  	s1 =	rddreg [dreg:$0x1];
	p0 =	sne.s32 s2, $0x0  }
0xa3f: {  	s3 =	rddreg [dreg:$0x2];
	[bflag:$0x3] =	sbarrier.arrive $0xFFFF;
	s2 =	simm.s32 @!p0 $0x1C01  }
0xa40: {  	[timem:s3], [sflag:s2] =	dma.local @!p0 [hbm:s0], s1  }
0xa41: {  	s0 =	simm.s32 @!p0 $0x1  }
0xa42: {  	_ =	swait.ge @!p0 [sflag:s0], s1  }
0xa43: {  	s1 =	ssub.s32 @!p0 $0x0, s1;
	[sflag:s0] =	ssyncset.done @!p0 $0x0  }
0xa44: {  	[sflag:s0] =	ssyncadd.s32 @!p0 s1  }
0xa45: {  	[bflag:$0x3] =	sbarrier.arrive $0xFFFF  }
0xa46: {  	_ =	shalt  }

</sc_bundles>
